<compile_context>
chip_gen: v7x
topology: tpu7x:2x2x1
jax: 0.10.2.dev20260603
libtpu: 0.0.44.dev20260713+nightly
codegen_flags: <defaults>
</compile_context>

<pallas_src>
import jax
import jax.numpy as jnp
from jax import lax
from jax.experimental import pallas as pl
from jax.experimental.pallas import tpu as pltpu
from jax.experimental.pallas import tpu_sc as plsc

N = 10000
E = 320000
D = 128
EPS = 1e-5

NC = 2
NS = 16
NW = NC * NS
EW = E // NW
CW = 80
CPW = EW // CW
EA = 163840
EB = E - EA
EWA = EA // NW
EWB = EB // NW
CPWA = EWA // CW
CPWB = EWB // CW
BE = 2560
NBLK = E // BE
NBLKA = EA // BE
NBLKB = EB // BE
ZCH = 200
NZCH = N // ZCH
ZB = 40


def _proj_body(h_ref, wd_ref, we_ref, dh_ref, eh_ref):
    hv = h_ref[...]
    dh_ref[...] = lax.dot(hv, wd_ref[...], preferred_element_type=jnp.float32)
    eh_ref[...] = lax.dot(hv, we_ref[...], preferred_element_type=jnp.float32)


def _proj(h, wd_t, we_t):
    return pl.pallas_call(
        _proj_body,
        out_shape=(jax.ShapeDtypeStruct((N, D), jnp.float32),
                   jax.ShapeDtypeStruct((N, D), jnp.float32)),
    )(h, wd_t, we_t)


def _make_gather(ew, cw, cpw, ne):
    def body(dh_hbm, eh_hbm, src_hbm, dst_hbm, g_hbm,
             src_v, dst_v, bufd, bufe, bufo, semd, seme, semw):
        wid = lax.axis_index("s") * NC + lax.axis_index("c")
        pltpu.sync_copy(src_hbm.at[wid], src_v)
        pltpu.sync_copy(dst_hbm.at[wid], dst_v)

        def issue(j, p):
            pltpu.async_copy(dh_hbm.at[src_v.at[j]], bufd.at[p], semd.at[p])
            pltpu.async_copy(eh_hbm.at[dst_v.at[j]], bufe.at[p], seme.at[p])

        def do_chunk(j, p):
            pltpu.make_async_copy(dh_hbm.at[src_v.at[j]], bufd.at[p],
                                  semd.at[p]).wait()
            pltpu.make_async_copy(eh_hbm.at[dst_v.at[j]], bufe.at[p],
                                  seme.at[p]).wait()

            @pl.when(j >= 2)
            def _w():
                pltpu.make_async_copy(
                    bufo.at[p], g_hbm.at[pl.ds(0, cw)], semw.at[p]).wait()

            @plsc.parallel_loop(0, cw)
            def _add(r):
                for c in range(D // 16):
                    s = pl.ds(c * 16, 16)
                    bufo[p, r, s] = bufd[p, r, s] + bufe[p, r, s]

            @pl.when(j + 2 < cpw)
            def _pf():
                issue(j + 2, p)

            pltpu.async_copy(bufo.at[p],
                             g_hbm.at[pl.ds(wid * ew + j * cw, cw)],
                             semw.at[p])

        issue(0, 0)
        issue(1, 1)

        def pair(i, carry):
            do_chunk(2 * i, 0)
            do_chunk(2 * i + 1, 1)
            return carry

        lax.fori_loop(0, cpw // 2, pair, 0)
        if cpw % 2:
            do_chunk(cpw - 1, 0)

        pltpu.make_async_copy(bufo.at[0], g_hbm.at[pl.ds(0, cw)],
                              semw.at[0]).wait()
        pltpu.make_async_copy(bufo.at[1], g_hbm.at[pl.ds(0, cw)],
                              semw.at[1]).wait()

    return pl.kernel(
        body,
        out_type=jax.ShapeDtypeStruct((ne, D), jnp.float32),
        mesh=plsc.VectorSubcoreMesh(core_axis_name="c", subcore_axis_name="s"),
        scratch_types=[
            pltpu.VMEM((cpw, cw), jnp.int32),
            pltpu.VMEM((cpw, cw), jnp.int32),
            pltpu.VMEM((2, cw, D), jnp.float32),
            pltpu.VMEM((2, cw, D), jnp.float32),
            pltpu.VMEM((2, cw, D), jnp.float32),
            pltpu.SemaphoreType.DMA((2,)),
            pltpu.SemaphoreType.DMA((2,)),
            pltpu.SemaphoreType.DMA((2,)),
        ],
    )


_gather_cache = {}


def _gather_part(dh, eh, src3d, dst3d, which):
    kfn = _gather_cache.get(which)
    if kfn is None:
        if which == "A":
            kfn = _make_gather(EWA, CW, CPWA, EA)
        else:
            kfn = _make_gather(EWB, CW, CPWB, EB)
        _gather_cache[which] = kfn
    return kfn(dh, eh, src3d, dst3d)


def _edge1_body(cwt_ref, mwt_ref, cb_ref, mb_ref, e_ref, g_ref,
                m_ref, s_ref, ss_ref):
    i = pl.program_id(0)
    pre = lax.dot(e_ref[...], cwt_ref[...], preferred_element_type=jnp.float32)
    pre = pre + g_ref[...] + cb_ref[...]
    m = lax.dot(jnp.maximum(pre, 0.0), mwt_ref[...],
                preferred_element_type=jnp.float32) + mb_ref[...]
    m_ref[...] = m.astype(jnp.bfloat16)

    @pl.when(i == 0)
    def _init():
        s_ref[...] = jnp.zeros_like(s_ref)
        ss_ref[...] = jnp.zeros_like(ss_ref)

    s_ref[...] += jnp.sum(m, axis=0, keepdims=True)
    ss_ref[...] += jnp.sum(m * m, axis=0, keepdims=True)


def _edge1_part(e, g, cwt, mwt, cb, mb, off, nblk, ne):
    row = pl.BlockSpec((1, D), lambda i: (0, 0))
    return pl.pallas_call(
        _edge1_body,
        grid=(nblk,),
        in_specs=[
            pl.BlockSpec((D, D), lambda i: (0, 0)),
            pl.BlockSpec((D, D), lambda i: (0, 0)),
            row, row,
            pl.BlockSpec((BE, D), lambda i: (i + off, 0)),
            pl.BlockSpec((BE, D), lambda i: (i, 0)),
        ],
        out_specs=(
            pl.BlockSpec((BE, D), lambda i: (i, 0)),
            pl.BlockSpec((1, D), lambda i: (0, 0)),
            pl.BlockSpec((1, D), lambda i: (0, 0)),
        ),
        out_shape=(jax.ShapeDtypeStruct((ne, D), jnp.bfloat16),
                   jax.ShapeDtypeStruct((1, D), jnp.float32),
                   jax.ShapeDtypeStruct((1, D), jnp.float32)),
        compiler_params=pltpu.CompilerParams(
            dimension_semantics=("arbitrary",)),
    )(cwt, mwt, cb, mb, e, g)


def _edge2_body(sa_ref, ssa_ref, sb_ref, ssb_ref, bw_ref, bb_ref,
                e_ref, ma_ref, mb_ref, eo_ref):
    i = pl.program_id(0)
    s = sa_ref[...] + sb_ref[...]
    ss = ssa_ref[...] + ssb_ref[...]
    mean = s * (1.0 / E)
    var = ss * (1.0 / E) - mean * mean
    scale = bw_ref[...] * lax.rsqrt(var + EPS)
    shift = bb_ref[...] - mean * scale
    mv = jnp.where(i < NBLKA, ma_ref[...], mb_ref[...]).astype(jnp.float32)
    eo_ref[...] = e_ref[...] + mv * scale + shift


def _edge2(e, ma, mb, sa, ssa, sb, ssb, bw, bb):
    row = pl.BlockSpec((1, D), lambda i: (0, 0))
    return pl.pallas_call(
        _edge2_body,
        grid=(NBLK,),
        in_specs=[
            row, row, row, row, row, row,
            pl.BlockSpec((BE, D), lambda i: (i, 0)),
            pl.BlockSpec((BE, D),
                         lambda i: (jnp.minimum(i, NBLKA - 1), 0)),
            pl.BlockSpec((BE, D),
                         lambda i: (jnp.maximum(i - NBLKA, 0), 0)),
        ],
        out_specs=pl.BlockSpec((BE, D), lambda i: (i, 0)),
        out_shape=jax.ShapeDtypeStruct((E, D), jnp.float32),
        compiler_params=pltpu.CompilerParams(
            dimension_semantics=("arbitrary",)),
    )(sa, ssa, sb, ssb, bw, bb, e, ma, mb)


def _scatter_body(eo_hbm, dst_hbm, part_hbm, dst_v, rows_v, zbuf, h_acc, semr):
    cid = lax.axis_index("c")
    sid = lax.axis_index("s")
    wid = sid * NC + cid

    def zrow(r, carry):
        for c in range(D // 16):
            zbuf[r, pl.ds(c * 16, 16)] = jnp.zeros((16,), jnp.float32)
        return carry

    lax.fori_loop(0, ZB, zrow, 0)
    for t in range((NZCH + NS - 1) // NS):
        zc = sid + t * NS

        @pl.when(zc < NZCH)
        def _zero():
            for q in range(ZCH // ZB):
                pltpu.sync_copy(zbuf, h_acc.at[pl.ds(zc * ZCH + q * ZB, ZB)])

    plsc.subcore_barrier()

    pltpu.sync_copy(dst_hbm.at[wid], dst_v)

    def issue(j, p):
        pltpu.async_copy(eo_hbm.at[pl.ds(wid * EW + j * CW, CW)],
                         rows_v.at[p], semr.at[p])

    def do_chunk(j, p):
        pltpu.make_async_copy(eo_hbm.at[pl.ds(0, CW)], rows_v.at[p],
                              semr.at[p]).wait()
        pltpu.sync_copy(rows_v.at[p], h_acc.at[dst_v.at[j]], add=True)

        @pl.when(j + 2 < CPW)
        def _pf():
            issue(j + 2, p)

    issue(0, 0)
    issue(1, 1)

    def pair(i, carry):
        do_chunk(2 * i, 0)
        do_chunk(2 * i + 1, 1)
        return carry

    lax.fori_loop(0, CPW // 2, pair, 0)
    do_chunk(CPW - 1, 0)
    plsc.subcore_barrier()

    for t in range((NZCH + NS - 1) // NS):
        zc = sid + t * NS

        @pl.when(zc < NZCH)
        def _out():
            pltpu.sync_copy(h_acc.at[pl.ds(zc * ZCH, ZCH)],
                            part_hbm.at[pl.ds(cid * N + zc * ZCH, ZCH)])


def _scatter(e_out, dst3d):
    kfn = pl.kernel(
        _scatter_body,
        out_type=jax.ShapeDtypeStruct((NC * N, D), jnp.float32),
        mesh=plsc.VectorSubcoreMesh(core_axis_name="c", subcore_axis_name="s"),
        scratch_types=[
            pltpu.VMEM((CPW, CW), jnp.int32),
            pltpu.VMEM((2, CW, D), jnp.float32),
            pltpu.VMEM((ZB, D), jnp.float32),
            pltpu.VMEM_SHARED((N, D), jnp.float32),
            pltpu.SemaphoreType.DMA((2,)),
        ],
    )
    return kfn(e_out, dst3d)


def _bnh_body(p_ref, bw_ref, bb_ref, out_ref):
    hs = p_ref[pl.ds(0, N), :] + p_ref[pl.ds(N, N), :]
    hmean = jnp.mean(hs, axis=0, keepdims=True)
    hvar = jnp.mean(hs * hs, axis=0, keepdims=True) - hmean * hmean
    hscale = bw_ref[...] * lax.rsqrt(hvar + EPS)
    out_ref[...] = (hs - hmean) * hscale + bb_ref[...]


def _bnh(parts, bw, bb):
    return pl.pallas_call(
        _bnh_body,
        out_shape=jax.ShapeDtypeStruct((N, D), jnp.float32),
    )(parts, bw, bb)


@jax.jit
def kernel(h, e, u, edge_index, revmap, C_w, C_b, D_w, D_b, E_w, E_b,
           mlp_w, mlp_b, bn_e_w, bn_e_b, bn_h_w, bn_h_b):
    src = edge_index[0]
    dst = edge_index[1]
    srcA = src[:EA].reshape(NW, CPWA, CW)
    dstA = dst[:EA].reshape(NW, CPWA, CW)
    srcB = src[EA:].reshape(NW, CPWB, CW)
    dstB = dst[EA:].reshape(NW, CPWB, CW)
    dst3d = dst.reshape(NW, CPW, CW)

    dh, eh = _proj(h, D_w.T, E_w.T)
    gA = _gather_part(dh, eh, srcA, dstA, "A")
    gB = _gather_part(dh, eh, srcB, dstB, "B")

    cb = (C_b + D_b + E_b).reshape(1, D)
    mb = mlp_b.reshape(1, D)
    mA, sA, ssA = _edge1_part(e, gA, C_w.T, mlp_w.T, cb, mb, 0, NBLKA, EA)
    mB, sB, ssB = _edge1_part(e, gB, C_w.T, mlp_w.T, cb, mb, NBLKA, NBLKB, EB)

    e_out = _edge2(e, mA, mB, sA, ssA, sB, ssB,
                   bn_e_w.reshape(1, D), bn_e_b.reshape(1, D))

    parts = _scatter(e_out, dst3d)
    h_out = _bnh(parts, bn_h_w.reshape(1, D), bn_h_b.reshape(1, D))
    return (h_out, e_out, u)

# --- scband reference (transcript-rebuilt; emitter-appended) ---
"""Pipeline reference for scband-simple-gated-gcnlayer-43688407335306 (READ-ONLY COPY).

The authoritative reference and input builder live on the scoring server;
editing this copy changes nothing except your own understanding.
"""

import jax, jax.numpy as jnp
import numpy as np

N = 10000
E_EDGES = 320000
D = 128
EPS = 1e-5

def _bn(x, w, b):
    mean = jnp.mean(x, axis=0, keepdims=True)
    var = jnp.var(x, axis=0, keepdims=True)
    return (x - mean) / jnp.sqrt(var + EPS) * w + b

def _linear_params(key, fan_in, fan_out):
    k1, k2 = jax.random.split(key)
    bound = 1.0 / np.sqrt(fan_in)
    w = jax.random.uniform(k1, (fan_out, fan_in), minval=-bound, maxval=bound, dtype=jnp.float32)
    b = jax.random.uniform(k2, (fan_out,), minval=-bound, maxval=bound, dtype=jnp.float32)
    return w, b

def setup_inputs(seed: int = 0) -> dict:
    key = jax.random.key(seed)
    ks = jax.random.split(key, 12)
    inp = {}
    inp["h"] = jax.random.normal(ks[0], (N, D), dtype=jnp.float32)
    inp["e"] = jax.random.normal(ks[1], (E_EDGES, D), dtype=jnp.float32)
    inp["u"] = jax.random.normal(ks[2], (E_EDGES, D), dtype=jnp.float32)
    inp["edge_index"] = jax.random.randint(ks[3], (2, E_EDGES), 0, N, dtype=jnp.int32)
    inp["revmap"] = jax.random.randint(ks[4], (E_EDGES,), 0, E_EDGES, dtype=jnp.int32)
    inp["C_w"], inp["C_b"] = _linear_params(ks[5], D, D)
    inp["D_w"], inp["D_b"] = _linear_params(ks[6], D, D)
    inp["E_w"], inp["E_b"] = _linear_params(ks[7], D, D)
    inp["mlp_w"], inp["mlp_b"] = _linear_params(ks[8], D, D)
    inp["bn_e_w"] = jnp.ones((D,), dtype=jnp.float32)
    inp["bn_e_b"] = jnp.zeros((D,), dtype=jnp.float32)
    inp["bn_h_w"] = jnp.ones((D,), dtype=jnp.float32)
    inp["bn_h_b"] = jnp.zeros((D,), dtype=jnp.float32)
    return inp

def reference(h, e, u, edge_index, revmap, C_w, C_b, D_w, D_b, E_w, E_b, mlp_w, mlp_b, bn_e_w, bn_e_b, bn_h_w, bn_h_b):
    src = edge_index[0]
    dst = edge_index[1]
    # node projections (only D and E projections affect the outputs)
    Dh = h @ D_w.T + D_b
    Eh = h @ E_w.T + E_b
    # edge projection
    Ce = e @ C_w.T + C_b
    # compute_e: per-edge gather of src/dst node features
    pre = Dh[src] + Eh[dst] + Ce
    m = jax.nn.relu(pre) @ mlp_w.T + mlp_b
    # sigma = sigmoid(m)  # reduced to sum_sigma which is unused downstream
    e_out = e + _bn(m, bn_e_w, bn_e_b)
    # update_all(compute_u, sum): message is updated edge feature e_out, summed onto dst nodes
    h_sum = jax.ops.segment_sum(e_out, dst, num_segments=N)
    h_out = _bn(h_sum, bn_h_w, bn_h_b)
    # dropout p=0.0 -> identity; residual=False; u passes through unchanged
    return (h_out, e_out, u)

if __name__ == "__main__":
    import jax
    _d = setup_inputs()
    print(jax.jit(kernel)(*tuple(_d.values())))

</pallas_src>

<mosaic_0001>
#map = affine_map<(d0, d1) -> (0, 0)>
#map1 = affine_map<(d0, d1) -> (0, 0, 0)>
module attributes {stable_mosaic.version = 14 : i64} {
  func.func @body(%arg0: i32, %arg1: i32, %arg2: memref<10000x128xf32, #tpu.memory_space<hbm>>, %arg3: memref<10000x128xf32, #tpu.memory_space<hbm>>, %arg4: memref<32x64x80xi32, #tpu.memory_space<hbm>>, %arg5: memref<32x64x80xi32, #tpu.memory_space<hbm>>, %arg6: memref<163840x128xf32, #tpu.memory_space<hbm>>, %arg7: memref<64x80xi32, #tpu.memory_space<vmem>>, %arg8: memref<64x80xi32, #tpu.memory_space<vmem>>, %arg9: memref<2x80x128xf32, #tpu.memory_space<vmem>>, %arg10: memref<2x80x128xf32, #tpu.memory_space<vmem>>, %arg11: memref<2x80x128xf32, #tpu.memory_space<vmem>>, %arg12: memref<2x!tpu.dma_semaphore, #tpu.memory_space<semaphore_mem>>, %arg13: memref<2x!tpu.dma_semaphore, #tpu.memory_space<semaphore_mem>>, %arg14: memref<2x!tpu.dma_semaphore, #tpu.memory_space<semaphore_mem>>) attributes {dimension_semantics = [#tpu.dimension_semantics<core_parallel>, #tpu.dimension_semantics<subcore_parallel>], iteration_bounds = array<i64: 2, 16>, scalar_prefetch = 0 : i64, scratch_operands = 8 : i64, tpu.core_type = #tpu.core_type<sc_vector_subcore>, window_params = [{transform_indices = #map}, {transform_indices = #map}, {transform_indices = #map1}, {transform_indices = #map1}, {transform_indices = #map}]} {
    %mul3A = arith.constant 2 : i32
    %mul3A_0 = arith.muli %arg1, %mul3A : i32
    %add3A = arith.addi %mul3A_0, %arg0 : i32
    "tpu.region"() ({
      %run_scoped3A = tpu.sem_alloc : memref<!tpu.dma_semaphore, #tpu.memory_space<semaphore_mem>>
      %dma_start3A_100 = arith.constant 0 : i32
      %dma_start3A_101 = arith.constant 0 : i32
      %dma_start3A_102 = tpu.memref_slice %arg4[%add3A, %dma_start3A_100, %dma_start3A_101] : memref<32x64x80xi32, #tpu.memory_space<hbm>> -> memref<1x64x80xi32, #tpu.memory_space<hbm>>
      %dma_start3A_103 = tpu.memref_squeeze %dma_start3A_102 : memref<1x64x80xi32, #tpu.memory_space<hbm>> -> memref<64x80xi32, #tpu.memory_space<hbm>>
      %dma_start3A_104 = arith.constant 0 : i32
      %dma_start3A_105 = arith.constant 0 : i32
      %dma_start3A_106 = tpu.memref_slice %arg4[%add3A, %dma_start3A_104, %dma_start3A_105] : memref<32x64x80xi32, #tpu.memory_space<hbm>> -> memref<1x64x80xi32, #tpu.memory_space<hbm>>
      %dma_start3A_107 = tpu.memref_squeeze %dma_start3A_106 : memref<1x64x80xi32, #tpu.memory_space<hbm>> -> memref<64x80xi32, #tpu.memory_space<hbm>>
      tpu.enqueue_dma source(%dma_start3A_107 : memref<64x80xi32, #tpu.memory_space<hbm>>) target(%arg7 : memref<64x80xi32, #tpu.memory_space<vmem>>) target_semaphore(%run_scoped3A : memref<!tpu.dma_semaphore, #tpu.memory_space<semaphore_mem>>)
      %dma_wait3A_108 = arith.constant 0 : i32
      %dma_wait3A_109 = arith.constant 0 : i32
      %dma_wait3A_110 = tpu.memref_slice %arg4[%add3A, %dma_wait3A_108, %dma_wait3A_109] : memref<32x64x80xi32, #tpu.memory_space<hbm>> -> memref<1x64x80xi32, #tpu.memory_space<hbm>>
      %dma_wait3A_111 = tpu.memref_squeeze %dma_wait3A_110 : memref<1x64x80xi32, #tpu.memory_space<hbm>> -> memref<64x80xi32, #tpu.memory_space<hbm>>
      %dma_wait3A_112 = arith.constant 0 : i32
      %dma_wait3A_113 = arith.constant 0 : i32
      %dma_wait3A_114 = tpu.memref_slice %arg4[%add3A, %dma_wait3A_112, %dma_wait3A_113] : memref<32x64x80xi32, #tpu.memory_space<hbm>> -> memref<1x64x80xi32, #tpu.memory_space<hbm>>
      %dma_wait3A_115 = tpu.memref_squeeze %dma_wait3A_114 : memref<1x64x80xi32, #tpu.memory_space<hbm>> -> memref<64x80xi32, #tpu.memory_space<hbm>>
      tpu.wait_dma2 semaphore(%run_scoped3A : memref<!tpu.dma_semaphore, #tpu.memory_space<semaphore_mem>>) src(%dma_wait3A_115 : memref<64x80xi32, #tpu.memory_space<hbm>>) dst(%arg7 : memref<64x80xi32, #tpu.memory_space<vmem>>)
      tpu.yield
    }) : () -> ()
    "tpu.region"() ({
      %run_scoped3A = tpu.sem_alloc : memref<!tpu.dma_semaphore, #tpu.memory_space<semaphore_mem>>
      %dma_start3A_100 = arith.constant 0 : i32
      %dma_start3A_101 = arith.constant 0 : i32
      %dma_start3A_102 = tpu.memref_slice %arg5[%add3A, %dma_start3A_100, %dma_start3A_101] : memref<32x64x80xi32, #tpu.memory_space<hbm>> -> memref<1x64x80xi32, #tpu.memory_space<hbm>>
      %dma_start3A_103 = tpu.memref_squeeze %dma_start3A_102 : memref<1x64x80xi32, #tpu.memory_space<hbm>> -> memref<64x80xi32, #tpu.memory_space<hbm>>
      %dma_start3A_104 = arith.constant 0 : i32
      %dma_start3A_105 = arith.constant 0 : i32
      %dma_start3A_106 = tpu.memref_slice %arg5[%add3A, %dma_start3A_104, %dma_start3A_105] : memref<32x64x80xi32, #tpu.memory_space<hbm>> -> memref<1x64x80xi32, #tpu.memory_space<hbm>>
      %dma_start3A_107 = tpu.memref_squeeze %dma_start3A_106 : memref<1x64x80xi32, #tpu.memory_space<hbm>> -> memref<64x80xi32, #tpu.memory_space<hbm>>
      tpu.enqueue_dma source(%dma_start3A_107 : memref<64x80xi32, #tpu.memory_space<hbm>>) target(%arg8 : memref<64x80xi32, #tpu.memory_space<vmem>>) target_semaphore(%run_scoped3A : memref<!tpu.dma_semaphore, #tpu.memory_space<semaphore_mem>>)
      %dma_wait3A_108 = arith.constant 0 : i32
      %dma_wait3A_109 = arith.constant 0 : i32
      %dma_wait3A_110 = tpu.memref_slice %arg5[%add3A, %dma_wait3A_108, %dma_wait3A_109] : memref<32x64x80xi32, #tpu.memory_space<hbm>> -> memref<1x64x80xi32, #tpu.memory_space<hbm>>
      %dma_wait3A_111 = tpu.memref_squeeze %dma_wait3A_110 : memref<1x64x80xi32, #tpu.memory_space<hbm>> -> memref<64x80xi32, #tpu.memory_space<hbm>>
      %dma_wait3A_112 = arith.constant 0 : i32
      %dma_wait3A_113 = arith.constant 0 : i32
      %dma_wait3A_114 = tpu.memref_slice %arg5[%add3A, %dma_wait3A_112, %dma_wait3A_113] : memref<32x64x80xi32, #tpu.memory_space<hbm>> -> memref<1x64x80xi32, #tpu.memory_space<hbm>>
      %dma_wait3A_115 = tpu.memref_squeeze %dma_wait3A_114 : memref<1x64x80xi32, #tpu.memory_space<hbm>> -> memref<64x80xi32, #tpu.memory_space<hbm>>
      tpu.wait_dma2 semaphore(%run_scoped3A : memref<!tpu.dma_semaphore, #tpu.memory_space<semaphore_mem>>) src(%dma_wait3A_115 : memref<64x80xi32, #tpu.memory_space<hbm>>) dst(%arg8 : memref<64x80xi32, #tpu.memory_space<vmem>>)
      tpu.yield
    }) : () -> ()
    %dma_start3A = arith.constant 0 : i32
    %dma_start3A_1 = arith.constant 0 : i32
    %dma_start3A_2 = arith.constant 0 : i32
    %dma_start3A_3 = arith.constant 0 : i32
    %dma_start3A_4 = arith.constant 0 : i32
    %dma_start3A_5 = tpu.memref_slice %arg9[%dma_start3A_1, %dma_start3A_3, %dma_start3A_4] : memref<2x80x128xf32, #tpu.memory_space<vmem>> -> memref<1x80x128xf32, #tpu.memory_space<vmem>>
    %dma_start3A_6 = tpu.memref_squeeze %dma_start3A_5 : memref<1x80x128xf32, #tpu.memory_space<vmem>> -> memref<80x128xf32, #tpu.memory_space<vmem>>
    %dma_start3A_7 = arith.constant 0 : i32
    %dma_start3A_8 = tpu.memref_slice %arg7[%dma_start3A, %dma_start3A_7] : memref<64x80xi32, #tpu.memory_space<vmem>> -> memref<1x80xi32, #tpu.memory_space<vmem>>
    %dma_start3A_9 = tpu.memref_squeeze %dma_start3A_8 : memref<1x80xi32, #tpu.memory_space<vmem>> -> memref<80xi32, #tpu.memory_space<vmem>>
    %dma_start3A_10 = arith.constant 0 : i32
    %dma_start3A_11 = arith.constant 0 : i32
    %dma_start3A_12 = tpu.memref_slice %arg2[%dma_start3A_10, %dma_start3A_11] : memref<10000x128xf32, #tpu.memory_space<hbm>> -> memref<10000x128xf32, #tpu.memory_space<hbm>>
    %dma_start3A_13 = tpu.memref_slice %arg12[%dma_start3A_2] : memref<2x!tpu.dma_semaphore, #tpu.memory_space<semaphore_mem>> -> memref<1x!tpu.dma_semaphore, #tpu.memory_space<semaphore_mem>>
    %dma_start3A_14 = tpu.memref_squeeze %dma_start3A_13 : memref<1x!tpu.dma_semaphore, #tpu.memory_space<semaphore_mem>> -> memref<!tpu.dma_semaphore, #tpu.memory_space<semaphore_mem>>
    tpu.enqueue_indirect_dma source(%dma_start3A_12 : memref<10000x128xf32, #tpu.memory_space<hbm>>) target(%dma_start3A_6 : memref<80x128xf32, #tpu.memory_space<vmem>>) offsets(%dma_start3A_9 : memref<80xi32, #tpu.memory_space<vmem>>) semaphore(%dma_start3A_14 : memref<!tpu.dma_semaphore, #tpu.memory_space<semaphore_mem>>)
    %dma_start3A_15 = arith.constant 0 : i32
    %dma_start3A_16 = arith.constant 0 : i32
    %dma_start3A_17 = arith.constant 0 : i32
    %dma_start3A_18 = arith.constant 0 : i32
    %dma_start3A_19 = arith.constant 0 : i32
    %dma_start3A_20 = tpu.memref_slice %arg10[%dma_start3A_16, %dma_start3A_18, %dma_start3A_19] : memref<2x80x128xf32, #tpu.memory_space<vmem>> -> memref<1x80x128xf32, #tpu.memory_space<vmem>>
    %dma_start3A_21 = tpu.memref_squeeze %dma_start3A_20 : memref<1x80x128xf32, #tpu.memory_space<vmem>> -> memref<80x128xf32, #tpu.memory_space<vmem>>
    %dma_start3A_22 = arith.constant 0 : i32
    %dma_start3A_23 = tpu.memref_slice %arg8[%dma_start3A_15, %dma_start3A_22] : memref<64x80xi32, #tpu.memory_space<vmem>> -> memref<1x80xi32, #tpu.memory_space<vmem>>
    %dma_start3A_24 = tpu.memref_squeeze %dma_start3A_23 : memref<1x80xi32, #tpu.memory_space<vmem>> -> memref<80xi32, #tpu.memory_space<vmem>>
    %dma_start3A_25 = arith.constant 0 : i32
    %dma_start3A_26 = arith.constant 0 : i32
    %dma_start3A_27 = tpu.memref_slice %arg3[%dma_start3A_25, %dma_start3A_26] : memref<10000x128xf32, #tpu.memory_space<hbm>> -> memref<10000x128xf32, #tpu.memory_space<hbm>>
    %dma_start3A_28 = tpu.memref_slice %arg13[%dma_start3A_17] : memref<2x!tpu.dma_semaphore, #tpu.memory_space<semaphore_mem>> -> memref<1x!tpu.dma_semaphore, #tpu.memory_space<semaphore_mem>>
    %dma_start3A_29 = tpu.memref_squeeze %dma_start3A_28 : memref<1x!tpu.dma_semaphore, #tpu.memory_space<semaphore_mem>> -> memref<!tpu.dma_semaphore, #tpu.memory_space<semaphore_mem>>
    tpu.enqueue_indirect_dma source(%dma_start3A_27 : memref<10000x128xf32, #tpu.memory_space<hbm>>) target(%dma_start3A_21 : memref<80x128xf32, #tpu.memory_space<vmem>>) offsets(%dma_start3A_24 : memref<80xi32, #tpu.memory_space<vmem>>) semaphore(%dma_start3A_29 : memref<!tpu.dma_semaphore, #tpu.memory_space<semaphore_mem>>)
    %dma_start3A_30 = arith.constant 1 : i32
    %dma_start3A_31 = arith.constant 1 : i32
    %dma_start3A_32 = arith.constant 1 : i32
    %dma_start3A_33 = arith.constant 0 : i32
    %dma_start3A_34 = arith.constant 0 : i32
    %dma_start3A_35 = tpu.memref_slice %arg9[%dma_start3A_31, %dma_start3A_33, %dma_start3A_34] : memref<2x80x128xf32, #tpu.memory_space<vmem>> -> memref<1x80x128xf32, #tpu.memory_space<vmem>>
    %dma_start3A_36 = tpu.memref_squeeze %dma_start3A_35 : memref<1x80x128xf32, #tpu.memory_space<vmem>> -> memref<80x128xf32, #tpu.memory_space<vmem>>
    %dma_start3A_37 = arith.constant 0 : i32
    %dma_start3A_38 = tpu.memref_slice %arg7[%dma_start3A_30, %dma_start3A_37] : memref<64x80xi32, #tpu.memory_space<vmem>> -> memref<1x80xi32, #tpu.memory_space<vmem>>
    %dma_start3A_39 = tpu.memref_squeeze %dma_start3A_38 : memref<1x80xi32, #tpu.memory_space<vmem>> -> memref<80xi32, #tpu.memory_space<vmem>>
    %dma_start3A_40 = arith.constant 0 : i32
    %dma_start3A_41 = arith.constant 0 : i32
    %dma_start3A_42 = tpu.memref_slice %arg2[%dma_start3A_40, %dma_start3A_41] : memref<10000x128xf32, #tpu.memory_space<hbm>> -> memref<10000x128xf32, #tpu.memory_space<hbm>>
    %dma_start3A_43 = tpu.memref_slice %arg12[%dma_start3A_32] : memref<2x!tpu.dma_semaphore, #tpu.memory_space<semaphore_mem>> -> memref<1x!tpu.dma_semaphore, #tpu.memory_space<semaphore_mem>>
    %dma_start3A_44 = tpu.memref_squeeze %dma_start3A_43 : memref<1x!tpu.dma_semaphore, #tpu.memory_space<semaphore_mem>> -> memref<!tpu.dma_semaphore, #tpu.memory_space<semaphore_mem>>
    tpu.enqueue_indirect_dma source(%dma_start3A_42 : memref<10000x128xf32, #tpu.memory_space<hbm>>) target(%dma_start3A_36 : memref<80x128xf32, #tpu.memory_space<vmem>>) offsets(%dma_start3A_39 : memref<80xi32, #tpu.memory_space<vmem>>) semaphore(%dma_start3A_44 : memref<!tpu.dma_semaphore, #tpu.memory_space<semaphore_mem>>)
    %dma_start3A_45 = arith.constant 1 : i32
    %dma_start3A_46 = arith.constant 1 : i32
    %dma_start3A_47 = arith.constant 1 : i32
    %dma_start3A_48 = arith.constant 0 : i32
    %dma_start3A_49 = arith.constant 0 : i32
    %dma_start3A_50 = tpu.memref_slice %arg10[%dma_start3A_46, %dma_start3A_48, %dma_start3A_49] : memref<2x80x128xf32, #tpu.memory_space<vmem>> -> memref<1x80x128xf32, #tpu.memory_space<vmem>>
    %dma_start3A_51 = tpu.memref_squeeze %dma_start3A_50 : memref<1x80x128xf32, #tpu.memory_space<vmem>> -> memref<80x128xf32, #tpu.memory_space<vmem>>
    %dma_start3A_52 = arith.constant 0 : i32
    %dma_start3A_53 = tpu.memref_slice %arg8[%dma_start3A_45, %dma_start3A_52] : memref<64x80xi32, #tpu.memory_space<vmem>> -> memref<1x80xi32, #tpu.memory_space<vmem>>
    %dma_start3A_54 = tpu.memref_squeeze %dma_start3A_53 : memref<1x80xi32, #tpu.memory_space<vmem>> -> memref<80xi32, #tpu.memory_space<vmem>>
    %dma_start3A_55 = arith.constant 0 : i32
    %dma_start3A_56 = arith.constant 0 : i32
    %dma_start3A_57 = tpu.memref_slice %arg3[%dma_start3A_55, %dma_start3A_56] : memref<10000x128xf32, #tpu.memory_space<hbm>> -> memref<10000x128xf32, #tpu.memory_space<hbm>>
    %dma_start3A_58 = tpu.memref_slice %arg13[%dma_start3A_47] : memref<2x!tpu.dma_semaphore, #tpu.memory_space<semaphore_mem>> -> memref<1x!tpu.dma_semaphore, #tpu.memory_space<semaphore_mem>>
    %dma_start3A_59 = tpu.memref_squeeze %dma_start3A_58 : memref<1x!tpu.dma_semaphore, #tpu.memory_space<semaphore_mem>> -> memref<!tpu.dma_semaphore, #tpu.memory_space<semaphore_mem>>
    tpu.enqueue_indirect_dma source(%dma_start3A_57 : memref<10000x128xf32, #tpu.memory_space<hbm>>) target(%dma_start3A_51 : memref<80x128xf32, #tpu.memory_space<vmem>>) offsets(%dma_start3A_54 : memref<80xi32, #tpu.memory_space<vmem>>) semaphore(%dma_start3A_59 : memref<!tpu.dma_semaphore, #tpu.memory_space<semaphore_mem>>)
    %scan3A = arith.constant 0 : i32
    %scan3A_60 = arith.constant 0 : i32
    %scan3A_61 = arith.constant 32 : i32
    %scan3A_62 = arith.addi %scan3A_60, %scan3A_61 : i32
    %scan3A_63 = arith.constant 1 : i32
    scf.for %scan3A_100 = %scan3A_60 to %scan3A_62 step %scan3A_63  : i32 {
      %mul3A_101 = arith.constant 2 : i32
      %mul3A_102 = arith.muli %mul3A_101, %scan3A_100 : i32
      %dma_wait3A_103 = arith.constant 0 : i32
      %dma_wait3A_104 = arith.constant 0 : i32
      %dma_wait3A_105 = arith.constant 0 : i32
      %dma_wait3A_106 = arith.constant 0 : i32
      %dma_wait3A_107 = tpu.memref_slice %arg9[%dma_wait3A_103, %dma_wait3A_105, %dma_wait3A_106] : memref<2x80x128xf32, #tpu.memory_space<vmem>> -> memref<1x80x128xf32, #tpu.memory_space<vmem>>
      %dma_wait3A_108 = tpu.memref_squeeze %dma_wait3A_107 : memref<1x80x128xf32, #tpu.memory_space<vmem>> -> memref<80x128xf32, #tpu.memory_space<vmem>>
      %dma_wait3A_109 = arith.constant 0 : i32
      %dma_wait3A_110 = tpu.memref_slice %arg7[%mul3A_102, %dma_wait3A_109] : memref<64x80xi32, #tpu.memory_space<vmem>> -> memref<1x80xi32, #tpu.memory_space<vmem>>
      %dma_wait3A_111 = tpu.memref_squeeze %dma_wait3A_110 : memref<1x80xi32, #tpu.memory_space<vmem>> -> memref<80xi32, #tpu.memory_space<vmem>>
      %dma_wait3A_112 = arith.constant 0 : i32
      %dma_wait3A_113 = arith.constant 0 : i32
      %dma_wait3A_114 = tpu.memref_slice %arg2[%dma_wait3A_112, %dma_wait3A_113] : memref<10000x128xf32, #tpu.memory_space<hbm>> -> memref<10000x128xf32, #tpu.memory_space<hbm>>
      %dma_wait3A_115 = tpu.memref_slice %arg12[%dma_wait3A_104] : memref<2x!tpu.dma_semaphore, #tpu.memory_space<semaphore_mem>> -> memref<1x!tpu.dma_semaphore, #tpu.memory_space<semaphore_mem>>
      %dma_wait3A_116 = tpu.memref_squeeze %dma_wait3A_115 : memref<1x!tpu.dma_semaphore, #tpu.memory_space<semaphore_mem>> -> memref<!tpu.dma_semaphore, #tpu.memory_space<semaphore_mem>>
      tpu.wait_indirect_dma semaphore(%dma_wait3A_116 : memref<!tpu.dma_semaphore, #tpu.memory_space<semaphore_mem>>) src(%dma_wait3A_114 : memref<10000x128xf32, #tpu.memory_space<hbm>>) dst(%dma_wait3A_108 : memref<80x128xf32, #tpu.memory_space<vmem>>)
      %dma_wait3A_117 = arith.constant 0 : i32
      %dma_wait3A_118 = arith.constant 0 : i32
      %dma_wait3A_119 = arith.constant 0 : i32
      %dma_wait3A_120 = arith.constant 0 : i32
      %dma_wait3A_121 = tpu.memref_slice %arg10[%dma_wait3A_117, %dma_wait3A_119, %dma_wait3A_120] : memref<2x80x128xf32, #tpu.memory_space<vmem>> -> memref<1x80x128xf32, #tpu.memory_space<vmem>>
      %dma_wait3A_122 = tpu.memref_squeeze %dma_wait3A_121 : memref<1x80x128xf32, #tpu.memory_space<vmem>> -> memref<80x128xf32, #tpu.memory_space<vmem>>
      %dma_wait3A_123 = arith.constant 0 : i32
      %dma_wait3A_124 = tpu.memref_slice %arg8[%mul3A_102, %dma_wait3A_123] : memref<64x80xi32, #tpu.memory_space<vmem>> -> memref<1x80xi32, #tpu.memory_space<vmem>>
      %dma_wait3A_125 = tpu.memref_squeeze %dma_wait3A_124 : memref<1x80xi32, #tpu.memory_space<vmem>> -> memref<80xi32, #tpu.memory_space<vmem>>
      %dma_wait3A_126 = arith.constant 0 : i32
      %dma_wait3A_127 = arith.constant 0 : i32
      %dma_wait3A_128 = tpu.memref_slice %arg3[%dma_wait3A_126, %dma_wait3A_127] : memref<10000x128xf32, #tpu.memory_space<hbm>> -> memref<10000x128xf32, #tpu.memory_space<hbm>>
      %dma_wait3A_129 = tpu.memref_slice %arg13[%dma_wait3A_118] : memref<2x!tpu.dma_semaphore, #tpu.memory_space<semaphore_mem>> -> memref<1x!tpu.dma_semaphore, #tpu.memory_space<semaphore_mem>>
      %dma_wait3A_130 = tpu.memref_squeeze %dma_wait3A_129 : memref<1x!tpu.dma_semaphore, #tpu.memory_space<semaphore_mem>> -> memref<!tpu.dma_semaphore, #tpu.memory_space<semaphore_mem>>
      tpu.wait_indirect_dma semaphore(%dma_wait3A_130 : memref<!tpu.dma_semaphore, #tpu.memory_space<semaphore_mem>>) src(%dma_wait3A_128 : memref<10000x128xf32, #tpu.memory_space<hbm>>) dst(%dma_wait3A_122 : memref<80x128xf32, #tpu.memory_space<vmem>>)
      %ge3A = arith.constant 2 : i32
      %ge3A_131 = arith.cmpi sge, %mul3A_102, %ge3A : i32
      %convert_element_type3A = arith.extui %ge3A_131 : i1 to i32
      %cond3A = arith.constant 0 : i32
      %cond3A_132 = arith.cmpi ne, %convert_element_type3A, %cond3A : i32
      scf.if %cond3A_132 {
        %dma_wait3A_230 = arith.constant 0 : i32
        %dma_wait3A_231 = arith.constant 0 : i32
        %dma_wait3A_232 = arith.constant 0 : i32
        %dma_wait3A_233 = arith.constant 0 : i32
        %dma_wait3A_234 = tpu.memref_slice %arg11[%dma_wait3A_230, %dma_wait3A_232, %dma_wait3A_233] : memref<2x80x128xf32, #tpu.memory_space<vmem>> -> memref<1x80x128xf32, #tpu.memory_space<vmem>>
        %dma_wait3A_235 = tpu.memref_squeeze %dma_wait3A_234 : memref<1x80x128xf32, #tpu.memory_space<vmem>> -> memref<80x128xf32, #tpu.memory_space<vmem>>
        %dma_wait3A_236 = arith.constant 0 : i32
        %dma_wait3A_237 = arith.constant 0 : i32
        %dma_wait3A_238 = tpu.memref_slice %arg6[%dma_wait3A_236, %dma_wait3A_237] : memref<163840x128xf32, #tpu.memory_space<hbm>> -> memref<80x128xf32, #tpu.memory_space<hbm>>
        %dma_wait3A_239 = tpu.memref_slice %arg14[%dma_wait3A_231] : memref<2x!tpu.dma_semaphore, #tpu.memory_space<semaphore_mem>> -> memref<1x!tpu.dma_semaphore, #tpu.memory_space<semaphore_mem>>
        %dma_wait3A_240 = tpu.memref_squeeze %dma_wait3A_239 : memref<1x!tpu.dma_semaphore, #tpu.memory_space<semaphore_mem>> -> memref<!tpu.dma_semaphore, #tpu.memory_space<semaphore_mem>>
        %dma_wait3A_241 = arith.constant 0 : i32
        %dma_wait3A_242 = arith.constant 0 : i32
        %dma_wait3A_243 = tpu.memref_slice %arg6[%dma_wait3A_241, %dma_wait3A_242] : memref<163840x128xf32, #tpu.memory_space<hbm>> -> memref<80x128xf32, #tpu.memory_space<hbm>>
        %dma_wait3A_244 = arith.constant 0 : i32
        %dma_wait3A_245 = arith.constant 0 : i32
        %dma_wait3A_246 = tpu.memref_slice %arg11[%dma_wait3A_230, %dma_wait3A_244, %dma_wait3A_245] : memref<2x80x128xf32, #tpu.memory_space<vmem>> -> memref<1x80x128xf32, #tpu.memory_space<vmem>>
        %dma_wait3A_247 = tpu.memref_squeeze %dma_wait3A_246 : memref<1x80x128xf32, #tpu.memory_space<vmem>> -> memref<80x128xf32, #tpu.memory_space<vmem>>
        tpu.wait_dma2 semaphore(%dma_wait3A_240 : memref<!tpu.dma_semaphore, #tpu.memory_space<semaphore_mem>>) src(%dma_wait3A_247 : memref<80x128xf32, #tpu.memory_space<vmem>>) dst(%dma_wait3A_243 : memref<80x128xf32, #tpu.memory_space<hbm>>)
      } else {
      }
      %parallel_loop3A = arith.constant 0 : i32
      %parallel_loop3A_133 = arith.constant 80 : i32
      %parallel_loop3A_134 = arith.constant 1 : i32
      scf.for %parallel_loop3A_230 = %parallel_loop3A to %parallel_loop3A_133 step %parallel_loop3A_134  : i32 {
        %parallel_loop3A_231 = arith.constant 0 : i32
        %parallel_loop3A_232 = arith.index_cast %parallel_loop3A_231 : i32 to index
        %parallel_loop3A_233 = arith.index_cast %parallel_loop3A_230 : i32 to index
        %parallel_loop3A_234 = arith.constant 0 : index
        %parallel_loop3A_235 = tpu.vector_load %arg9[%parallel_loop3A_232, %parallel_loop3A_233, %parallel_loop3A_234] {strides = array<i32>} : memref<2x80x128xf32, #tpu.memory_space<vmem>>, vector<1x1x16xf32>,
        %parallel_loop3A_236 = vector.shape_cast %parallel_loop3A_235 : vector<1x1x16xf32> to vector<16xf32>
        %parallel_loop3A_237 = arith.constant 0 : i32
        %parallel_loop3A_238 = arith.index_cast %parallel_loop3A_237 : i32 to index
        %parallel_loop3A_239 = arith.index_cast %parallel_loop3A_230 : i32 to index
        %parallel_loop3A_240 = arith.constant 0 : index
        %parallel_loop3A_241 = tpu.vector_load %arg10[%parallel_loop3A_238, %parallel_loop3A_239, %parallel_loop3A_240] {strides = array<i32>} : memref<2x80x128xf32, #tpu.memory_space<vmem>>, vector<1x1x16xf32>,
        %parallel_loop3A_242 = vector.shape_cast %parallel_loop3A_241 : vector<1x1x16xf32> to vector<16xf32>
        %parallel_loop3A_243 = arith.addf %parallel_loop3A_236, %parallel_loop3A_242 : vector<16xf32>
        %parallel_loop3A_244 = arith.constant 0 : i32
        %parallel_loop3A_245 = arith.index_cast %parallel_loop3A_244 : i32 to index
        %parallel_loop3A_246 = arith.index_cast %parallel_loop3A_230 : i32 to index
        %parallel_loop3A_247 = arith.constant 0 : index
        %parallel_loop3A_248 = tpu.vector_load %arg11[%parallel_loop3A_245, %parallel_loop3A_246, %parallel_loop3A_247] {strides = array<i32>} : memref<2x80x128xf32, #tpu.memory_space<vmem>>, vector<1x1x16xf32>,
        %parallel_loop3A_249 = vector.shape_cast %parallel_loop3A_248 : vector<1x1x16xf32> to vector<16xf32>
        %parallel_loop3A_250 = vector.shape_cast %parallel_loop3A_243 : vector<16xf32> to vector<1x1x16xf32>
        tpu.vector_store %arg11[%parallel_loop3A_245, %parallel_loop3A_246, %parallel_loop3A_247], %parallel_loop3A_250 {strides = array<i32>} : memref<2x80x128xf32, #tpu.memory_space<vmem>>, vector<1x1x16xf32>,
        %parallel_loop3A_251 = arith.constant 0 : i32
        %parallel_loop3A_252 = arith.index_cast %parallel_loop3A_251 : i32 to index
        %parallel_loop3A_253 = arith.index_cast %parallel_loop3A_230 : i32 to index
        %parallel_loop3A_254 = arith.constant 16 : index
        %parallel_loop3A_255 = tpu.vector_load %arg9[%parallel_loop3A_252, %parallel_loop3A_253, %parallel_loop3A_254] {strides = array<i32>} : memref<2x80x128xf32, #tpu.memory_space<vmem>>, vector<1x1x16xf32>,
        %parallel_loop3A_256 = vector.shape_cast %parallel_loop3A_255 : vector<1x1x16xf32> to vector<16xf32>
        %parallel_loop3A_257 = arith.constant 0 : i32
        %parallel_loop3A_258 = arith.index_cast %parallel_loop3A_257 : i32 to index
        %parallel_loop3A_259 = arith.index_cast %parallel_loop3A_230 : i32 to index
        %parallel_loop3A_260 = arith.constant 16 : index
        %parallel_loop3A_261 = tpu.vector_load %arg10[%parallel_loop3A_258, %parallel_loop3A_259, %parallel_loop3A_260] {strides = array<i32>} : memref<2x80x128xf32, #tpu.memory_space<vmem>>, vector<1x1x16xf32>,
        %parallel_loop3A_262 = vector.shape_cast %parallel_loop3A_261 : vector<1x1x16xf32> to vector<16xf32>
        %parallel_loop3A_263 = arith.addf %parallel_loop3A_256, %parallel_loop3A_262 : vector<16xf32>
        %parallel_loop3A_264 = arith.constant 0 : i32
        %parallel_loop3A_265 = arith.index_cast %parallel_loop3A_264 : i32 to index
        %parallel_loop3A_266 = arith.index_cast %parallel_loop3A_230 : i32 to index
        %parallel_loop3A_267 = arith.constant 16 : index
        %parallel_loop3A_268 = tpu.vector_load %arg11[%parallel_loop3A_265, %parallel_loop3A_266, %parallel_loop3A_267] {strides = array<i32>} : memref<2x80x128xf32, #tpu.memory_space<vmem>>, vector<1x1x16xf32>,
        %parallel_loop3A_269 = vector.shape_cast %parallel_loop3A_268 : vector<1x1x16xf32> to vector<16xf32>
        %parallel_loop3A_270 = vector.shape_cast %parallel_loop3A_263 : vector<16xf32> to vector<1x1x16xf32>
        tpu.vector_store %arg11[%parallel_loop3A_265, %parallel_loop3A_266, %parallel_loop3A_267], %parallel_loop3A_270 {strides = array<i32>} : memref<2x80x128xf32, #tpu.memory_space<vmem>>, vector<1x1x16xf32>,
        %parallel_loop3A_271 = arith.constant 0 : i32
        %parallel_loop3A_272 = arith.index_cast %parallel_loop3A_271 : i32 to index
        %parallel_loop3A_273 = arith.index_cast %parallel_loop3A_230 : i32 to index
        %parallel_loop3A_274 = arith.constant 32 : index
        %parallel_loop3A_275 = tpu.vector_load %arg9[%parallel_loop3A_272, %parallel_loop3A_273, %parallel_loop3A_274] {strides = array<i32>} : memref<2x80x128xf32, #tpu.memory_space<vmem>>, vector<1x1x16xf32>,
        %parallel_loop3A_276 = vector.shape_cast %parallel_loop3A_275 : vector<1x1x16xf32> to vector<16xf32>
        %parallel_loop3A_277 = arith.constant 0 : i32
        %parallel_loop3A_278 = arith.index_cast %parallel_loop3A_277 : i32 to index
        %parallel_loop3A_279 = arith.index_cast %parallel_loop3A_230 : i32 to index
        %parallel_loop3A_280 = arith.constant 32 : index
        %parallel_loop3A_281 = tpu.vector_load %arg10[%parallel_loop3A_278, %parallel_loop3A_279, %parallel_loop3A_280] {strides = array<i32>} : memref<2x80x128xf32, #tpu.memory_space<vmem>>, vector<1x1x16xf32>,
        %parallel_loop3A_282 = vector.shape_cast %parallel_loop3A_281 : vector<1x1x16xf32> to vector<16xf32>
        %parallel_loop3A_283 = arith.addf %parallel_loop3A_276, %parallel_loop3A_282 : vector<16xf32>
        %parallel_loop3A_284 = arith.constant 0 : i32
        %parallel_loop3A_285 = arith.index_cast %parallel_loop3A_284 : i32 to index
        %parallel_loop3A_286 = arith.index_cast %parallel_loop3A_230 : i32 to index
        %parallel_loop3A_287 = arith.constant 32 : index
        %parallel_loop3A_288 = tpu.vector_load %arg11[%parallel_loop3A_285, %parallel_loop3A_286, %parallel_loop3A_287] {strides = array<i32>} : memref<2x80x128xf32, #tpu.memory_space<vmem>>, vector<1x1x16xf32>,
        %parallel_loop3A_289 = vector.shape_cast %parallel_loop3A_288 : vector<1x1x16xf32> to vector<16xf32>
        %parallel_loop3A_290 = vector.shape_cast %parallel_loop3A_283 : vector<16xf32> to vector<1x1x16xf32>
        tpu.vector_store %arg11[%parallel_loop3A_285, %parallel_loop3A_286, %parallel_loop3A_287], %parallel_loop3A_290 {strides = array<i32>} : memref<2x80x128xf32, #tpu.memory_space<vmem>>, vector<1x1x16xf32>,
        %parallel_loop3A_291 = arith.constant 0 : i32
        %parallel_loop3A_292 = arith.index_cast %parallel_loop3A_291 : i32 to index
        %parallel_loop3A_293 = arith.index_cast %parallel_loop3A_230 : i32 to index
        %parallel_loop3A_294 = arith.constant 48 : index
        %parallel_loop3A_295 = tpu.vector_load %arg9[%parallel_loop3A_292, %parallel_loop3A_293, %parallel_loop3A_294] {strides = array<i32>} : memref<2x80x128xf32, #tpu.memory_space<vmem>>, vector<1x1x16xf32>,
        %parallel_loop3A_296 = vector.shape_cast %parallel_loop3A_295 : vector<1x1x16xf32> to vector<16xf32>
        %parallel_loop3A_297 = arith.constant 0 : i32
        %parallel_loop3A_298 = arith.index_cast %parallel_loop3A_297 : i32 to index
        %parallel_loop3A_299 = arith.index_cast %parallel_loop3A_230 : i32 to index
        %parallel_loop3A_300 = arith.constant 48 : index
        %parallel_loop3A_301 = tpu.vector_load %arg10[%parallel_loop3A_298, %parallel_loop3A_299, %parallel_loop3A_300] {strides = array<i32>} : memref<2x80x128xf32, #tpu.memory_space<vmem>>, vector<1x1x16xf32>,
        %parallel_loop3A_302 = vector.shape_cast %parallel_loop3A_301 : vector<1x1x16xf32> to vector<16xf32>
        %parallel_loop3A_303 = arith.addf %parallel_loop3A_296, %parallel_loop3A_302 : vector<16xf32>
        %parallel_loop3A_304 = arith.constant 0 : i32
        %parallel_loop3A_305 = arith.index_cast %parallel_loop3A_304 : i32 to index
        %parallel_loop3A_306 = arith.index_cast %parallel_loop3A_230 : i32 to index
        %parallel_loop3A_307 = arith.constant 48 : index
        %parallel_loop3A_308 = tpu.vector_load %arg11[%parallel_loop3A_305, %parallel_loop3A_306, %parallel_loop3A_307] {strides = array<i32>} : memref<2x80x128xf32, #tpu.memory_space<vmem>>, vector<1x1x16xf32>,
        %parallel_loop3A_309 = vector.shape_cast %parallel_loop3A_308 : vector<1x1x16xf32> to vector<16xf32>
        %parallel_loop3A_310 = vector.shape_cast %parallel_loop3A_303 : vector<16xf32> to vector<1x1x16xf32>
        tpu.vector_store %arg11[%parallel_loop3A_305, %parallel_loop3A_306, %parallel_loop3A_307], %parallel_loop3A_310 {strides = array<i32>} : memref<2x80x128xf32, #tpu.memory_space<vmem>>, vector<1x1x16xf32>,
        %parallel_loop3A_311 = arith.constant 0 : i32
        %parallel_loop3A_312 = arith.index_cast %parallel_loop3A_311 : i32 to index
        %parallel_loop3A_313 = arith.index_cast %parallel_loop3A_230 : i32 to index
        %parallel_loop3A_314 = arith.constant 64 : index
        %parallel_loop3A_315 = tpu.vector_load %arg9[%parallel_loop3A_312, %parallel_loop3A_313, %parallel_loop3A_314] {strides = array<i32>} : memref<2x80x128xf32, #tpu.memory_space<vmem>>, vector<1x1x16xf32>,
        %parallel_loop3A_316 = vector.shape_cast %parallel_loop3A_315 : vector<1x1x16xf32> to vector<16xf32>
        %parallel_loop3A_317 = arith.constant 0 : i32
        %parallel_loop3A_318 = arith.index_cast %parallel_loop3A_317 : i32 to index
        %parallel_loop3A_319 = arith.index_cast %parallel_loop3A_230 : i32 to index
        %parallel_loop3A_320 = arith.constant 64 : index
        %parallel_loop3A_321 = tpu.vector_load %arg10[%parallel_loop3A_318, %parallel_loop3A_319, %parallel_loop3A_320] {strides = array<i32>} : memref<2x80x128xf32, #tpu.memory_space<vmem>>, vector<1x1x16xf32>,
        %parallel_loop3A_322 = vector.shape_cast %parallel_loop3A_321 : vector<1x1x16xf32> to vector<16xf32>
        %parallel_loop3A_323 = arith.addf %parallel_loop3A_316, %parallel_loop3A_322 : vector<16xf32>
        %parallel_loop3A_324 = arith.constant 0 : i32
        %parallel_loop3A_325 = arith.index_cast %parallel_loop3A_324 : i32 to index
        %parallel_loop3A_326 = arith.index_cast %parallel_loop3A_230 : i32 to index
        %parallel_loop3A_327 = arith.constant 64 : index
        %parallel_loop3A_328 = tpu.vector_load %arg11[%parallel_loop3A_325, %parallel_loop3A_326, %parallel_loop3A_327] {strides = array<i32>} : memref<2x80x128xf32, #tpu.memory_space<vmem>>, vector<1x1x16xf32>,
        %parallel_loop3A_329 = vector.shape_cast %parallel_loop3A_328 : vector<1x1x16xf32> to vector<16xf32>
        %parallel_loop3A_330 = vector.shape_cast %parallel_loop3A_323 : vector<16xf32> to vector<1x1x16xf32>
        tpu.vector_store %arg11[%parallel_loop3A_325, %parallel_loop3A_326, %parallel_loop3A_327], %parallel_loop3A_330 {strides = array<i32>} : memref<2x80x128xf32, #tpu.memory_space<vmem>>, vector<1x1x16xf32>,
        %parallel_loop3A_331 = arith.constant 0 : i32
        %parallel_loop3A_332 = arith.index_cast %parallel_loop3A_331 : i32 to index
        %parallel_loop3A_333 = arith.index_cast %parallel_loop3A_230 : i32 to index
        %parallel_loop3A_334 = arith.constant 80 : index
        %parallel_loop3A_335 = tpu.vector_load %arg9[%parallel_loop3A_332, %parallel_loop3A_333, %parallel_loop3A_334] {strides = array<i32>} : memref<2x80x128xf32, #tpu.memory_space<vmem>>, vector<1x1x16xf32>,
        %parallel_loop3A_336 = vector.shape_cast %parallel_loop3A_335 : vector<1x1x16xf32> to vector<16xf32>
        %parallel_loop3A_337 = arith.constant 0 : i32
        %parallel_loop3A_338 = arith.index_cast %parallel_loop3A_337 : i32 to index
        %parallel_loop3A_339 = arith.index_cast %parallel_loop3A_230 : i32 to index
        %parallel_loop3A_340 = arith.constant 80 : index
        %parallel_loop3A_341 = tpu.vector_load %arg10[%parallel_loop3A_338, %parallel_loop3A_339, %parallel_loop3A_340] {strides = array<i32>} : memref<2x80x128xf32, #tpu.memory_space<vmem>>, vector<1x1x16xf32>,
        %parallel_loop3A_342 = vector.shape_cast %parallel_loop3A_341 : vector<1x1x16xf32> to vector<16xf32>
        %parallel_loop3A_343 = arith.addf %parallel_loop3A_336, %parallel_loop3A_342 : vector<16xf32>
        %parallel_loop3A_344 = arith.constant 0 : i32
        %parallel_loop3A_345 = arith.index_cast %parallel_loop3A_344 : i32 to index
        %parallel_loop3A_346 = arith.index_cast %parallel_loop3A_230 : i32 to index
        %parallel_loop3A_347 = arith.constant 80 : index
        %parallel_loop3A_348 = tpu.vector_load %arg11[%parallel_loop3A_345, %parallel_loop3A_346, %parallel_loop3A_347] {strides = array<i32>} : memref<2x80x128xf32, #tpu.memory_space<vmem>>, vector<1x1x16xf32>,
        %parallel_loop3A_349 = vector.shape_cast %parallel_loop3A_348 : vector<1x1x16xf32> to vector<16xf32>
        %parallel_loop3A_350 = vector.shape_cast %parallel_loop3A_343 : vector<16xf32> to vector<1x1x16xf32>
        tpu.vector_store %arg11[%parallel_loop3A_345, %parallel_loop3A_346, %parallel_loop3A_347], %parallel_loop3A_350 {strides = array<i32>} : memref<2x80x128xf32, #tpu.memory_space<vmem>>, vector<1x1x16xf32>,
        %parallel_loop3A_351 = arith.constant 0 : i32
        %parallel_loop3A_352 = arith.index_cast %parallel_loop3A_351 : i32 to index
        %parallel_loop3A_353 = arith.index_cast %parallel_loop3A_230 : i32 to index
        %parallel_loop3A_354 = arith.constant 96 : index
        %parallel_loop3A_355 = tpu.vector_load %arg9[%parallel_loop3A_352, %parallel_loop3A_353, %parallel_loop3A_354] {strides = array<i32>} : memref<2x80x128xf32, #tpu.memory_space<vmem>>, vector<1x1x16xf32>,
        %parallel_loop3A_356 = vector.shape_cast %parallel_loop3A_355 : vector<1x1x16xf32> to vector<16xf32>
        %parallel_loop3A_357 = arith.constant 0 : i32
        %parallel_loop3A_358 = arith.index_cast %parallel_loop3A_357 : i32 to index
        %parallel_loop3A_359 = arith.index_cast %parallel_loop3A_230 : i32 to index
        %parallel_loop3A_360 = arith.constant 96 : index
        %parallel_loop3A_361 = tpu.vector_load %arg10[%parallel_loop3A_358, %parallel_loop3A_359, %parallel_loop3A_360] {strides = array<i32>} : memref<2x80x128xf32, #tpu.memory_space<vmem>>, vector<1x1x16xf32>,
        %parallel_loop3A_362 = vector.shape_cast %parallel_loop3A_361 : vector<1x1x16xf32> to vector<16xf32>
        %parallel_loop3A_363 = arith.addf %parallel_loop3A_356, %parallel_loop3A_362 : vector<16xf32>
        %parallel_loop3A_364 = arith.constant 0 : i32
        %parallel_loop3A_365 = arith.index_cast %parallel_loop3A_364 : i32 to index
        %parallel_loop3A_366 = arith.index_cast %parallel_loop3A_230 : i32 to index
        %parallel_loop3A_367 = arith.constant 96 : index
        %parallel_loop3A_368 = tpu.vector_load %arg11[%parallel_loop3A_365, %parallel_loop3A_366, %parallel_loop3A_367] {strides = array<i32>} : memref<2x80x128xf32, #tpu.memory_space<vmem>>, vector<1x1x16xf32>,
        %parallel_loop3A_369 = vector.shape_cast %parallel_loop3A_368 : vector<1x1x16xf32> to vector<16xf32>
        %parallel_loop3A_370 = vector.shape_cast %parallel_loop3A_363 : vector<16xf32> to vector<1x1x16xf32>
        tpu.vector_store %arg11[%parallel_loop3A_365, %parallel_loop3A_366, %parallel_loop3A_367], %parallel_loop3A_370 {strides = array<i32>} : memref<2x80x128xf32, #tpu.memory_space<vmem>>, vector<1x1x16xf32>,
        %parallel_loop3A_371 = arith.constant 0 : i32
        %parallel_loop3A_372 = arith.index_cast %parallel_loop3A_371 : i32 to index
        %parallel_loop3A_373 = arith.index_cast %parallel_loop3A_230 : i32 to index
        %parallel_loop3A_374 = arith.constant 112 : index
        %parallel_loop3A_375 = tpu.vector_load %arg9[%parallel_loop3A_372, %parallel_loop3A_373, %parallel_loop3A_374] {strides = array<i32>} : memref<2x80x128xf32, #tpu.memory_space<vmem>>, vector<1x1x16xf32>,
        %parallel_loop3A_376 = vector.shape_cast %parallel_loop3A_375 : vector<1x1x16xf32> to vector<16xf32>
        %parallel_loop3A_377 = arith.constant 0 : i32
        %parallel_loop3A_378 = arith.index_cast %parallel_loop3A_377 : i32 to index
        %parallel_loop3A_379 = arith.index_cast %parallel_loop3A_230 : i32 to index
        %parallel_loop3A_380 = arith.constant 112 : index
        %parallel_loop3A_381 = tpu.vector_load %arg10[%parallel_loop3A_378, %parallel_loop3A_379, %parallel_loop3A_380] {strides = array<i32>} : memref<2x80x128xf32, #tpu.memory_space<vmem>>, vector<1x1x16xf32>,
        %parallel_loop3A_382 = vector.shape_cast %parallel_loop3A_381 : vector<1x1x16xf32> to vector<16xf32>
        %parallel_loop3A_383 = arith.addf %parallel_loop3A_376, %parallel_loop3A_382 : vector<16xf32>
        %parallel_loop3A_384 = arith.constant 0 : i32
        %parallel_loop3A_385 = arith.index_cast %parallel_loop3A_384 : i32 to index
        %parallel_loop3A_386 = arith.index_cast %parallel_loop3A_230 : i32 to index
        %parallel_loop3A_387 = arith.constant 112 : index
        %parallel_loop3A_388 = tpu.vector_load %arg11[%parallel_loop3A_385, %parallel_loop3A_386, %parallel_loop3A_387] {strides = array<i32>} : memref<2x80x128xf32, #tpu.memory_space<vmem>>, vector<1x1x16xf32>,
        %parallel_loop3A_389 = vector.shape_cast %parallel_loop3A_388 : vector<1x1x16xf32> to vector<16xf32>
        %parallel_loop3A_390 = vector.shape_cast %parallel_loop3A_383 : vector<16xf32> to vector<1x1x16xf32>
        tpu.vector_store %arg11[%parallel_loop3A_385, %parallel_loop3A_386, %parallel_loop3A_387], %parallel_loop3A_390 {strides = array<i32>} : memref<2x80x128xf32, #tpu.memory_space<vmem>>, vector<1x1x16xf32>,
      } {sc.loop_unroll_factor = 1 : i64, sc.parallel_access}
      %add3A_135 = arith.constant 2 : i32
      %add3A_136 = arith.addi %mul3A_102, %add3A_135 : i32
      %lt3A = arith.constant 64 : i32
      %lt3A_137 = arith.cmpi slt, %add3A_136, %lt3A : i32
      %convert_element_type3A_138 = arith.extui %lt3A_137 : i1 to i32
      %cond3A_139 = arith.constant 0 : i32
      %cond3A_140 = arith.cmpi ne, %convert_element_type3A_138, %cond3A_139 : i32
      scf.if %cond3A_140 {
        %add3A_230 = arith.constant 2 : i32
        %add3A_231 = arith.addi %mul3A_102, %add3A_230 : i32
        %dma_start3A_232 = arith.constant 0 : i32
        %dma_start3A_233 = arith.constant 0 : i32
        %dma_start3A_234 = arith.constant 0 : i32
        %dma_start3A_235 = arith.constant 0 : i32
        %dma_start3A_236 = tpu.memref_slice %arg9[%dma_start3A_232, %dma_start3A_234, %dma_start3A_235] : memref<2x80x128xf32, #tpu.memory_space<vmem>> -> memref<1x80x128xf32, #tpu.memory_space<vmem>>
        %dma_start3A_237 = tpu.memref_squeeze %dma_start3A_236 : memref<1x80x128xf32, #tpu.memory_space<vmem>> -> memref<80x128xf32, #tpu.memory_space<vmem>>
        %dma_start3A_238 = arith.constant 0 : i32
        %dma_start3A_239 = tpu.memref_slice %arg7[%add3A_231, %dma_start3A_238] : memref<64x80xi32, #tpu.memory_space<vmem>> -> memref<1x80xi32, #tpu.memory_space<vmem>>
        %dma_start3A_240 = tpu.memref_squeeze %dma_start3A_239 : memref<1x80xi32, #tpu.memory_space<vmem>> -> memref<80xi32, #tpu.memory_space<vmem>>
        %dma_start3A_241 = arith.constant 0 : i32
        %dma_start3A_242 = arith.constant 0 : i32
        %dma_start3A_243 = tpu.memref_slice %arg2[%dma_start3A_241, %dma_start3A_242] : memref<10000x128xf32, #tpu.memory_space<hbm>> -> memref<10000x128xf32, #tpu.memory_space<hbm>>
        %dma_start3A_244 = tpu.memref_slice %arg12[%dma_start3A_233] : memref<2x!tpu.dma_semaphore, #tpu.memory_space<semaphore_mem>> -> memref<1x!tpu.dma_semaphore, #tpu.memory_space<semaphore_mem>>
        %dma_start3A_245 = tpu.memref_squeeze %dma_start3A_244 : memref<1x!tpu.dma_semaphore, #tpu.memory_space<semaphore_mem>> -> memref<!tpu.dma_semaphore, #tpu.memory_space<semaphore_mem>>
        tpu.enqueue_indirect_dma source(%dma_start3A_243 : memref<10000x128xf32, #tpu.memory_space<hbm>>) target(%dma_start3A_237 : memref<80x128xf32, #tpu.memory_space<vmem>>) offsets(%dma_start3A_240 : memref<80xi32, #tpu.memory_space<vmem>>) semaphore(%dma_start3A_245 : memref<!tpu.dma_semaphore, #tpu.memory_space<semaphore_mem>>)
        %dma_start3A_246 = arith.constant 0 : i32
        %dma_start3A_247 = arith.constant 0 : i32
        %dma_start3A_248 = arith.constant 0 : i32
        %dma_start3A_249 = arith.constant 0 : i32
        %dma_start3A_250 = tpu.memref_slice %arg10[%dma_start3A_246, %dma_start3A_248, %dma_start3A_249] : memref<2x80x128xf32, #tpu.memory_space<vmem>> -> memref<1x80x128xf32, #tpu.memory_space<vmem>>
        %dma_start3A_251 = tpu.memref_squeeze %dma_start3A_250 : memref<1x80x128xf32, #tpu.memory_space<vmem>> -> memref<80x128xf32, #tpu.memory_space<vmem>>
        %dma_start3A_252 = arith.constant 0 : i32
        %dma_start3A_253 = tpu.memref_slice %arg8[%add3A_231, %dma_start3A_252] : memref<64x80xi32, #tpu.memory_space<vmem>> -> memref<1x80xi32, #tpu.memory_space<vmem>>
        %dma_start3A_254 = tpu.memref_squeeze %dma_start3A_253 : memref<1x80xi32, #tpu.memory_space<vmem>> -> memref<80xi32, #tpu.memory_space<vmem>>
        %dma_start3A_255 = arith.constant 0 : i32
        %dma_start3A_256 = arith.constant 0 : i32
        %dma_start3A_257 = tpu.memref_slice %arg3[%dma_start3A_255, %dma_start3A_256] : memref<10000x128xf32, #tpu.memory_space<hbm>> -> memref<10000x128xf32, #tpu.memory_space<hbm>>
        %dma_start3A_258 = tpu.memref_slice %arg13[%dma_start3A_247] : memref<2x!tpu.dma_semaphore, #tpu.memory_space<semaphore_mem>> -> memref<1x!tpu.dma_semaphore, #tpu.memory_space<semaphore_mem>>
        %dma_start3A_259 = tpu.memref_squeeze %dma_start3A_258 : memref<1x!tpu.dma_semaphore, #tpu.memory_space<semaphore_mem>> -> memref<!tpu.dma_semaphore, #tpu.memory_space<semaphore_mem>>
        tpu.enqueue_indirect_dma source(%dma_start3A_257 : memref<10000x128xf32, #tpu.memory_space<hbm>>) target(%dma_start3A_251 : memref<80x128xf32, #tpu.memory_space<vmem>>) offsets(%dma_start3A_254 : memref<80xi32, #tpu.memory_space<vmem>>) semaphore(%dma_start3A_259 : memref<!tpu.dma_semaphore, #tpu.memory_space<semaphore_mem>>)
      } else {
      }
      %mul3A_141 = arith.constant 5120 : i32
      %mul3A_142 = arith.muli %add3A, %mul3A_141 : i32
      %mul3A_143 = arith.constant 80 : i32
      %mul3A_144 = arith.muli %mul3A_102, %mul3A_143 : i32
      %add3A_145 = arith.addi %mul3A_142, %mul3A_144 : i32
      %dma_start3A_146 = arith.constant 0 : i32
      %dma_start3A_147 = arith.constant 0 : i32
      %dma_start3A_148 = arith.constant 0 : i32
      %dma_start3A_149 = arith.constant 0 : i32
      %dma_start3A_150 = tpu.memref_slice %arg11[%dma_start3A_146, %dma_start3A_148, %dma_start3A_149] : memref<2x80x128xf32, #tpu.memory_space<vmem>> -> memref<1x80x128xf32, #tpu.memory_space<vmem>>
      %dma_start3A_151 = tpu.memref_squeeze %dma_start3A_150 : memref<1x80x128xf32, #tpu.memory_space<vmem>> -> memref<80x128xf32, #tpu.memory_space<vmem>>
      %dma_start3A_152 = arith.constant 0 : i32
      %dma_start3A_153 = tpu.memref_slice %arg6[%add3A_145, %dma_start3A_152] : memref<163840x128xf32, #tpu.memory_space<hbm>> -> memref<80x128xf32, #tpu.memory_space<hbm>>
      %dma_start3A_154 = tpu.memref_slice %arg14[%dma_start3A_147] : memref<2x!tpu.dma_semaphore, #tpu.memory_space<semaphore_mem>> -> memref<1x!tpu.dma_semaphore, #tpu.memory_space<semaphore_mem>>
      %dma_start3A_155 = tpu.memref_squeeze %dma_start3A_154 : memref<1x!tpu.dma_semaphore, #tpu.memory_space<semaphore_mem>> -> memref<!tpu.dma_semaphore, #tpu.memory_space<semaphore_mem>>
      %dma_start3A_156 = arith.constant 0 : i32
      %dma_start3A_157 = tpu.memref_slice %arg6[%add3A_145, %dma_start3A_156] : memref<163840x128xf32, #tpu.memory_space<hbm>> -> memref<80x128xf32, #tpu.memory_space<hbm>>
      %dma_start3A_158 = arith.constant 0 : i32
      %dma_start3A_159 = arith.constant 0 : i32
      %dma_start3A_160 = tpu.memref_slice %arg11[%dma_start3A_146, %dma_start3A_158, %dma_start3A_159] : memref<2x80x128xf32, #tpu.memory_space<vmem>> -> memref<1x80x128xf32, #tpu.memory_space<vmem>>
      %dma_start3A_161 = tpu.memref_squeeze %dma_start3A_160 : memref<1x80x128xf32, #tpu.memory_space<vmem>> -> memref<80x128xf32, #tpu.memory_space<vmem>>
      tpu.enqueue_dma source(%dma_start3A_161 : memref<80x128xf32, #tpu.memory_space<vmem>>) target(%dma_start3A_157 : memref<80x128xf32, #tpu.memory_space<hbm>>) target_semaphore(%dma_start3A_155 : memref<!tpu.dma_semaphore, #tpu.memory_space<semaphore_mem>>)
      %mul3A_162 = arith.constant 2 : i32
      %mul3A_163 = arith.muli %mul3A_162, %scan3A_100 : i32
      %add3A_164 = arith.constant 1 : i32
      %add3A_165 = arith.addi %mul3A_163, %add3A_164 : i32
      %dma_wait3A_166 = arith.constant 1 : i32
      %dma_wait3A_167 = arith.constant 1 : i32
      %dma_wait3A_168 = arith.constant 0 : i32
      %dma_wait3A_169 = arith.constant 0 : i32
      %dma_wait3A_170 = tpu.memref_slice %arg9[%dma_wait3A_166, %dma_wait3A_168, %dma_wait3A_169] : memref<2x80x128xf32, #tpu.memory_space<vmem>> -> memref<1x80x128xf32, #tpu.memory_space<vmem>>
      %dma_wait3A_171 = tpu.memref_squeeze %dma_wait3A_170 : memref<1x80x128xf32, #tpu.memory_space<vmem>> -> memref<80x128xf32, #tpu.memory_space<vmem>>
      %dma_wait3A_172 = arith.constant 0 : i32
      %dma_wait3A_173 = tpu.memref_slice %arg7[%add3A_165, %dma_wait3A_172] : memref<64x80xi32, #tpu.memory_space<vmem>> -> memref<1x80xi32, #tpu.memory_space<vmem>>
      %dma_wait3A_174 = tpu.memref_squeeze %dma_wait3A_173 : memref<1x80xi32, #tpu.memory_space<vmem>> -> memref<80xi32, #tpu.memory_space<vmem>>
      %dma_wait3A_175 = arith.constant 0 : i32
      %dma_wait3A_176 = arith.constant 0 : i32
      %dma_wait3A_177 = tpu.memref_slice %arg2[%dma_wait3A_175, %dma_wait3A_176] : memref<10000x128xf32, #tpu.memory_space<hbm>> -> memref<10000x128xf32, #tpu.memory_space<hbm>>
      %dma_wait3A_178 = tpu.memref_slice %arg12[%dma_wait3A_167] : memref<2x!tpu.dma_semaphore, #tpu.memory_space<semaphore_mem>> -> memref<1x!tpu.dma_semaphore, #tpu.memory_space<semaphore_mem>>
      %dma_wait3A_179 = tpu.memref_squeeze %dma_wait3A_178 : memref<1x!tpu.dma_semaphore, #tpu.memory_space<semaphore_mem>> -> memref<!tpu.dma_semaphore, #tpu.memory_space<semaphore_mem>>
      tpu.wait_indirect_dma semaphore(%dma_wait3A_179 : memref<!tpu.dma_semaphore, #tpu.memory_space<semaphore_mem>>) src(%dma_wait3A_177 : memref<10000x128xf32, #tpu.memory_space<hbm>>) dst(%dma_wait3A_171 : memref<80x128xf32, #tpu.memory_space<vmem>>)
      %dma_wait3A_180 = arith.constant 1 : i32
      %dma_wait3A_181 = arith.constant 1 : i32
      %dma_wait3A_182 = arith.constant 0 : i32
      %dma_wait3A_183 = arith.constant 0 : i32
      %dma_wait3A_184 = tpu.memref_slice %arg10[%dma_wait3A_180, %dma_wait3A_182, %dma_wait3A_183] : memref<2x80x128xf32, #tpu.memory_space<vmem>> -> memref<1x80x128xf32, #tpu.memory_space<vmem>>
      %dma_wait3A_185 = tpu.memref_squeeze %dma_wait3A_184 : memref<1x80x128xf32, #tpu.memory_space<vmem>> -> memref<80x128xf32, #tpu.memory_space<vmem>>
      %dma_wait3A_186 = arith.constant 0 : i32
      %dma_wait3A_187 = tpu.memref_slice %arg8[%add3A_165, %dma_wait3A_186] : memref<64x80xi32, #tpu.memory_space<vmem>> -> memref<1x80xi32, #tpu.memory_space<vmem>>
      %dma_wait3A_188 = tpu.memref_squeeze %dma_wait3A_187 : memref<1x80xi32, #tpu.memory_space<vmem>> -> memref<80xi32, #tpu.memory_space<vmem>>
      %dma_wait3A_189 = arith.constant 0 : i32
      %dma_wait3A_190 = arith.constant 0 : i32
      %dma_wait3A_191 = tpu.memref_slice %arg3[%dma_wait3A_189, %dma_wait3A_190] : memref<10000x128xf32, #tpu.memory_space<hbm>> -> memref<10000x128xf32, #tpu.memory_space<hbm>>
      %dma_wait3A_192 = tpu.memref_slice %arg13[%dma_wait3A_181] : memref<2x!tpu.dma_semaphore, #tpu.memory_space<semaphore_mem>> -> memref<1x!tpu.dma_semaphore, #tpu.memory_space<semaphore_mem>>
      %dma_wait3A_193 = tpu.memref_squeeze %dma_wait3A_192 : memref<1x!tpu.dma_semaphore, #tpu.memory_space<semaphore_mem>> -> memref<!tpu.dma_semaphore, #tpu.memory_space<semaphore_mem>>
      tpu.wait_indirect_dma semaphore(%dma_wait3A_193 : memref<!tpu.dma_semaphore, #tpu.memory_space<semaphore_mem>>) src(%dma_wait3A_191 : memref<10000x128xf32, #tpu.memory_space<hbm>>) dst(%dma_wait3A_185 : memref<80x128xf32, #tpu.memory_space<vmem>>)
      %ge3A_194 = arith.constant 2 : i32
      %ge3A_195 = arith.cmpi sge, %add3A_165, %ge3A_194 : i32
      %convert_element_type3A_196 = arith.extui %ge3A_195 : i1 to i32
      %cond3A_197 = arith.constant 0 : i32
      %cond3A_198 = arith.cmpi ne, %convert_element_type3A_196, %cond3A_197 : i32
      scf.if %cond3A_198 {
        %dma_wait3A_230 = arith.constant 1 : i32
        %dma_wait3A_231 = arith.constant 1 : i32
        %dma_wait3A_232 = arith.constant 0 : i32
        %dma_wait3A_233 = arith.constant 0 : i32
        %dma_wait3A_234 = tpu.memref_slice %arg11[%dma_wait3A_230, %dma_wait3A_232, %dma_wait3A_233] : memref<2x80x128xf32, #tpu.memory_space<vmem>> -> memref<1x80x128xf32, #tpu.memory_space<vmem>>
        %dma_wait3A_235 = tpu.memref_squeeze %dma_wait3A_234 : memref<1x80x128xf32, #tpu.memory_space<vmem>> -> memref<80x128xf32, #tpu.memory_space<vmem>>
        %dma_wait3A_236 = arith.constant 0 : i32
        %dma_wait3A_237 = arith.constant 0 : i32
        %dma_wait3A_238 = tpu.memref_slice %arg6[%dma_wait3A_236, %dma_wait3A_237] : memref<163840x128xf32, #tpu.memory_space<hbm>> -> memref<80x128xf32, #tpu.memory_space<hbm>>
        %dma_wait3A_239 = tpu.memref_slice %arg14[%dma_wait3A_231] : memref<2x!tpu.dma_semaphore, #tpu.memory_space<semaphore_mem>> -> memref<1x!tpu.dma_semaphore, #tpu.memory_space<semaphore_mem>>
        %dma_wait3A_240 = tpu.memref_squeeze %dma_wait3A_239 : memref<1x!tpu.dma_semaphore, #tpu.memory_space<semaphore_mem>> -> memref<!tpu.dma_semaphore, #tpu.memory_space<semaphore_mem>>
        %dma_wait3A_241 = arith.constant 0 : i32
        %dma_wait3A_242 = arith.constant 0 : i32
        %dma_wait3A_243 = tpu.memref_slice %arg6[%dma_wait3A_241, %dma_wait3A_242] : memref<163840x128xf32, #tpu.memory_space<hbm>> -> memref<80x128xf32, #tpu.memory_space<hbm>>
        %dma_wait3A_244 = arith.constant 0 : i32
        %dma_wait3A_245 = arith.constant 0 : i32
        %dma_wait3A_246 = tpu.memref_slice %arg11[%dma_wait3A_230, %dma_wait3A_244, %dma_wait3A_245] : memref<2x80x128xf32, #tpu.memory_space<vmem>> -> memref<1x80x128xf32, #tpu.memory_space<vmem>>
        %dma_wait3A_247 = tpu.memref_squeeze %dma_wait3A_246 : memref<1x80x128xf32, #tpu.memory_space<vmem>> -> memref<80x128xf32, #tpu.memory_space<vmem>>
        tpu.wait_dma2 semaphore(%dma_wait3A_240 : memref<!tpu.dma_semaphore, #tpu.memory_space<semaphore_mem>>) src(%dma_wait3A_247 : memref<80x128xf32, #tpu.memory_space<vmem>>) dst(%dma_wait3A_243 : memref<80x128xf32, #tpu.memory_space<hbm>>)
      } else {
      }
      %parallel_loop3A_199 = arith.constant 0 : i32
      %parallel_loop3A_200 = arith.constant 80 : i32
      %parallel_loop3A_201 = arith.constant 1 : i32
      scf.for %parallel_loop3A_230 = %parallel_loop3A_199 to %parallel_loop3A_200 step %parallel_loop3A_201  : i32 {
        %parallel_loop3A_231 = arith.constant 1 : i32
        %parallel_loop3A_232 = arith.index_cast %parallel_loop3A_231 : i32 to index
        %parallel_loop3A_233 = arith.index_cast %parallel_loop3A_230 : i32 to index
        %parallel_loop3A_234 = arith.constant 0 : index
        %parallel_loop3A_235 = tpu.vector_load %arg9[%parallel_loop3A_232, %parallel_loop3A_233, %parallel_loop3A_234] {strides = array<i32>} : memref<2x80x128xf32, #tpu.memory_space<vmem>>, vector<1x1x16xf32>,
        %parallel_loop3A_236 = vector.shape_cast %parallel_loop3A_235 : vector<1x1x16xf32> to vector<16xf32>
        %parallel_loop3A_237 = arith.constant 1 : i32
        %parallel_loop3A_238 = arith.index_cast %parallel_loop3A_237 : i32 to index
        %parallel_loop3A_239 = arith.index_cast %parallel_loop3A_230 : i32 to index
        %parallel_loop3A_240 = arith.constant 0 : index
        %parallel_loop3A_241 = tpu.vector_load %arg10[%parallel_loop3A_238, %parallel_loop3A_239, %parallel_loop3A_240] {strides = array<i32>} : memref<2x80x128xf32, #tpu.memory_space<vmem>>, vector<1x1x16xf32>,
        %parallel_loop3A_242 = vector.shape_cast %parallel_loop3A_241 : vector<1x1x16xf32> to vector<16xf32>
        %parallel_loop3A_243 = arith.addf %parallel_loop3A_236, %parallel_loop3A_242 : vector<16xf32>
        %parallel_loop3A_244 = arith.constant 1 : i32
        %parallel_loop3A_245 = arith.index_cast %parallel_loop3A_244 : i32 to index
        %parallel_loop3A_246 = arith.index_cast %parallel_loop3A_230 : i32 to index
        %parallel_loop3A_247 = arith.constant 0 : index
        %parallel_loop3A_248 = tpu.vector_load %arg11[%parallel_loop3A_245, %parallel_loop3A_246, %parallel_loop3A_247] {strides = array<i32>} : memref<2x80x128xf32, #tpu.memory_space<vmem>>, vector<1x1x16xf32>,
        %parallel_loop3A_249 = vector.shape_cast %parallel_loop3A_248 : vector<1x1x16xf32> to vector<16xf32>
        %parallel_loop3A_250 = vector.shape_cast %parallel_loop3A_243 : vector<16xf32> to vector<1x1x16xf32>
        tpu.vector_store %arg11[%parallel_loop3A_245, %parallel_loop3A_246, %parallel_loop3A_247], %parallel_loop3A_250 {strides = array<i32>} : memref<2x80x128xf32, #tpu.memory_space<vmem>>, vector<1x1x16xf32>,
        %parallel_loop3A_251 = arith.constant 1 : i32
        %parallel_loop3A_252 = arith.index_cast %parallel_loop3A_251 : i32 to index
        %parallel_loop3A_253 = arith.index_cast %parallel_loop3A_230 : i32 to index
        %parallel_loop3A_254 = arith.constant 16 : index
        %parallel_loop3A_255 = tpu.vector_load %arg9[%parallel_loop3A_252, %parallel_loop3A_253, %parallel_loop3A_254] {strides = array<i32>} : memref<2x80x128xf32, #tpu.memory_space<vmem>>, vector<1x1x16xf32>,
        %parallel_loop3A_256 = vector.shape_cast %parallel_loop3A_255 : vector<1x1x16xf32> to vector<16xf32>
        %parallel_loop3A_257 = arith.constant 1 : i32
        %parallel_loop3A_258 = arith.index_cast %parallel_loop3A_257 : i32 to index
        %parallel_loop3A_259 = arith.index_cast %parallel_loop3A_230 : i32 to index
        %parallel_loop3A_260 = arith.constant 16 : index
        %parallel_loop3A_261 = tpu.vector_load %arg10[%parallel_loop3A_258, %parallel_loop3A_259, %parallel_loop3A_260] {strides = array<i32>} : memref<2x80x128xf32, #tpu.memory_space<vmem>>, vector<1x1x16xf32>,
        %parallel_loop3A_262 = vector.shape_cast %parallel_loop3A_261 : vector<1x1x16xf32> to vector<16xf32>
        %parallel_loop3A_263 = arith.addf %parallel_loop3A_256, %parallel_loop3A_262 : vector<16xf32>
        %parallel_loop3A_264 = arith.constant 1 : i32
        %parallel_loop3A_265 = arith.index_cast %parallel_loop3A_264 : i32 to index
        %parallel_loop3A_266 = arith.index_cast %parallel_loop3A_230 : i32 to index
        %parallel_loop3A_267 = arith.constant 16 : index
        %parallel_loop3A_268 = tpu.vector_load %arg11[%parallel_loop3A_265, %parallel_loop3A_266, %parallel_loop3A_267] {strides = array<i32>} : memref<2x80x128xf32, #tpu.memory_space<vmem>>, vector<1x1x16xf32>,
        %parallel_loop3A_269 = vector.shape_cast %parallel_loop3A_268 : vector<1x1x16xf32> to vector<16xf32>
        %parallel_loop3A_270 = vector.shape_cast %parallel_loop3A_263 : vector<16xf32> to vector<1x1x16xf32>
        tpu.vector_store %arg11[%parallel_loop3A_265, %parallel_loop3A_266, %parallel_loop3A_267], %parallel_loop3A_270 {strides = array<i32>} : memref<2x80x128xf32, #tpu.memory_space<vmem>>, vector<1x1x16xf32>,
        %parallel_loop3A_271 = arith.constant 1 : i32
        %parallel_loop3A_272 = arith.index_cast %parallel_loop3A_271 : i32 to index
        %parallel_loop3A_273 = arith.index_cast %parallel_loop3A_230 : i32 to index
        %parallel_loop3A_274 = arith.constant 32 : index
        %parallel_loop3A_275 = tpu.vector_load %arg9[%parallel_loop3A_272, %parallel_loop3A_273, %parallel_loop3A_274] {strides = array<i32>} : memref<2x80x128xf32, #tpu.memory_space<vmem>>, vector<1x1x16xf32>,
        %parallel_loop3A_276 = vector.shape_cast %parallel_loop3A_275 : vector<1x1x16xf32> to vector<16xf32>
        %parallel_loop3A_277 = arith.constant 1 : i32
        %parallel_loop3A_278 = arith.index_cast %parallel_loop3A_277 : i32 to index
        %parallel_loop3A_279 = arith.index_cast %parallel_loop3A_230 : i32 to index
        %parallel_loop3A_280 = arith.constant 32 : index
        %parallel_loop3A_281 = tpu.vector_load %arg10[%parallel_loop3A_278, %parallel_loop3A_279, %parallel_loop3A_280] {strides = array<i32>} : memref<2x80x128xf32, #tpu.memory_space<vmem>>, vector<1x1x16xf32>,
        %parallel_loop3A_282 = vector.shape_cast %parallel_loop3A_281 : vector<1x1x16xf32> to vector<16xf32>
        %parallel_loop3A_283 = arith.addf %parallel_loop3A_276, %parallel_loop3A_282 : vector<16xf32>
        %parallel_loop3A_284 = arith.constant 1 : i32
        %parallel_loop3A_285 = arith.index_cast %parallel_loop3A_284 : i32 to index
        %parallel_loop3A_286 = arith.index_cast %parallel_loop3A_230 : i32 to index
        %parallel_loop3A_287 = arith.constant 32 : index
        %parallel_loop3A_288 = tpu.vector_load %arg11[%parallel_loop3A_285, %parallel_loop3A_286, %parallel_loop3A_287] {strides = array<i32>} : memref<2x80x128xf32, #tpu.memory_space<vmem>>, vector<1x1x16xf32>,
        %parallel_loop3A_289 = vector.shape_cast %parallel_loop3A_288 : vector<1x1x16xf32> to vector<16xf32>
        %parallel_loop3A_290 = vector.shape_cast %parallel_loop3A_283 : vector<16xf32> to vector<1x1x16xf32>
        tpu.vector_store %arg11[%parallel_loop3A_285, %parallel_loop3A_286, %parallel_loop3A_287], %parallel_loop3A_290 {strides = array<i32>} : memref<2x80x128xf32, #tpu.memory_space<vmem>>, vector<1x1x16xf32>,
        %parallel_loop3A_291 = arith.constant 1 : i32
        %parallel_loop3A_292 = arith.index_cast %parallel_loop3A_291 : i32 to index
        %parallel_loop3A_293 = arith.index_cast %parallel_loop3A_230 : i32 to index
        %parallel_loop3A_294 = arith.constant 48 : index
        %parallel_loop3A_295 = tpu.vector_load %arg9[%parallel_loop3A_292, %parallel_loop3A_293, %parallel_loop3A_294] {strides = array<i32>} : memref<2x80x128xf32, #tpu.memory_space<vmem>>, vector<1x1x16xf32>,
        %parallel_loop3A_296 = vector.shape_cast %parallel_loop3A_295 : vector<1x1x16xf32> to vector<16xf32>
        %parallel_loop3A_297 = arith.constant 1 : i32
        %parallel_loop3A_298 = arith.index_cast %parallel_loop3A_297 : i32 to index
        %parallel_loop3A_299 = arith.index_cast %parallel_loop3A_230 : i32 to index
        %parallel_loop3A_300 = arith.constant 48 : index
        %parallel_loop3A_301 = tpu.vector_load %arg10[%parallel_loop3A_298, %parallel_loop3A_299, %parallel_loop3A_300] {strides = array<i32>} : memref<2x80x128xf32, #tpu.memory_space<vmem>>, vector<1x1x16xf32>,
        %parallel_loop3A_302 = vector.shape_cast %parallel_loop3A_301 : vector<1x1x16xf32> to vector<16xf32>
        %parallel_loop3A_303 = arith.addf %parallel_loop3A_296, %parallel_loop3A_302 : vector<16xf32>
        %parallel_loop3A_304 = arith.constant 1 : i32
        %parallel_loop3A_305 = arith.index_cast %parallel_loop3A_304 : i32 to index
        %parallel_loop3A_306 = arith.index_cast %parallel_loop3A_230 : i32 to index
        %parallel_loop3A_307 = arith.constant 48 : index
        %parallel_loop3A_308 = tpu.vector_load %arg11[%parallel_loop3A_305, %parallel_loop3A_306, %parallel_loop3A_307] {strides = array<i32>} : memref<2x80x128xf32, #tpu.memory_space<vmem>>, vector<1x1x16xf32>,
        %parallel_loop3A_309 = vector.shape_cast %parallel_loop3A_308 : vector<1x1x16xf32> to vector<16xf32>
        %parallel_loop3A_310 = vector.shape_cast %parallel_loop3A_303 : vector<16xf32> to vector<1x1x16xf32>
        tpu.vector_store %arg11[%parallel_loop3A_305, %parallel_loop3A_306, %parallel_loop3A_307], %parallel_loop3A_310 {strides = array<i32>} : memref<2x80x128xf32, #tpu.memory_space<vmem>>, vector<1x1x16xf32>,
        %parallel_loop3A_311 = arith.constant 1 : i32
        %parallel_loop3A_312 = arith.index_cast %parallel_loop3A_311 : i32 to index
        %parallel_loop3A_313 = arith.index_cast %parallel_loop3A_230 : i32 to index
        %parallel_loop3A_314 = arith.constant 64 : index
        %parallel_loop3A_315 = tpu.vector_load %arg9[%parallel_loop3A_312, %parallel_loop3A_313, %parallel_loop3A_314] {strides = array<i32>} : memref<2x80x128xf32, #tpu.memory_space<vmem>>, vector<1x1x16xf32>,
        %parallel_loop3A_316 = vector.shape_cast %parallel_loop3A_315 : vector<1x1x16xf32> to vector<16xf32>
        %parallel_loop3A_317 = arith.constant 1 : i32
        %parallel_loop3A_318 = arith.index_cast %parallel_loop3A_317 : i32 to index
        %parallel_loop3A_319 = arith.index_cast %parallel_loop3A_230 : i32 to index
        %parallel_loop3A_320 = arith.constant 64 : index
        %parallel_loop3A_321 = tpu.vector_load %arg10[%parallel_loop3A_318, %parallel_loop3A_319, %parallel_loop3A_320] {strides = array<i32>} : memref<2x80x128xf32, #tpu.memory_space<vmem>>, vector<1x1x16xf32>,
        %parallel_loop3A_322 = vector.shape_cast %parallel_loop3A_321 : vector<1x1x16xf32> to vector<16xf32>
        %parallel_loop3A_323 = arith.addf %parallel_loop3A_316, %parallel_loop3A_322 : vector<16xf32>
        %parallel_loop3A_324 = arith.constant 1 : i32
        %parallel_loop3A_325 = arith.index_cast %parallel_loop3A_324 : i32 to index
        %parallel_loop3A_326 = arith.index_cast %parallel_loop3A_230 : i32 to index
        %parallel_loop3A_327 = arith.constant 64 : index
        %parallel_loop3A_328 = tpu.vector_load %arg11[%parallel_loop3A_325, %parallel_loop3A_326, %parallel_loop3A_327] {strides = array<i32>} : memref<2x80x128xf32, #tpu.memory_space<vmem>>, vector<1x1x16xf32>,
        %parallel_loop3A_329 = vector.shape_cast %parallel_loop3A_328 : vector<1x1x16xf32> to vector<16xf32>
        %parallel_loop3A_330 = vector.shape_cast %parallel_loop3A_323 : vector<16xf32> to vector<1x1x16xf32>
        tpu.vector_store %arg11[%parallel_loop3A_325, %parallel_loop3A_326, %parallel_loop3A_327], %parallel_loop3A_330 {strides = array<i32>} : memref<2x80x128xf32, #tpu.memory_space<vmem>>, vector<1x1x16xf32>,
        %parallel_loop3A_331 = arith.constant 1 : i32
        %parallel_loop3A_332 = arith.index_cast %parallel_loop3A_331 : i32 to index
        %parallel_loop3A_333 = arith.index_cast %parallel_loop3A_230 : i32 to index
        %parallel_loop3A_334 = arith.constant 80 : index
        %parallel_loop3A_335 = tpu.vector_load %arg9[%parallel_loop3A_332, %parallel_loop3A_333, %parallel_loop3A_334] {strides = array<i32>} : memref<2x80x128xf32, #tpu.memory_space<vmem>>, vector<1x1x16xf32>,
        %parallel_loop3A_336 = vector.shape_cast %parallel_loop3A_335 : vector<1x1x16xf32> to vector<16xf32>
        %parallel_loop3A_337 = arith.constant 1 : i32
        %parallel_loop3A_338 = arith.index_cast %parallel_loop3A_337 : i32 to index
        %parallel_loop3A_339 = arith.index_cast %parallel_loop3A_230 : i32 to index
        %parallel_loop3A_340 = arith.constant 80 : index
        %parallel_loop3A_341 = tpu.vector_load %arg10[%parallel_loop3A_338, %parallel_loop3A_339, %parallel_loop3A_340] {strides = array<i32>} : memref<2x80x128xf32, #tpu.memory_space<vmem>>, vector<1x1x16xf32>,
        %parallel_loop3A_342 = vector.shape_cast %parallel_loop3A_341 : vector<1x1x16xf32> to vector<16xf32>
        %parallel_loop3A_343 = arith.addf %parallel_loop3A_336, %parallel_loop3A_342 : vector<16xf32>
        %parallel_loop3A_344 = arith.constant 1 : i32
        %parallel_loop3A_345 = arith.index_cast %parallel_loop3A_344 : i32 to index
        %parallel_loop3A_346 = arith.index_cast %parallel_loop3A_230 : i32 to index
        %parallel_loop3A_347 = arith.constant 80 : index
        %parallel_loop3A_348 = tpu.vector_load %arg11[%parallel_loop3A_345, %parallel_loop3A_346, %parallel_loop3A_347] {strides = array<i32>} : memref<2x80x128xf32, #tpu.memory_space<vmem>>, vector<1x1x16xf32>,
        %parallel_loop3A_349 = vector.shape_cast %parallel_loop3A_348 : vector<1x1x16xf32> to vector<16xf32>
        %parallel_loop3A_350 = vector.shape_cast %parallel_loop3A_343 : vector<16xf32> to vector<1x1x16xf32>
        tpu.vector_store %arg11[%parallel_loop3A_345, %parallel_loop3A_346, %parallel_loop3A_347], %parallel_loop3A_350 {strides = array<i32>} : memref<2x80x128xf32, #tpu.memory_space<vmem>>, vector<1x1x16xf32>,
        %parallel_loop3A_351 = arith.constant 1 : i32
        %parallel_loop3A_352 = arith.index_cast %parallel_loop3A_351 : i32 to index
        %parallel_loop3A_353 = arith.index_cast %parallel_loop3A_230 : i32 to index
        %parallel_loop3A_354 = arith.constant 96 : index
        %parallel_loop3A_355 = tpu.vector_load %arg9[%parallel_loop3A_352, %parallel_loop3A_353, %parallel_loop3A_354] {strides = array<i32>} : memref<2x80x128xf32, #tpu.memory_space<vmem>>, vector<1x1x16xf32>,
        %parallel_loop3A_356 = vector.shape_cast %parallel_loop3A_355 : vector<1x1x16xf32> to vector<16xf32>
        %parallel_loop3A_357 = arith.constant 1 : i32
        %parallel_loop3A_358 = arith.index_cast %parallel_loop3A_357 : i32 to index
        %parallel_loop3A_359 = arith.index_cast %parallel_loop3A_230 : i32 to index
        %parallel_loop3A_360 = arith.constant 96 : index
        %parallel_loop3A_361 = tpu.vector_load %arg10[%parallel_loop3A_358, %parallel_loop3A_359, %parallel_loop3A_360] {strides = array<i32>} : memref<2x80x128xf32, #tpu.memory_space<vmem>>, vector<1x1x16xf32>,
        %parallel_loop3A_362 = vector.shape_cast %parallel_loop3A_361 : vector<1x1x16xf32> to vector<16xf32>
        %parallel_loop3A_363 = arith.addf %parallel_loop3A_356, %parallel_loop3A_362 : vector<16xf32>
        %parallel_loop3A_364 = arith.constant 1 : i32
        %parallel_loop3A_365 = arith.index_cast %parallel_loop3A_364 : i32 to index
        %parallel_loop3A_366 = arith.index_cast %parallel_loop3A_230 : i32 to index
        %parallel_loop3A_367 = arith.constant 96 : index
        %parallel_loop3A_368 = tpu.vector_load %arg11[%parallel_loop3A_365, %parallel_loop3A_366, %parallel_loop3A_367] {strides = array<i32>} : memref<2x80x128xf32, #tpu.memory_space<vmem>>, vector<1x1x16xf32>,
        %parallel_loop3A_369 = vector.shape_cast %parallel_loop3A_368 : vector<1x1x16xf32> to vector<16xf32>
        %parallel_loop3A_370 = vector.shape_cast %parallel_loop3A_363 : vector<16xf32> to vector<1x1x16xf32>
        tpu.vector_store %arg11[%parallel_loop3A_365, %parallel_loop3A_366, %parallel_loop3A_367], %parallel_loop3A_370 {strides = array<i32>} : memref<2x80x128xf32, #tpu.memory_space<vmem>>, vector<1x1x16xf32>,
        %parallel_loop3A_371 = arith.constant 1 : i32
        %parallel_loop3A_372 = arith.index_cast %parallel_loop3A_371 : i32 to index
        %parallel_loop3A_373 = arith.index_cast %parallel_loop3A_230 : i32 to index
        %parallel_loop3A_374 = arith.constant 112 : index
        %parallel_loop3A_375 = tpu.vector_load %arg9[%parallel_loop3A_372, %parallel_loop3A_373, %parallel_loop3A_374] {strides = array<i32>} : memref<2x80x128xf32, #tpu.memory_space<vmem>>, vector<1x1x16xf32>,
        %parallel_loop3A_376 = vector.shape_cast %parallel_loop3A_375 : vector<1x1x16xf32> to vector<16xf32>
        %parallel_loop3A_377 = arith.constant 1 : i32
        %parallel_loop3A_378 = arith.index_cast %parallel_loop3A_377 : i32 to index
        %parallel_loop3A_379 = arith.index_cast %parallel_loop3A_230 : i32 to index
        %parallel_loop3A_380 = arith.constant 112 : index
        %parallel_loop3A_381 = tpu.vector_load %arg10[%parallel_loop3A_378, %parallel_loop3A_379, %parallel_loop3A_380] {strides = array<i32>} : memref<2x80x128xf32, #tpu.memory_space<vmem>>, vector<1x1x16xf32>,
        %parallel_loop3A_382 = vector.shape_cast %parallel_loop3A_381 : vector<1x1x16xf32> to vector<16xf32>
        %parallel_loop3A_383 = arith.addf %parallel_loop3A_376, %parallel_loop3A_382 : vector<16xf32>
        %parallel_loop3A_384 = arith.constant 1 : i32
        %parallel_loop3A_385 = arith.index_cast %parallel_loop3A_384 : i32 to index
        %parallel_loop3A_386 = arith.index_cast %parallel_loop3A_230 : i32 to index
        %parallel_loop3A_387 = arith.constant 112 : index
        %parallel_loop3A_388 = tpu.vector_load %arg11[%parallel_loop3A_385, %parallel_loop3A_386, %parallel_loop3A_387] {strides = array<i32>} : memref<2x80x128xf32, #tpu.memory_space<vmem>>, vector<1x1x16xf32>,
        %parallel_loop3A_389 = vector.shape_cast %parallel_loop3A_388 : vector<1x1x16xf32> to vector<16xf32>
        %parallel_loop3A_390 = vector.shape_cast %parallel_loop3A_383 : vector<16xf32> to vector<1x1x16xf32>
        tpu.vector_store %arg11[%parallel_loop3A_385, %parallel_loop3A_386, %parallel_loop3A_387], %parallel_loop3A_390 {strides = array<i32>} : memref<2x80x128xf32, #tpu.memory_space<vmem>>, vector<1x1x16xf32>,
      } {sc.loop_unroll_factor = 1 : i64, sc.parallel_access}
      %add3A_202 = arith.constant 2 : i32
      %add3A_203 = arith.addi %add3A_165, %add3A_202 : i32
      %lt3A_204 = arith.constant 64 : i32
      %lt3A_205 = arith.cmpi slt, %add3A_203, %lt3A_204 : i32
      %convert_element_type3A_206 = arith.extui %lt3A_205 : i1 to i32
      %cond3A_207 = arith.constant 0 : i32
      %cond3A_208 = arith.cmpi ne, %convert_element_type3A_206, %cond3A_207 : i32
      scf.if %cond3A_208 {
        %add3A_230 = arith.constant 2 : i32
        %add3A_231 = arith.addi %add3A_165, %add3A_230 : i32
        %dma_start3A_232 = arith.constant 1 : i32
        %dma_start3A_233 = arith.constant 1 : i32
        %dma_start3A_234 = arith.constant 0 : i32
        %dma_start3A_235 = arith.constant 0 : i32
        %dma_start3A_236 = tpu.memref_slice %arg9[%dma_start3A_232, %dma_start3A_234, %dma_start3A_235] : memref<2x80x128xf32, #tpu.memory_space<vmem>> -> memref<1x80x128xf32, #tpu.memory_space<vmem>>
        %dma_start3A_237 = tpu.memref_squeeze %dma_start3A_236 : memref<1x80x128xf32, #tpu.memory_space<vmem>> -> memref<80x128xf32, #tpu.memory_space<vmem>>
        %dma_start3A_238 = arith.constant 0 : i32
        %dma_start3A_239 = tpu.memref_slice %arg7[%add3A_231, %dma_start3A_238] : memref<64x80xi32, #tpu.memory_space<vmem>> -> memref<1x80xi32, #tpu.memory_space<vmem>>
        %dma_start3A_240 = tpu.memref_squeeze %dma_start3A_239 : memref<1x80xi32, #tpu.memory_space<vmem>> -> memref<80xi32, #tpu.memory_space<vmem>>
        %dma_start3A_241 = arith.constant 0 : i32
        %dma_start3A_242 = arith.constant 0 : i32
        %dma_start3A_243 = tpu.memref_slice %arg2[%dma_start3A_241, %dma_start3A_242] : memref<10000x128xf32, #tpu.memory_space<hbm>> -> memref<10000x128xf32, #tpu.memory_space<hbm>>
        %dma_start3A_244 = tpu.memref_slice %arg12[%dma_start3A_233] : memref<2x!tpu.dma_semaphore, #tpu.memory_space<semaphore_mem>> -> memref<1x!tpu.dma_semaphore, #tpu.memory_space<semaphore_mem>>
        %dma_start3A_245 = tpu.memref_squeeze %dma_start3A_244 : memref<1x!tpu.dma_semaphore, #tpu.memory_space<semaphore_mem>> -> memref<!tpu.dma_semaphore, #tpu.memory_space<semaphore_mem>>
        tpu.enqueue_indirect_dma source(%dma_start3A_243 : memref<10000x128xf32, #tpu.memory_space<hbm>>) target(%dma_start3A_237 : memref<80x128xf32, #tpu.memory_space<vmem>>) offsets(%dma_start3A_240 : memref<80xi32, #tpu.memory_space<vmem>>) semaphore(%dma_start3A_245 : memref<!tpu.dma_semaphore, #tpu.memory_space<semaphore_mem>>)
        %dma_start3A_246 = arith.constant 1 : i32
        %dma_start3A_247 = arith.constant 1 : i32
        %dma_start3A_248 = arith.constant 0 : i32
        %dma_start3A_249 = arith.constant 0 : i32
        %dma_start3A_250 = tpu.memref_slice %arg10[%dma_start3A_246, %dma_start3A_248, %dma_start3A_249] : memref<2x80x128xf32, #tpu.memory_space<vmem>> -> memref<1x80x128xf32, #tpu.memory_space<vmem>>
        %dma_start3A_251 = tpu.memref_squeeze %dma_start3A_250 : memref<1x80x128xf32, #tpu.memory_space<vmem>> -> memref<80x128xf32, #tpu.memory_space<vmem>>
        %dma_start3A_252 = arith.constant 0 : i32
        %dma_start3A_253 = tpu.memref_slice %arg8[%add3A_231, %dma_start3A_252] : memref<64x80xi32, #tpu.memory_space<vmem>> -> memref<1x80xi32, #tpu.memory_space<vmem>>
        %dma_start3A_254 = tpu.memref_squeeze %dma_start3A_253 : memref<1x80xi32, #tpu.memory_space<vmem>> -> memref<80xi32, #tpu.memory_space<vmem>>
        %dma_start3A_255 = arith.constant 0 : i32
        %dma_start3A_256 = arith.constant 0 : i32
        %dma_start3A_257 = tpu.memref_slice %arg3[%dma_start3A_255, %dma_start3A_256] : memref<10000x128xf32, #tpu.memory_space<hbm>> -> memref<10000x128xf32, #tpu.memory_space<hbm>>
        %dma_start3A_258 = tpu.memref_slice %arg13[%dma_start3A_247] : memref<2x!tpu.dma_semaphore, #tpu.memory_space<semaphore_mem>> -> memref<1x!tpu.dma_semaphore, #tpu.memory_space<semaphore_mem>>
        %dma_start3A_259 = tpu.memref_squeeze %dma_start3A_258 : memref<1x!tpu.dma_semaphore, #tpu.memory_space<semaphore_mem>> -> memref<!tpu.dma_semaphore, #tpu.memory_space<semaphore_mem>>
        tpu.enqueue_indirect_dma source(%dma_start3A_257 : memref<10000x128xf32, #tpu.memory_space<hbm>>) target(%dma_start3A_251 : memref<80x128xf32, #tpu.memory_space<vmem>>) offsets(%dma_start3A_254 : memref<80xi32, #tpu.memory_space<vmem>>) semaphore(%dma_start3A_259 : memref<!tpu.dma_semaphore, #tpu.memory_space<semaphore_mem>>)
      } else {
      }
      %mul3A_209 = arith.constant 5120 : i32
      %mul3A_210 = arith.muli %add3A, %mul3A_209 : i32
      %mul3A_211 = arith.constant 80 : i32
      %mul3A_212 = arith.muli %add3A_165, %mul3A_211 : i32
      %add3A_213 = arith.addi %mul3A_210, %mul3A_212 : i32
      %dma_start3A_214 = arith.constant 1 : i32
      %dma_start3A_215 = arith.constant 1 : i32
      %dma_start3A_216 = arith.constant 0 : i32
      %dma_start3A_217 = arith.constant 0 : i32
      %dma_start3A_218 = tpu.memref_slice %arg11[%dma_start3A_214, %dma_start3A_216, %dma_start3A_217] : memref<2x80x128xf32, #tpu.memory_space<vmem>> -> memref<1x80x128xf32, #tpu.memory_space<vmem>>
      %dma_start3A_219 = tpu.memref_squeeze %dma_start3A_218 : memref<1x80x128xf32, #tpu.memory_space<vmem>> -> memref<80x128xf32, #tpu.memory_space<vmem>>
      %dma_start3A_220 = arith.constant 0 : i32
      %dma_start3A_221 = tpu.memref_slice %arg6[%add3A_213, %dma_start3A_220] : memref<163840x128xf32, #tpu.memory_space<hbm>> -> memref<80x128xf32, #tpu.memory_space<hbm>>
      %dma_start3A_222 = tpu.memref_slice %arg14[%dma_start3A_215] : memref<2x!tpu.dma_semaphore, #tpu.memory_space<semaphore_mem>> -> memref<1x!tpu.dma_semaphore, #tpu.memory_space<semaphore_mem>>
      %dma_start3A_223 = tpu.memref_squeeze %dma_start3A_222 : memref<1x!tpu.dma_semaphore, #tpu.memory_space<semaphore_mem>> -> memref<!tpu.dma_semaphore, #tpu.memory_space<semaphore_mem>>
      %dma_start3A_224 = arith.constant 0 : i32
      %dma_start3A_225 = tpu.memref_slice %arg6[%add3A_213, %dma_start3A_224] : memref<163840x128xf32, #tpu.memory_space<hbm>> -> memref<80x128xf32, #tpu.memory_space<hbm>>
      %dma_start3A_226 = arith.constant 0 : i32
      %dma_start3A_227 = arith.constant 0 : i32
      %dma_start3A_228 = tpu.memref_slice %arg11[%dma_start3A_214, %dma_start3A_226, %dma_start3A_227] : memref<2x80x128xf32, #tpu.memory_space<vmem>> -> memref<1x80x128xf32, #tpu.memory_space<vmem>>
      %dma_start3A_229 = tpu.memref_squeeze %dma_start3A_228 : memref<1x80x128xf32, #tpu.memory_space<vmem>> -> memref<80x128xf32, #tpu.memory_space<vmem>>
      tpu.enqueue_dma source(%dma_start3A_229 : memref<80x128xf32, #tpu.memory_space<vmem>>) target(%dma_start3A_225 : memref<80x128xf32, #tpu.memory_space<hbm>>) target_semaphore(%dma_start3A_223 : memref<!tpu.dma_semaphore, #tpu.memory_space<semaphore_mem>>)
    }
    %scan3A_64 = arith.constant 32 : i32
    %dma_wait3A = arith.constant 0 : i32
    %dma_wait3A_65 = arith.constant 0 : i32
    %dma_wait3A_66 = arith.constant 0 : i32
    %dma_wait3A_67 = arith.constant 0 : i32
    %dma_wait3A_68 = tpu.memref_slice %arg11[%dma_wait3A, %dma_wait3A_66, %dma_wait3A_67] : memref<2x80x128xf32, #tpu.memory_space<vmem>> -> memref<1x80x128xf32, #tpu.memory_space<vmem>>
    %dma_wait3A_69 = tpu.memref_squeeze %dma_wait3A_68 : memref<1x80x128xf32, #tpu.memory_space<vmem>> -> memref<80x128xf32, #tpu.memory_space<vmem>>
    %dma_wait3A_70 = arith.constant 0 : i32
    %dma_wait3A_71 = arith.constant 0 : i32
    %dma_wait3A_72 = tpu.memref_slice %arg6[%dma_wait3A_70, %dma_wait3A_71] : memref<163840x128xf32, #tpu.memory_space<hbm>> -> memref<80x128xf32, #tpu.memory_space<hbm>>
    %dma_wait3A_73 = tpu.memref_slice %arg14[%dma_wait3A_65] : memref<2x!tpu.dma_semaphore, #tpu.memory_space<semaphore_mem>> -> memref<1x!tpu.dma_semaphore, #tpu.memory_space<semaphore_mem>>
    %dma_wait3A_74 = tpu.memref_squeeze %dma_wait3A_73 : memref<1x!tpu.dma_semaphore, #tpu.memory_space<semaphore_mem>> -> memref<!tpu.dma_semaphore, #tpu.memory_space<semaphore_mem>>
    %dma_wait3A_75 = arith.constant 0 : i32
    %dma_wait3A_76 = arith.constant 0 : i32
    %dma_wait3A_77 = tpu.memref_slice %arg6[%dma_wait3A_75, %dma_wait3A_76] : memref<163840x128xf32, #tpu.memory_space<hbm>> -> memref<80x128xf32, #tpu.memory_space<hbm>>
    %dma_wait3A_78 = arith.constant 0 : i32
    %dma_wait3A_79 = arith.constant 0 : i32
    %dma_wait3A_80 = tpu.memref_slice %arg11[%dma_wait3A, %dma_wait3A_78, %dma_wait3A_79] : memref<2x80x128xf32, #tpu.memory_space<vmem>> -> memref<1x80x128xf32, #tpu.memory_space<vmem>>
    %dma_wait3A_81 = tpu.memref_squeeze %dma_wait3A_80 : memref<1x80x128xf32, #tpu.memory_space<vmem>> -> memref<80x128xf32, #tpu.memory_space<vmem>>
    tpu.wait_dma2 semaphore(%dma_wait3A_74 : memref<!tpu.dma_semaphore, #tpu.memory_space<semaphore_mem>>) src(%dma_wait3A_81 : memref<80x128xf32, #tpu.memory_space<vmem>>) dst(%dma_wait3A_77 : memref<80x128xf32, #tpu.memory_space<hbm>>)
    %dma_wait3A_82 = arith.constant 1 : i32
    %dma_wait3A_83 = arith.constant 1 : i32
    %dma_wait3A_84 = arith.constant 0 : i32
    %dma_wait3A_85 = arith.constant 0 : i32
    %dma_wait3A_86 = tpu.memref_slice %arg11[%dma_wait3A_82, %dma_wait3A_84, %dma_wait3A_85] : memref<2x80x128xf32, #tpu.memory_space<vmem>> -> memref<1x80x128xf32, #tpu.memory_space<vmem>>
    %dma_wait3A_87 = tpu.memref_squeeze %dma_wait3A_86 : memref<1x80x128xf32, #tpu.memory_space<vmem>> -> memref<80x128xf32, #tpu.memory_space<vmem>>
    %dma_wait3A_88 = arith.constant 0 : i32
    %dma_wait3A_89 = arith.constant 0 : i32
    %dma_wait3A_90 = tpu.memref_slice %arg6[%dma_wait3A_88, %dma_wait3A_89] : memref<163840x128xf32, #tpu.memory_space<hbm>> -> memref<80x128xf32, #tpu.memory_space<hbm>>
    %dma_wait3A_91 = tpu.memref_slice %arg14[%dma_wait3A_83] : memref<2x!tpu.dma_semaphore, #tpu.memory_space<semaphore_mem>> -> memref<1x!tpu.dma_semaphore, #tpu.memory_space<semaphore_mem>>
    %dma_wait3A_92 = tpu.memref_squeeze %dma_wait3A_91 : memref<1x!tpu.dma_semaphore, #tpu.memory_space<semaphore_mem>> -> memref<!tpu.dma_semaphore, #tpu.memory_space<semaphore_mem>>
    %dma_wait3A_93 = arith.constant 0 : i32
    %dma_wait3A_94 = arith.constant 0 : i32
    %dma_wait3A_95 = tpu.memref_slice %arg6[%dma_wait3A_93, %dma_wait3A_94] : memref<163840x128xf32, #tpu.memory_space<hbm>> -> memref<80x128xf32, #tpu.memory_space<hbm>>
    %dma_wait3A_96 = arith.constant 0 : i32
    %dma_wait3A_97 = arith.constant 0 : i32
    %dma_wait3A_98 = tpu.memref_slice %arg11[%dma_wait3A_82, %dma_wait3A_96, %dma_wait3A_97] : memref<2x80x128xf32, #tpu.memory_space<vmem>> -> memref<1x80x128xf32, #tpu.memory_space<vmem>>
    %dma_wait3A_99 = tpu.memref_squeeze %dma_wait3A_98 : memref<1x80x128xf32, #tpu.memory_space<vmem>> -> memref<80x128xf32, #tpu.memory_space<vmem>>
    tpu.wait_dma2 semaphore(%dma_wait3A_92 : memref<!tpu.dma_semaphore, #tpu.memory_space<semaphore_mem>>) src(%dma_wait3A_99 : memref<80x128xf32, #tpu.memory_space<vmem>>) dst(%dma_wait3A_95 : memref<80x128xf32, #tpu.memory_space<hbm>>)
    return
  }
}

#map = affine_map<(d0, d1) -> (0, 0)>
#map1 = affine_map<(d0, d1) -> (0, 0, 0)>
module attributes {stable_mosaic.version = 14 : i64} {
  func.func @_scatter_body(%arg0: i32, %arg1: i32, %arg2: memref<320000x128xf32, #tpu.memory_space<hbm>>, %arg3: memref<32x125x80xi32, #tpu.memory_space<hbm>>, %arg4: memref<20000x128xf32, #tpu.memory_space<hbm>>, %arg5: memref<125x80xi32, #tpu.memory_space<vmem>>, %arg6: memref<2x80x128xf32, #tpu.memory_space<vmem>>, %arg7: memref<40x128xf32, #tpu.memory_space<vmem>>, %arg8: memref<10000x128xf32, #tpu.memory_space<vmem_shared>>, %arg9: memref<2x!tpu.dma_semaphore, #tpu.memory_space<semaphore_mem>>) attributes {dimension_semantics = [#tpu.dimension_semantics<core_parallel>, #tpu.dimension_semantics<subcore_parallel>], iteration_bounds = array<i64: 2, 16>, scalar_prefetch = 0 : i64, scratch_operands = 5 : i64, tpu.core_type = #tpu.core_type<sc_vector_subcore>, window_params = [{transform_indices = #map}, {transform_indices = #map1}, {transform_indices = #map}]} {
    %mul3A = arith.constant 2 : i32
    %mul3A_0 = arith.muli %arg1, %mul3A : i32
    %add3A = arith.addi %mul3A_0, %arg0 : i32
    %scan3A = arith.constant 0 : i32
    %scan3A_1 = arith.constant 0 : i32
    %scan3A_2 = arith.constant 40 : i32
    %scan3A_3 = arith.addi %scan3A_1, %scan3A_2 : i32
    %scan3A_4 = arith.constant 1 : i32
    scf.for %scan3A_123 = %scan3A_1 to %scan3A_3 step %scan3A_4  : i32 {
      %broadcast_in_dim3A = arith.constant 0.000000e+00 : f32
      %broadcast_in_dim3A_124 = vector.broadcast %broadcast_in_dim3A : f32 to vector<16xf32>
      %swap3A = arith.index_cast %scan3A_123 : i32 to index
      %swap3A_125 = arith.constant 0 : index
      %swap3A_126 = tpu.vector_load %arg7[%swap3A, %swap3A_125] {strides = array<i32>} : memref<40x128xf32, #tpu.memory_space<vmem>>, vector<1x16xf32>,
      %swap3A_127 = vector.shape_cast %swap3A_126 : vector<1x16xf32> to vector<16xf32>
      %swap3A_128 = vector.shape_cast %broadcast_in_dim3A_124 : vector<16xf32> to vector<1x16xf32>
      tpu.vector_store %arg7[%swap3A, %swap3A_125], %swap3A_128 {strides = array<i32>} : memref<40x128xf32, #tpu.memory_space<vmem>>, vector<1x16xf32>,
      %broadcast_in_dim3A_129 = arith.constant 0.000000e+00 : f32
      %broadcast_in_dim3A_130 = vector.broadcast %broadcast_in_dim3A_129 : f32 to vector<16xf32>
      %swap3A_131 = arith.index_cast %scan3A_123 : i32 to index
      %swap3A_132 = arith.constant 16 : index
      %swap3A_133 = tpu.vector_load %arg7[%swap3A_131, %swap3A_132] {strides = array<i32>} : memref<40x128xf32, #tpu.memory_space<vmem>>, vector<1x16xf32>,
      %swap3A_134 = vector.shape_cast %swap3A_133 : vector<1x16xf32> to vector<16xf32>
      %swap3A_135 = vector.shape_cast %broadcast_in_dim3A_130 : vector<16xf32> to vector<1x16xf32>
      tpu.vector_store %arg7[%swap3A_131, %swap3A_132], %swap3A_135 {strides = array<i32>} : memref<40x128xf32, #tpu.memory_space<vmem>>, vector<1x16xf32>,
      %broadcast_in_dim3A_136 = arith.constant 0.000000e+00 : f32
      %broadcast_in_dim3A_137 = vector.broadcast %broadcast_in_dim3A_136 : f32 to vector<16xf32>
      %swap3A_138 = arith.index_cast %scan3A_123 : i32 to index
      %swap3A_139 = arith.constant 32 : index
      %swap3A_140 = tpu.vector_load %arg7[%swap3A_138, %swap3A_139] {strides = array<i32>} : memref<40x128xf32, #tpu.memory_space<vmem>>, vector<1x16xf32>,
      %swap3A_141 = vector.shape_cast %swap3A_140 : vector<1x16xf32> to vector<16xf32>
      %swap3A_142 = vector.shape_cast %broadcast_in_dim3A_137 : vector<16xf32> to vector<1x16xf32>
      tpu.vector_store %arg7[%swap3A_138, %swap3A_139], %swap3A_142 {strides = array<i32>} : memref<40x128xf32, #tpu.memory_space<vmem>>, vector<1x16xf32>,
      %broadcast_in_dim3A_143 = arith.constant 0.000000e+00 : f32
      %broadcast_in_dim3A_144 = vector.broadcast %broadcast_in_dim3A_143 : f32 to vector<16xf32>
      %swap3A_145 = arith.index_cast %scan3A_123 : i32 to index
      %swap3A_146 = arith.constant 48 : index
      %swap3A_147 = tpu.vector_load %arg7[%swap3A_145, %swap3A_146] {strides = array<i32>} : memref<40x128xf32, #tpu.memory_space<vmem>>, vector<1x16xf32>,
      %swap3A_148 = vector.shape_cast %swap3A_147 : vector<1x16xf32> to vector<16xf32>
      %swap3A_149 = vector.shape_cast %broadcast_in_dim3A_144 : vector<16xf32> to vector<1x16xf32>
      tpu.vector_store %arg7[%swap3A_145, %swap3A_146], %swap3A_149 {strides = array<i32>} : memref<40x128xf32, #tpu.memory_space<vmem>>, vector<1x16xf32>,
      %broadcast_in_dim3A_150 = arith.constant 0.000000e+00 : f32
      %broadcast_in_dim3A_151 = vector.broadcast %broadcast_in_dim3A_150 : f32 to vector<16xf32>
      %swap3A_152 = arith.index_cast %scan3A_123 : i32 to index
      %swap3A_153 = arith.constant 64 : index
      %swap3A_154 = tpu.vector_load %arg7[%swap3A_152, %swap3A_153] {strides = array<i32>} : memref<40x128xf32, #tpu.memory_space<vmem>>, vector<1x16xf32>,
      %swap3A_155 = vector.shape_cast %swap3A_154 : vector<1x16xf32> to vector<16xf32>
      %swap3A_156 = vector.shape_cast %broadcast_in_dim3A_151 : vector<16xf32> to vector<1x16xf32>
      tpu.vector_store %arg7[%swap3A_152, %swap3A_153], %swap3A_156 {strides = array<i32>} : memref<40x128xf32, #tpu.memory_space<vmem>>, vector<1x16xf32>,
      %broadcast_in_dim3A_157 = arith.constant 0.000000e+00 : f32
      %broadcast_in_dim3A_158 = vector.broadcast %broadcast_in_dim3A_157 : f32 to vector<16xf32>
      %swap3A_159 = arith.index_cast %scan3A_123 : i32 to index
      %swap3A_160 = arith.constant 80 : index
      %swap3A_161 = tpu.vector_load %arg7[%swap3A_159, %swap3A_160] {strides = array<i32>} : memref<40x128xf32, #tpu.memory_space<vmem>>, vector<1x16xf32>,
      %swap3A_162 = vector.shape_cast %swap3A_161 : vector<1x16xf32> to vector<16xf32>
      %swap3A_163 = vector.shape_cast %broadcast_in_dim3A_158 : vector<16xf32> to vector<1x16xf32>
      tpu.vector_store %arg7[%swap3A_159, %swap3A_160], %swap3A_163 {strides = array<i32>} : memref<40x128xf32, #tpu.memory_space<vmem>>, vector<1x16xf32>,
      %broadcast_in_dim3A_164 = arith.constant 0.000000e+00 : f32
      %broadcast_in_dim3A_165 = vector.broadcast %broadcast_in_dim3A_164 : f32 to vector<16xf32>
      %swap3A_166 = arith.index_cast %scan3A_123 : i32 to index
      %swap3A_167 = arith.constant 96 : index
      %swap3A_168 = tpu.vector_load %arg7[%swap3A_166, %swap3A_167] {strides = array<i32>} : memref<40x128xf32, #tpu.memory_space<vmem>>, vector<1x16xf32>,
      %swap3A_169 = vector.shape_cast %swap3A_168 : vector<1x16xf32> to vector<16xf32>
      %swap3A_170 = vector.shape_cast %broadcast_in_dim3A_165 : vector<16xf32> to vector<1x16xf32>
      tpu.vector_store %arg7[%swap3A_166, %swap3A_167], %swap3A_170 {strides = array<i32>} : memref<40x128xf32, #tpu.memory_space<vmem>>, vector<1x16xf32>,
      %broadcast_in_dim3A_171 = arith.constant 0.000000e+00 : f32
      %broadcast_in_dim3A_172 = vector.broadcast %broadcast_in_dim3A_171 : f32 to vector<16xf32>
      %swap3A_173 = arith.index_cast %scan3A_123 : i32 to index
      %swap3A_174 = arith.constant 112 : index
      %swap3A_175 = tpu.vector_load %arg7[%swap3A_173, %swap3A_174] {strides = array<i32>} : memref<40x128xf32, #tpu.memory_space<vmem>>, vector<1x16xf32>,
      %swap3A_176 = vector.shape_cast %swap3A_175 : vector<1x16xf32> to vector<16xf32>
      %swap3A_177 = vector.shape_cast %broadcast_in_dim3A_172 : vector<16xf32> to vector<1x16xf32>
      tpu.vector_store %arg7[%swap3A_173, %swap3A_174], %swap3A_177 {strides = array<i32>} : memref<40x128xf32, #tpu.memory_space<vmem>>, vector<1x16xf32>,
    }
    %scan3A_5 = arith.constant 40 : i32
    %add3A_6 = arith.constant 0 : i32
    %add3A_7 = arith.addi %arg1, %add3A_6 : i32
    %lt3A = arith.constant 50 : i32
    %lt3A_8 = arith.cmpi slt, %add3A_7, %lt3A : i32
    %convert_element_type3A = arith.extui %lt3A_8 : i1 to i32
    %cond3A = arith.constant 0 : i32
    %cond3A_9 = arith.cmpi ne, %convert_element_type3A, %cond3A : i32
    scf.if %cond3A_9 {
      %mul3A_123 = arith.constant 200 : i32
      %mul3A_124 = arith.muli %add3A_7, %mul3A_123 : i32
      %add3A_125 = arith.constant 0 : i32
      %add3A_126 = arith.addi %mul3A_124, %add3A_125 : i32
      "tpu.region"() ({
        %run_scoped3A_143 = tpu.sem_alloc : memref<!tpu.dma_semaphore, #tpu.memory_space<semaphore_mem>>
        %dma_start3A_144 = arith.constant 0 : i32
        %dma_start3A_145 = tpu.memref_slice %arg8[%add3A_126, %dma_start3A_144] : memref<10000x128xf32, #tpu.memory_space<vmem_shared>> -> memref<40x128xf32, #tpu.memory_space<vmem_shared>>
        %dma_start3A_146 = arith.constant 0 : i32
        %dma_start3A_147 = tpu.memref_slice %arg8[%add3A_126, %dma_start3A_146] : memref<10000x128xf32, #tpu.memory_space<vmem_shared>> -> memref<40x128xf32, #tpu.memory_space<vmem_shared>>
        tpu.enqueue_dma source(%arg7 : memref<40x128xf32, #tpu.memory_space<vmem>>) target(%dma_start3A_147 : memref<40x128xf32, #tpu.memory_space<vmem_shared>>) target_semaphore(%run_scoped3A_143 : memref<!tpu.dma_semaphore, #tpu.memory_space<semaphore_mem>>)
        %dma_wait3A_148 = arith.constant 0 : i32
        %dma_wait3A_149 = tpu.memref_slice %arg8[%add3A_126, %dma_wait3A_148] : memref<10000x128xf32, #tpu.memory_space<vmem_shared>> -> memref<40x128xf32, #tpu.memory_space<vmem_shared>>
        %dma_wait3A_150 = arith.constant 0 : i32
        %dma_wait3A_151 = tpu.memref_slice %arg8[%add3A_126, %dma_wait3A_150] : memref<10000x128xf32, #tpu.memory_space<vmem_shared>> -> memref<40x128xf32, #tpu.memory_space<vmem_shared>>
        tpu.wait_dma2 semaphore(%run_scoped3A_143 : memref<!tpu.dma_semaphore, #tpu.memory_space<semaphore_mem>>) src(%arg7 : memref<40x128xf32, #tpu.memory_space<vmem>>) dst(%dma_wait3A_151 : memref<40x128xf32, #tpu.memory_space<vmem_shared>>)
        tpu.yield
      }) : () -> ()
      %mul3A_127 = arith.constant 200 : i32
      %mul3A_128 = arith.muli %add3A_7, %mul3A_127 : i32
      %add3A_129 = arith.constant 40 : i32
      %add3A_130 = arith.addi %mul3A_128, %add3A_129 : i32
      "tpu.region"() ({
        %run_scoped3A_143 = tpu.sem_alloc : memref<!tpu.dma_semaphore, #tpu.memory_space<semaphore_mem>>
        %dma_start3A_144 = arith.constant 0 : i32
        %dma_start3A_145 = tpu.memref_slice %arg8[%add3A_130, %dma_start3A_144] : memref<10000x128xf32, #tpu.memory_space<vmem_shared>> -> memref<40x128xf32, #tpu.memory_space<vmem_shared>>
        %dma_start3A_146 = arith.constant 0 : i32
        %dma_start3A_147 = tpu.memref_slice %arg8[%add3A_130, %dma_start3A_146] : memref<10000x128xf32, #tpu.memory_space<vmem_shared>> -> memref<40x128xf32, #tpu.memory_space<vmem_shared>>
        tpu.enqueue_dma source(%arg7 : memref<40x128xf32, #tpu.memory_space<vmem>>) target(%dma_start3A_147 : memref<40x128xf32, #tpu.memory_space<vmem_shared>>) target_semaphore(%run_scoped3A_143 : memref<!tpu.dma_semaphore, #tpu.memory_space<semaphore_mem>>)
        %dma_wait3A_148 = arith.constant 0 : i32
        %dma_wait3A_149 = tpu.memref_slice %arg8[%add3A_130, %dma_wait3A_148] : memref<10000x128xf32, #tpu.memory_space<vmem_shared>> -> memref<40x128xf32, #tpu.memory_space<vmem_shared>>
        %dma_wait3A_150 = arith.constant 0 : i32
        %dma_wait3A_151 = tpu.memref_slice %arg8[%add3A_130, %dma_wait3A_150] : memref<10000x128xf32, #tpu.memory_space<vmem_shared>> -> memref<40x128xf32, #tpu.memory_space<vmem_shared>>
        tpu.wait_dma2 semaphore(%run_scoped3A_143 : memref<!tpu.dma_semaphore, #tpu.memory_space<semaphore_mem>>) src(%arg7 : memref<40x128xf32, #tpu.memory_space<vmem>>) dst(%dma_wait3A_151 : memref<40x128xf32, #tpu.memory_space<vmem_shared>>)
        tpu.yield
      }) : () -> ()
      %mul3A_131 = arith.constant 200 : i32
      %mul3A_132 = arith.muli %add3A_7, %mul3A_131 : i32
      %add3A_133 = arith.constant 80 : i32
      %add3A_134 = arith.addi %mul3A_132, %add3A_133 : i32
      "tpu.region"() ({
        %run_scoped3A_143 = tpu.sem_alloc : memref<!tpu.dma_semaphore, #tpu.memory_space<semaphore_mem>>
        %dma_start3A_144 = arith.constant 0 : i32
        %dma_start3A_145 = tpu.memref_slice %arg8[%add3A_134, %dma_start3A_144] : memref<10000x128xf32, #tpu.memory_space<vmem_shared>> -> memref<40x128xf32, #tpu.memory_space<vmem_shared>>
        %dma_start3A_146 = arith.constant 0 : i32
        %dma_start3A_147 = tpu.memref_slice %arg8[%add3A_134, %dma_start3A_146] : memref<10000x128xf32, #tpu.memory_space<vmem_shared>> -> memref<40x128xf32, #tpu.memory_space<vmem_shared>>
        tpu.enqueue_dma source(%arg7 : memref<40x128xf32, #tpu.memory_space<vmem>>) target(%dma_start3A_147 : memref<40x128xf32, #tpu.memory_space<vmem_shared>>) target_semaphore(%run_scoped3A_143 : memref<!tpu.dma_semaphore, #tpu.memory_space<semaphore_mem>>)
        %dma_wait3A_148 = arith.constant 0 : i32
        %dma_wait3A_149 = tpu.memref_slice %arg8[%add3A_134, %dma_wait3A_148] : memref<10000x128xf32, #tpu.memory_space<vmem_shared>> -> memref<40x128xf32, #tpu.memory_space<vmem_shared>>
        %dma_wait3A_150 = arith.constant 0 : i32
        %dma_wait3A_151 = tpu.memref_slice %arg8[%add3A_134, %dma_wait3A_150] : memref<10000x128xf32, #tpu.memory_space<vmem_shared>> -> memref<40x128xf32, #tpu.memory_space<vmem_shared>>
        tpu.wait_dma2 semaphore(%run_scoped3A_143 : memref<!tpu.dma_semaphore, #tpu.memory_space<semaphore_mem>>) src(%arg7 : memref<40x128xf32, #tpu.memory_space<vmem>>) dst(%dma_wait3A_151 : memref<40x128xf32, #tpu.memory_space<vmem_shared>>)
        tpu.yield
      }) : () -> ()
      %mul3A_135 = arith.constant 200 : i32
      %mul3A_136 = arith.muli %add3A_7, %mul3A_135 : i32
      %add3A_137 = arith.constant 120 : i32
      %add3A_138 = arith.addi %mul3A_136, %add3A_137 : i32
      "tpu.region"() ({
        %run_scoped3A_143 = tpu.sem_alloc : memref<!tpu.dma_semaphore, #tpu.memory_space<semaphore_mem>>
        %dma_start3A_144 = arith.constant 0 : i32
        %dma_start3A_145 = tpu.memref_slice %arg8[%add3A_138, %dma_start3A_144] : memref<10000x128xf32, #tpu.memory_space<vmem_shared>> -> memref<40x128xf32, #tpu.memory_space<vmem_shared>>
        %dma_start3A_146 = arith.constant 0 : i32
        %dma_start3A_147 = tpu.memref_slice %arg8[%add3A_138, %dma_start3A_146] : memref<10000x128xf32, #tpu.memory_space<vmem_shared>> -> memref<40x128xf32, #tpu.memory_space<vmem_shared>>
        tpu.enqueue_dma source(%arg7 : memref<40x128xf32, #tpu.memory_space<vmem>>) target(%dma_start3A_147 : memref<40x128xf32, #tpu.memory_space<vmem_shared>>) target_semaphore(%run_scoped3A_143 : memref<!tpu.dma_semaphore, #tpu.memory_space<semaphore_mem>>)
        %dma_wait3A_148 = arith.constant 0 : i32
        %dma_wait3A_149 = tpu.memref_slice %arg8[%add3A_138, %dma_wait3A_148] : memref<10000x128xf32, #tpu.memory_space<vmem_shared>> -> memref<40x128xf32, #tpu.memory_space<vmem_shared>>
        %dma_wait3A_150 = arith.constant 0 : i32
        %dma_wait3A_151 = tpu.memref_slice %arg8[%add3A_138, %dma_wait3A_150] : memref<10000x128xf32, #tpu.memory_space<vmem_shared>> -> memref<40x128xf32, #tpu.memory_space<vmem_shared>>
        tpu.wait_dma2 semaphore(%run_scoped3A_143 : memref<!tpu.dma_semaphore, #tpu.memory_space<semaphore_mem>>) src(%arg7 : memref<40x128xf32, #tpu.memory_space<vmem>>) dst(%dma_wait3A_151 : memref<40x128xf32, #tpu.memory_space<vmem_shared>>)
        tpu.yield
      }) : () -> ()
      %mul3A_139 = arith.constant 200 : i32
      %mul3A_140 = arith.muli %add3A_7, %mul3A_139 : i32
      %add3A_141 = arith.constant 160 : i32
      %add3A_142 = arith.addi %mul3A_140, %add3A_141 : i32
      "tpu.region"() ({
        %run_scoped3A_143 = tpu.sem_alloc : memref<!tpu.dma_semaphore, #tpu.memory_space<semaphore_mem>>
        %dma_start3A_144 = arith.constant 0 : i32
        %dma_start3A_145 = tpu.memref_slice %arg8[%add3A_142, %dma_start3A_144] : memref<10000x128xf32, #tpu.memory_space<vmem_shared>> -> memref<40x128xf32, #tpu.memory_space<vmem_shared>>
        %dma_start3A_146 = arith.constant 0 : i32
        %dma_start3A_147 = tpu.memref_slice %arg8[%add3A_142, %dma_start3A_146] : memref<10000x128xf32, #tpu.memory_space<vmem_shared>> -> memref<40x128xf32, #tpu.memory_space<vmem_shared>>
        tpu.enqueue_dma source(%arg7 : memref<40x128xf32, #tpu.memory_space<vmem>>) target(%dma_start3A_147 : memref<40x128xf32, #tpu.memory_space<vmem_shared>>) target_semaphore(%run_scoped3A_143 : memref<!tpu.dma_semaphore, #tpu.memory_space<semaphore_mem>>)
        %dma_wait3A_148 = arith.constant 0 : i32
        %dma_wait3A_149 = tpu.memref_slice %arg8[%add3A_142, %dma_wait3A_148] : memref<10000x128xf32, #tpu.memory_space<vmem_shared>> -> memref<40x128xf32, #tpu.memory_space<vmem_shared>>
        %dma_wait3A_150 = arith.constant 0 : i32
        %dma_wait3A_151 = tpu.memref_slice %arg8[%add3A_142, %dma_wait3A_150] : memref<10000x128xf32, #tpu.memory_space<vmem_shared>> -> memref<40x128xf32, #tpu.memory_space<vmem_shared>>
        tpu.wait_dma2 semaphore(%run_scoped3A_143 : memref<!tpu.dma_semaphore, #tpu.memory_space<semaphore_mem>>) src(%arg7 : memref<40x128xf32, #tpu.memory_space<vmem>>) dst(%dma_wait3A_151 : memref<40x128xf32, #tpu.memory_space<vmem_shared>>)
        tpu.yield
      }) : () -> ()
    } else {
    }
    %add3A_10 = arith.constant 16 : i32
    %add3A_11 = arith.addi %arg1, %add3A_10 : i32
    %lt3A_12 = arith.constant 50 : i32
    %lt3A_13 = arith.cmpi slt, %add3A_11, %lt3A_12 : i32
    %convert_element_type3A_14 = arith.extui %lt3A_13 : i1 to i32
    %cond3A_15 = arith.constant 0 : i32
    %cond3A_16 = arith.cmpi ne, %convert_element_type3A_14, %cond3A_15 : i32
    scf.if %cond3A_16 {
      %mul3A_123 = arith.constant 200 : i32
      %mul3A_124 = arith.muli %add3A_11, %mul3A_123 : i32
      %add3A_125 = arith.constant 0 : i32
      %add3A_126 = arith.addi %mul3A_124, %add3A_125 : i32
      "tpu.region"() ({
        %run_scoped3A_143 = tpu.sem_alloc : memref<!tpu.dma_semaphore, #tpu.memory_space<semaphore_mem>>
        %dma_start3A_144 = arith.constant 0 : i32
        %dma_start3A_145 = tpu.memref_slice %arg8[%add3A_126, %dma_start3A_144] : memref<10000x128xf32, #tpu.memory_space<vmem_shared>> -> memref<40x128xf32, #tpu.memory_space<vmem_shared>>
        %dma_start3A_146 = arith.constant 0 : i32
        %dma_start3A_147 = tpu.memref_slice %arg8[%add3A_126, %dma_start3A_146] : memref<10000x128xf32, #tpu.memory_space<vmem_shared>> -> memref<40x128xf32, #tpu.memory_space<vmem_shared>>
        tpu.enqueue_dma source(%arg7 : memref<40x128xf32, #tpu.memory_space<vmem>>) target(%dma_start3A_147 : memref<40x128xf32, #tpu.memory_space<vmem_shared>>) target_semaphore(%run_scoped3A_143 : memref<!tpu.dma_semaphore, #tpu.memory_space<semaphore_mem>>)
        %dma_wait3A_148 = arith.constant 0 : i32
        %dma_wait3A_149 = tpu.memref_slice %arg8[%add3A_126, %dma_wait3A_148] : memref<10000x128xf32, #tpu.memory_space<vmem_shared>> -> memref<40x128xf32, #tpu.memory_space<vmem_shared>>
        %dma_wait3A_150 = arith.constant 0 : i32
        %dma_wait3A_151 = tpu.memref_slice %arg8[%add3A_126, %dma_wait3A_150] : memref<10000x128xf32, #tpu.memory_space<vmem_shared>> -> memref<40x128xf32, #tpu.memory_space<vmem_shared>>
        tpu.wait_dma2 semaphore(%run_scoped3A_143 : memref<!tpu.dma_semaphore, #tpu.memory_space<semaphore_mem>>) src(%arg7 : memref<40x128xf32, #tpu.memory_space<vmem>>) dst(%dma_wait3A_151 : memref<40x128xf32, #tpu.memory_space<vmem_shared>>)
        tpu.yield
      }) : () -> ()
      %mul3A_127 = arith.constant 200 : i32
      %mul3A_128 = arith.muli %add3A_11, %mul3A_127 : i32
      %add3A_129 = arith.constant 40 : i32
      %add3A_130 = arith.addi %mul3A_128, %add3A_129 : i32
      "tpu.region"() ({
        %run_scoped3A_143 = tpu.sem_alloc : memref<!tpu.dma_semaphore, #tpu.memory_space<semaphore_mem>>
        %dma_start3A_144 = arith.constant 0 : i32
        %dma_start3A_145 = tpu.memref_slice %arg8[%add3A_130, %dma_start3A_144] : memref<10000x128xf32, #tpu.memory_space<vmem_shared>> -> memref<40x128xf32, #tpu.memory_space<vmem_shared>>
        %dma_start3A_146 = arith.constant 0 : i32
        %dma_start3A_147 = tpu.memref_slice %arg8[%add3A_130, %dma_start3A_146] : memref<10000x128xf32, #tpu.memory_space<vmem_shared>> -> memref<40x128xf32, #tpu.memory_space<vmem_shared>>
        tpu.enqueue_dma source(%arg7 : memref<40x128xf32, #tpu.memory_space<vmem>>) target(%dma_start3A_147 : memref<40x128xf32, #tpu.memory_space<vmem_shared>>) target_semaphore(%run_scoped3A_143 : memref<!tpu.dma_semaphore, #tpu.memory_space<semaphore_mem>>)
        %dma_wait3A_148 = arith.constant 0 : i32
        %dma_wait3A_149 = tpu.memref_slice %arg8[%add3A_130, %dma_wait3A_148] : memref<10000x128xf32, #tpu.memory_space<vmem_shared>> -> memref<40x128xf32, #tpu.memory_space<vmem_shared>>
        %dma_wait3A_150 = arith.constant 0 : i32
        %dma_wait3A_151 = tpu.memref_slice %arg8[%add3A_130, %dma_wait3A_150] : memref<10000x128xf32, #tpu.memory_space<vmem_shared>> -> memref<40x128xf32, #tpu.memory_space<vmem_shared>>
        tpu.wait_dma2 semaphore(%run_scoped3A_143 : memref<!tpu.dma_semaphore, #tpu.memory_space<semaphore_mem>>) src(%arg7 : memref<40x128xf32, #tpu.memory_space<vmem>>) dst(%dma_wait3A_151 : memref<40x128xf32, #tpu.memory_space<vmem_shared>>)
        tpu.yield
      }) : () -> ()
      %mul3A_131 = arith.constant 200 : i32
      %mul3A_132 = arith.muli %add3A_11, %mul3A_131 : i32
      %add3A_133 = arith.constant 80 : i32
      %add3A_134 = arith.addi %mul3A_132, %add3A_133 : i32
      "tpu.region"() ({
        %run_scoped3A_143 = tpu.sem_alloc : memref<!tpu.dma_semaphore, #tpu.memory_space<semaphore_mem>>
        %dma_start3A_144 = arith.constant 0 : i32
        %dma_start3A_145 = tpu.memref_slice %arg8[%add3A_134, %dma_start3A_144] : memref<10000x128xf32, #tpu.memory_space<vmem_shared>> -> memref<40x128xf32, #tpu.memory_space<vmem_shared>>
        %dma_start3A_146 = arith.constant 0 : i32
        %dma_start3A_147 = tpu.memref_slice %arg8[%add3A_134, %dma_start3A_146] : memref<10000x128xf32, #tpu.memory_space<vmem_shared>> -> memref<40x128xf32, #tpu.memory_space<vmem_shared>>
        tpu.enqueue_dma source(%arg7 : memref<40x128xf32, #tpu.memory_space<vmem>>) target(%dma_start3A_147 : memref<40x128xf32, #tpu.memory_space<vmem_shared>>) target_semaphore(%run_scoped3A_143 : memref<!tpu.dma_semaphore, #tpu.memory_space<semaphore_mem>>)
        %dma_wait3A_148 = arith.constant 0 : i32
        %dma_wait3A_149 = tpu.memref_slice %arg8[%add3A_134, %dma_wait3A_148] : memref<10000x128xf32, #tpu.memory_space<vmem_shared>> -> memref<40x128xf32, #tpu.memory_space<vmem_shared>>
        %dma_wait3A_150 = arith.constant 0 : i32
        %dma_wait3A_151 = tpu.memref_slice %arg8[%add3A_134, %dma_wait3A_150] : memref<10000x128xf32, #tpu.memory_space<vmem_shared>> -> memref<40x128xf32, #tpu.memory_space<vmem_shared>>
        tpu.wait_dma2 semaphore(%run_scoped3A_143 : memref<!tpu.dma_semaphore, #tpu.memory_space<semaphore_mem>>) src(%arg7 : memref<40x128xf32, #tpu.memory_space<vmem>>) dst(%dma_wait3A_151 : memref<40x128xf32, #tpu.memory_space<vmem_shared>>)
        tpu.yield
      }) : () -> ()
      %mul3A_135 = arith.constant 200 : i32
      %mul3A_136 = arith.muli %add3A_11, %mul3A_135 : i32
      %add3A_137 = arith.constant 120 : i32
      %add3A_138 = arith.addi %mul3A_136, %add3A_137 : i32
      "tpu.region"() ({
        %run_scoped3A_143 = tpu.sem_alloc : memref<!tpu.dma_semaphore, #tpu.memory_space<semaphore_mem>>
        %dma_start3A_144 = arith.constant 0 : i32
        %dma_start3A_145 = tpu.memref_slice %arg8[%add3A_138, %dma_start3A_144] : memref<10000x128xf32, #tpu.memory_space<vmem_shared>> -> memref<40x128xf32, #tpu.memory_space<vmem_shared>>
        %dma_start3A_146 = arith.constant 0 : i32
        %dma_start3A_147 = tpu.memref_slice %arg8[%add3A_138, %dma_start3A_146] : memref<10000x128xf32, #tpu.memory_space<vmem_shared>> -> memref<40x128xf32, #tpu.memory_space<vmem_shared>>
        tpu.enqueue_dma source(%arg7 : memref<40x128xf32, #tpu.memory_space<vmem>>) target(%dma_start3A_147 : memref<40x128xf32, #tpu.memory_space<vmem_shared>>) target_semaphore(%run_scoped3A_143 : memref<!tpu.dma_semaphore, #tpu.memory_space<semaphore_mem>>)
        %dma_wait3A_148 = arith.constant 0 : i32
        %dma_wait3A_149 = tpu.memref_slice %arg8[%add3A_138, %dma_wait3A_148] : memref<10000x128xf32, #tpu.memory_space<vmem_shared>> -> memref<40x128xf32, #tpu.memory_space<vmem_shared>>
        %dma_wait3A_150 = arith.constant 0 : i32
        %dma_wait3A_151 = tpu.memref_slice %arg8[%add3A_138, %dma_wait3A_150] : memref<10000x128xf32, #tpu.memory_space<vmem_shared>> -> memref<40x128xf32, #tpu.memory_space<vmem_shared>>
        tpu.wait_dma2 semaphore(%run_scoped3A_143 : memref<!tpu.dma_semaphore, #tpu.memory_space<semaphore_mem>>) src(%arg7 : memref<40x128xf32, #tpu.memory_space<vmem>>) dst(%dma_wait3A_151 : memref<40x128xf32, #tpu.memory_space<vmem_shared>>)
        tpu.yield
      }) : () -> ()
      %mul3A_139 = arith.constant 200 : i32
      %mul3A_140 = arith.muli %add3A_11, %mul3A_139 : i32
      %add3A_141 = arith.constant 160 : i32
      %add3A_142 = arith.addi %mul3A_140, %add3A_141 : i32
      "tpu.region"() ({
        %run_scoped3A_143 = tpu.sem_alloc : memref<!tpu.dma_semaphore, #tpu.memory_space<semaphore_mem>>
        %dma_start3A_144 = arith.constant 0 : i32
        %dma_start3A_145 = tpu.memref_slice %arg8[%add3A_142, %dma_start3A_144] : memref<10000x128xf32, #tpu.memory_space<vmem_shared>> -> memref<40x128xf32, #tpu.memory_space<vmem_shared>>
        %dma_start3A_146 = arith.constant 0 : i32
        %dma_start3A_147 = tpu.memref_slice %arg8[%add3A_142, %dma_start3A_146] : memref<10000x128xf32, #tpu.memory_space<vmem_shared>> -> memref<40x128xf32, #tpu.memory_space<vmem_shared>>
        tpu.enqueue_dma source(%arg7 : memref<40x128xf32, #tpu.memory_space<vmem>>) target(%dma_start3A_147 : memref<40x128xf32, #tpu.memory_space<vmem_shared>>) target_semaphore(%run_scoped3A_143 : memref<!tpu.dma_semaphore, #tpu.memory_space<semaphore_mem>>)
        %dma_wait3A_148 = arith.constant 0 : i32
        %dma_wait3A_149 = tpu.memref_slice %arg8[%add3A_142, %dma_wait3A_148] : memref<10000x128xf32, #tpu.memory_space<vmem_shared>> -> memref<40x128xf32, #tpu.memory_space<vmem_shared>>
        %dma_wait3A_150 = arith.constant 0 : i32
        %dma_wait3A_151 = tpu.memref_slice %arg8[%add3A_142, %dma_wait3A_150] : memref<10000x128xf32, #tpu.memory_space<vmem_shared>> -> memref<40x128xf32, #tpu.memory_space<vmem_shared>>
        tpu.wait_dma2 semaphore(%run_scoped3A_143 : memref<!tpu.dma_semaphore, #tpu.memory_space<semaphore_mem>>) src(%arg7 : memref<40x128xf32, #tpu.memory_space<vmem>>) dst(%dma_wait3A_151 : memref<40x128xf32, #tpu.memory_space<vmem_shared>>)
        tpu.yield
      }) : () -> ()
    } else {
    }
    %add3A_17 = arith.constant 32 : i32
    %add3A_18 = arith.addi %arg1, %add3A_17 : i32
    %lt3A_19 = arith.constant 50 : i32
    %lt3A_20 = arith.cmpi slt, %add3A_18, %lt3A_19 : i32
    %convert_element_type3A_21 = arith.extui %lt3A_20 : i1 to i32
    %cond3A_22 = arith.constant 0 : i32
    %cond3A_23 = arith.cmpi ne, %convert_element_type3A_21, %cond3A_22 : i32
    scf.if %cond3A_23 {
      %mul3A_123 = arith.constant 200 : i32
      %mul3A_124 = arith.muli %add3A_18, %mul3A_123 : i32
      %add3A_125 = arith.constant 0 : i32
      %add3A_126 = arith.addi %mul3A_124, %add3A_125 : i32
      "tpu.region"() ({
        %run_scoped3A_143 = tpu.sem_alloc : memref<!tpu.dma_semaphore, #tpu.memory_space<semaphore_mem>>
        %dma_start3A_144 = arith.constant 0 : i32
        %dma_start3A_145 = tpu.memref_slice %arg8[%add3A_126, %dma_start3A_144] : memref<10000x128xf32, #tpu.memory_space<vmem_shared>> -> memref<40x128xf32, #tpu.memory_space<vmem_shared>>
        %dma_start3A_146 = arith.constant 0 : i32
        %dma_start3A_147 = tpu.memref_slice %arg8[%add3A_126, %dma_start3A_146] : memref<10000x128xf32, #tpu.memory_space<vmem_shared>> -> memref<40x128xf32, #tpu.memory_space<vmem_shared>>
        tpu.enqueue_dma source(%arg7 : memref<40x128xf32, #tpu.memory_space<vmem>>) target(%dma_start3A_147 : memref<40x128xf32, #tpu.memory_space<vmem_shared>>) target_semaphore(%run_scoped3A_143 : memref<!tpu.dma_semaphore, #tpu.memory_space<semaphore_mem>>)
        %dma_wait3A_148 = arith.constant 0 : i32
        %dma_wait3A_149 = tpu.memref_slice %arg8[%add3A_126, %dma_wait3A_148] : memref<10000x128xf32, #tpu.memory_space<vmem_shared>> -> memref<40x128xf32, #tpu.memory_space<vmem_shared>>
        %dma_wait3A_150 = arith.constant 0 : i32
        %dma_wait3A_151 = tpu.memref_slice %arg8[%add3A_126, %dma_wait3A_150] : memref<10000x128xf32, #tpu.memory_space<vmem_shared>> -> memref<40x128xf32, #tpu.memory_space<vmem_shared>>
        tpu.wait_dma2 semaphore(%run_scoped3A_143 : memref<!tpu.dma_semaphore, #tpu.memory_space<semaphore_mem>>) src(%arg7 : memref<40x128xf32, #tpu.memory_space<vmem>>) dst(%dma_wait3A_151 : memref<40x128xf32, #tpu.memory_space<vmem_shared>>)
        tpu.yield
      }) : () -> ()
      %mul3A_127 = arith.constant 200 : i32
      %mul3A_128 = arith.muli %add3A_18, %mul3A_127 : i32
      %add3A_129 = arith.constant 40 : i32
      %add3A_130 = arith.addi %mul3A_128, %add3A_129 : i32
      "tpu.region"() ({
        %run_scoped3A_143 = tpu.sem_alloc : memref<!tpu.dma_semaphore, #tpu.memory_space<semaphore_mem>>
        %dma_start3A_144 = arith.constant 0 : i32
        %dma_start3A_145 = tpu.memref_slice %arg8[%add3A_130, %dma_start3A_144] : memref<10000x128xf32, #tpu.memory_space<vmem_shared>> -> memref<40x128xf32, #tpu.memory_space<vmem_shared>>
        %dma_start3A_146 = arith.constant 0 : i32
        %dma_start3A_147 = tpu.memref_slice %arg8[%add3A_130, %dma_start3A_146] : memref<10000x128xf32, #tpu.memory_space<vmem_shared>> -> memref<40x128xf32, #tpu.memory_space<vmem_shared>>
        tpu.enqueue_dma source(%arg7 : memref<40x128xf32, #tpu.memory_space<vmem>>) target(%dma_start3A_147 : memref<40x128xf32, #tpu.memory_space<vmem_shared>>) target_semaphore(%run_scoped3A_143 : memref<!tpu.dma_semaphore, #tpu.memory_space<semaphore_mem>>)
        %dma_wait3A_148 = arith.constant 0 : i32
        %dma_wait3A_149 = tpu.memref_slice %arg8[%add3A_130, %dma_wait3A_148] : memref<10000x128xf32, #tpu.memory_space<vmem_shared>> -> memref<40x128xf32, #tpu.memory_space<vmem_shared>>
        %dma_wait3A_150 = arith.constant 0 : i32
        %dma_wait3A_151 = tpu.memref_slice %arg8[%add3A_130, %dma_wait3A_150] : memref<10000x128xf32, #tpu.memory_space<vmem_shared>> -> memref<40x128xf32, #tpu.memory_space<vmem_shared>>
        tpu.wait_dma2 semaphore(%run_scoped3A_143 : memref<!tpu.dma_semaphore, #tpu.memory_space<semaphore_mem>>) src(%arg7 : memref<40x128xf32, #tpu.memory_space<vmem>>) dst(%dma_wait3A_151 : memref<40x128xf32, #tpu.memory_space<vmem_shared>>)
        tpu.yield
      }) : () -> ()
      %mul3A_131 = arith.constant 200 : i32
      %mul3A_132 = arith.muli %add3A_18, %mul3A_131 : i32
      %add3A_133 = arith.constant 80 : i32
      %add3A_134 = arith.addi %mul3A_132, %add3A_133 : i32
      "tpu.region"() ({
        %run_scoped3A_143 = tpu.sem_alloc : memref<!tpu.dma_semaphore, #tpu.memory_space<semaphore_mem>>
        %dma_start3A_144 = arith.constant 0 : i32
        %dma_start3A_145 = tpu.memref_slice %arg8[%add3A_134, %dma_start3A_144] : memref<10000x128xf32, #tpu.memory_space<vmem_shared>> -> memref<40x128xf32, #tpu.memory_space<vmem_shared>>
        %dma_start3A_146 = arith.constant 0 : i32
        %dma_start3A_147 = tpu.memref_slice %arg8[%add3A_134, %dma_start3A_146] : memref<10000x128xf32, #tpu.memory_space<vmem_shared>> -> memref<40x128xf32, #tpu.memory_space<vmem_shared>>
        tpu.enqueue_dma source(%arg7 : memref<40x128xf32, #tpu.memory_space<vmem>>) target(%dma_start3A_147 : memref<40x128xf32, #tpu.memory_space<vmem_shared>>) target_semaphore(%run_scoped3A_143 : memref<!tpu.dma_semaphore, #tpu.memory_space<semaphore_mem>>)
        %dma_wait3A_148 = arith.constant 0 : i32
        %dma_wait3A_149 = tpu.memref_slice %arg8[%add3A_134, %dma_wait3A_148] : memref<10000x128xf32, #tpu.memory_space<vmem_shared>> -> memref<40x128xf32, #tpu.memory_space<vmem_shared>>
        %dma_wait3A_150 = arith.constant 0 : i32
        %dma_wait3A_151 = tpu.memref_slice %arg8[%add3A_134, %dma_wait3A_150] : memref<10000x128xf32, #tpu.memory_space<vmem_shared>> -> memref<40x128xf32, #tpu.memory_space<vmem_shared>>
        tpu.wait_dma2 semaphore(%run_scoped3A_143 : memref<!tpu.dma_semaphore, #tpu.memory_space<semaphore_mem>>) src(%arg7 : memref<40x128xf32, #tpu.memory_space<vmem>>) dst(%dma_wait3A_151 : memref<40x128xf32, #tpu.memory_space<vmem_shared>>)
        tpu.yield
      }) : () -> ()
      %mul3A_135 = arith.constant 200 : i32
      %mul3A_136 = arith.muli %add3A_18, %mul3A_135 : i32
      %add3A_137 = arith.constant 120 : i32
      %add3A_138 = arith.addi %mul3A_136, %add3A_137 : i32
      "tpu.region"() ({
        %run_scoped3A_143 = tpu.sem_alloc : memref<!tpu.dma_semaphore, #tpu.memory_space<semaphore_mem>>
        %dma_start3A_144 = arith.constant 0 : i32
        %dma_start3A_145 = tpu.memref_slice %arg8[%add3A_138, %dma_start3A_144] : memref<10000x128xf32, #tpu.memory_space<vmem_shared>> -> memref<40x128xf32, #tpu.memory_space<vmem_shared>>
        %dma_start3A_146 = arith.constant 0 : i32
        %dma_start3A_147 = tpu.memref_slice %arg8[%add3A_138, %dma_start3A_146] : memref<10000x128xf32, #tpu.memory_space<vmem_shared>> -> memref<40x128xf32, #tpu.memory_space<vmem_shared>>
        tpu.enqueue_dma source(%arg7 : memref<40x128xf32, #tpu.memory_space<vmem>>) target(%dma_start3A_147 : memref<40x128xf32, #tpu.memory_space<vmem_shared>>) target_semaphore(%run_scoped3A_143 : memref<!tpu.dma_semaphore, #tpu.memory_space<semaphore_mem>>)
        %dma_wait3A_148 = arith.constant 0 : i32
        %dma_wait3A_149 = tpu.memref_slice %arg8[%add3A_138, %dma_wait3A_148] : memref<10000x128xf32, #tpu.memory_space<vmem_shared>> -> memref<40x128xf32, #tpu.memory_space<vmem_shared>>
        %dma_wait3A_150 = arith.constant 0 : i32
        %dma_wait3A_151 = tpu.memref_slice %arg8[%add3A_138, %dma_wait3A_150] : memref<10000x128xf32, #tpu.memory_space<vmem_shared>> -> memref<40x128xf32, #tpu.memory_space<vmem_shared>>
        tpu.wait_dma2 semaphore(%run_scoped3A_143 : memref<!tpu.dma_semaphore, #tpu.memory_space<semaphore_mem>>) src(%arg7 : memref<40x128xf32, #tpu.memory_space<vmem>>) dst(%dma_wait3A_151 : memref<40x128xf32, #tpu.memory_space<vmem_shared>>)
        tpu.yield
      }) : () -> ()
      %mul3A_139 = arith.constant 200 : i32
      %mul3A_140 = arith.muli %add3A_18, %mul3A_139 : i32
      %add3A_141 = arith.constant 160 : i32
      %add3A_142 = arith.addi %mul3A_140, %add3A_141 : i32
      "tpu.region"() ({
        %run_scoped3A_143 = tpu.sem_alloc : memref<!tpu.dma_semaphore, #tpu.memory_space<semaphore_mem>>
        %dma_start3A_144 = arith.constant 0 : i32
        %dma_start3A_145 = tpu.memref_slice %arg8[%add3A_142, %dma_start3A_144] : memref<10000x128xf32, #tpu.memory_space<vmem_shared>> -> memref<40x128xf32, #tpu.memory_space<vmem_shared>>
        %dma_start3A_146 = arith.constant 0 : i32
        %dma_start3A_147 = tpu.memref_slice %arg8[%add3A_142, %dma_start3A_146] : memref<10000x128xf32, #tpu.memory_space<vmem_shared>> -> memref<40x128xf32, #tpu.memory_space<vmem_shared>>
        tpu.enqueue_dma source(%arg7 : memref<40x128xf32, #tpu.memory_space<vmem>>) target(%dma_start3A_147 : memref<40x128xf32, #tpu.memory_space<vmem_shared>>) target_semaphore(%run_scoped3A_143 : memref<!tpu.dma_semaphore, #tpu.memory_space<semaphore_mem>>)
        %dma_wait3A_148 = arith.constant 0 : i32
        %dma_wait3A_149 = tpu.memref_slice %arg8[%add3A_142, %dma_wait3A_148] : memref<10000x128xf32, #tpu.memory_space<vmem_shared>> -> memref<40x128xf32, #tpu.memory_space<vmem_shared>>
        %dma_wait3A_150 = arith.constant 0 : i32
        %dma_wait3A_151 = tpu.memref_slice %arg8[%add3A_142, %dma_wait3A_150] : memref<10000x128xf32, #tpu.memory_space<vmem_shared>> -> memref<40x128xf32, #tpu.memory_space<vmem_shared>>
        tpu.wait_dma2 semaphore(%run_scoped3A_143 : memref<!tpu.dma_semaphore, #tpu.memory_space<semaphore_mem>>) src(%arg7 : memref<40x128xf32, #tpu.memory_space<vmem>>) dst(%dma_wait3A_151 : memref<40x128xf32, #tpu.memory_space<vmem_shared>>)
        tpu.yield
      }) : () -> ()
    } else {
    }
    %add3A_24 = arith.constant 48 : i32
    %add3A_25 = arith.addi %arg1, %add3A_24 : i32
    %lt3A_26 = arith.constant 50 : i32
    %lt3A_27 = arith.cmpi slt, %add3A_25, %lt3A_26 : i32
    %convert_element_type3A_28 = arith.extui %lt3A_27 : i1 to i32
    %cond3A_29 = arith.constant 0 : i32
    %cond3A_30 = arith.cmpi ne, %convert_element_type3A_28, %cond3A_29 : i32
    scf.if %cond3A_30 {
      %mul3A_123 = arith.constant 200 : i32
      %mul3A_124 = arith.muli %add3A_25, %mul3A_123 : i32
      %add3A_125 = arith.constant 0 : i32
      %add3A_126 = arith.addi %mul3A_124, %add3A_125 : i32
      "tpu.region"() ({
        %run_scoped3A_143 = tpu.sem_alloc : memref<!tpu.dma_semaphore, #tpu.memory_space<semaphore_mem>>
        %dma_start3A_144 = arith.constant 0 : i32
        %dma_start3A_145 = tpu.memref_slice %arg8[%add3A_126, %dma_start3A_144] : memref<10000x128xf32, #tpu.memory_space<vmem_shared>> -> memref<40x128xf32, #tpu.memory_space<vmem_shared>>
        %dma_start3A_146 = arith.constant 0 : i32
        %dma_start3A_147 = tpu.memref_slice %arg8[%add3A_126, %dma_start3A_146] : memref<10000x128xf32, #tpu.memory_space<vmem_shared>> -> memref<40x128xf32, #tpu.memory_space<vmem_shared>>
        tpu.enqueue_dma source(%arg7 : memref<40x128xf32, #tpu.memory_space<vmem>>) target(%dma_start3A_147 : memref<40x128xf32, #tpu.memory_space<vmem_shared>>) target_semaphore(%run_scoped3A_143 : memref<!tpu.dma_semaphore, #tpu.memory_space<semaphore_mem>>)
        %dma_wait3A_148 = arith.constant 0 : i32
        %dma_wait3A_149 = tpu.memref_slice %arg8[%add3A_126, %dma_wait3A_148] : memref<10000x128xf32, #tpu.memory_space<vmem_shared>> -> memref<40x128xf32, #tpu.memory_space<vmem_shared>>
        %dma_wait3A_150 = arith.constant 0 : i32
        %dma_wait3A_151 = tpu.memref_slice %arg8[%add3A_126, %dma_wait3A_150] : memref<10000x128xf32, #tpu.memory_space<vmem_shared>> -> memref<40x128xf32, #tpu.memory_space<vmem_shared>>
        tpu.wait_dma2 semaphore(%run_scoped3A_143 : memref<!tpu.dma_semaphore, #tpu.memory_space<semaphore_mem>>) src(%arg7 : memref<40x128xf32, #tpu.memory_space<vmem>>) dst(%dma_wait3A_151 : memref<40x128xf32, #tpu.memory_space<vmem_shared>>)
        tpu.yield
      }) : () -> ()
      %mul3A_127 = arith.constant 200 : i32
      %mul3A_128 = arith.muli %add3A_25, %mul3A_127 : i32
      %add3A_129 = arith.constant 40 : i32
      %add3A_130 = arith.addi %mul3A_128, %add3A_129 : i32
      "tpu.region"() ({
        %run_scoped3A_143 = tpu.sem_alloc : memref<!tpu.dma_semaphore, #tpu.memory_space<semaphore_mem>>
        %dma_start3A_144 = arith.constant 0 : i32
        %dma_start3A_145 = tpu.memref_slice %arg8[%add3A_130, %dma_start3A_144] : memref<10000x128xf32, #tpu.memory_space<vmem_shared>> -> memref<40x128xf32, #tpu.memory_space<vmem_shared>>
        %dma_start3A_146 = arith.constant 0 : i32
        %dma_start3A_147 = tpu.memref_slice %arg8[%add3A_130, %dma_start3A_146] : memref<10000x128xf32, #tpu.memory_space<vmem_shared>> -> memref<40x128xf32, #tpu.memory_space<vmem_shared>>
        tpu.enqueue_dma source(%arg7 : memref<40x128xf32, #tpu.memory_space<vmem>>) target(%dma_start3A_147 : memref<40x128xf32, #tpu.memory_space<vmem_shared>>) target_semaphore(%run_scoped3A_143 : memref<!tpu.dma_semaphore, #tpu.memory_space<semaphore_mem>>)
        %dma_wait3A_148 = arith.constant 0 : i32
        %dma_wait3A_149 = tpu.memref_slice %arg8[%add3A_130, %dma_wait3A_148] : memref<10000x128xf32, #tpu.memory_space<vmem_shared>> -> memref<40x128xf32, #tpu.memory_space<vmem_shared>>
        %dma_wait3A_150 = arith.constant 0 : i32
        %dma_wait3A_151 = tpu.memref_slice %arg8[%add3A_130, %dma_wait3A_150] : memref<10000x128xf32, #tpu.memory_space<vmem_shared>> -> memref<40x128xf32, #tpu.memory_space<vmem_shared>>
        tpu.wait_dma2 semaphore(%run_scoped3A_143 : memref<!tpu.dma_semaphore, #tpu.memory_space<semaphore_mem>>) src(%arg7 : memref<40x128xf32, #tpu.memory_space<vmem>>) dst(%dma_wait3A_151 : memref<40x128xf32, #tpu.memory_space<vmem_shared>>)
        tpu.yield
      }) : () -> ()
      %mul3A_131 = arith.constant 200 : i32
      %mul3A_132 = arith.muli %add3A_25, %mul3A_131 : i32
      %add3A_133 = arith.constant 80 : i32
      %add3A_134 = arith.addi %mul3A_132, %add3A_133 : i32
      "tpu.region"() ({
        %run_scoped3A_143 = tpu.sem_alloc : memref<!tpu.dma_semaphore, #tpu.memory_space<semaphore_mem>>
        %dma_start3A_144 = arith.constant 0 : i32
        %dma_start3A_145 = tpu.memref_slice %arg8[%add3A_134, %dma_start3A_144] : memref<10000x128xf32, #tpu.memory_space<vmem_shared>> -> memref<40x128xf32, #tpu.memory_space<vmem_shared>>
        %dma_start3A_146 = arith.constant 0 : i32
        %dma_start3A_147 = tpu.memref_slice %arg8[%add3A_134, %dma_start3A_146] : memref<10000x128xf32, #tpu.memory_space<vmem_shared>> -> memref<40x128xf32, #tpu.memory_space<vmem_shared>>
        tpu.enqueue_dma source(%arg7 : memref<40x128xf32, #tpu.memory_space<vmem>>) target(%dma_start3A_147 : memref<40x128xf32, #tpu.memory_space<vmem_shared>>) target_semaphore(%run_scoped3A_143 : memref<!tpu.dma_semaphore, #tpu.memory_space<semaphore_mem>>)
        %dma_wait3A_148 = arith.constant 0 : i32
        %dma_wait3A_149 = tpu.memref_slice %arg8[%add3A_134, %dma_wait3A_148] : memref<10000x128xf32, #tpu.memory_space<vmem_shared>> -> memref<40x128xf32, #tpu.memory_space<vmem_shared>>
        %dma_wait3A_150 = arith.constant 0 : i32
        %dma_wait3A_151 = tpu.memref_slice %arg8[%add3A_134, %dma_wait3A_150] : memref<10000x128xf32, #tpu.memory_space<vmem_shared>> -> memref<40x128xf32, #tpu.memory_space<vmem_shared>>
        tpu.wait_dma2 semaphore(%run_scoped3A_143 : memref<!tpu.dma_semaphore, #tpu.memory_space<semaphore_mem>>) src(%arg7 : memref<40x128xf32, #tpu.memory_space<vmem>>) dst(%dma_wait3A_151 : memref<40x128xf32, #tpu.memory_space<vmem_shared>>)
        tpu.yield
      }) : () -> ()
      %mul3A_135 = arith.constant 200 : i32
      %mul3A_136 = arith.muli %add3A_25, %mul3A_135 : i32
      %add3A_137 = arith.constant 120 : i32
      %add3A_138 = arith.addi %mul3A_136, %add3A_137 : i32
      "tpu.region"() ({
        %run_scoped3A_143 = tpu.sem_alloc : memref<!tpu.dma_semaphore, #tpu.memory_space<semaphore_mem>>
        %dma_start3A_144 = arith.constant 0 : i32
        %dma_start3A_145 = tpu.memref_slice %arg8[%add3A_138, %dma_start3A_144] : memref<10000x128xf32, #tpu.memory_space<vmem_shared>> -> memref<40x128xf32, #tpu.memory_space<vmem_shared>>
        %dma_start3A_146 = arith.constant 0 : i32
        %dma_start3A_147 = tpu.memref_slice %arg8[%add3A_138, %dma_start3A_146] : memref<10000x128xf32, #tpu.memory_space<vmem_shared>> -> memref<40x128xf32, #tpu.memory_space<vmem_shared>>
        tpu.enqueue_dma source(%arg7 : memref<40x128xf32, #tpu.memory_space<vmem>>) target(%dma_start3A_147 : memref<40x128xf32, #tpu.memory_space<vmem_shared>>) target_semaphore(%run_scoped3A_143 : memref<!tpu.dma_semaphore, #tpu.memory_space<semaphore_mem>>)
        %dma_wait3A_148 = arith.constant 0 : i32
        %dma_wait3A_149 = tpu.memref_slice %arg8[%add3A_138, %dma_wait3A_148] : memref<10000x128xf32, #tpu.memory_space<vmem_shared>> -> memref<40x128xf32, #tpu.memory_space<vmem_shared>>
        %dma_wait3A_150 = arith.constant 0 : i32
        %dma_wait3A_151 = tpu.memref_slice %arg8[%add3A_138, %dma_wait3A_150] : memref<10000x128xf32, #tpu.memory_space<vmem_shared>> -> memref<40x128xf32, #tpu.memory_space<vmem_shared>>
        tpu.wait_dma2 semaphore(%run_scoped3A_143 : memref<!tpu.dma_semaphore, #tpu.memory_space<semaphore_mem>>) src(%arg7 : memref<40x128xf32, #tpu.memory_space<vmem>>) dst(%dma_wait3A_151 : memref<40x128xf32, #tpu.memory_space<vmem_shared>>)
        tpu.yield
      }) : () -> ()
      %mul3A_139 = arith.constant 200 : i32
      %mul3A_140 = arith.muli %add3A_25, %mul3A_139 : i32
      %add3A_141 = arith.constant 160 : i32
      %add3A_142 = arith.addi %mul3A_140, %add3A_141 : i32
      "tpu.region"() ({
        %run_scoped3A_143 = tpu.sem_alloc : memref<!tpu.dma_semaphore, #tpu.memory_space<semaphore_mem>>
        %dma_start3A_144 = arith.constant 0 : i32
        %dma_start3A_145 = tpu.memref_slice %arg8[%add3A_142, %dma_start3A_144] : memref<10000x128xf32, #tpu.memory_space<vmem_shared>> -> memref<40x128xf32, #tpu.memory_space<vmem_shared>>
        %dma_start3A_146 = arith.constant 0 : i32
        %dma_start3A_147 = tpu.memref_slice %arg8[%add3A_142, %dma_start3A_146] : memref<10000x128xf32, #tpu.memory_space<vmem_shared>> -> memref<40x128xf32, #tpu.memory_space<vmem_shared>>
        tpu.enqueue_dma source(%arg7 : memref<40x128xf32, #tpu.memory_space<vmem>>) target(%dma_start3A_147 : memref<40x128xf32, #tpu.memory_space<vmem_shared>>) target_semaphore(%run_scoped3A_143 : memref<!tpu.dma_semaphore, #tpu.memory_space<semaphore_mem>>)
        %dma_wait3A_148 = arith.constant 0 : i32
        %dma_wait3A_149 = tpu.memref_slice %arg8[%add3A_142, %dma_wait3A_148] : memref<10000x128xf32, #tpu.memory_space<vmem_shared>> -> memref<40x128xf32, #tpu.memory_space<vmem_shared>>
        %dma_wait3A_150 = arith.constant 0 : i32
        %dma_wait3A_151 = tpu.memref_slice %arg8[%add3A_142, %dma_wait3A_150] : memref<10000x128xf32, #tpu.memory_space<vmem_shared>> -> memref<40x128xf32, #tpu.memory_space<vmem_shared>>
        tpu.wait_dma2 semaphore(%run_scoped3A_143 : memref<!tpu.dma_semaphore, #tpu.memory_space<semaphore_mem>>) src(%arg7 : memref<40x128xf32, #tpu.memory_space<vmem>>) dst(%dma_wait3A_151 : memref<40x128xf32, #tpu.memory_space<vmem_shared>>)
        tpu.yield
      }) : () -> ()
    } else {
    }
    %barrier3A = arith.constant 0 : index
    tpu.barrier barrier_id(%barrier3A)
    "tpu.region"() ({
      %run_scoped3A_123 = tpu.sem_alloc : memref<!tpu.dma_semaphore, #tpu.memory_space<semaphore_mem>>
      %dma_start3A_124 = arith.constant 0 : i32
      %dma_start3A_125 = arith.constant 0 : i32
      %dma_start3A_126 = tpu.memref_slice %arg3[%add3A, %dma_start3A_124, %dma_start3A_125] : memref<32x125x80xi32, #tpu.memory_space<hbm>> -> memref<1x125x80xi32, #tpu.memory_space<hbm>>
      %dma_start3A_127 = tpu.memref_squeeze %dma_start3A_126 : memref<1x125x80xi32, #tpu.memory_space<hbm>> -> memref<125x80xi32, #tpu.memory_space<hbm>>
      %dma_start3A_128 = arith.constant 0 : i32
      %dma_start3A_129 = arith.constant 0 : i32
      %dma_start3A_130 = tpu.memref_slice %arg3[%add3A, %dma_start3A_128, %dma_start3A_129] : memref<32x125x80xi32, #tpu.memory_space<hbm>> -> memref<1x125x80xi32, #tpu.memory_space<hbm>>
      %dma_start3A_131 = tpu.memref_squeeze %dma_start3A_130 : memref<1x125x80xi32, #tpu.memory_space<hbm>> -> memref<125x80xi32, #tpu.memory_space<hbm>>
      tpu.enqueue_dma source(%dma_start3A_131 : memref<125x80xi32, #tpu.memory_space<hbm>>) target(%arg5 : memref<125x80xi32, #tpu.memory_space<vmem>>) target_semaphore(%run_scoped3A_123 : memref<!tpu.dma_semaphore, #tpu.memory_space<semaphore_mem>>)
      %dma_wait3A_132 = arith.constant 0 : i32
      %dma_wait3A_133 = arith.constant 0 : i32
      %dma_wait3A_134 = tpu.memref_slice %arg3[%add3A, %dma_wait3A_132, %dma_wait3A_133] : memref<32x125x80xi32, #tpu.memory_space<hbm>> -> memref<1x125x80xi32, #tpu.memory_space<hbm>>
      %dma_wait3A_135 = tpu.memref_squeeze %dma_wait3A_134 : memref<1x125x80xi32, #tpu.memory_space<hbm>> -> memref<125x80xi32, #tpu.memory_space<hbm>>
      %dma_wait3A_136 = arith.constant 0 : i32
      %dma_wait3A_137 = arith.constant 0 : i32
      %dma_wait3A_138 = tpu.memref_slice %arg3[%add3A, %dma_wait3A_136, %dma_wait3A_137] : memref<32x125x80xi32, #tpu.memory_space<hbm>> -> memref<1x125x80xi32, #tpu.memory_space<hbm>>
      %dma_wait3A_139 = tpu.memref_squeeze %dma_wait3A_138 : memref<1x125x80xi32, #tpu.memory_space<hbm>> -> memref<125x80xi32, #tpu.memory_space<hbm>>
      tpu.wait_dma2 semaphore(%run_scoped3A_123 : memref<!tpu.dma_semaphore, #tpu.memory_space<semaphore_mem>>) src(%dma_wait3A_139 : memref<125x80xi32, #tpu.memory_space<hbm>>) dst(%arg5 : memref<125x80xi32, #tpu.memory_space<vmem>>)
      tpu.yield
    }) : () -> ()
    %mul3A_31 = arith.constant 10000 : i32
    %mul3A_32 = arith.muli %add3A, %mul3A_31 : i32
    %add3A_33 = arith.constant 0 : i32
    %add3A_34 = arith.addi %mul3A_32, %add3A_33 : i32
    %dma_start3A = arith.constant 0 : i32
    %dma_start3A_35 = arith.constant 0 : i32
    %dma_start3A_36 = arith.constant 0 : i32
    %dma_start3A_37 = arith.constant 0 : i32
    %dma_start3A_38 = tpu.memref_slice %arg6[%dma_start3A, %dma_start3A_36, %dma_start3A_37] : memref<2x80x128xf32, #tpu.memory_space<vmem>> -> memref<1x80x128xf32, #tpu.memory_space<vmem>>
    %dma_start3A_39 = tpu.memref_squeeze %dma_start3A_38 : memref<1x80x128xf32, #tpu.memory_space<vmem>> -> memref<80x128xf32, #tpu.memory_space<vmem>>
    %dma_start3A_40 = arith.constant 0 : i32
    %dma_start3A_41 = tpu.memref_slice %arg2[%add3A_34, %dma_start3A_40] : memref<320000x128xf32, #tpu.memory_space<hbm>> -> memref<80x128xf32, #tpu.memory_space<hbm>>
    %dma_start3A_42 = tpu.memref_slice %arg9[%dma_start3A_35] : memref<2x!tpu.dma_semaphore, #tpu.memory_space<semaphore_mem>> -> memref<1x!tpu.dma_semaphore, #tpu.memory_space<semaphore_mem>>
    %dma_start3A_43 = tpu.memref_squeeze %dma_start3A_42 : memref<1x!tpu.dma_semaphore, #tpu.memory_space<semaphore_mem>> -> memref<!tpu.dma_semaphore, #tpu.memory_space<semaphore_mem>>
    %dma_start3A_44 = arith.constant 0 : i32
    %dma_start3A_45 = arith.constant 0 : i32
    %dma_start3A_46 = tpu.memref_slice %arg6[%dma_start3A, %dma_start3A_44, %dma_start3A_45] : memref<2x80x128xf32, #tpu.memory_space<vmem>> -> memref<1x80x128xf32, #tpu.memory_space<vmem>>
    %dma_start3A_47 = tpu.memref_squeeze %dma_start3A_46 : memref<1x80x128xf32, #tpu.memory_space<vmem>> -> memref<80x128xf32, #tpu.memory_space<vmem>>
    %dma_start3A_48 = arith.constant 0 : i32
    %dma_start3A_49 = tpu.memref_slice %arg2[%add3A_34, %dma_start3A_48] : memref<320000x128xf32, #tpu.memory_space<hbm>> -> memref<80x128xf32, #tpu.memory_space<hbm>>
    tpu.enqueue_dma source(%dma_start3A_49 : memref<80x128xf32, #tpu.memory_space<hbm>>) target(%dma_start3A_47 : memref<80x128xf32, #tpu.memory_space<vmem>>) target_semaphore(%dma_start3A_43 : memref<!tpu.dma_semaphore, #tpu.memory_space<semaphore_mem>>)
    %mul3A_50 = arith.constant 10000 : i32
    %mul3A_51 = arith.muli %add3A, %mul3A_50 : i32
    %add3A_52 = arith.constant 80 : i32
    %add3A_53 = arith.addi %mul3A_51, %add3A_52 : i32
    %dma_start3A_54 = arith.constant 1 : i32
    %dma_start3A_55 = arith.constant 1 : i32
    %dma_start3A_56 = arith.constant 0 : i32
    %dma_start3A_57 = arith.constant 0 : i32
    %dma_start3A_58 = tpu.memref_slice %arg6[%dma_start3A_54, %dma_start3A_56, %dma_start3A_57] : memref<2x80x128xf32, #tpu.memory_space<vmem>> -> memref<1x80x128xf32, #tpu.memory_space<vmem>>
    %dma_start3A_59 = tpu.memref_squeeze %dma_start3A_58 : memref<1x80x128xf32, #tpu.memory_space<vmem>> -> memref<80x128xf32, #tpu.memory_space<vmem>>
    %dma_start3A_60 = arith.constant 0 : i32
    %dma_start3A_61 = tpu.memref_slice %arg2[%add3A_53, %dma_start3A_60] : memref<320000x128xf32, #tpu.memory_space<hbm>> -> memref<80x128xf32, #tpu.memory_space<hbm>>
    %dma_start3A_62 = tpu.memref_slice %arg9[%dma_start3A_55] : memref<2x!tpu.dma_semaphore, #tpu.memory_space<semaphore_mem>> -> memref<1x!tpu.dma_semaphore, #tpu.memory_space<semaphore_mem>>
    %dma_start3A_63 = tpu.memref_squeeze %dma_start3A_62 : memref<1x!tpu.dma_semaphore, #tpu.memory_space<semaphore_mem>> -> memref<!tpu.dma_semaphore, #tpu.memory_space<semaphore_mem>>
    %dma_start3A_64 = arith.constant 0 : i32
    %dma_start3A_65 = arith.constant 0 : i32
    %dma_start3A_66 = tpu.memref_slice %arg6[%dma_start3A_54, %dma_start3A_64, %dma_start3A_65] : memref<2x80x128xf32, #tpu.memory_space<vmem>> -> memref<1x80x128xf32, #tpu.memory_space<vmem>>
    %dma_start3A_67 = tpu.memref_squeeze %dma_start3A_66 : memref<1x80x128xf32, #tpu.memory_space<vmem>> -> memref<80x128xf32, #tpu.memory_space<vmem>>
    %dma_start3A_68 = arith.constant 0 : i32
    %dma_start3A_69 = tpu.memref_slice %arg2[%add3A_53, %dma_start3A_68] : memref<320000x128xf32, #tpu.memory_space<hbm>> -> memref<80x128xf32, #tpu.memory_space<hbm>>
    tpu.enqueue_dma source(%dma_start3A_69 : memref<80x128xf32, #tpu.memory_space<hbm>>) target(%dma_start3A_67 : memref<80x128xf32, #tpu.memory_space<vmem>>) target_semaphore(%dma_start3A_63 : memref<!tpu.dma_semaphore, #tpu.memory_space<semaphore_mem>>)
    %scan3A_70 = arith.constant 0 : i32
    %scan3A_71 = arith.constant 0 : i32
    %scan3A_72 = arith.constant 62 : i32
    %scan3A_73 = arith.addi %scan3A_71, %scan3A_72 : i32
    %scan3A_74 = arith.constant 1 : i32
    scf.for %scan3A_123 = %scan3A_71 to %scan3A_73 step %scan3A_74  : i32 {
      %mul3A_124 = arith.constant 2 : i32
      %mul3A_125 = arith.muli %mul3A_124, %scan3A_123 : i32
      %dma_wait3A_126 = arith.constant 0 : i32
      %dma_wait3A_127 = arith.constant 0 : i32
      %dma_wait3A_128 = arith.constant 0 : i32
      %dma_wait3A_129 = arith.constant 0 : i32
      %dma_wait3A_130 = tpu.memref_slice %arg6[%dma_wait3A_126, %dma_wait3A_128, %dma_wait3A_129] : memref<2x80x128xf32, #tpu.memory_space<vmem>> -> memref<1x80x128xf32, #tpu.memory_space<vmem>>
      %dma_wait3A_131 = tpu.memref_squeeze %dma_wait3A_130 : memref<1x80x128xf32, #tpu.memory_space<vmem>> -> memref<80x128xf32, #tpu.memory_space<vmem>>
      %dma_wait3A_132 = arith.constant 0 : i32
      %dma_wait3A_133 = arith.constant 0 : i32
      %dma_wait3A_134 = tpu.memref_slice %arg2[%dma_wait3A_132, %dma_wait3A_133] : memref<320000x128xf32, #tpu.memory_space<hbm>> -> memref<80x128xf32, #tpu.memory_space<hbm>>
      %dma_wait3A_135 = tpu.memref_slice %arg9[%dma_wait3A_127] : memref<2x!tpu.dma_semaphore, #tpu.memory_space<semaphore_mem>> -> memref<1x!tpu.dma_semaphore, #tpu.memory_space<semaphore_mem>>
      %dma_wait3A_136 = tpu.memref_squeeze %dma_wait3A_135 : memref<1x!tpu.dma_semaphore, #tpu.memory_space<semaphore_mem>> -> memref<!tpu.dma_semaphore, #tpu.memory_space<semaphore_mem>>
      %dma_wait3A_137 = arith.constant 0 : i32
      %dma_wait3A_138 = arith.constant 0 : i32
      %dma_wait3A_139 = tpu.memref_slice %arg6[%dma_wait3A_126, %dma_wait3A_137, %dma_wait3A_138] : memref<2x80x128xf32, #tpu.memory_space<vmem>> -> memref<1x80x128xf32, #tpu.memory_space<vmem>>
      %dma_wait3A_140 = tpu.memref_squeeze %dma_wait3A_139 : memref<1x80x128xf32, #tpu.memory_space<vmem>> -> memref<80x128xf32, #tpu.memory_space<vmem>>
      %dma_wait3A_141 = arith.constant 0 : i32
      %dma_wait3A_142 = arith.constant 0 : i32
      %dma_wait3A_143 = tpu.memref_slice %arg2[%dma_wait3A_141, %dma_wait3A_142] : memref<320000x128xf32, #tpu.memory_space<hbm>> -> memref<80x128xf32, #tpu.memory_space<hbm>>
      tpu.wait_dma2 semaphore(%dma_wait3A_136 : memref<!tpu.dma_semaphore, #tpu.memory_space<semaphore_mem>>) src(%dma_wait3A_143 : memref<80x128xf32, #tpu.memory_space<hbm>>) dst(%dma_wait3A_140 : memref<80x128xf32, #tpu.memory_space<vmem>>)
      %run_scoped3A_144 = arith.constant 0 : i32
      "tpu.region"() ({
        %run_scoped3A_182 = tpu.sem_alloc : memref<!tpu.dma_semaphore, #tpu.memory_space<semaphore_mem>>
        %dma_start3A_183 = arith.constant 0 : i32
        %dma_start3A_184 = arith.constant 0 : i32
        %dma_start3A_185 = tpu.memref_slice %arg6[%run_scoped3A_144, %dma_start3A_183, %dma_start3A_184] : memref<2x80x128xf32, #tpu.memory_space<vmem>> -> memref<1x80x128xf32, #tpu.memory_space<vmem>>
        %dma_start3A_186 = tpu.memref_squeeze %dma_start3A_185 : memref<1x80x128xf32, #tpu.memory_space<vmem>> -> memref<80x128xf32, #tpu.memory_space<vmem>>
        %dma_start3A_187 = arith.constant 0 : i32
        %dma_start3A_188 = tpu.memref_slice %arg5[%mul3A_125, %dma_start3A_187] : memref<125x80xi32, #tpu.memory_space<vmem>> -> memref<1x80xi32, #tpu.memory_space<vmem>>
        %dma_start3A_189 = tpu.memref_squeeze %dma_start3A_188 : memref<1x80xi32, #tpu.memory_space<vmem>> -> memref<80xi32, #tpu.memory_space<vmem>>
        %dma_start3A_190 = arith.constant 0 : i32
        %dma_start3A_191 = arith.constant 0 : i32
        %dma_start3A_192 = tpu.memref_slice %arg8[%dma_start3A_190, %dma_start3A_191] : memref<10000x128xf32, #tpu.memory_space<vmem_shared>> -> memref<10000x128xf32, #tpu.memory_space<vmem_shared>>
        tpu.enqueue_indirect_dma source(%dma_start3A_186 : memref<80x128xf32, #tpu.memory_space<vmem>>) target(%dma_start3A_192 : memref<10000x128xf32, #tpu.memory_space<vmem_shared>>) offsets(%dma_start3A_189 : memref<80xi32, #tpu.memory_space<vmem>>) semaphore(%run_scoped3A_182 : memref<!tpu.dma_semaphore, #tpu.memory_space<semaphore_mem>>) {add = true}
        %dma_wait3A_193 = arith.constant 0 : i32
        %dma_wait3A_194 = arith.constant 0 : i32
        %dma_wait3A_195 = tpu.memref_slice %arg6[%run_scoped3A_144, %dma_wait3A_193, %dma_wait3A_194] : memref<2x80x128xf32, #tpu.memory_space<vmem>> -> memref<1x80x128xf32, #tpu.memory_space<vmem>>
        %dma_wait3A_196 = tpu.memref_squeeze %dma_wait3A_195 : memref<1x80x128xf32, #tpu.memory_space<vmem>> -> memref<80x128xf32, #tpu.memory_space<vmem>>
        %dma_wait3A_197 = arith.constant 0 : i32
        %dma_wait3A_198 = tpu.memref_slice %arg5[%mul3A_125, %dma_wait3A_197] : memref<125x80xi32, #tpu.memory_space<vmem>> -> memref<1x80xi32, #tpu.memory_space<vmem>>
        %dma_wait3A_199 = tpu.memref_squeeze %dma_wait3A_198 : memref<1x80xi32, #tpu.memory_space<vmem>> -> memref<80xi32, #tpu.memory_space<vmem>>
        %dma_wait3A_200 = arith.constant 0 : i32
        %dma_wait3A_201 = arith.constant 0 : i32
        %dma_wait3A_202 = tpu.memref_slice %arg8[%dma_wait3A_200, %dma_wait3A_201] : memref<10000x128xf32, #tpu.memory_space<vmem_shared>> -> memref<10000x128xf32, #tpu.memory_space<vmem_shared>>
        tpu.wait_indirect_dma semaphore(%run_scoped3A_182 : memref<!tpu.dma_semaphore, #tpu.memory_space<semaphore_mem>>) src(%dma_wait3A_196 : memref<80x128xf32, #tpu.memory_space<vmem>>) dst(%dma_wait3A_202 : memref<10000x128xf32, #tpu.memory_space<vmem_shared>>)
        tpu.yield
      }) : () -> ()
      %add3A_145 = arith.constant 2 : i32
      %add3A_146 = arith.addi %mul3A_125, %add3A_145 : i32
      %lt3A_147 = arith.constant 125 : i32
      %lt3A_148 = arith.cmpi slt, %add3A_146, %lt3A_147 : i32
      %convert_element_type3A_149 = arith.extui %lt3A_148 : i1 to i32
      %cond3A_150 = arith.constant 0 : i32
      %cond3A_151 = arith.cmpi ne, %convert_element_type3A_149, %cond3A_150 : i32
      scf.if %cond3A_151 {
        %add3A_182 = arith.constant 2 : i32
        %add3A_183 = arith.addi %mul3A_125, %add3A_182 : i32
        %mul3A_184 = arith.constant 10000 : i32
        %mul3A_185 = arith.muli %add3A, %mul3A_184 : i32
        %mul3A_186 = arith.constant 80 : i32
        %mul3A_187 = arith.muli %add3A_183, %mul3A_186 : i32
        %add3A_188 = arith.addi %mul3A_185, %mul3A_187 : i32
        %dma_start3A_189 = arith.constant 0 : i32
        %dma_start3A_190 = arith.constant 0 : i32
        %dma_start3A_191 = arith.constant 0 : i32
        %dma_start3A_192 = arith.constant 0 : i32
        %dma_start3A_193 = tpu.memref_slice %arg6[%dma_start3A_189, %dma_start3A_191, %dma_start3A_192] : memref<2x80x128xf32, #tpu.memory_space<vmem>> -> memref<1x80x128xf32, #tpu.memory_space<vmem>>
        %dma_start3A_194 = tpu.memref_squeeze %dma_start3A_193 : memref<1x80x128xf32, #tpu.memory_space<vmem>> -> memref<80x128xf32, #tpu.memory_space<vmem>>
        %dma_start3A_195 = arith.constant 0 : i32
        %dma_start3A_196 = tpu.memref_slice %arg2[%add3A_188, %dma_start3A_195] : memref<320000x128xf32, #tpu.memory_space<hbm>> -> memref<80x128xf32, #tpu.memory_space<hbm>>
        %dma_start3A_197 = tpu.memref_slice %arg9[%dma_start3A_190] : memref<2x!tpu.dma_semaphore, #tpu.memory_space<semaphore_mem>> -> memref<1x!tpu.dma_semaphore, #tpu.memory_space<semaphore_mem>>
        %dma_start3A_198 = tpu.memref_squeeze %dma_start3A_197 : memref<1x!tpu.dma_semaphore, #tpu.memory_space<semaphore_mem>> -> memref<!tpu.dma_semaphore, #tpu.memory_space<semaphore_mem>>
        %dma_start3A_199 = arith.constant 0 : i32
        %dma_start3A_200 = arith.constant 0 : i32
        %dma_start3A_201 = tpu.memref_slice %arg6[%dma_start3A_189, %dma_start3A_199, %dma_start3A_200] : memref<2x80x128xf32, #tpu.memory_space<vmem>> -> memref<1x80x128xf32, #tpu.memory_space<vmem>>
        %dma_start3A_202 = tpu.memref_squeeze %dma_start3A_201 : memref<1x80x128xf32, #tpu.memory_space<vmem>> -> memref<80x128xf32, #tpu.memory_space<vmem>>
        %dma_start3A_203 = arith.constant 0 : i32
        %dma_start3A_204 = tpu.memref_slice %arg2[%add3A_188, %dma_start3A_203] : memref<320000x128xf32, #tpu.memory_space<hbm>> -> memref<80x128xf32, #tpu.memory_space<hbm>>
        tpu.enqueue_dma source(%dma_start3A_204 : memref<80x128xf32, #tpu.memory_space<hbm>>) target(%dma_start3A_202 : memref<80x128xf32, #tpu.memory_space<vmem>>) target_semaphore(%dma_start3A_198 : memref<!tpu.dma_semaphore, #tpu.memory_space<semaphore_mem>>)
      } else {
      }
      %mul3A_152 = arith.constant 2 : i32
      %mul3A_153 = arith.muli %mul3A_152, %scan3A_123 : i32
      %add3A_154 = arith.constant 1 : i32
      %add3A_155 = arith.addi %mul3A_153, %add3A_154 : i32
      %dma_wait3A_156 = arith.constant 1 : i32
      %dma_wait3A_157 = arith.constant 1 : i32
      %dma_wait3A_158 = arith.constant 0 : i32
      %dma_wait3A_159 = arith.constant 0 : i32
      %dma_wait3A_160 = tpu.memref_slice %arg6[%dma_wait3A_156, %dma_wait3A_158, %dma_wait3A_159] : memref<2x80x128xf32, #tpu.memory_space<vmem>> -> memref<1x80x128xf32, #tpu.memory_space<vmem>>
      %dma_wait3A_161 = tpu.memref_squeeze %dma_wait3A_160 : memref<1x80x128xf32, #tpu.memory_space<vmem>> -> memref<80x128xf32, #tpu.memory_space<vmem>>
      %dma_wait3A_162 = arith.constant 0 : i32
      %dma_wait3A_163 = arith.constant 0 : i32
      %dma_wait3A_164 = tpu.memref_slice %arg2[%dma_wait3A_162, %dma_wait3A_163] : memref<320000x128xf32, #tpu.memory_space<hbm>> -> memref<80x128xf32, #tpu.memory_space<hbm>>
      %dma_wait3A_165 = tpu.memref_slice %arg9[%dma_wait3A_157] : memref<2x!tpu.dma_semaphore, #tpu.memory_space<semaphore_mem>> -> memref<1x!tpu.dma_semaphore, #tpu.memory_space<semaphore_mem>>
      %dma_wait3A_166 = tpu.memref_squeeze %dma_wait3A_165 : memref<1x!tpu.dma_semaphore, #tpu.memory_space<semaphore_mem>> -> memref<!tpu.dma_semaphore, #tpu.memory_space<semaphore_mem>>
      %dma_wait3A_167 = arith.constant 0 : i32
      %dma_wait3A_168 = arith.constant 0 : i32
      %dma_wait3A_169 = tpu.memref_slice %arg6[%dma_wait3A_156, %dma_wait3A_167, %dma_wait3A_168] : memref<2x80x128xf32, #tpu.memory_space<vmem>> -> memref<1x80x128xf32, #tpu.memory_space<vmem>>
      %dma_wait3A_170 = tpu.memref_squeeze %dma_wait3A_169 : memref<1x80x128xf32, #tpu.memory_space<vmem>> -> memref<80x128xf32, #tpu.memory_space<vmem>>
      %dma_wait3A_171 = arith.constant 0 : i32
      %dma_wait3A_172 = arith.constant 0 : i32
      %dma_wait3A_173 = tpu.memref_slice %arg2[%dma_wait3A_171, %dma_wait3A_172] : memref<320000x128xf32, #tpu.memory_space<hbm>> -> memref<80x128xf32, #tpu.memory_space<hbm>>
      tpu.wait_dma2 semaphore(%dma_wait3A_166 : memref<!tpu.dma_semaphore, #tpu.memory_space<semaphore_mem>>) src(%dma_wait3A_173 : memref<80x128xf32, #tpu.memory_space<hbm>>) dst(%dma_wait3A_170 : memref<80x128xf32, #tpu.memory_space<vmem>>)
      %run_scoped3A_174 = arith.constant 1 : i32
      "tpu.region"() ({
        %run_scoped3A_182 = tpu.sem_alloc : memref<!tpu.dma_semaphore, #tpu.memory_space<semaphore_mem>>
        %dma_start3A_183 = arith.constant 0 : i32
        %dma_start3A_184 = arith.constant 0 : i32
        %dma_start3A_185 = tpu.memref_slice %arg6[%run_scoped3A_174, %dma_start3A_183, %dma_start3A_184] : memref<2x80x128xf32, #tpu.memory_space<vmem>> -> memref<1x80x128xf32, #tpu.memory_space<vmem>>
        %dma_start3A_186 = tpu.memref_squeeze %dma_start3A_185 : memref<1x80x128xf32, #tpu.memory_space<vmem>> -> memref<80x128xf32, #tpu.memory_space<vmem>>
        %dma_start3A_187 = arith.constant 0 : i32
        %dma_start3A_188 = tpu.memref_slice %arg5[%add3A_155, %dma_start3A_187] : memref<125x80xi32, #tpu.memory_space<vmem>> -> memref<1x80xi32, #tpu.memory_space<vmem>>
        %dma_start3A_189 = tpu.memref_squeeze %dma_start3A_188 : memref<1x80xi32, #tpu.memory_space<vmem>> -> memref<80xi32, #tpu.memory_space<vmem>>
        %dma_start3A_190 = arith.constant 0 : i32
        %dma_start3A_191 = arith.constant 0 : i32
        %dma_start3A_192 = tpu.memref_slice %arg8[%dma_start3A_190, %dma_start3A_191] : memref<10000x128xf32, #tpu.memory_space<vmem_shared>> -> memref<10000x128xf32, #tpu.memory_space<vmem_shared>>
        tpu.enqueue_indirect_dma source(%dma_start3A_186 : memref<80x128xf32, #tpu.memory_space<vmem>>) target(%dma_start3A_192 : memref<10000x128xf32, #tpu.memory_space<vmem_shared>>) offsets(%dma_start3A_189 : memref<80xi32, #tpu.memory_space<vmem>>) semaphore(%run_scoped3A_182 : memref<!tpu.dma_semaphore, #tpu.memory_space<semaphore_mem>>) {add = true}
        %dma_wait3A_193 = arith.constant 0 : i32
        %dma_wait3A_194 = arith.constant 0 : i32
        %dma_wait3A_195 = tpu.memref_slice %arg6[%run_scoped3A_174, %dma_wait3A_193, %dma_wait3A_194] : memref<2x80x128xf32, #tpu.memory_space<vmem>> -> memref<1x80x128xf32, #tpu.memory_space<vmem>>
        %dma_wait3A_196 = tpu.memref_squeeze %dma_wait3A_195 : memref<1x80x128xf32, #tpu.memory_space<vmem>> -> memref<80x128xf32, #tpu.memory_space<vmem>>
        %dma_wait3A_197 = arith.constant 0 : i32
        %dma_wait3A_198 = tpu.memref_slice %arg5[%add3A_155, %dma_wait3A_197] : memref<125x80xi32, #tpu.memory_space<vmem>> -> memref<1x80xi32, #tpu.memory_space<vmem>>
        %dma_wait3A_199 = tpu.memref_squeeze %dma_wait3A_198 : memref<1x80xi32, #tpu.memory_space<vmem>> -> memref<80xi32, #tpu.memory_space<vmem>>
        %dma_wait3A_200 = arith.constant 0 : i32
        %dma_wait3A_201 = arith.constant 0 : i32
        %dma_wait3A_202 = tpu.memref_slice %arg8[%dma_wait3A_200, %dma_wait3A_201] : memref<10000x128xf32, #tpu.memory_space<vmem_shared>> -> memref<10000x128xf32, #tpu.memory_space<vmem_shared>>
        tpu.wait_indirect_dma semaphore(%run_scoped3A_182 : memref<!tpu.dma_semaphore, #tpu.memory_space<semaphore_mem>>) src(%dma_wait3A_196 : memref<80x128xf32, #tpu.memory_space<vmem>>) dst(%dma_wait3A_202 : memref<10000x128xf32, #tpu.memory_space<vmem_shared>>)
        tpu.yield
      }) : () -> ()
      %add3A_175 = arith.constant 2 : i32
      %add3A_176 = arith.addi %add3A_155, %add3A_175 : i32
      %lt3A_177 = arith.constant 125 : i32
      %lt3A_178 = arith.cmpi slt, %add3A_176, %lt3A_177 : i32
      %convert_element_type3A_179 = arith.extui %lt3A_178 : i1 to i32
      %cond3A_180 = arith.constant 0 : i32
      %cond3A_181 = arith.cmpi ne, %convert_element_type3A_179, %cond3A_180 : i32
      scf.if %cond3A_181 {
        %add3A_182 = arith.constant 2 : i32
        %add3A_183 = arith.addi %add3A_155, %add3A_182 : i32
        %mul3A_184 = arith.constant 10000 : i32
        %mul3A_185 = arith.muli %add3A, %mul3A_184 : i32
        %mul3A_186 = arith.constant 80 : i32
        %mul3A_187 = arith.muli %add3A_183, %mul3A_186 : i32
        %add3A_188 = arith.addi %mul3A_185, %mul3A_187 : i32
        %dma_start3A_189 = arith.constant 1 : i32
        %dma_start3A_190 = arith.constant 1 : i32
        %dma_start3A_191 = arith.constant 0 : i32
        %dma_start3A_192 = arith.constant 0 : i32
        %dma_start3A_193 = tpu.memref_slice %arg6[%dma_start3A_189, %dma_start3A_191, %dma_start3A_192] : memref<2x80x128xf32, #tpu.memory_space<vmem>> -> memref<1x80x128xf32, #tpu.memory_space<vmem>>
        %dma_start3A_194 = tpu.memref_squeeze %dma_start3A_193 : memref<1x80x128xf32, #tpu.memory_space<vmem>> -> memref<80x128xf32, #tpu.memory_space<vmem>>
        %dma_start3A_195 = arith.constant 0 : i32
        %dma_start3A_196 = tpu.memref_slice %arg2[%add3A_188, %dma_start3A_195] : memref<320000x128xf32, #tpu.memory_space<hbm>> -> memref<80x128xf32, #tpu.memory_space<hbm>>
        %dma_start3A_197 = tpu.memref_slice %arg9[%dma_start3A_190] : memref<2x!tpu.dma_semaphore, #tpu.memory_space<semaphore_mem>> -> memref<1x!tpu.dma_semaphore, #tpu.memory_space<semaphore_mem>>
        %dma_start3A_198 = tpu.memref_squeeze %dma_start3A_197 : memref<1x!tpu.dma_semaphore, #tpu.memory_space<semaphore_mem>> -> memref<!tpu.dma_semaphore, #tpu.memory_space<semaphore_mem>>
        %dma_start3A_199 = arith.constant 0 : i32
        %dma_start3A_200 = arith.constant 0 : i32
        %dma_start3A_201 = tpu.memref_slice %arg6[%dma_start3A_189, %dma_start3A_199, %dma_start3A_200] : memref<2x80x128xf32, #tpu.memory_space<vmem>> -> memref<1x80x128xf32, #tpu.memory_space<vmem>>
        %dma_start3A_202 = tpu.memref_squeeze %dma_start3A_201 : memref<1x80x128xf32, #tpu.memory_space<vmem>> -> memref<80x128xf32, #tpu.memory_space<vmem>>
        %dma_start3A_203 = arith.constant 0 : i32
        %dma_start3A_204 = tpu.memref_slice %arg2[%add3A_188, %dma_start3A_203] : memref<320000x128xf32, #tpu.memory_space<hbm>> -> memref<80x128xf32, #tpu.memory_space<hbm>>
        tpu.enqueue_dma source(%dma_start3A_204 : memref<80x128xf32, #tpu.memory_space<hbm>>) target(%dma_start3A_202 : memref<80x128xf32, #tpu.memory_space<vmem>>) target_semaphore(%dma_start3A_198 : memref<!tpu.dma_semaphore, #tpu.memory_space<semaphore_mem>>)
      } else {
      }
    }
    %scan3A_75 = arith.constant 62 : i32
    %dma_wait3A = arith.constant 0 : i32
    %dma_wait3A_76 = arith.constant 0 : i32
    %dma_wait3A_77 = arith.constant 0 : i32
    %dma_wait3A_78 = arith.constant 0 : i32
    %dma_wait3A_79 = tpu.memref_slice %arg6[%dma_wait3A, %dma_wait3A_77, %dma_wait3A_78] : memref<2x80x128xf32, #tpu.memory_space<vmem>> -> memref<1x80x128xf32, #tpu.memory_space<vmem>>
    %dma_wait3A_80 = tpu.memref_squeeze %dma_wait3A_79 : memref<1x80x128xf32, #tpu.memory_space<vmem>> -> memref<80x128xf32, #tpu.memory_space<vmem>>
    %dma_wait3A_81 = arith.constant 0 : i32
    %dma_wait3A_82 = arith.constant 0 : i32
    %dma_wait3A_83 = tpu.memref_slice %arg2[%dma_wait3A_81, %dma_wait3A_82] : memref<320000x128xf32, #tpu.memory_space<hbm>> -> memref<80x128xf32, #tpu.memory_space<hbm>>
    %dma_wait3A_84 = tpu.memref_slice %arg9[%dma_wait3A_76] : memref<2x!tpu.dma_semaphore, #tpu.memory_space<semaphore_mem>> -> memref<1x!tpu.dma_semaphore, #tpu.memory_space<semaphore_mem>>
    %dma_wait3A_85 = tpu.memref_squeeze %dma_wait3A_84 : memref<1x!tpu.dma_semaphore, #tpu.memory_space<semaphore_mem>> -> memref<!tpu.dma_semaphore, #tpu.memory_space<semaphore_mem>>
    %dma_wait3A_86 = arith.constant 0 : i32
    %dma_wait3A_87 = arith.constant 0 : i32
    %dma_wait3A_88 = tpu.memref_slice %arg6[%dma_wait3A, %dma_wait3A_86, %dma_wait3A_87] : memref<2x80x128xf32, #tpu.memory_space<vmem>> -> memref<1x80x128xf32, #tpu.memory_space<vmem>>
    %dma_wait3A_89 = tpu.memref_squeeze %dma_wait3A_88 : memref<1x80x128xf32, #tpu.memory_space<vmem>> -> memref<80x128xf32, #tpu.memory_space<vmem>>
    %dma_wait3A_90 = arith.constant 0 : i32
    %dma_wait3A_91 = arith.constant 0 : i32
    %dma_wait3A_92 = tpu.memref_slice %arg2[%dma_wait3A_90, %dma_wait3A_91] : memref<320000x128xf32, #tpu.memory_space<hbm>> -> memref<80x128xf32, #tpu.memory_space<hbm>>
    tpu.wait_dma2 semaphore(%dma_wait3A_85 : memref<!tpu.dma_semaphore, #tpu.memory_space<semaphore_mem>>) src(%dma_wait3A_92 : memref<80x128xf32, #tpu.memory_space<hbm>>) dst(%dma_wait3A_89 : memref<80x128xf32, #tpu.memory_space<vmem>>)
    %run_scoped3A = arith.constant 0 : i32
    %run_scoped3A_93 = arith.constant 124 : i32
    "tpu.region"() ({
      %run_scoped3A_123 = tpu.sem_alloc : memref<!tpu.dma_semaphore, #tpu.memory_space<semaphore_mem>>
      %dma_start3A_124 = arith.constant 0 : i32
      %dma_start3A_125 = arith.constant 0 : i32
      %dma_start3A_126 = tpu.memref_slice %arg6[%run_scoped3A, %dma_start3A_124, %dma_start3A_125] : memref<2x80x128xf32, #tpu.memory_space<vmem>> -> memref<1x80x128xf32, #tpu.memory_space<vmem>>
      %dma_start3A_127 = tpu.memref_squeeze %dma_start3A_126 : memref<1x80x128xf32, #tpu.memory_space<vmem>> -> memref<80x128xf32, #tpu.memory_space<vmem>>
      %dma_start3A_128 = arith.constant 0 : i32
      %dma_start3A_129 = tpu.memref_slice %arg5[%run_scoped3A_93, %dma_start3A_128] : memref<125x80xi32, #tpu.memory_space<vmem>> -> memref<1x80xi32, #tpu.memory_space<vmem>>
      %dma_start3A_130 = tpu.memref_squeeze %dma_start3A_129 : memref<1x80xi32, #tpu.memory_space<vmem>> -> memref<80xi32, #tpu.memory_space<vmem>>
      %dma_start3A_131 = arith.constant 0 : i32
      %dma_start3A_132 = arith.constant 0 : i32
      %dma_start3A_133 = tpu.memref_slice %arg8[%dma_start3A_131, %dma_start3A_132] : memref<10000x128xf32, #tpu.memory_space<vmem_shared>> -> memref<10000x128xf32, #tpu.memory_space<vmem_shared>>
      tpu.enqueue_indirect_dma source(%dma_start3A_127 : memref<80x128xf32, #tpu.memory_space<vmem>>) target(%dma_start3A_133 : memref<10000x128xf32, #tpu.memory_space<vmem_shared>>) offsets(%dma_start3A_130 : memref<80xi32, #tpu.memory_space<vmem>>) semaphore(%run_scoped3A_123 : memref<!tpu.dma_semaphore, #tpu.memory_space<semaphore_mem>>) {add = true}
      %dma_wait3A_134 = arith.constant 0 : i32
      %dma_wait3A_135 = arith.constant 0 : i32
      %dma_wait3A_136 = tpu.memref_slice %arg6[%run_scoped3A, %dma_wait3A_134, %dma_wait3A_135] : memref<2x80x128xf32, #tpu.memory_space<vmem>> -> memref<1x80x128xf32, #tpu.memory_space<vmem>>
      %dma_wait3A_137 = tpu.memref_squeeze %dma_wait3A_136 : memref<1x80x128xf32, #tpu.memory_space<vmem>> -> memref<80x128xf32, #tpu.memory_space<vmem>>
      %dma_wait3A_138 = arith.constant 0 : i32
      %dma_wait3A_139 = tpu.memref_slice %arg5[%run_scoped3A_93, %dma_wait3A_138] : memref<125x80xi32, #tpu.memory_space<vmem>> -> memref<1x80xi32, #tpu.memory_space<vmem>>
      %dma_wait3A_140 = tpu.memref_squeeze %dma_wait3A_139 : memref<1x80xi32, #tpu.memory_space<vmem>> -> memref<80xi32, #tpu.memory_space<vmem>>
      %dma_wait3A_141 = arith.constant 0 : i32
      %dma_wait3A_142 = arith.constant 0 : i32
      %dma_wait3A_143 = tpu.memref_slice %arg8[%dma_wait3A_141, %dma_wait3A_142] : memref<10000x128xf32, #tpu.memory_space<vmem_shared>> -> memref<10000x128xf32, #tpu.memory_space<vmem_shared>>
      tpu.wait_indirect_dma semaphore(%run_scoped3A_123 : memref<!tpu.dma_semaphore, #tpu.memory_space<semaphore_mem>>) src(%dma_wait3A_137 : memref<80x128xf32, #tpu.memory_space<vmem>>) dst(%dma_wait3A_143 : memref<10000x128xf32, #tpu.memory_space<vmem_shared>>)
      tpu.yield
    }) : () -> ()
    %barrier3A_94 = arith.constant 0 : index
    tpu.barrier barrier_id(%barrier3A_94)
    %add3A_95 = arith.constant 0 : i32
    %add3A_96 = arith.addi %arg1, %add3A_95 : i32
    %lt3A_97 = arith.constant 50 : i32
    %lt3A_98 = arith.cmpi slt, %add3A_96, %lt3A_97 : i32
    %convert_element_type3A_99 = arith.extui %lt3A_98 : i1 to i32
    %cond3A_100 = arith.constant 0 : i32
    %cond3A_101 = arith.cmpi ne, %convert_element_type3A_99, %cond3A_100 : i32
    scf.if %cond3A_101 {
      %mul3A_123 = arith.constant 200 : i32
      %mul3A_124 = arith.muli %add3A_96, %mul3A_123 : i32
      %mul3A_125 = arith.constant 10000 : i32
      %mul3A_126 = arith.muli %arg0, %mul3A_125 : i32
      %mul3A_127 = arith.constant 200 : i32
      %mul3A_128 = arith.muli %add3A_96, %mul3A_127 : i32
      %add3A_129 = arith.addi %mul3A_126, %mul3A_128 : i32
      "tpu.region"() ({
        %run_scoped3A_130 = tpu.sem_alloc : memref<!tpu.dma_semaphore, #tpu.memory_space<semaphore_mem>>
        %dma_start3A_131 = arith.constant 0 : i32
        %dma_start3A_132 = tpu.memref_slice %arg4[%add3A_129, %dma_start3A_131] : memref<20000x128xf32, #tpu.memory_space<hbm>> -> memref<200x128xf32, #tpu.memory_space<hbm>>
        %dma_start3A_133 = arith.constant 0 : i32
        %dma_start3A_134 = tpu.memref_slice %arg8[%mul3A_124, %dma_start3A_133] : memref<10000x128xf32, #tpu.memory_space<vmem_shared>> -> memref<200x128xf32, #tpu.memory_space<vmem_shared>>
        tpu.enqueue_dma source(%dma_start3A_134 : memref<200x128xf32, #tpu.memory_space<vmem_shared>>) target(%dma_start3A_132 : memref<200x128xf32, #tpu.memory_space<hbm>>) target_semaphore(%run_scoped3A_130 : memref<!tpu.dma_semaphore, #tpu.memory_space<semaphore_mem>>)
        %dma_wait3A_135 = arith.constant 0 : i32
        %dma_wait3A_136 = tpu.memref_slice %arg4[%add3A_129, %dma_wait3A_135] : memref<20000x128xf32, #tpu.memory_space<hbm>> -> memref<200x128xf32, #tpu.memory_space<hbm>>
        %dma_wait3A_137 = arith.constant 0 : i32
        %dma_wait3A_138 = tpu.memref_slice %arg8[%mul3A_124, %dma_wait3A_137] : memref<10000x128xf32, #tpu.memory_space<vmem_shared>> -> memref<200x128xf32, #tpu.memory_space<vmem_shared>>
        tpu.wait_dma2 semaphore(%run_scoped3A_130 : memref<!tpu.dma_semaphore, #tpu.memory_space<semaphore_mem>>) src(%dma_wait3A_138 : memref<200x128xf32, #tpu.memory_space<vmem_shared>>) dst(%dma_wait3A_136 : memref<200x128xf32, #tpu.memory_space<hbm>>)
        tpu.yield
      }) : () -> ()
    } else {
    }
    %add3A_102 = arith.constant 16 : i32
    %add3A_103 = arith.addi %arg1, %add3A_102 : i32
    %lt3A_104 = arith.constant 50 : i32
    %lt3A_105 = arith.cmpi slt, %add3A_103, %lt3A_104 : i32
    %convert_element_type3A_106 = arith.extui %lt3A_105 : i1 to i32
    %cond3A_107 = arith.constant 0 : i32
    %cond3A_108 = arith.cmpi ne, %convert_element_type3A_106, %cond3A_107 : i32
    scf.if %cond3A_108 {
      %mul3A_123 = arith.constant 200 : i32
      %mul3A_124 = arith.muli %add3A_103, %mul3A_123 : i32
      %mul3A_125 = arith.constant 10000 : i32
      %mul3A_126 = arith.muli %arg0, %mul3A_125 : i32
      %mul3A_127 = arith.constant 200 : i32
      %mul3A_128 = arith.muli %add3A_103, %mul3A_127 : i32
      %add3A_129 = arith.addi %mul3A_126, %mul3A_128 : i32
      "tpu.region"() ({
        %run_scoped3A_130 = tpu.sem_alloc : memref<!tpu.dma_semaphore, #tpu.memory_space<semaphore_mem>>
        %dma_start3A_131 = arith.constant 0 : i32
        %dma_start3A_132 = tpu.memref_slice %arg4[%add3A_129, %dma_start3A_131] : memref<20000x128xf32, #tpu.memory_space<hbm>> -> memref<200x128xf32, #tpu.memory_space<hbm>>
        %dma_start3A_133 = arith.constant 0 : i32
        %dma_start3A_134 = tpu.memref_slice %arg8[%mul3A_124, %dma_start3A_133] : memref<10000x128xf32, #tpu.memory_space<vmem_shared>> -> memref<200x128xf32, #tpu.memory_space<vmem_shared>>
        tpu.enqueue_dma source(%dma_start3A_134 : memref<200x128xf32, #tpu.memory_space<vmem_shared>>) target(%dma_start3A_132 : memref<200x128xf32, #tpu.memory_space<hbm>>) target_semaphore(%run_scoped3A_130 : memref<!tpu.dma_semaphore, #tpu.memory_space<semaphore_mem>>)
        %dma_wait3A_135 = arith.constant 0 : i32
        %dma_wait3A_136 = tpu.memref_slice %arg4[%add3A_129, %dma_wait3A_135] : memref<20000x128xf32, #tpu.memory_space<hbm>> -> memref<200x128xf32, #tpu.memory_space<hbm>>
        %dma_wait3A_137 = arith.constant 0 : i32
        %dma_wait3A_138 = tpu.memref_slice %arg8[%mul3A_124, %dma_wait3A_137] : memref<10000x128xf32, #tpu.memory_space<vmem_shared>> -> memref<200x128xf32, #tpu.memory_space<vmem_shared>>
        tpu.wait_dma2 semaphore(%run_scoped3A_130 : memref<!tpu.dma_semaphore, #tpu.memory_space<semaphore_mem>>) src(%dma_wait3A_138 : memref<200x128xf32, #tpu.memory_space<vmem_shared>>) dst(%dma_wait3A_136 : memref<200x128xf32, #tpu.memory_space<hbm>>)
        tpu.yield
      }) : () -> ()
    } else {
    }
    %add3A_109 = arith.constant 32 : i32
    %add3A_110 = arith.addi %arg1, %add3A_109 : i32
    %lt3A_111 = arith.constant 50 : i32
    %lt3A_112 = arith.cmpi slt, %add3A_110, %lt3A_111 : i32
    %convert_element_type3A_113 = arith.extui %lt3A_112 : i1 to i32
    %cond3A_114 = arith.constant 0 : i32
    %cond3A_115 = arith.cmpi ne, %convert_element_type3A_113, %cond3A_114 : i32
    scf.if %cond3A_115 {
      %mul3A_123 = arith.constant 200 : i32
      %mul3A_124 = arith.muli %add3A_110, %mul3A_123 : i32
      %mul3A_125 = arith.constant 10000 : i32
      %mul3A_126 = arith.muli %arg0, %mul3A_125 : i32
      %mul3A_127 = arith.constant 200 : i32
      %mul3A_128 = arith.muli %add3A_110, %mul3A_127 : i32
      %add3A_129 = arith.addi %mul3A_126, %mul3A_128 : i32
      "tpu.region"() ({
        %run_scoped3A_130 = tpu.sem_alloc : memref<!tpu.dma_semaphore, #tpu.memory_space<semaphore_mem>>
        %dma_start3A_131 = arith.constant 0 : i32
        %dma_start3A_132 = tpu.memref_slice %arg4[%add3A_129, %dma_start3A_131] : memref<20000x128xf32, #tpu.memory_space<hbm>> -> memref<200x128xf32, #tpu.memory_space<hbm>>
        %dma_start3A_133 = arith.constant 0 : i32
        %dma_start3A_134 = tpu.memref_slice %arg8[%mul3A_124, %dma_start3A_133] : memref<10000x128xf32, #tpu.memory_space<vmem_shared>> -> memref<200x128xf32, #tpu.memory_space<vmem_shared>>
        tpu.enqueue_dma source(%dma_start3A_134 : memref<200x128xf32, #tpu.memory_space<vmem_shared>>) target(%dma_start3A_132 : memref<200x128xf32, #tpu.memory_space<hbm>>) target_semaphore(%run_scoped3A_130 : memref<!tpu.dma_semaphore, #tpu.memory_space<semaphore_mem>>)
        %dma_wait3A_135 = arith.constant 0 : i32
        %dma_wait3A_136 = tpu.memref_slice %arg4[%add3A_129, %dma_wait3A_135] : memref<20000x128xf32, #tpu.memory_space<hbm>> -> memref<200x128xf32, #tpu.memory_space<hbm>>
        %dma_wait3A_137 = arith.constant 0 : i32
        %dma_wait3A_138 = tpu.memref_slice %arg8[%mul3A_124, %dma_wait3A_137] : memref<10000x128xf32, #tpu.memory_space<vmem_shared>> -> memref<200x128xf32, #tpu.memory_space<vmem_shared>>
        tpu.wait_dma2 semaphore(%run_scoped3A_130 : memref<!tpu.dma_semaphore, #tpu.memory_space<semaphore_mem>>) src(%dma_wait3A_138 : memref<200x128xf32, #tpu.memory_space<vmem_shared>>) dst(%dma_wait3A_136 : memref<200x128xf32, #tpu.memory_space<hbm>>)
        tpu.yield
      }) : () -> ()
    } else {
    }
    %add3A_116 = arith.constant 48 : i32
    %add3A_117 = arith.addi %arg1, %add3A_116 : i32
    %lt3A_118 = arith.constant 50 : i32
    %lt3A_119 = arith.cmpi slt, %add3A_117, %lt3A_118 : i32
    %convert_element_type3A_120 = arith.extui %lt3A_119 : i1 to i32
    %cond3A_121 = arith.constant 0 : i32
    %cond3A_122 = arith.cmpi ne, %convert_element_type3A_120, %cond3A_121 : i32
    scf.if %cond3A_122 {
      %mul3A_123 = arith.constant 200 : i32
      %mul3A_124 = arith.muli %add3A_117, %mul3A_123 : i32
      %mul3A_125 = arith.constant 10000 : i32
      %mul3A_126 = arith.muli %arg0, %mul3A_125 : i32
      %mul3A_127 = arith.constant 200 : i32
      %mul3A_128 = arith.muli %add3A_117, %mul3A_127 : i32
      %add3A_129 = arith.addi %mul3A_126, %mul3A_128 : i32
      "tpu.region"() ({
        %run_scoped3A_130 = tpu.sem_alloc : memref<!tpu.dma_semaphore, #tpu.memory_space<semaphore_mem>>
        %dma_start3A_131 = arith.constant 0 : i32
        %dma_start3A_132 = tpu.memref_slice %arg4[%add3A_129, %dma_start3A_131] : memref<20000x128xf32, #tpu.memory_space<hbm>> -> memref<200x128xf32, #tpu.memory_space<hbm>>
        %dma_start3A_133 = arith.constant 0 : i32
        %dma_start3A_134 = tpu.memref_slice %arg8[%mul3A_124, %dma_start3A_133] : memref<10000x128xf32, #tpu.memory_space<vmem_shared>> -> memref<200x128xf32, #tpu.memory_space<vmem_shared>>
        tpu.enqueue_dma source(%dma_start3A_134 : memref<200x128xf32, #tpu.memory_space<vmem_shared>>) target(%dma_start3A_132 : memref<200x128xf32, #tpu.memory_space<hbm>>) target_semaphore(%run_scoped3A_130 : memref<!tpu.dma_semaphore, #tpu.memory_space<semaphore_mem>>)
        %dma_wait3A_135 = arith.constant 0 : i32
        %dma_wait3A_136 = tpu.memref_slice %arg4[%add3A_129, %dma_wait3A_135] : memref<20000x128xf32, #tpu.memory_space<hbm>> -> memref<200x128xf32, #tpu.memory_space<hbm>>
        %dma_wait3A_137 = arith.constant 0 : i32
        %dma_wait3A_138 = tpu.memref_slice %arg8[%mul3A_124, %dma_wait3A_137] : memref<10000x128xf32, #tpu.memory_space<vmem_shared>> -> memref<200x128xf32, #tpu.memory_space<vmem_shared>>
        tpu.wait_dma2 semaphore(%run_scoped3A_130 : memref<!tpu.dma_semaphore, #tpu.memory_space<semaphore_mem>>) src(%dma_wait3A_138 : memref<200x128xf32, #tpu.memory_space<vmem_shared>>) dst(%dma_wait3A_136 : memref<200x128xf32, #tpu.memory_space<hbm>>)
        tpu.yield
      }) : () -> ()
    } else {
    }
    return
  }
}

#map = affine_map<(d0, d1) -> (0, 0)>
#map1 = affine_map<(d0, d1) -> (0, 0, 0)>
module attributes {stable_mosaic.version = 14 : i64} {
  func.func @body(%arg0: i32, %arg1: i32, %arg2: memref<10000x128xf32, #tpu.memory_space<hbm>>, %arg3: memref<10000x128xf32, #tpu.memory_space<hbm>>, %arg4: memref<32x61x80xi32, #tpu.memory_space<hbm>>, %arg5: memref<32x61x80xi32, #tpu.memory_space<hbm>>, %arg6: memref<156160x128xf32, #tpu.memory_space<hbm>>, %arg7: memref<61x80xi32, #tpu.memory_space<vmem>>, %arg8: memref<61x80xi32, #tpu.memory_space<vmem>>, %arg9: memref<2x80x128xf32, #tpu.memory_space<vmem>>, %arg10: memref<2x80x128xf32, #tpu.memory_space<vmem>>, %arg11: memref<2x80x128xf32, #tpu.memory_space<vmem>>, %arg12: memref<2x!tpu.dma_semaphore, #tpu.memory_space<semaphore_mem>>, %arg13: memref<2x!tpu.dma_semaphore, #tpu.memory_space<semaphore_mem>>, %arg14: memref<2x!tpu.dma_semaphore, #tpu.memory_space<semaphore_mem>>) attributes {dimension_semantics = [#tpu.dimension_semantics<core_parallel>, #tpu.dimension_semantics<subcore_parallel>], iteration_bounds = array<i64: 2, 16>, scalar_prefetch = 0 : i64, scratch_operands = 8 : i64, tpu.core_type = #tpu.core_type<sc_vector_subcore>, window_params = [{transform_indices = #map}, {transform_indices = #map}, {transform_indices = #map1}, {transform_indices = #map1}, {transform_indices = #map}]} {
    %mul3A = arith.constant 2 : i32
    %mul3A_0 = arith.muli %arg1, %mul3A : i32
    %add3A = arith.addi %mul3A_0, %arg0 : i32
    "tpu.region"() ({
      %run_scoped3A = tpu.sem_alloc : memref<!tpu.dma_semaphore, #tpu.memory_space<semaphore_mem>>
      %dma_start3A_170 = arith.constant 0 : i32
      %dma_start3A_171 = arith.constant 0 : i32
      %dma_start3A_172 = tpu.memref_slice %arg4[%add3A, %dma_start3A_170, %dma_start3A_171] : memref<32x61x80xi32, #tpu.memory_space<hbm>> -> memref<1x61x80xi32, #tpu.memory_space<hbm>>
      %dma_start3A_173 = tpu.memref_squeeze %dma_start3A_172 : memref<1x61x80xi32, #tpu.memory_space<hbm>> -> memref<61x80xi32, #tpu.memory_space<hbm>>
      %dma_start3A_174 = arith.constant 0 : i32
      %dma_start3A_175 = arith.constant 0 : i32
      %dma_start3A_176 = tpu.memref_slice %arg4[%add3A, %dma_start3A_174, %dma_start3A_175] : memref<32x61x80xi32, #tpu.memory_space<hbm>> -> memref<1x61x80xi32, #tpu.memory_space<hbm>>
      %dma_start3A_177 = tpu.memref_squeeze %dma_start3A_176 : memref<1x61x80xi32, #tpu.memory_space<hbm>> -> memref<61x80xi32, #tpu.memory_space<hbm>>
      tpu.enqueue_dma source(%dma_start3A_177 : memref<61x80xi32, #tpu.memory_space<hbm>>) target(%arg7 : memref<61x80xi32, #tpu.memory_space<vmem>>) target_semaphore(%run_scoped3A : memref<!tpu.dma_semaphore, #tpu.memory_space<semaphore_mem>>)
      %dma_wait3A_178 = arith.constant 0 : i32
      %dma_wait3A_179 = arith.constant 0 : i32
      %dma_wait3A_180 = tpu.memref_slice %arg4[%add3A, %dma_wait3A_178, %dma_wait3A_179] : memref<32x61x80xi32, #tpu.memory_space<hbm>> -> memref<1x61x80xi32, #tpu.memory_space<hbm>>
      %dma_wait3A_181 = tpu.memref_squeeze %dma_wait3A_180 : memref<1x61x80xi32, #tpu.memory_space<hbm>> -> memref<61x80xi32, #tpu.memory_space<hbm>>
      %dma_wait3A_182 = arith.constant 0 : i32
      %dma_wait3A_183 = arith.constant 0 : i32
      %dma_wait3A_184 = tpu.memref_slice %arg4[%add3A, %dma_wait3A_182, %dma_wait3A_183] : memref<32x61x80xi32, #tpu.memory_space<hbm>> -> memref<1x61x80xi32, #tpu.memory_space<hbm>>
      %dma_wait3A_185 = tpu.memref_squeeze %dma_wait3A_184 : memref<1x61x80xi32, #tpu.memory_space<hbm>> -> memref<61x80xi32, #tpu.memory_space<hbm>>
      tpu.wait_dma2 semaphore(%run_scoped3A : memref<!tpu.dma_semaphore, #tpu.memory_space<semaphore_mem>>) src(%dma_wait3A_185 : memref<61x80xi32, #tpu.memory_space<hbm>>) dst(%arg7 : memref<61x80xi32, #tpu.memory_space<vmem>>)
      tpu.yield
    }) : () -> ()
    "tpu.region"() ({
      %run_scoped3A = tpu.sem_alloc : memref<!tpu.dma_semaphore, #tpu.memory_space<semaphore_mem>>
      %dma_start3A_170 = arith.constant 0 : i32
      %dma_start3A_171 = arith.constant 0 : i32
      %dma_start3A_172 = tpu.memref_slice %arg5[%add3A, %dma_start3A_170, %dma_start3A_171] : memref<32x61x80xi32, #tpu.memory_space<hbm>> -> memref<1x61x80xi32, #tpu.memory_space<hbm>>
      %dma_start3A_173 = tpu.memref_squeeze %dma_start3A_172 : memref<1x61x80xi32, #tpu.memory_space<hbm>> -> memref<61x80xi32, #tpu.memory_space<hbm>>
      %dma_start3A_174 = arith.constant 0 : i32
      %dma_start3A_175 = arith.constant 0 : i32
      %dma_start3A_176 = tpu.memref_slice %arg5[%add3A, %dma_start3A_174, %dma_start3A_175] : memref<32x61x80xi32, #tpu.memory_space<hbm>> -> memref<1x61x80xi32, #tpu.memory_space<hbm>>
      %dma_start3A_177 = tpu.memref_squeeze %dma_start3A_176 : memref<1x61x80xi32, #tpu.memory_space<hbm>> -> memref<61x80xi32, #tpu.memory_space<hbm>>
      tpu.enqueue_dma source(%dma_start3A_177 : memref<61x80xi32, #tpu.memory_space<hbm>>) target(%arg8 : memref<61x80xi32, #tpu.memory_space<vmem>>) target_semaphore(%run_scoped3A : memref<!tpu.dma_semaphore, #tpu.memory_space<semaphore_mem>>)
      %dma_wait3A_178 = arith.constant 0 : i32
      %dma_wait3A_179 = arith.constant 0 : i32
      %dma_wait3A_180 = tpu.memref_slice %arg5[%add3A, %dma_wait3A_178, %dma_wait3A_179] : memref<32x61x80xi32, #tpu.memory_space<hbm>> -> memref<1x61x80xi32, #tpu.memory_space<hbm>>
      %dma_wait3A_181 = tpu.memref_squeeze %dma_wait3A_180 : memref<1x61x80xi32, #tpu.memory_space<hbm>> -> memref<61x80xi32, #tpu.memory_space<hbm>>
      %dma_wait3A_182 = arith.constant 0 : i32
      %dma_wait3A_183 = arith.constant 0 : i32
      %dma_wait3A_184 = tpu.memref_slice %arg5[%add3A, %dma_wait3A_182, %dma_wait3A_183] : memref<32x61x80xi32, #tpu.memory_space<hbm>> -> memref<1x61x80xi32, #tpu.memory_space<hbm>>
      %dma_wait3A_185 = tpu.memref_squeeze %dma_wait3A_184 : memref<1x61x80xi32, #tpu.memory_space<hbm>> -> memref<61x80xi32, #tpu.memory_space<hbm>>
      tpu.wait_dma2 semaphore(%run_scoped3A : memref<!tpu.dma_semaphore, #tpu.memory_space<semaphore_mem>>) src(%dma_wait3A_185 : memref<61x80xi32, #tpu.memory_space<hbm>>) dst(%arg8 : memref<61x80xi32, #tpu.memory_space<vmem>>)
      tpu.yield
    }) : () -> ()
    %dma_start3A = arith.constant 0 : i32
    %dma_start3A_1 = arith.constant 0 : i32
    %dma_start3A_2 = arith.constant 0 : i32
    %dma_start3A_3 = arith.constant 0 : i32
    %dma_start3A_4 = arith.constant 0 : i32
    %dma_start3A_5 = tpu.memref_slice %arg9[%dma_start3A_1, %dma_start3A_3, %dma_start3A_4] : memref<2x80x128xf32, #tpu.memory_space<vmem>> -> memref<1x80x128xf32, #tpu.memory_space<vmem>>
    %dma_start3A_6 = tpu.memref_squeeze %dma_start3A_5 : memref<1x80x128xf32, #tpu.memory_space<vmem>> -> memref<80x128xf32, #tpu.memory_space<vmem>>
    %dma_start3A_7 = arith.constant 0 : i32
    %dma_start3A_8 = tpu.memref_slice %arg7[%dma_start3A, %dma_start3A_7] : memref<61x80xi32, #tpu.memory_space<vmem>> -> memref<1x80xi32, #tpu.memory_space<vmem>>
    %dma_start3A_9 = tpu.memref_squeeze %dma_start3A_8 : memref<1x80xi32, #tpu.memory_space<vmem>> -> memref<80xi32, #tpu.memory_space<vmem>>
    %dma_start3A_10 = arith.constant 0 : i32
    %dma_start3A_11 = arith.constant 0 : i32
    %dma_start3A_12 = tpu.memref_slice %arg2[%dma_start3A_10, %dma_start3A_11] : memref<10000x128xf32, #tpu.memory_space<hbm>> -> memref<10000x128xf32, #tpu.memory_space<hbm>>
    %dma_start3A_13 = tpu.memref_slice %arg12[%dma_start3A_2] : memref<2x!tpu.dma_semaphore, #tpu.memory_space<semaphore_mem>> -> memref<1x!tpu.dma_semaphore, #tpu.memory_space<semaphore_mem>>
    %dma_start3A_14 = tpu.memref_squeeze %dma_start3A_13 : memref<1x!tpu.dma_semaphore, #tpu.memory_space<semaphore_mem>> -> memref<!tpu.dma_semaphore, #tpu.memory_space<semaphore_mem>>
    tpu.enqueue_indirect_dma source(%dma_start3A_12 : memref<10000x128xf32, #tpu.memory_space<hbm>>) target(%dma_start3A_6 : memref<80x128xf32, #tpu.memory_space<vmem>>) offsets(%dma_start3A_9 : memref<80xi32, #tpu.memory_space<vmem>>) semaphore(%dma_start3A_14 : memref<!tpu.dma_semaphore, #tpu.memory_space<semaphore_mem>>)
    %dma_start3A_15 = arith.constant 0 : i32
    %dma_start3A_16 = arith.constant 0 : i32
    %dma_start3A_17 = arith.constant 0 : i32
    %dma_start3A_18 = arith.constant 0 : i32
    %dma_start3A_19 = arith.constant 0 : i32
    %dma_start3A_20 = tpu.memref_slice %arg10[%dma_start3A_16, %dma_start3A_18, %dma_start3A_19] : memref<2x80x128xf32, #tpu.memory_space<vmem>> -> memref<1x80x128xf32, #tpu.memory_space<vmem>>
    %dma_start3A_21 = tpu.memref_squeeze %dma_start3A_20 : memref<1x80x128xf32, #tpu.memory_space<vmem>> -> memref<80x128xf32, #tpu.memory_space<vmem>>
    %dma_start3A_22 = arith.constant 0 : i32
    %dma_start3A_23 = tpu.memref_slice %arg8[%dma_start3A_15, %dma_start3A_22] : memref<61x80xi32, #tpu.memory_space<vmem>> -> memref<1x80xi32, #tpu.memory_space<vmem>>
    %dma_start3A_24 = tpu.memref_squeeze %dma_start3A_23 : memref<1x80xi32, #tpu.memory_space<vmem>> -> memref<80xi32, #tpu.memory_space<vmem>>
    %dma_start3A_25 = arith.constant 0 : i32
    %dma_start3A_26 = arith.constant 0 : i32
    %dma_start3A_27 = tpu.memref_slice %arg3[%dma_start3A_25, %dma_start3A_26] : memref<10000x128xf32, #tpu.memory_space<hbm>> -> memref<10000x128xf32, #tpu.memory_space<hbm>>
    %dma_start3A_28 = tpu.memref_slice %arg13[%dma_start3A_17] : memref<2x!tpu.dma_semaphore, #tpu.memory_space<semaphore_mem>> -> memref<1x!tpu.dma_semaphore, #tpu.memory_space<semaphore_mem>>
    %dma_start3A_29 = tpu.memref_squeeze %dma_start3A_28 : memref<1x!tpu.dma_semaphore, #tpu.memory_space<semaphore_mem>> -> memref<!tpu.dma_semaphore, #tpu.memory_space<semaphore_mem>>
    tpu.enqueue_indirect_dma source(%dma_start3A_27 : memref<10000x128xf32, #tpu.memory_space<hbm>>) target(%dma_start3A_21 : memref<80x128xf32, #tpu.memory_space<vmem>>) offsets(%dma_start3A_24 : memref<80xi32, #tpu.memory_space<vmem>>) semaphore(%dma_start3A_29 : memref<!tpu.dma_semaphore, #tpu.memory_space<semaphore_mem>>)
    %dma_start3A_30 = arith.constant 1 : i32
    %dma_start3A_31 = arith.constant 1 : i32
    %dma_start3A_32 = arith.constant 1 : i32
    %dma_start3A_33 = arith.constant 0 : i32
    %dma_start3A_34 = arith.constant 0 : i32
    %dma_start3A_35 = tpu.memref_slice %arg9[%dma_start3A_31, %dma_start3A_33, %dma_start3A_34] : memref<2x80x128xf32, #tpu.memory_space<vmem>> -> memref<1x80x128xf32, #tpu.memory_space<vmem>>
    %dma_start3A_36 = tpu.memref_squeeze %dma_start3A_35 : memref<1x80x128xf32, #tpu.memory_space<vmem>> -> memref<80x128xf32, #tpu.memory_space<vmem>>
    %dma_start3A_37 = arith.constant 0 : i32
    %dma_start3A_38 = tpu.memref_slice %arg7[%dma_start3A_30, %dma_start3A_37] : memref<61x80xi32, #tpu.memory_space<vmem>> -> memref<1x80xi32, #tpu.memory_space<vmem>>
    %dma_start3A_39 = tpu.memref_squeeze %dma_start3A_38 : memref<1x80xi32, #tpu.memory_space<vmem>> -> memref<80xi32, #tpu.memory_space<vmem>>
    %dma_start3A_40 = arith.constant 0 : i32
    %dma_start3A_41 = arith.constant 0 : i32
    %dma_start3A_42 = tpu.memref_slice %arg2[%dma_start3A_40, %dma_start3A_41] : memref<10000x128xf32, #tpu.memory_space<hbm>> -> memref<10000x128xf32, #tpu.memory_space<hbm>>
    %dma_start3A_43 = tpu.memref_slice %arg12[%dma_start3A_32] : memref<2x!tpu.dma_semaphore, #tpu.memory_space<semaphore_mem>> -> memref<1x!tpu.dma_semaphore, #tpu.memory_space<semaphore_mem>>
    %dma_start3A_44 = tpu.memref_squeeze %dma_start3A_43 : memref<1x!tpu.dma_semaphore, #tpu.memory_space<semaphore_mem>> -> memref<!tpu.dma_semaphore, #tpu.memory_space<semaphore_mem>>
    tpu.enqueue_indirect_dma source(%dma_start3A_42 : memref<10000x128xf32, #tpu.memory_space<hbm>>) target(%dma_start3A_36 : memref<80x128xf32, #tpu.memory_space<vmem>>) offsets(%dma_start3A_39 : memref<80xi32, #tpu.memory_space<vmem>>) semaphore(%dma_start3A_44 : memref<!tpu.dma_semaphore, #tpu.memory_space<semaphore_mem>>)
    %dma_start3A_45 = arith.constant 1 : i32
    %dma_start3A_46 = arith.constant 1 : i32
    %dma_start3A_47 = arith.constant 1 : i32
    %dma_start3A_48 = arith.constant 0 : i32
    %dma_start3A_49 = arith.constant 0 : i32
    %dma_start3A_50 = tpu.memref_slice %arg10[%dma_start3A_46, %dma_start3A_48, %dma_start3A_49] : memref<2x80x128xf32, #tpu.memory_space<vmem>> -> memref<1x80x128xf32, #tpu.memory_space<vmem>>
    %dma_start3A_51 = tpu.memref_squeeze %dma_start3A_50 : memref<1x80x128xf32, #tpu.memory_space<vmem>> -> memref<80x128xf32, #tpu.memory_space<vmem>>
    %dma_start3A_52 = arith.constant 0 : i32
    %dma_start3A_53 = tpu.memref_slice %arg8[%dma_start3A_45, %dma_start3A_52] : memref<61x80xi32, #tpu.memory_space<vmem>> -> memref<1x80xi32, #tpu.memory_space<vmem>>
    %dma_start3A_54 = tpu.memref_squeeze %dma_start3A_53 : memref<1x80xi32, #tpu.memory_space<vmem>> -> memref<80xi32, #tpu.memory_space<vmem>>
    %dma_start3A_55 = arith.constant 0 : i32
    %dma_start3A_56 = arith.constant 0 : i32
    %dma_start3A_57 = tpu.memref_slice %arg3[%dma_start3A_55, %dma_start3A_56] : memref<10000x128xf32, #tpu.memory_space<hbm>> -> memref<10000x128xf32, #tpu.memory_space<hbm>>
    %dma_start3A_58 = tpu.memref_slice %arg13[%dma_start3A_47] : memref<2x!tpu.dma_semaphore, #tpu.memory_space<semaphore_mem>> -> memref<1x!tpu.dma_semaphore, #tpu.memory_space<semaphore_mem>>
    %dma_start3A_59 = tpu.memref_squeeze %dma_start3A_58 : memref<1x!tpu.dma_semaphore, #tpu.memory_space<semaphore_mem>> -> memref<!tpu.dma_semaphore, #tpu.memory_space<semaphore_mem>>
    tpu.enqueue_indirect_dma source(%dma_start3A_57 : memref<10000x128xf32, #tpu.memory_space<hbm>>) target(%dma_start3A_51 : memref<80x128xf32, #tpu.memory_space<vmem>>) offsets(%dma_start3A_54 : memref<80xi32, #tpu.memory_space<vmem>>) semaphore(%dma_start3A_59 : memref<!tpu.dma_semaphore, #tpu.memory_space<semaphore_mem>>)
    %scan3A = arith.constant 0 : i32
    %scan3A_60 = arith.constant 0 : i32
    %scan3A_61 = arith.constant 30 : i32
    %scan3A_62 = arith.addi %scan3A_60, %scan3A_61 : i32
    %scan3A_63 = arith.constant 1 : i32
    scf.for %scan3A_170 = %scan3A_60 to %scan3A_62 step %scan3A_63  : i32 {
      %mul3A_171 = arith.constant 2 : i32
      %mul3A_172 = arith.muli %mul3A_171, %scan3A_170 : i32
      %dma_wait3A_173 = arith.constant 0 : i32
      %dma_wait3A_174 = arith.constant 0 : i32
      %dma_wait3A_175 = arith.constant 0 : i32
      %dma_wait3A_176 = arith.constant 0 : i32
      %dma_wait3A_177 = tpu.memref_slice %arg9[%dma_wait3A_173, %dma_wait3A_175, %dma_wait3A_176] : memref<2x80x128xf32, #tpu.memory_space<vmem>> -> memref<1x80x128xf32, #tpu.memory_space<vmem>>
      %dma_wait3A_178 = tpu.memref_squeeze %dma_wait3A_177 : memref<1x80x128xf32, #tpu.memory_space<vmem>> -> memref<80x128xf32, #tpu.memory_space<vmem>>
      %dma_wait3A_179 = arith.constant 0 : i32
      %dma_wait3A_180 = tpu.memref_slice %arg7[%mul3A_172, %dma_wait3A_179] : memref<61x80xi32, #tpu.memory_space<vmem>> -> memref<1x80xi32, #tpu.memory_space<vmem>>
      %dma_wait3A_181 = tpu.memref_squeeze %dma_wait3A_180 : memref<1x80xi32, #tpu.memory_space<vmem>> -> memref<80xi32, #tpu.memory_space<vmem>>
      %dma_wait3A_182 = arith.constant 0 : i32
      %dma_wait3A_183 = arith.constant 0 : i32
      %dma_wait3A_184 = tpu.memref_slice %arg2[%dma_wait3A_182, %dma_wait3A_183] : memref<10000x128xf32, #tpu.memory_space<hbm>> -> memref<10000x128xf32, #tpu.memory_space<hbm>>
      %dma_wait3A_185 = tpu.memref_slice %arg12[%dma_wait3A_174] : memref<2x!tpu.dma_semaphore, #tpu.memory_space<semaphore_mem>> -> memref<1x!tpu.dma_semaphore, #tpu.memory_space<semaphore_mem>>
      %dma_wait3A_186 = tpu.memref_squeeze %dma_wait3A_185 : memref<1x!tpu.dma_semaphore, #tpu.memory_space<semaphore_mem>> -> memref<!tpu.dma_semaphore, #tpu.memory_space<semaphore_mem>>
      tpu.wait_indirect_dma semaphore(%dma_wait3A_186 : memref<!tpu.dma_semaphore, #tpu.memory_space<semaphore_mem>>) src(%dma_wait3A_184 : memref<10000x128xf32, #tpu.memory_space<hbm>>) dst(%dma_wait3A_178 : memref<80x128xf32, #tpu.memory_space<vmem>>)
      %dma_wait3A_187 = arith.constant 0 : i32
      %dma_wait3A_188 = arith.constant 0 : i32
      %dma_wait3A_189 = arith.constant 0 : i32
      %dma_wait3A_190 = arith.constant 0 : i32
      %dma_wait3A_191 = tpu.memref_slice %arg10[%dma_wait3A_187, %dma_wait3A_189, %dma_wait3A_190] : memref<2x80x128xf32, #tpu.memory_space<vmem>> -> memref<1x80x128xf32, #tpu.memory_space<vmem>>
      %dma_wait3A_192 = tpu.memref_squeeze %dma_wait3A_191 : memref<1x80x128xf32, #tpu.memory_space<vmem>> -> memref<80x128xf32, #tpu.memory_space<vmem>>
      %dma_wait3A_193 = arith.constant 0 : i32
      %dma_wait3A_194 = tpu.memref_slice %arg8[%mul3A_172, %dma_wait3A_193] : memref<61x80xi32, #tpu.memory_space<vmem>> -> memref<1x80xi32, #tpu.memory_space<vmem>>
      %dma_wait3A_195 = tpu.memref_squeeze %dma_wait3A_194 : memref<1x80xi32, #tpu.memory_space<vmem>> -> memref<80xi32, #tpu.memory_space<vmem>>
      %dma_wait3A_196 = arith.constant 0 : i32
      %dma_wait3A_197 = arith.constant 0 : i32
      %dma_wait3A_198 = tpu.memref_slice %arg3[%dma_wait3A_196, %dma_wait3A_197] : memref<10000x128xf32, #tpu.memory_space<hbm>> -> memref<10000x128xf32, #tpu.memory_space<hbm>>
      %dma_wait3A_199 = tpu.memref_slice %arg13[%dma_wait3A_188] : memref<2x!tpu.dma_semaphore, #tpu.memory_space<semaphore_mem>> -> memref<1x!tpu.dma_semaphore, #tpu.memory_space<semaphore_mem>>
      %dma_wait3A_200 = tpu.memref_squeeze %dma_wait3A_199 : memref<1x!tpu.dma_semaphore, #tpu.memory_space<semaphore_mem>> -> memref<!tpu.dma_semaphore, #tpu.memory_space<semaphore_mem>>
      tpu.wait_indirect_dma semaphore(%dma_wait3A_200 : memref<!tpu.dma_semaphore, #tpu.memory_space<semaphore_mem>>) src(%dma_wait3A_198 : memref<10000x128xf32, #tpu.memory_space<hbm>>) dst(%dma_wait3A_192 : memref<80x128xf32, #tpu.memory_space<vmem>>)
      %ge3A = arith.constant 2 : i32
      %ge3A_201 = arith.cmpi sge, %mul3A_172, %ge3A : i32
      %convert_element_type3A = arith.extui %ge3A_201 : i1 to i32
      %cond3A = arith.constant 0 : i32
      %cond3A_202 = arith.cmpi ne, %convert_element_type3A, %cond3A : i32
      scf.if %cond3A_202 {
        %dma_wait3A_301 = arith.constant 0 : i32
        %dma_wait3A_302 = arith.constant 0 : i32
        %dma_wait3A_303 = arith.constant 0 : i32
        %dma_wait3A_304 = arith.constant 0 : i32
        %dma_wait3A_305 = tpu.memref_slice %arg11[%dma_wait3A_301, %dma_wait3A_303, %dma_wait3A_304] : memref<2x80x128xf32, #tpu.memory_space<vmem>> -> memref<1x80x128xf32, #tpu.memory_space<vmem>>
        %dma_wait3A_306 = tpu.memref_squeeze %dma_wait3A_305 : memref<1x80x128xf32, #tpu.memory_space<vmem>> -> memref<80x128xf32, #tpu.memory_space<vmem>>
        %dma_wait3A_307 = arith.constant 0 : i32
        %dma_wait3A_308 = arith.constant 0 : i32
        %dma_wait3A_309 = tpu.memref_slice %arg6[%dma_wait3A_307, %dma_wait3A_308] : memref<156160x128xf32, #tpu.memory_space<hbm>> -> memref<80x128xf32, #tpu.memory_space<hbm>>
        %dma_wait3A_310 = tpu.memref_slice %arg14[%dma_wait3A_302] : memref<2x!tpu.dma_semaphore, #tpu.memory_space<semaphore_mem>> -> memref<1x!tpu.dma_semaphore, #tpu.memory_space<semaphore_mem>>
        %dma_wait3A_311 = tpu.memref_squeeze %dma_wait3A_310 : memref<1x!tpu.dma_semaphore, #tpu.memory_space<semaphore_mem>> -> memref<!tpu.dma_semaphore, #tpu.memory_space<semaphore_mem>>
        %dma_wait3A_312 = arith.constant 0 : i32
        %dma_wait3A_313 = arith.constant 0 : i32
        %dma_wait3A_314 = tpu.memref_slice %arg6[%dma_wait3A_312, %dma_wait3A_313] : memref<156160x128xf32, #tpu.memory_space<hbm>> -> memref<80x128xf32, #tpu.memory_space<hbm>>
        %dma_wait3A_315 = arith.constant 0 : i32
        %dma_wait3A_316 = arith.constant 0 : i32
        %dma_wait3A_317 = tpu.memref_slice %arg11[%dma_wait3A_301, %dma_wait3A_315, %dma_wait3A_316] : memref<2x80x128xf32, #tpu.memory_space<vmem>> -> memref<1x80x128xf32, #tpu.memory_space<vmem>>
        %dma_wait3A_318 = tpu.memref_squeeze %dma_wait3A_317 : memref<1x80x128xf32, #tpu.memory_space<vmem>> -> memref<80x128xf32, #tpu.memory_space<vmem>>
        tpu.wait_dma2 semaphore(%dma_wait3A_311 : memref<!tpu.dma_semaphore, #tpu.memory_space<semaphore_mem>>) src(%dma_wait3A_318 : memref<80x128xf32, #tpu.memory_space<vmem>>) dst(%dma_wait3A_314 : memref<80x128xf32, #tpu.memory_space<hbm>>)
      } else {
      }
      %parallel_loop3A_203 = arith.constant 0 : i32
      %parallel_loop3A_204 = arith.constant 80 : i32
      %parallel_loop3A_205 = arith.constant 1 : i32
      scf.for %parallel_loop3A_301 = %parallel_loop3A_203 to %parallel_loop3A_204 step %parallel_loop3A_205  : i32 {
        %parallel_loop3A_302 = arith.constant 0 : i32
        %parallel_loop3A_303 = arith.index_cast %parallel_loop3A_302 : i32 to index
        %parallel_loop3A_304 = arith.index_cast %parallel_loop3A_301 : i32 to index
        %parallel_loop3A_305 = arith.constant 0 : index
        %parallel_loop3A_306 = tpu.vector_load %arg9[%parallel_loop3A_303, %parallel_loop3A_304, %parallel_loop3A_305] {strides = array<i32>} : memref<2x80x128xf32, #tpu.memory_space<vmem>>, vector<1x1x16xf32>,
        %parallel_loop3A_307 = vector.shape_cast %parallel_loop3A_306 : vector<1x1x16xf32> to vector<16xf32>
        %parallel_loop3A_308 = arith.constant 0 : i32
        %parallel_loop3A_309 = arith.index_cast %parallel_loop3A_308 : i32 to index
        %parallel_loop3A_310 = arith.index_cast %parallel_loop3A_301 : i32 to index
        %parallel_loop3A_311 = arith.constant 0 : index
        %parallel_loop3A_312 = tpu.vector_load %arg10[%parallel_loop3A_309, %parallel_loop3A_310, %parallel_loop3A_311] {strides = array<i32>} : memref<2x80x128xf32, #tpu.memory_space<vmem>>, vector<1x1x16xf32>,
        %parallel_loop3A_313 = vector.shape_cast %parallel_loop3A_312 : vector<1x1x16xf32> to vector<16xf32>
        %parallel_loop3A_314 = arith.addf %parallel_loop3A_307, %parallel_loop3A_313 : vector<16xf32>
        %parallel_loop3A_315 = arith.constant 0 : i32
        %parallel_loop3A_316 = arith.index_cast %parallel_loop3A_315 : i32 to index
        %parallel_loop3A_317 = arith.index_cast %parallel_loop3A_301 : i32 to index
        %parallel_loop3A_318 = arith.constant 0 : index
        %parallel_loop3A_319 = tpu.vector_load %arg11[%parallel_loop3A_316, %parallel_loop3A_317, %parallel_loop3A_318] {strides = array<i32>} : memref<2x80x128xf32, #tpu.memory_space<vmem>>, vector<1x1x16xf32>,
        %parallel_loop3A_320 = vector.shape_cast %parallel_loop3A_319 : vector<1x1x16xf32> to vector<16xf32>
        %parallel_loop3A_321 = vector.shape_cast %parallel_loop3A_314 : vector<16xf32> to vector<1x1x16xf32>
        tpu.vector_store %arg11[%parallel_loop3A_316, %parallel_loop3A_317, %parallel_loop3A_318], %parallel_loop3A_321 {strides = array<i32>} : memref<2x80x128xf32, #tpu.memory_space<vmem>>, vector<1x1x16xf32>,
        %parallel_loop3A_322 = arith.constant 0 : i32
        %parallel_loop3A_323 = arith.index_cast %parallel_loop3A_322 : i32 to index
        %parallel_loop3A_324 = arith.index_cast %parallel_loop3A_301 : i32 to index
        %parallel_loop3A_325 = arith.constant 16 : index
        %parallel_loop3A_326 = tpu.vector_load %arg9[%parallel_loop3A_323, %parallel_loop3A_324, %parallel_loop3A_325] {strides = array<i32>} : memref<2x80x128xf32, #tpu.memory_space<vmem>>, vector<1x1x16xf32>,
        %parallel_loop3A_327 = vector.shape_cast %parallel_loop3A_326 : vector<1x1x16xf32> to vector<16xf32>
        %parallel_loop3A_328 = arith.constant 0 : i32
        %parallel_loop3A_329 = arith.index_cast %parallel_loop3A_328 : i32 to index
        %parallel_loop3A_330 = arith.index_cast %parallel_loop3A_301 : i32 to index
        %parallel_loop3A_331 = arith.constant 16 : index
        %parallel_loop3A_332 = tpu.vector_load %arg10[%parallel_loop3A_329, %parallel_loop3A_330, %parallel_loop3A_331] {strides = array<i32>} : memref<2x80x128xf32, #tpu.memory_space<vmem>>, vector<1x1x16xf32>,
        %parallel_loop3A_333 = vector.shape_cast %parallel_loop3A_332 : vector<1x1x16xf32> to vector<16xf32>
        %parallel_loop3A_334 = arith.addf %parallel_loop3A_327, %parallel_loop3A_333 : vector<16xf32>
        %parallel_loop3A_335 = arith.constant 0 : i32
        %parallel_loop3A_336 = arith.index_cast %parallel_loop3A_335 : i32 to index
        %parallel_loop3A_337 = arith.index_cast %parallel_loop3A_301 : i32 to index
        %parallel_loop3A_338 = arith.constant 16 : index
        %parallel_loop3A_339 = tpu.vector_load %arg11[%parallel_loop3A_336, %parallel_loop3A_337, %parallel_loop3A_338] {strides = array<i32>} : memref<2x80x128xf32, #tpu.memory_space<vmem>>, vector<1x1x16xf32>,
        %parallel_loop3A_340 = vector.shape_cast %parallel_loop3A_339 : vector<1x1x16xf32> to vector<16xf32>
        %parallel_loop3A_341 = vector.shape_cast %parallel_loop3A_334 : vector<16xf32> to vector<1x1x16xf32>
        tpu.vector_store %arg11[%parallel_loop3A_336, %parallel_loop3A_337, %parallel_loop3A_338], %parallel_loop3A_341 {strides = array<i32>} : memref<2x80x128xf32, #tpu.memory_space<vmem>>, vector<1x1x16xf32>,
        %parallel_loop3A_342 = arith.constant 0 : i32
        %parallel_loop3A_343 = arith.index_cast %parallel_loop3A_342 : i32 to index
        %parallel_loop3A_344 = arith.index_cast %parallel_loop3A_301 : i32 to index
        %parallel_loop3A_345 = arith.constant 32 : index
        %parallel_loop3A_346 = tpu.vector_load %arg9[%parallel_loop3A_343, %parallel_loop3A_344, %parallel_loop3A_345] {strides = array<i32>} : memref<2x80x128xf32, #tpu.memory_space<vmem>>, vector<1x1x16xf32>,
        %parallel_loop3A_347 = vector.shape_cast %parallel_loop3A_346 : vector<1x1x16xf32> to vector<16xf32>
        %parallel_loop3A_348 = arith.constant 0 : i32
        %parallel_loop3A_349 = arith.index_cast %parallel_loop3A_348 : i32 to index
        %parallel_loop3A_350 = arith.index_cast %parallel_loop3A_301 : i32 to index
        %parallel_loop3A_351 = arith.constant 32 : index
        %parallel_loop3A_352 = tpu.vector_load %arg10[%parallel_loop3A_349, %parallel_loop3A_350, %parallel_loop3A_351] {strides = array<i32>} : memref<2x80x128xf32, #tpu.memory_space<vmem>>, vector<1x1x16xf32>,
        %parallel_loop3A_353 = vector.shape_cast %parallel_loop3A_352 : vector<1x1x16xf32> to vector<16xf32>
        %parallel_loop3A_354 = arith.addf %parallel_loop3A_347, %parallel_loop3A_353 : vector<16xf32>
        %parallel_loop3A_355 = arith.constant 0 : i32
        %parallel_loop3A_356 = arith.index_cast %parallel_loop3A_355 : i32 to index
        %parallel_loop3A_357 = arith.index_cast %parallel_loop3A_301 : i32 to index
        %parallel_loop3A_358 = arith.constant 32 : index
        %parallel_loop3A_359 = tpu.vector_load %arg11[%parallel_loop3A_356, %parallel_loop3A_357, %parallel_loop3A_358] {strides = array<i32>} : memref<2x80x128xf32, #tpu.memory_space<vmem>>, vector<1x1x16xf32>,
        %parallel_loop3A_360 = vector.shape_cast %parallel_loop3A_359 : vector<1x1x16xf32> to vector<16xf32>
        %parallel_loop3A_361 = vector.shape_cast %parallel_loop3A_354 : vector<16xf32> to vector<1x1x16xf32>
        tpu.vector_store %arg11[%parallel_loop3A_356, %parallel_loop3A_357, %parallel_loop3A_358], %parallel_loop3A_361 {strides = array<i32>} : memref<2x80x128xf32, #tpu.memory_space<vmem>>, vector<1x1x16xf32>,
        %parallel_loop3A_362 = arith.constant 0 : i32
        %parallel_loop3A_363 = arith.index_cast %parallel_loop3A_362 : i32 to index
        %parallel_loop3A_364 = arith.index_cast %parallel_loop3A_301 : i32 to index
        %parallel_loop3A_365 = arith.constant 48 : index
        %parallel_loop3A_366 = tpu.vector_load %arg9[%parallel_loop3A_363, %parallel_loop3A_364, %parallel_loop3A_365] {strides = array<i32>} : memref<2x80x128xf32, #tpu.memory_space<vmem>>, vector<1x1x16xf32>,
        %parallel_loop3A_367 = vector.shape_cast %parallel_loop3A_366 : vector<1x1x16xf32> to vector<16xf32>
        %parallel_loop3A_368 = arith.constant 0 : i32
        %parallel_loop3A_369 = arith.index_cast %parallel_loop3A_368 : i32 to index
        %parallel_loop3A_370 = arith.index_cast %parallel_loop3A_301 : i32 to index
        %parallel_loop3A_371 = arith.constant 48 : index
        %parallel_loop3A_372 = tpu.vector_load %arg10[%parallel_loop3A_369, %parallel_loop3A_370, %parallel_loop3A_371] {strides = array<i32>} : memref<2x80x128xf32, #tpu.memory_space<vmem>>, vector<1x1x16xf32>,
        %parallel_loop3A_373 = vector.shape_cast %parallel_loop3A_372 : vector<1x1x16xf32> to vector<16xf32>
        %parallel_loop3A_374 = arith.addf %parallel_loop3A_367, %parallel_loop3A_373 : vector<16xf32>
        %parallel_loop3A_375 = arith.constant 0 : i32
        %parallel_loop3A_376 = arith.index_cast %parallel_loop3A_375 : i32 to index
        %parallel_loop3A_377 = arith.index_cast %parallel_loop3A_301 : i32 to index
        %parallel_loop3A_378 = arith.constant 48 : index
        %parallel_loop3A_379 = tpu.vector_load %arg11[%parallel_loop3A_376, %parallel_loop3A_377, %parallel_loop3A_378] {strides = array<i32>} : memref<2x80x128xf32, #tpu.memory_space<vmem>>, vector<1x1x16xf32>,
        %parallel_loop3A_380 = vector.shape_cast %parallel_loop3A_379 : vector<1x1x16xf32> to vector<16xf32>
        %parallel_loop3A_381 = vector.shape_cast %parallel_loop3A_374 : vector<16xf32> to vector<1x1x16xf32>
        tpu.vector_store %arg11[%parallel_loop3A_376, %parallel_loop3A_377, %parallel_loop3A_378], %parallel_loop3A_381 {strides = array<i32>} : memref<2x80x128xf32, #tpu.memory_space<vmem>>, vector<1x1x16xf32>,
        %parallel_loop3A_382 = arith.constant 0 : i32
        %parallel_loop3A_383 = arith.index_cast %parallel_loop3A_382 : i32 to index
        %parallel_loop3A_384 = arith.index_cast %parallel_loop3A_301 : i32 to index
        %parallel_loop3A_385 = arith.constant 64 : index
        %parallel_loop3A_386 = tpu.vector_load %arg9[%parallel_loop3A_383, %parallel_loop3A_384, %parallel_loop3A_385] {strides = array<i32>} : memref<2x80x128xf32, #tpu.memory_space<vmem>>, vector<1x1x16xf32>,
        %parallel_loop3A_387 = vector.shape_cast %parallel_loop3A_386 : vector<1x1x16xf32> to vector<16xf32>
        %parallel_loop3A_388 = arith.constant 0 : i32
        %parallel_loop3A_389 = arith.index_cast %parallel_loop3A_388 : i32 to index
        %parallel_loop3A_390 = arith.index_cast %parallel_loop3A_301 : i32 to index
        %parallel_loop3A_391 = arith.constant 64 : index
        %parallel_loop3A_392 = tpu.vector_load %arg10[%parallel_loop3A_389, %parallel_loop3A_390, %parallel_loop3A_391] {strides = array<i32>} : memref<2x80x128xf32, #tpu.memory_space<vmem>>, vector<1x1x16xf32>,
        %parallel_loop3A_393 = vector.shape_cast %parallel_loop3A_392 : vector<1x1x16xf32> to vector<16xf32>
        %parallel_loop3A_394 = arith.addf %parallel_loop3A_387, %parallel_loop3A_393 : vector<16xf32>
        %parallel_loop3A_395 = arith.constant 0 : i32
        %parallel_loop3A_396 = arith.index_cast %parallel_loop3A_395 : i32 to index
        %parallel_loop3A_397 = arith.index_cast %parallel_loop3A_301 : i32 to index
        %parallel_loop3A_398 = arith.constant 64 : index
        %parallel_loop3A_399 = tpu.vector_load %arg11[%parallel_loop3A_396, %parallel_loop3A_397, %parallel_loop3A_398] {strides = array<i32>} : memref<2x80x128xf32, #tpu.memory_space<vmem>>, vector<1x1x16xf32>,
        %parallel_loop3A_400 = vector.shape_cast %parallel_loop3A_399 : vector<1x1x16xf32> to vector<16xf32>
        %parallel_loop3A_401 = vector.shape_cast %parallel_loop3A_394 : vector<16xf32> to vector<1x1x16xf32>
        tpu.vector_store %arg11[%parallel_loop3A_396, %parallel_loop3A_397, %parallel_loop3A_398], %parallel_loop3A_401 {strides = array<i32>} : memref<2x80x128xf32, #tpu.memory_space<vmem>>, vector<1x1x16xf32>,
        %parallel_loop3A_402 = arith.constant 0 : i32
        %parallel_loop3A_403 = arith.index_cast %parallel_loop3A_402 : i32 to index
        %parallel_loop3A_404 = arith.index_cast %parallel_loop3A_301 : i32 to index
        %parallel_loop3A_405 = arith.constant 80 : index
        %parallel_loop3A_406 = tpu.vector_load %arg9[%parallel_loop3A_403, %parallel_loop3A_404, %parallel_loop3A_405] {strides = array<i32>} : memref<2x80x128xf32, #tpu.memory_space<vmem>>, vector<1x1x16xf32>,
        %parallel_loop3A_407 = vector.shape_cast %parallel_loop3A_406 : vector<1x1x16xf32> to vector<16xf32>
        %parallel_loop3A_408 = arith.constant 0 : i32
        %parallel_loop3A_409 = arith.index_cast %parallel_loop3A_408 : i32 to index
        %parallel_loop3A_410 = arith.index_cast %parallel_loop3A_301 : i32 to index
        %parallel_loop3A_411 = arith.constant 80 : index
        %parallel_loop3A_412 = tpu.vector_load %arg10[%parallel_loop3A_409, %parallel_loop3A_410, %parallel_loop3A_411] {strides = array<i32>} : memref<2x80x128xf32, #tpu.memory_space<vmem>>, vector<1x1x16xf32>,
        %parallel_loop3A_413 = vector.shape_cast %parallel_loop3A_412 : vector<1x1x16xf32> to vector<16xf32>
        %parallel_loop3A_414 = arith.addf %parallel_loop3A_407, %parallel_loop3A_413 : vector<16xf32>
        %parallel_loop3A_415 = arith.constant 0 : i32
        %parallel_loop3A_416 = arith.index_cast %parallel_loop3A_415 : i32 to index
        %parallel_loop3A_417 = arith.index_cast %parallel_loop3A_301 : i32 to index
        %parallel_loop3A_418 = arith.constant 80 : index
        %parallel_loop3A_419 = tpu.vector_load %arg11[%parallel_loop3A_416, %parallel_loop3A_417, %parallel_loop3A_418] {strides = array<i32>} : memref<2x80x128xf32, #tpu.memory_space<vmem>>, vector<1x1x16xf32>,
        %parallel_loop3A_420 = vector.shape_cast %parallel_loop3A_419 : vector<1x1x16xf32> to vector<16xf32>
        %parallel_loop3A_421 = vector.shape_cast %parallel_loop3A_414 : vector<16xf32> to vector<1x1x16xf32>
        tpu.vector_store %arg11[%parallel_loop3A_416, %parallel_loop3A_417, %parallel_loop3A_418], %parallel_loop3A_421 {strides = array<i32>} : memref<2x80x128xf32, #tpu.memory_space<vmem>>, vector<1x1x16xf32>,
        %parallel_loop3A_422 = arith.constant 0 : i32
        %parallel_loop3A_423 = arith.index_cast %parallel_loop3A_422 : i32 to index
        %parallel_loop3A_424 = arith.index_cast %parallel_loop3A_301 : i32 to index
        %parallel_loop3A_425 = arith.constant 96 : index
        %parallel_loop3A_426 = tpu.vector_load %arg9[%parallel_loop3A_423, %parallel_loop3A_424, %parallel_loop3A_425] {strides = array<i32>} : memref<2x80x128xf32, #tpu.memory_space<vmem>>, vector<1x1x16xf32>,
        %parallel_loop3A_427 = vector.shape_cast %parallel_loop3A_426 : vector<1x1x16xf32> to vector<16xf32>
        %parallel_loop3A_428 = arith.constant 0 : i32
        %parallel_loop3A_429 = arith.index_cast %parallel_loop3A_428 : i32 to index
        %parallel_loop3A_430 = arith.index_cast %parallel_loop3A_301 : i32 to index
        %parallel_loop3A_431 = arith.constant 96 : index
        %parallel_loop3A_432 = tpu.vector_load %arg10[%parallel_loop3A_429, %parallel_loop3A_430, %parallel_loop3A_431] {strides = array<i32>} : memref<2x80x128xf32, #tpu.memory_space<vmem>>, vector<1x1x16xf32>,
        %parallel_loop3A_433 = vector.shape_cast %parallel_loop3A_432 : vector<1x1x16xf32> to vector<16xf32>
        %parallel_loop3A_434 = arith.addf %parallel_loop3A_427, %parallel_loop3A_433 : vector<16xf32>
        %parallel_loop3A_435 = arith.constant 0 : i32
        %parallel_loop3A_436 = arith.index_cast %parallel_loop3A_435 : i32 to index
        %parallel_loop3A_437 = arith.index_cast %parallel_loop3A_301 : i32 to index
        %parallel_loop3A_438 = arith.constant 96 : index
        %parallel_loop3A_439 = tpu.vector_load %arg11[%parallel_loop3A_436, %parallel_loop3A_437, %parallel_loop3A_438] {strides = array<i32>} : memref<2x80x128xf32, #tpu.memory_space<vmem>>, vector<1x1x16xf32>,
        %parallel_loop3A_440 = vector.shape_cast %parallel_loop3A_439 : vector<1x1x16xf32> to vector<16xf32>
        %parallel_loop3A_441 = vector.shape_cast %parallel_loop3A_434 : vector<16xf32> to vector<1x1x16xf32>
        tpu.vector_store %arg11[%parallel_loop3A_436, %parallel_loop3A_437, %parallel_loop3A_438], %parallel_loop3A_441 {strides = array<i32>} : memref<2x80x128xf32, #tpu.memory_space<vmem>>, vector<1x1x16xf32>,
        %parallel_loop3A_442 = arith.constant 0 : i32
        %parallel_loop3A_443 = arith.index_cast %parallel_loop3A_442 : i32 to index
        %parallel_loop3A_444 = arith.index_cast %parallel_loop3A_301 : i32 to index
        %parallel_loop3A_445 = arith.constant 112 : index
        %parallel_loop3A_446 = tpu.vector_load %arg9[%parallel_loop3A_443, %parallel_loop3A_444, %parallel_loop3A_445] {strides = array<i32>} : memref<2x80x128xf32, #tpu.memory_space<vmem>>, vector<1x1x16xf32>,
        %parallel_loop3A_447 = vector.shape_cast %parallel_loop3A_446 : vector<1x1x16xf32> to vector<16xf32>
        %parallel_loop3A_448 = arith.constant 0 : i32
        %parallel_loop3A_449 = arith.index_cast %parallel_loop3A_448 : i32 to index
        %parallel_loop3A_450 = arith.index_cast %parallel_loop3A_301 : i32 to index
        %parallel_loop3A_451 = arith.constant 112 : index
        %parallel_loop3A_452 = tpu.vector_load %arg10[%parallel_loop3A_449, %parallel_loop3A_450, %parallel_loop3A_451] {strides = array<i32>} : memref<2x80x128xf32, #tpu.memory_space<vmem>>, vector<1x1x16xf32>,
        %parallel_loop3A_453 = vector.shape_cast %parallel_loop3A_452 : vector<1x1x16xf32> to vector<16xf32>
        %parallel_loop3A_454 = arith.addf %parallel_loop3A_447, %parallel_loop3A_453 : vector<16xf32>
        %parallel_loop3A_455 = arith.constant 0 : i32
        %parallel_loop3A_456 = arith.index_cast %parallel_loop3A_455 : i32 to index
        %parallel_loop3A_457 = arith.index_cast %parallel_loop3A_301 : i32 to index
        %parallel_loop3A_458 = arith.constant 112 : index
        %parallel_loop3A_459 = tpu.vector_load %arg11[%parallel_loop3A_456, %parallel_loop3A_457, %parallel_loop3A_458] {strides = array<i32>} : memref<2x80x128xf32, #tpu.memory_space<vmem>>, vector<1x1x16xf32>,
        %parallel_loop3A_460 = vector.shape_cast %parallel_loop3A_459 : vector<1x1x16xf32> to vector<16xf32>
        %parallel_loop3A_461 = vector.shape_cast %parallel_loop3A_454 : vector<16xf32> to vector<1x1x16xf32>
        tpu.vector_store %arg11[%parallel_loop3A_456, %parallel_loop3A_457, %parallel_loop3A_458], %parallel_loop3A_461 {strides = array<i32>} : memref<2x80x128xf32, #tpu.memory_space<vmem>>, vector<1x1x16xf32>,
      } {sc.loop_unroll_factor = 1 : i64, sc.parallel_access}
      %add3A_206 = arith.constant 2 : i32
      %add3A_207 = arith.addi %mul3A_172, %add3A_206 : i32
      %lt3A = arith.constant 61 : i32
      %lt3A_208 = arith.cmpi slt, %add3A_207, %lt3A : i32
      %convert_element_type3A_209 = arith.extui %lt3A_208 : i1 to i32
      %cond3A_210 = arith.constant 0 : i32
      %cond3A_211 = arith.cmpi ne, %convert_element_type3A_209, %cond3A_210 : i32
      scf.if %cond3A_211 {
        %add3A_301 = arith.constant 2 : i32
        %add3A_302 = arith.addi %mul3A_172, %add3A_301 : i32
        %dma_start3A_303 = arith.constant 0 : i32
        %dma_start3A_304 = arith.constant 0 : i32
        %dma_start3A_305 = arith.constant 0 : i32
        %dma_start3A_306 = arith.constant 0 : i32
        %dma_start3A_307 = tpu.memref_slice %arg9[%dma_start3A_303, %dma_start3A_305, %dma_start3A_306] : memref<2x80x128xf32, #tpu.memory_space<vmem>> -> memref<1x80x128xf32, #tpu.memory_space<vmem>>
        %dma_start3A_308 = tpu.memref_squeeze %dma_start3A_307 : memref<1x80x128xf32, #tpu.memory_space<vmem>> -> memref<80x128xf32, #tpu.memory_space<vmem>>
        %dma_start3A_309 = arith.constant 0 : i32
        %dma_start3A_310 = tpu.memref_slice %arg7[%add3A_302, %dma_start3A_309] : memref<61x80xi32, #tpu.memory_space<vmem>> -> memref<1x80xi32, #tpu.memory_space<vmem>>
        %dma_start3A_311 = tpu.memref_squeeze %dma_start3A_310 : memref<1x80xi32, #tpu.memory_space<vmem>> -> memref<80xi32, #tpu.memory_space<vmem>>
        %dma_start3A_312 = arith.constant 0 : i32
        %dma_start3A_313 = arith.constant 0 : i32
        %dma_start3A_314 = tpu.memref_slice %arg2[%dma_start3A_312, %dma_start3A_313] : memref<10000x128xf32, #tpu.memory_space<hbm>> -> memref<10000x128xf32, #tpu.memory_space<hbm>>
        %dma_start3A_315 = tpu.memref_slice %arg12[%dma_start3A_304] : memref<2x!tpu.dma_semaphore, #tpu.memory_space<semaphore_mem>> -> memref<1x!tpu.dma_semaphore, #tpu.memory_space<semaphore_mem>>
        %dma_start3A_316 = tpu.memref_squeeze %dma_start3A_315 : memref<1x!tpu.dma_semaphore, #tpu.memory_space<semaphore_mem>> -> memref<!tpu.dma_semaphore, #tpu.memory_space<semaphore_mem>>
        tpu.enqueue_indirect_dma source(%dma_start3A_314 : memref<10000x128xf32, #tpu.memory_space<hbm>>) target(%dma_start3A_308 : memref<80x128xf32, #tpu.memory_space<vmem>>) offsets(%dma_start3A_311 : memref<80xi32, #tpu.memory_space<vmem>>) semaphore(%dma_start3A_316 : memref<!tpu.dma_semaphore, #tpu.memory_space<semaphore_mem>>)
        %dma_start3A_317 = arith.constant 0 : i32
        %dma_start3A_318 = arith.constant 0 : i32
        %dma_start3A_319 = arith.constant 0 : i32
        %dma_start3A_320 = arith.constant 0 : i32
        %dma_start3A_321 = tpu.memref_slice %arg10[%dma_start3A_317, %dma_start3A_319, %dma_start3A_320] : memref<2x80x128xf32, #tpu.memory_space<vmem>> -> memref<1x80x128xf32, #tpu.memory_space<vmem>>
        %dma_start3A_322 = tpu.memref_squeeze %dma_start3A_321 : memref<1x80x128xf32, #tpu.memory_space<vmem>> -> memref<80x128xf32, #tpu.memory_space<vmem>>
        %dma_start3A_323 = arith.constant 0 : i32
        %dma_start3A_324 = tpu.memref_slice %arg8[%add3A_302, %dma_start3A_323] : memref<61x80xi32, #tpu.memory_space<vmem>> -> memref<1x80xi32, #tpu.memory_space<vmem>>
        %dma_start3A_325 = tpu.memref_squeeze %dma_start3A_324 : memref<1x80xi32, #tpu.memory_space<vmem>> -> memref<80xi32, #tpu.memory_space<vmem>>
        %dma_start3A_326 = arith.constant 0 : i32
        %dma_start3A_327 = arith.constant 0 : i32
        %dma_start3A_328 = tpu.memref_slice %arg3[%dma_start3A_326, %dma_start3A_327] : memref<10000x128xf32, #tpu.memory_space<hbm>> -> memref<10000x128xf32, #tpu.memory_space<hbm>>
        %dma_start3A_329 = tpu.memref_slice %arg13[%dma_start3A_318] : memref<2x!tpu.dma_semaphore, #tpu.memory_space<semaphore_mem>> -> memref<1x!tpu.dma_semaphore, #tpu.memory_space<semaphore_mem>>
        %dma_start3A_330 = tpu.memref_squeeze %dma_start3A_329 : memref<1x!tpu.dma_semaphore, #tpu.memory_space<semaphore_mem>> -> memref<!tpu.dma_semaphore, #tpu.memory_space<semaphore_mem>>
        tpu.enqueue_indirect_dma source(%dma_start3A_328 : memref<10000x128xf32, #tpu.memory_space<hbm>>) target(%dma_start3A_322 : memref<80x128xf32, #tpu.memory_space<vmem>>) offsets(%dma_start3A_325 : memref<80xi32, #tpu.memory_space<vmem>>) semaphore(%dma_start3A_330 : memref<!tpu.dma_semaphore, #tpu.memory_space<semaphore_mem>>)
      } else {
      }
      %mul3A_212 = arith.constant 4880 : i32
      %mul3A_213 = arith.muli %add3A, %mul3A_212 : i32
      %mul3A_214 = arith.constant 80 : i32
      %mul3A_215 = arith.muli %mul3A_172, %mul3A_214 : i32
      %add3A_216 = arith.addi %mul3A_213, %mul3A_215 : i32
      %dma_start3A_217 = arith.constant 0 : i32
      %dma_start3A_218 = arith.constant 0 : i32
      %dma_start3A_219 = arith.constant 0 : i32
      %dma_start3A_220 = arith.constant 0 : i32
      %dma_start3A_221 = tpu.memref_slice %arg11[%dma_start3A_217, %dma_start3A_219, %dma_start3A_220] : memref<2x80x128xf32, #tpu.memory_space<vmem>> -> memref<1x80x128xf32, #tpu.memory_space<vmem>>
      %dma_start3A_222 = tpu.memref_squeeze %dma_start3A_221 : memref<1x80x128xf32, #tpu.memory_space<vmem>> -> memref<80x128xf32, #tpu.memory_space<vmem>>
      %dma_start3A_223 = arith.constant 0 : i32
      %dma_start3A_224 = tpu.memref_slice %arg6[%add3A_216, %dma_start3A_223] : memref<156160x128xf32, #tpu.memory_space<hbm>> -> memref<80x128xf32, #tpu.memory_space<hbm>>
      %dma_start3A_225 = tpu.memref_slice %arg14[%dma_start3A_218] : memref<2x!tpu.dma_semaphore, #tpu.memory_space<semaphore_mem>> -> memref<1x!tpu.dma_semaphore, #tpu.memory_space<semaphore_mem>>
      %dma_start3A_226 = tpu.memref_squeeze %dma_start3A_225 : memref<1x!tpu.dma_semaphore, #tpu.memory_space<semaphore_mem>> -> memref<!tpu.dma_semaphore, #tpu.memory_space<semaphore_mem>>
      %dma_start3A_227 = arith.constant 0 : i32
      %dma_start3A_228 = tpu.memref_slice %arg6[%add3A_216, %dma_start3A_227] : memref<156160x128xf32, #tpu.memory_space<hbm>> -> memref<80x128xf32, #tpu.memory_space<hbm>>
      %dma_start3A_229 = arith.constant 0 : i32
      %dma_start3A_230 = arith.constant 0 : i32
      %dma_start3A_231 = tpu.memref_slice %arg11[%dma_start3A_217, %dma_start3A_229, %dma_start3A_230] : memref<2x80x128xf32, #tpu.memory_space<vmem>> -> memref<1x80x128xf32, #tpu.memory_space<vmem>>
      %dma_start3A_232 = tpu.memref_squeeze %dma_start3A_231 : memref<1x80x128xf32, #tpu.memory_space<vmem>> -> memref<80x128xf32, #tpu.memory_space<vmem>>
      tpu.enqueue_dma source(%dma_start3A_232 : memref<80x128xf32, #tpu.memory_space<vmem>>) target(%dma_start3A_228 : memref<80x128xf32, #tpu.memory_space<hbm>>) target_semaphore(%dma_start3A_226 : memref<!tpu.dma_semaphore, #tpu.memory_space<semaphore_mem>>)
      %mul3A_233 = arith.constant 2 : i32
      %mul3A_234 = arith.muli %mul3A_233, %scan3A_170 : i32
      %add3A_235 = arith.constant 1 : i32
      %add3A_236 = arith.addi %mul3A_234, %add3A_235 : i32
      %dma_wait3A_237 = arith.constant 1 : i32
      %dma_wait3A_238 = arith.constant 1 : i32
      %dma_wait3A_239 = arith.constant 0 : i32
      %dma_wait3A_240 = arith.constant 0 : i32
      %dma_wait3A_241 = tpu.memref_slice %arg9[%dma_wait3A_237, %dma_wait3A_239, %dma_wait3A_240] : memref<2x80x128xf32, #tpu.memory_space<vmem>> -> memref<1x80x128xf32, #tpu.memory_space<vmem>>
      %dma_wait3A_242 = tpu.memref_squeeze %dma_wait3A_241 : memref<1x80x128xf32, #tpu.memory_space<vmem>> -> memref<80x128xf32, #tpu.memory_space<vmem>>
      %dma_wait3A_243 = arith.constant 0 : i32
      %dma_wait3A_244 = tpu.memref_slice %arg7[%add3A_236, %dma_wait3A_243] : memref<61x80xi32, #tpu.memory_space<vmem>> -> memref<1x80xi32, #tpu.memory_space<vmem>>
      %dma_wait3A_245 = tpu.memref_squeeze %dma_wait3A_244 : memref<1x80xi32, #tpu.memory_space<vmem>> -> memref<80xi32, #tpu.memory_space<vmem>>
      %dma_wait3A_246 = arith.constant 0 : i32
      %dma_wait3A_247 = arith.constant 0 : i32
      %dma_wait3A_248 = tpu.memref_slice %arg2[%dma_wait3A_246, %dma_wait3A_247] : memref<10000x128xf32, #tpu.memory_space<hbm>> -> memref<10000x128xf32, #tpu.memory_space<hbm>>
      %dma_wait3A_249 = tpu.memref_slice %arg12[%dma_wait3A_238] : memref<2x!tpu.dma_semaphore, #tpu.memory_space<semaphore_mem>> -> memref<1x!tpu.dma_semaphore, #tpu.memory_space<semaphore_mem>>
      %dma_wait3A_250 = tpu.memref_squeeze %dma_wait3A_249 : memref<1x!tpu.dma_semaphore, #tpu.memory_space<semaphore_mem>> -> memref<!tpu.dma_semaphore, #tpu.memory_space<semaphore_mem>>
      tpu.wait_indirect_dma semaphore(%dma_wait3A_250 : memref<!tpu.dma_semaphore, #tpu.memory_space<semaphore_mem>>) src(%dma_wait3A_248 : memref<10000x128xf32, #tpu.memory_space<hbm>>) dst(%dma_wait3A_242 : memref<80x128xf32, #tpu.memory_space<vmem>>)
      %dma_wait3A_251 = arith.constant 1 : i32
      %dma_wait3A_252 = arith.constant 1 : i32
      %dma_wait3A_253 = arith.constant 0 : i32
      %dma_wait3A_254 = arith.constant 0 : i32
      %dma_wait3A_255 = tpu.memref_slice %arg10[%dma_wait3A_251, %dma_wait3A_253, %dma_wait3A_254] : memref<2x80x128xf32, #tpu.memory_space<vmem>> -> memref<1x80x128xf32, #tpu.memory_space<vmem>>
      %dma_wait3A_256 = tpu.memref_squeeze %dma_wait3A_255 : memref<1x80x128xf32, #tpu.memory_space<vmem>> -> memref<80x128xf32, #tpu.memory_space<vmem>>
      %dma_wait3A_257 = arith.constant 0 : i32
      %dma_wait3A_258 = tpu.memref_slice %arg8[%add3A_236, %dma_wait3A_257] : memref<61x80xi32, #tpu.memory_space<vmem>> -> memref<1x80xi32, #tpu.memory_space<vmem>>
      %dma_wait3A_259 = tpu.memref_squeeze %dma_wait3A_258 : memref<1x80xi32, #tpu.memory_space<vmem>> -> memref<80xi32, #tpu.memory_space<vmem>>
      %dma_wait3A_260 = arith.constant 0 : i32
      %dma_wait3A_261 = arith.constant 0 : i32
      %dma_wait3A_262 = tpu.memref_slice %arg3[%dma_wait3A_260, %dma_wait3A_261] : memref<10000x128xf32, #tpu.memory_space<hbm>> -> memref<10000x128xf32, #tpu.memory_space<hbm>>
      %dma_wait3A_263 = tpu.memref_slice %arg13[%dma_wait3A_252] : memref<2x!tpu.dma_semaphore, #tpu.memory_space<semaphore_mem>> -> memref<1x!tpu.dma_semaphore, #tpu.memory_space<semaphore_mem>>
      %dma_wait3A_264 = tpu.memref_squeeze %dma_wait3A_263 : memref<1x!tpu.dma_semaphore, #tpu.memory_space<semaphore_mem>> -> memref<!tpu.dma_semaphore, #tpu.memory_space<semaphore_mem>>
      tpu.wait_indirect_dma semaphore(%dma_wait3A_264 : memref<!tpu.dma_semaphore, #tpu.memory_space<semaphore_mem>>) src(%dma_wait3A_262 : memref<10000x128xf32, #tpu.memory_space<hbm>>) dst(%dma_wait3A_256 : memref<80x128xf32, #tpu.memory_space<vmem>>)
      %ge3A_265 = arith.constant 2 : i32
      %ge3A_266 = arith.cmpi sge, %add3A_236, %ge3A_265 : i32
      %convert_element_type3A_267 = arith.extui %ge3A_266 : i1 to i32
      %cond3A_268 = arith.constant 0 : i32
      %cond3A_269 = arith.cmpi ne, %convert_element_type3A_267, %cond3A_268 : i32
      scf.if %cond3A_269 {
        %dma_wait3A_301 = arith.constant 1 : i32
        %dma_wait3A_302 = arith.constant 1 : i32
        %dma_wait3A_303 = arith.constant 0 : i32
        %dma_wait3A_304 = arith.constant 0 : i32
        %dma_wait3A_305 = tpu.memref_slice %arg11[%dma_wait3A_301, %dma_wait3A_303, %dma_wait3A_304] : memref<2x80x128xf32, #tpu.memory_space<vmem>> -> memref<1x80x128xf32, #tpu.memory_space<vmem>>
        %dma_wait3A_306 = tpu.memref_squeeze %dma_wait3A_305 : memref<1x80x128xf32, #tpu.memory_space<vmem>> -> memref<80x128xf32, #tpu.memory_space<vmem>>
        %dma_wait3A_307 = arith.constant 0 : i32
        %dma_wait3A_308 = arith.constant 0 : i32
        %dma_wait3A_309 = tpu.memref_slice %arg6[%dma_wait3A_307, %dma_wait3A_308] : memref<156160x128xf32, #tpu.memory_space<hbm>> -> memref<80x128xf32, #tpu.memory_space<hbm>>
        %dma_wait3A_310 = tpu.memref_slice %arg14[%dma_wait3A_302] : memref<2x!tpu.dma_semaphore, #tpu.memory_space<semaphore_mem>> -> memref<1x!tpu.dma_semaphore, #tpu.memory_space<semaphore_mem>>
        %dma_wait3A_311 = tpu.memref_squeeze %dma_wait3A_310 : memref<1x!tpu.dma_semaphore, #tpu.memory_space<semaphore_mem>> -> memref<!tpu.dma_semaphore, #tpu.memory_space<semaphore_mem>>
        %dma_wait3A_312 = arith.constant 0 : i32
        %dma_wait3A_313 = arith.constant 0 : i32
        %dma_wait3A_314 = tpu.memref_slice %arg6[%dma_wait3A_312, %dma_wait3A_313] : memref<156160x128xf32, #tpu.memory_space<hbm>> -> memref<80x128xf32, #tpu.memory_space<hbm>>
        %dma_wait3A_315 = arith.constant 0 : i32
        %dma_wait3A_316 = arith.constant 0 : i32
        %dma_wait3A_317 = tpu.memref_slice %arg11[%dma_wait3A_301, %dma_wait3A_315, %dma_wait3A_316] : memref<2x80x128xf32, #tpu.memory_space<vmem>> -> memref<1x80x128xf32, #tpu.memory_space<vmem>>
        %dma_wait3A_318 = tpu.memref_squeeze %dma_wait3A_317 : memref<1x80x128xf32, #tpu.memory_space<vmem>> -> memref<80x128xf32, #tpu.memory_space<vmem>>
        tpu.wait_dma2 semaphore(%dma_wait3A_311 : memref<!tpu.dma_semaphore, #tpu.memory_space<semaphore_mem>>) src(%dma_wait3A_318 : memref<80x128xf32, #tpu.memory_space<vmem>>) dst(%dma_wait3A_314 : memref<80x128xf32, #tpu.memory_space<hbm>>)
      } else {
      }
      %parallel_loop3A_270 = arith.constant 0 : i32
      %parallel_loop3A_271 = arith.constant 80 : i32
      %parallel_loop3A_272 = arith.constant 1 : i32
      scf.for %parallel_loop3A_301 = %parallel_loop3A_270 to %parallel_loop3A_271 step %parallel_loop3A_272  : i32 {
        %parallel_loop3A_302 = arith.constant 1 : i32
        %parallel_loop3A_303 = arith.index_cast %parallel_loop3A_302 : i32 to index
        %parallel_loop3A_304 = arith.index_cast %parallel_loop3A_301 : i32 to index
        %parallel_loop3A_305 = arith.constant 0 : index
        %parallel_loop3A_306 = tpu.vector_load %arg9[%parallel_loop3A_303, %parallel_loop3A_304, %parallel_loop3A_305] {strides = array<i32>} : memref<2x80x128xf32, #tpu.memory_space<vmem>>, vector<1x1x16xf32>,
        %parallel_loop3A_307 = vector.shape_cast %parallel_loop3A_306 : vector<1x1x16xf32> to vector<16xf32>
        %parallel_loop3A_308 = arith.constant 1 : i32
        %parallel_loop3A_309 = arith.index_cast %parallel_loop3A_308 : i32 to index
        %parallel_loop3A_310 = arith.index_cast %parallel_loop3A_301 : i32 to index
        %parallel_loop3A_311 = arith.constant 0 : index
        %parallel_loop3A_312 = tpu.vector_load %arg10[%parallel_loop3A_309, %parallel_loop3A_310, %parallel_loop3A_311] {strides = array<i32>} : memref<2x80x128xf32, #tpu.memory_space<vmem>>, vector<1x1x16xf32>,
        %parallel_loop3A_313 = vector.shape_cast %parallel_loop3A_312 : vector<1x1x16xf32> to vector<16xf32>
        %parallel_loop3A_314 = arith.addf %parallel_loop3A_307, %parallel_loop3A_313 : vector<16xf32>
        %parallel_loop3A_315 = arith.constant 1 : i32
        %parallel_loop3A_316 = arith.index_cast %parallel_loop3A_315 : i32 to index
        %parallel_loop3A_317 = arith.index_cast %parallel_loop3A_301 : i32 to index
        %parallel_loop3A_318 = arith.constant 0 : index
        %parallel_loop3A_319 = tpu.vector_load %arg11[%parallel_loop3A_316, %parallel_loop3A_317, %parallel_loop3A_318] {strides = array<i32>} : memref<2x80x128xf32, #tpu.memory_space<vmem>>, vector<1x1x16xf32>,
        %parallel_loop3A_320 = vector.shape_cast %parallel_loop3A_319 : vector<1x1x16xf32> to vector<16xf32>
        %parallel_loop3A_321 = vector.shape_cast %parallel_loop3A_314 : vector<16xf32> to vector<1x1x16xf32>
        tpu.vector_store %arg11[%parallel_loop3A_316, %parallel_loop3A_317, %parallel_loop3A_318], %parallel_loop3A_321 {strides = array<i32>} : memref<2x80x128xf32, #tpu.memory_space<vmem>>, vector<1x1x16xf32>,
        %parallel_loop3A_322 = arith.constant 1 : i32
        %parallel_loop3A_323 = arith.index_cast %parallel_loop3A_322 : i32 to index
        %parallel_loop3A_324 = arith.index_cast %parallel_loop3A_301 : i32 to index
        %parallel_loop3A_325 = arith.constant 16 : index
        %parallel_loop3A_326 = tpu.vector_load %arg9[%parallel_loop3A_323, %parallel_loop3A_324, %parallel_loop3A_325] {strides = array<i32>} : memref<2x80x128xf32, #tpu.memory_space<vmem>>, vector<1x1x16xf32>,
        %parallel_loop3A_327 = vector.shape_cast %parallel_loop3A_326 : vector<1x1x16xf32> to vector<16xf32>
        %parallel_loop3A_328 = arith.constant 1 : i32
        %parallel_loop3A_329 = arith.index_cast %parallel_loop3A_328 : i32 to index
        %parallel_loop3A_330 = arith.index_cast %parallel_loop3A_301 : i32 to index
        %parallel_loop3A_331 = arith.constant 16 : index
        %parallel_loop3A_332 = tpu.vector_load %arg10[%parallel_loop3A_329, %parallel_loop3A_330, %parallel_loop3A_331] {strides = array<i32>} : memref<2x80x128xf32, #tpu.memory_space<vmem>>, vector<1x1x16xf32>,
        %parallel_loop3A_333 = vector.shape_cast %parallel_loop3A_332 : vector<1x1x16xf32> to vector<16xf32>
        %parallel_loop3A_334 = arith.addf %parallel_loop3A_327, %parallel_loop3A_333 : vector<16xf32>
        %parallel_loop3A_335 = arith.constant 1 : i32
        %parallel_loop3A_336 = arith.index_cast %parallel_loop3A_335 : i32 to index
        %parallel_loop3A_337 = arith.index_cast %parallel_loop3A_301 : i32 to index
        %parallel_loop3A_338 = arith.constant 16 : index
        %parallel_loop3A_339 = tpu.vector_load %arg11[%parallel_loop3A_336, %parallel_loop3A_337, %parallel_loop3A_338] {strides = array<i32>} : memref<2x80x128xf32, #tpu.memory_space<vmem>>, vector<1x1x16xf32>,
        %parallel_loop3A_340 = vector.shape_cast %parallel_loop3A_339 : vector<1x1x16xf32> to vector<16xf32>
        %parallel_loop3A_341 = vector.shape_cast %parallel_loop3A_334 : vector<16xf32> to vector<1x1x16xf32>
        tpu.vector_store %arg11[%parallel_loop3A_336, %parallel_loop3A_337, %parallel_loop3A_338], %parallel_loop3A_341 {strides = array<i32>} : memref<2x80x128xf32, #tpu.memory_space<vmem>>, vector<1x1x16xf32>,
        %parallel_loop3A_342 = arith.constant 1 : i32
        %parallel_loop3A_343 = arith.index_cast %parallel_loop3A_342 : i32 to index
        %parallel_loop3A_344 = arith.index_cast %parallel_loop3A_301 : i32 to index
        %parallel_loop3A_345 = arith.constant 32 : index
        %parallel_loop3A_346 = tpu.vector_load %arg9[%parallel_loop3A_343, %parallel_loop3A_344, %parallel_loop3A_345] {strides = array<i32>} : memref<2x80x128xf32, #tpu.memory_space<vmem>>, vector<1x1x16xf32>,
        %parallel_loop3A_347 = vector.shape_cast %parallel_loop3A_346 : vector<1x1x16xf32> to vector<16xf32>
        %parallel_loop3A_348 = arith.constant 1 : i32
        %parallel_loop3A_349 = arith.index_cast %parallel_loop3A_348 : i32 to index
        %parallel_loop3A_350 = arith.index_cast %parallel_loop3A_301 : i32 to index
        %parallel_loop3A_351 = arith.constant 32 : index
        %parallel_loop3A_352 = tpu.vector_load %arg10[%parallel_loop3A_349, %parallel_loop3A_350, %parallel_loop3A_351] {strides = array<i32>} : memref<2x80x128xf32, #tpu.memory_space<vmem>>, vector<1x1x16xf32>,
        %parallel_loop3A_353 = vector.shape_cast %parallel_loop3A_352 : vector<1x1x16xf32> to vector<16xf32>
        %parallel_loop3A_354 = arith.addf %parallel_loop3A_347, %parallel_loop3A_353 : vector<16xf32>
        %parallel_loop3A_355 = arith.constant 1 : i32
        %parallel_loop3A_356 = arith.index_cast %parallel_loop3A_355 : i32 to index
        %parallel_loop3A_357 = arith.index_cast %parallel_loop3A_301 : i32 to index
        %parallel_loop3A_358 = arith.constant 32 : index
        %parallel_loop3A_359 = tpu.vector_load %arg11[%parallel_loop3A_356, %parallel_loop3A_357, %parallel_loop3A_358] {strides = array<i32>} : memref<2x80x128xf32, #tpu.memory_space<vmem>>, vector<1x1x16xf32>,
        %parallel_loop3A_360 = vector.shape_cast %parallel_loop3A_359 : vector<1x1x16xf32> to vector<16xf32>
        %parallel_loop3A_361 = vector.shape_cast %parallel_loop3A_354 : vector<16xf32> to vector<1x1x16xf32>
        tpu.vector_store %arg11[%parallel_loop3A_356, %parallel_loop3A_357, %parallel_loop3A_358], %parallel_loop3A_361 {strides = array<i32>} : memref<2x80x128xf32, #tpu.memory_space<vmem>>, vector<1x1x16xf32>,
        %parallel_loop3A_362 = arith.constant 1 : i32
        %parallel_loop3A_363 = arith.index_cast %parallel_loop3A_362 : i32 to index
        %parallel_loop3A_364 = arith.index_cast %parallel_loop3A_301 : i32 to index
        %parallel_loop3A_365 = arith.constant 48 : index
        %parallel_loop3A_366 = tpu.vector_load %arg9[%parallel_loop3A_363, %parallel_loop3A_364, %parallel_loop3A_365] {strides = array<i32>} : memref<2x80x128xf32, #tpu.memory_space<vmem>>, vector<1x1x16xf32>,
        %parallel_loop3A_367 = vector.shape_cast %parallel_loop3A_366 : vector<1x1x16xf32> to vector<16xf32>
        %parallel_loop3A_368 = arith.constant 1 : i32
        %parallel_loop3A_369 = arith.index_cast %parallel_loop3A_368 : i32 to index
        %parallel_loop3A_370 = arith.index_cast %parallel_loop3A_301 : i32 to index
        %parallel_loop3A_371 = arith.constant 48 : index
        %parallel_loop3A_372 = tpu.vector_load %arg10[%parallel_loop3A_369, %parallel_loop3A_370, %parallel_loop3A_371] {strides = array<i32>} : memref<2x80x128xf32, #tpu.memory_space<vmem>>, vector<1x1x16xf32>,
        %parallel_loop3A_373 = vector.shape_cast %parallel_loop3A_372 : vector<1x1x16xf32> to vector<16xf32>
        %parallel_loop3A_374 = arith.addf %parallel_loop3A_367, %parallel_loop3A_373 : vector<16xf32>
        %parallel_loop3A_375 = arith.constant 1 : i32
        %parallel_loop3A_376 = arith.index_cast %parallel_loop3A_375 : i32 to index
        %parallel_loop3A_377 = arith.index_cast %parallel_loop3A_301 : i32 to index
        %parallel_loop3A_378 = arith.constant 48 : index
        %parallel_loop3A_379 = tpu.vector_load %arg11[%parallel_loop3A_376, %parallel_loop3A_377, %parallel_loop3A_378] {strides = array<i32>} : memref<2x80x128xf32, #tpu.memory_space<vmem>>, vector<1x1x16xf32>,
        %parallel_loop3A_380 = vector.shape_cast %parallel_loop3A_379 : vector<1x1x16xf32> to vector<16xf32>
        %parallel_loop3A_381 = vector.shape_cast %parallel_loop3A_374 : vector<16xf32> to vector<1x1x16xf32>
        tpu.vector_store %arg11[%parallel_loop3A_376, %parallel_loop3A_377, %parallel_loop3A_378], %parallel_loop3A_381 {strides = array<i32>} : memref<2x80x128xf32, #tpu.memory_space<vmem>>, vector<1x1x16xf32>,
        %parallel_loop3A_382 = arith.constant 1 : i32
        %parallel_loop3A_383 = arith.index_cast %parallel_loop3A_382 : i32 to index
        %parallel_loop3A_384 = arith.index_cast %parallel_loop3A_301 : i32 to index
        %parallel_loop3A_385 = arith.constant 64 : index
        %parallel_loop3A_386 = tpu.vector_load %arg9[%parallel_loop3A_383, %parallel_loop3A_384, %parallel_loop3A_385] {strides = array<i32>} : memref<2x80x128xf32, #tpu.memory_space<vmem>>, vector<1x1x16xf32>,
        %parallel_loop3A_387 = vector.shape_cast %parallel_loop3A_386 : vector<1x1x16xf32> to vector<16xf32>
        %parallel_loop3A_388 = arith.constant 1 : i32
        %parallel_loop3A_389 = arith.index_cast %parallel_loop3A_388 : i32 to index
        %parallel_loop3A_390 = arith.index_cast %parallel_loop3A_301 : i32 to index
        %parallel_loop3A_391 = arith.constant 64 : index
        %parallel_loop3A_392 = tpu.vector_load %arg10[%parallel_loop3A_389, %parallel_loop3A_390, %parallel_loop3A_391] {strides = array<i32>} : memref<2x80x128xf32, #tpu.memory_space<vmem>>, vector<1x1x16xf32>,
        %parallel_loop3A_393 = vector.shape_cast %parallel_loop3A_392 : vector<1x1x16xf32> to vector<16xf32>
        %parallel_loop3A_394 = arith.addf %parallel_loop3A_387, %parallel_loop3A_393 : vector<16xf32>
        %parallel_loop3A_395 = arith.constant 1 : i32
        %parallel_loop3A_396 = arith.index_cast %parallel_loop3A_395 : i32 to index
        %parallel_loop3A_397 = arith.index_cast %parallel_loop3A_301 : i32 to index
        %parallel_loop3A_398 = arith.constant 64 : index
        %parallel_loop3A_399 = tpu.vector_load %arg11[%parallel_loop3A_396, %parallel_loop3A_397, %parallel_loop3A_398] {strides = array<i32>} : memref<2x80x128xf32, #tpu.memory_space<vmem>>, vector<1x1x16xf32>,
        %parallel_loop3A_400 = vector.shape_cast %parallel_loop3A_399 : vector<1x1x16xf32> to vector<16xf32>
        %parallel_loop3A_401 = vector.shape_cast %parallel_loop3A_394 : vector<16xf32> to vector<1x1x16xf32>
        tpu.vector_store %arg11[%parallel_loop3A_396, %parallel_loop3A_397, %parallel_loop3A_398], %parallel_loop3A_401 {strides = array<i32>} : memref<2x80x128xf32, #tpu.memory_space<vmem>>, vector<1x1x16xf32>,
        %parallel_loop3A_402 = arith.constant 1 : i32
        %parallel_loop3A_403 = arith.index_cast %parallel_loop3A_402 : i32 to index
        %parallel_loop3A_404 = arith.index_cast %parallel_loop3A_301 : i32 to index
        %parallel_loop3A_405 = arith.constant 80 : index
        %parallel_loop3A_406 = tpu.vector_load %arg9[%parallel_loop3A_403, %parallel_loop3A_404, %parallel_loop3A_405] {strides = array<i32>} : memref<2x80x128xf32, #tpu.memory_space<vmem>>, vector<1x1x16xf32>,
        %parallel_loop3A_407 = vector.shape_cast %parallel_loop3A_406 : vector<1x1x16xf32> to vector<16xf32>
        %parallel_loop3A_408 = arith.constant 1 : i32
        %parallel_loop3A_409 = arith.index_cast %parallel_loop3A_408 : i32 to index
        %parallel_loop3A_410 = arith.index_cast %parallel_loop3A_301 : i32 to index
        %parallel_loop3A_411 = arith.constant 80 : index
        %parallel_loop3A_412 = tpu.vector_load %arg10[%parallel_loop3A_409, %parallel_loop3A_410, %parallel_loop3A_411] {strides = array<i32>} : memref<2x80x128xf32, #tpu.memory_space<vmem>>, vector<1x1x16xf32>,
        %parallel_loop3A_413 = vector.shape_cast %parallel_loop3A_412 : vector<1x1x16xf32> to vector<16xf32>
        %parallel_loop3A_414 = arith.addf %parallel_loop3A_407, %parallel_loop3A_413 : vector<16xf32>
        %parallel_loop3A_415 = arith.constant 1 : i32
        %parallel_loop3A_416 = arith.index_cast %parallel_loop3A_415 : i32 to index
        %parallel_loop3A_417 = arith.index_cast %parallel_loop3A_301 : i32 to index
        %parallel_loop3A_418 = arith.constant 80 : index
        %parallel_loop3A_419 = tpu.vector_load %arg11[%parallel_loop3A_416, %parallel_loop3A_417, %parallel_loop3A_418] {strides = array<i32>} : memref<2x80x128xf32, #tpu.memory_space<vmem>>, vector<1x1x16xf32>,
        %parallel_loop3A_420 = vector.shape_cast %parallel_loop3A_419 : vector<1x1x16xf32> to vector<16xf32>
        %parallel_loop3A_421 = vector.shape_cast %parallel_loop3A_414 : vector<16xf32> to vector<1x1x16xf32>
        tpu.vector_store %arg11[%parallel_loop3A_416, %parallel_loop3A_417, %parallel_loop3A_418], %parallel_loop3A_421 {strides = array<i32>} : memref<2x80x128xf32, #tpu.memory_space<vmem>>, vector<1x1x16xf32>,
        %parallel_loop3A_422 = arith.constant 1 : i32
        %parallel_loop3A_423 = arith.index_cast %parallel_loop3A_422 : i32 to index
        %parallel_loop3A_424 = arith.index_cast %parallel_loop3A_301 : i32 to index
        %parallel_loop3A_425 = arith.constant 96 : index
        %parallel_loop3A_426 = tpu.vector_load %arg9[%parallel_loop3A_423, %parallel_loop3A_424, %parallel_loop3A_425] {strides = array<i32>} : memref<2x80x128xf32, #tpu.memory_space<vmem>>, vector<1x1x16xf32>,
        %parallel_loop3A_427 = vector.shape_cast %parallel_loop3A_426 : vector<1x1x16xf32> to vector<16xf32>
        %parallel_loop3A_428 = arith.constant 1 : i32
        %parallel_loop3A_429 = arith.index_cast %parallel_loop3A_428 : i32 to index
        %parallel_loop3A_430 = arith.index_cast %parallel_loop3A_301 : i32 to index
        %parallel_loop3A_431 = arith.constant 96 : index
        %parallel_loop3A_432 = tpu.vector_load %arg10[%parallel_loop3A_429, %parallel_loop3A_430, %parallel_loop3A_431] {strides = array<i32>} : memref<2x80x128xf32, #tpu.memory_space<vmem>>, vector<1x1x16xf32>,
        %parallel_loop3A_433 = vector.shape_cast %parallel_loop3A_432 : vector<1x1x16xf32> to vector<16xf32>
        %parallel_loop3A_434 = arith.addf %parallel_loop3A_427, %parallel_loop3A_433 : vector<16xf32>
        %parallel_loop3A_435 = arith.constant 1 : i32
        %parallel_loop3A_436 = arith.index_cast %parallel_loop3A_435 : i32 to index
        %parallel_loop3A_437 = arith.index_cast %parallel_loop3A_301 : i32 to index
        %parallel_loop3A_438 = arith.constant 96 : index
        %parallel_loop3A_439 = tpu.vector_load %arg11[%parallel_loop3A_436, %parallel_loop3A_437, %parallel_loop3A_438] {strides = array<i32>} : memref<2x80x128xf32, #tpu.memory_space<vmem>>, vector<1x1x16xf32>,
        %parallel_loop3A_440 = vector.shape_cast %parallel_loop3A_439 : vector<1x1x16xf32> to vector<16xf32>
        %parallel_loop3A_441 = vector.shape_cast %parallel_loop3A_434 : vector<16xf32> to vector<1x1x16xf32>
        tpu.vector_store %arg11[%parallel_loop3A_436, %parallel_loop3A_437, %parallel_loop3A_438], %parallel_loop3A_441 {strides = array<i32>} : memref<2x80x128xf32, #tpu.memory_space<vmem>>, vector<1x1x16xf32>,
        %parallel_loop3A_442 = arith.constant 1 : i32
        %parallel_loop3A_443 = arith.index_cast %parallel_loop3A_442 : i32 to index
        %parallel_loop3A_444 = arith.index_cast %parallel_loop3A_301 : i32 to index
        %parallel_loop3A_445 = arith.constant 112 : index
        %parallel_loop3A_446 = tpu.vector_load %arg9[%parallel_loop3A_443, %parallel_loop3A_444, %parallel_loop3A_445] {strides = array<i32>} : memref<2x80x128xf32, #tpu.memory_space<vmem>>, vector<1x1x16xf32>,
        %parallel_loop3A_447 = vector.shape_cast %parallel_loop3A_446 : vector<1x1x16xf32> to vector<16xf32>
        %parallel_loop3A_448 = arith.constant 1 : i32
        %parallel_loop3A_449 = arith.index_cast %parallel_loop3A_448 : i32 to index
        %parallel_loop3A_450 = arith.index_cast %parallel_loop3A_301 : i32 to index
        %parallel_loop3A_451 = arith.constant 112 : index
        %parallel_loop3A_452 = tpu.vector_load %arg10[%parallel_loop3A_449, %parallel_loop3A_450, %parallel_loop3A_451] {strides = array<i32>} : memref<2x80x128xf32, #tpu.memory_space<vmem>>, vector<1x1x16xf32>,
        %parallel_loop3A_453 = vector.shape_cast %parallel_loop3A_452 : vector<1x1x16xf32> to vector<16xf32>
        %parallel_loop3A_454 = arith.addf %parallel_loop3A_447, %parallel_loop3A_453 : vector<16xf32>
        %parallel_loop3A_455 = arith.constant 1 : i32
        %parallel_loop3A_456 = arith.index_cast %parallel_loop3A_455 : i32 to index
        %parallel_loop3A_457 = arith.index_cast %parallel_loop3A_301 : i32 to index
        %parallel_loop3A_458 = arith.constant 112 : index
        %parallel_loop3A_459 = tpu.vector_load %arg11[%parallel_loop3A_456, %parallel_loop3A_457, %parallel_loop3A_458] {strides = array<i32>} : memref<2x80x128xf32, #tpu.memory_space<vmem>>, vector<1x1x16xf32>,
        %parallel_loop3A_460 = vector.shape_cast %parallel_loop3A_459 : vector<1x1x16xf32> to vector<16xf32>
        %parallel_loop3A_461 = vector.shape_cast %parallel_loop3A_454 : vector<16xf32> to vector<1x1x16xf32>
        tpu.vector_store %arg11[%parallel_loop3A_456, %parallel_loop3A_457, %parallel_loop3A_458], %parallel_loop3A_461 {strides = array<i32>} : memref<2x80x128xf32, #tpu.memory_space<vmem>>, vector<1x1x16xf32>,
      } {sc.loop_unroll_factor = 1 : i64, sc.parallel_access}
      %add3A_273 = arith.constant 2 : i32
      %add3A_274 = arith.addi %add3A_236, %add3A_273 : i32
      %lt3A_275 = arith.constant 61 : i32
      %lt3A_276 = arith.cmpi slt, %add3A_274, %lt3A_275 : i32
      %convert_element_type3A_277 = arith.extui %lt3A_276 : i1 to i32
      %cond3A_278 = arith.constant 0 : i32
      %cond3A_279 = arith.cmpi ne, %convert_element_type3A_277, %cond3A_278 : i32
      scf.if %cond3A_279 {
        %add3A_301 = arith.constant 2 : i32
        %add3A_302 = arith.addi %add3A_236, %add3A_301 : i32
        %dma_start3A_303 = arith.constant 1 : i32
        %dma_start3A_304 = arith.constant 1 : i32
        %dma_start3A_305 = arith.constant 0 : i32
        %dma_start3A_306 = arith.constant 0 : i32
        %dma_start3A_307 = tpu.memref_slice %arg9[%dma_start3A_303, %dma_start3A_305, %dma_start3A_306] : memref<2x80x128xf32, #tpu.memory_space<vmem>> -> memref<1x80x128xf32, #tpu.memory_space<vmem>>
        %dma_start3A_308 = tpu.memref_squeeze %dma_start3A_307 : memref<1x80x128xf32, #tpu.memory_space<vmem>> -> memref<80x128xf32, #tpu.memory_space<vmem>>
        %dma_start3A_309 = arith.constant 0 : i32
        %dma_start3A_310 = tpu.memref_slice %arg7[%add3A_302, %dma_start3A_309] : memref<61x80xi32, #tpu.memory_space<vmem>> -> memref<1x80xi32, #tpu.memory_space<vmem>>
        %dma_start3A_311 = tpu.memref_squeeze %dma_start3A_310 : memref<1x80xi32, #tpu.memory_space<vmem>> -> memref<80xi32, #tpu.memory_space<vmem>>
        %dma_start3A_312 = arith.constant 0 : i32
        %dma_start3A_313 = arith.constant 0 : i32
        %dma_start3A_314 = tpu.memref_slice %arg2[%dma_start3A_312, %dma_start3A_313] : memref<10000x128xf32, #tpu.memory_space<hbm>> -> memref<10000x128xf32, #tpu.memory_space<hbm>>
        %dma_start3A_315 = tpu.memref_slice %arg12[%dma_start3A_304] : memref<2x!tpu.dma_semaphore, #tpu.memory_space<semaphore_mem>> -> memref<1x!tpu.dma_semaphore, #tpu.memory_space<semaphore_mem>>
        %dma_start3A_316 = tpu.memref_squeeze %dma_start3A_315 : memref<1x!tpu.dma_semaphore, #tpu.memory_space<semaphore_mem>> -> memref<!tpu.dma_semaphore, #tpu.memory_space<semaphore_mem>>
        tpu.enqueue_indirect_dma source(%dma_start3A_314 : memref<10000x128xf32, #tpu.memory_space<hbm>>) target(%dma_start3A_308 : memref<80x128xf32, #tpu.memory_space<vmem>>) offsets(%dma_start3A_311 : memref<80xi32, #tpu.memory_space<vmem>>) semaphore(%dma_start3A_316 : memref<!tpu.dma_semaphore, #tpu.memory_space<semaphore_mem>>)
        %dma_start3A_317 = arith.constant 1 : i32
        %dma_start3A_318 = arith.constant 1 : i32
        %dma_start3A_319 = arith.constant 0 : i32
        %dma_start3A_320 = arith.constant 0 : i32
        %dma_start3A_321 = tpu.memref_slice %arg10[%dma_start3A_317, %dma_start3A_319, %dma_start3A_320] : memref<2x80x128xf32, #tpu.memory_space<vmem>> -> memref<1x80x128xf32, #tpu.memory_space<vmem>>
        %dma_start3A_322 = tpu.memref_squeeze %dma_start3A_321 : memref<1x80x128xf32, #tpu.memory_space<vmem>> -> memref<80x128xf32, #tpu.memory_space<vmem>>
        %dma_start3A_323 = arith.constant 0 : i32
        %dma_start3A_324 = tpu.memref_slice %arg8[%add3A_302, %dma_start3A_323] : memref<61x80xi32, #tpu.memory_space<vmem>> -> memref<1x80xi32, #tpu.memory_space<vmem>>
        %dma_start3A_325 = tpu.memref_squeeze %dma_start3A_324 : memref<1x80xi32, #tpu.memory_space<vmem>> -> memref<80xi32, #tpu.memory_space<vmem>>
        %dma_start3A_326 = arith.constant 0 : i32
        %dma_start3A_327 = arith.constant 0 : i32
        %dma_start3A_328 = tpu.memref_slice %arg3[%dma_start3A_326, %dma_start3A_327] : memref<10000x128xf32, #tpu.memory_space<hbm>> -> memref<10000x128xf32, #tpu.memory_space<hbm>>
        %dma_start3A_329 = tpu.memref_slice %arg13[%dma_start3A_318] : memref<2x!tpu.dma_semaphore, #tpu.memory_space<semaphore_mem>> -> memref<1x!tpu.dma_semaphore, #tpu.memory_space<semaphore_mem>>
        %dma_start3A_330 = tpu.memref_squeeze %dma_start3A_329 : memref<1x!tpu.dma_semaphore, #tpu.memory_space<semaphore_mem>> -> memref<!tpu.dma_semaphore, #tpu.memory_space<semaphore_mem>>
        tpu.enqueue_indirect_dma source(%dma_start3A_328 : memref<10000x128xf32, #tpu.memory_space<hbm>>) target(%dma_start3A_322 : memref<80x128xf32, #tpu.memory_space<vmem>>) offsets(%dma_start3A_325 : memref<80xi32, #tpu.memory_space<vmem>>) semaphore(%dma_start3A_330 : memref<!tpu.dma_semaphore, #tpu.memory_space<semaphore_mem>>)
      } else {
      }
      %mul3A_280 = arith.constant 4880 : i32
      %mul3A_281 = arith.muli %add3A, %mul3A_280 : i32
      %mul3A_282 = arith.constant 80 : i32
      %mul3A_283 = arith.muli %add3A_236, %mul3A_282 : i32
      %add3A_284 = arith.addi %mul3A_281, %mul3A_283 : i32
      %dma_start3A_285 = arith.constant 1 : i32
      %dma_start3A_286 = arith.constant 1 : i32
      %dma_start3A_287 = arith.constant 0 : i32
      %dma_start3A_288 = arith.constant 0 : i32
      %dma_start3A_289 = tpu.memref_slice %arg11[%dma_start3A_285, %dma_start3A_287, %dma_start3A_288] : memref<2x80x128xf32, #tpu.memory_space<vmem>> -> memref<1x80x128xf32, #tpu.memory_space<vmem>>
      %dma_start3A_290 = tpu.memref_squeeze %dma_start3A_289 : memref<1x80x128xf32, #tpu.memory_space<vmem>> -> memref<80x128xf32, #tpu.memory_space<vmem>>
      %dma_start3A_291 = arith.constant 0 : i32
      %dma_start3A_292 = tpu.memref_slice %arg6[%add3A_284, %dma_start3A_291] : memref<156160x128xf32, #tpu.memory_space<hbm>> -> memref<80x128xf32, #tpu.memory_space<hbm>>
      %dma_start3A_293 = tpu.memref_slice %arg14[%dma_start3A_286] : memref<2x!tpu.dma_semaphore, #tpu.memory_space<semaphore_mem>> -> memref<1x!tpu.dma_semaphore, #tpu.memory_space<semaphore_mem>>
      %dma_start3A_294 = tpu.memref_squeeze %dma_start3A_293 : memref<1x!tpu.dma_semaphore, #tpu.memory_space<semaphore_mem>> -> memref<!tpu.dma_semaphore, #tpu.memory_space<semaphore_mem>>
      %dma_start3A_295 = arith.constant 0 : i32
      %dma_start3A_296 = tpu.memref_slice %arg6[%add3A_284, %dma_start3A_295] : memref<156160x128xf32, #tpu.memory_space<hbm>> -> memref<80x128xf32, #tpu.memory_space<hbm>>
      %dma_start3A_297 = arith.constant 0 : i32
      %dma_start3A_298 = arith.constant 0 : i32
      %dma_start3A_299 = tpu.memref_slice %arg11[%dma_start3A_285, %dma_start3A_297, %dma_start3A_298] : memref<2x80x128xf32, #tpu.memory_space<vmem>> -> memref<1x80x128xf32, #tpu.memory_space<vmem>>
      %dma_start3A_300 = tpu.memref_squeeze %dma_start3A_299 : memref<1x80x128xf32, #tpu.memory_space<vmem>> -> memref<80x128xf32, #tpu.memory_space<vmem>>
      tpu.enqueue_dma source(%dma_start3A_300 : memref<80x128xf32, #tpu.memory_space<vmem>>) target(%dma_start3A_296 : memref<80x128xf32, #tpu.memory_space<hbm>>) target_semaphore(%dma_start3A_294 : memref<!tpu.dma_semaphore, #tpu.memory_space<semaphore_mem>>)
    }
    %scan3A_64 = arith.constant 30 : i32
    %dma_wait3A = arith.constant 60 : i32
    %dma_wait3A_65 = arith.constant 0 : i32
    %dma_wait3A_66 = arith.constant 0 : i32
    %dma_wait3A_67 = arith.constant 0 : i32
    %dma_wait3A_68 = arith.constant 0 : i32
    %dma_wait3A_69 = tpu.memref_slice %arg9[%dma_wait3A_65, %dma_wait3A_67, %dma_wait3A_68] : memref<2x80x128xf32, #tpu.memory_space<vmem>> -> memref<1x80x128xf32, #tpu.memory_space<vmem>>
    %dma_wait3A_70 = tpu.memref_squeeze %dma_wait3A_69 : memref<1x80x128xf32, #tpu.memory_space<vmem>> -> memref<80x128xf32, #tpu.memory_space<vmem>>
    %dma_wait3A_71 = arith.constant 0 : i32
    %dma_wait3A_72 = tpu.memref_slice %arg7[%dma_wait3A, %dma_wait3A_71] : memref<61x80xi32, #tpu.memory_space<vmem>> -> memref<1x80xi32, #tpu.memory_space<vmem>>
    %dma_wait3A_73 = tpu.memref_squeeze %dma_wait3A_72 : memref<1x80xi32, #tpu.memory_space<vmem>> -> memref<80xi32, #tpu.memory_space<vmem>>
    %dma_wait3A_74 = arith.constant 0 : i32
    %dma_wait3A_75 = arith.constant 0 : i32
    %dma_wait3A_76 = tpu.memref_slice %arg2[%dma_wait3A_74, %dma_wait3A_75] : memref<10000x128xf32, #tpu.memory_space<hbm>> -> memref<10000x128xf32, #tpu.memory_space<hbm>>
    %dma_wait3A_77 = tpu.memref_slice %arg12[%dma_wait3A_66] : memref<2x!tpu.dma_semaphore, #tpu.memory_space<semaphore_mem>> -> memref<1x!tpu.dma_semaphore, #tpu.memory_space<semaphore_mem>>
    %dma_wait3A_78 = tpu.memref_squeeze %dma_wait3A_77 : memref<1x!tpu.dma_semaphore, #tpu.memory_space<semaphore_mem>> -> memref<!tpu.dma_semaphore, #tpu.memory_space<semaphore_mem>>
    tpu.wait_indirect_dma semaphore(%dma_wait3A_78 : memref<!tpu.dma_semaphore, #tpu.memory_space<semaphore_mem>>) src(%dma_wait3A_76 : memref<10000x128xf32, #tpu.memory_space<hbm>>) dst(%dma_wait3A_70 : memref<80x128xf32, #tpu.memory_space<vmem>>)
    %dma_wait3A_79 = arith.constant 60 : i32
    %dma_wait3A_80 = arith.constant 0 : i32
    %dma_wait3A_81 = arith.constant 0 : i32
    %dma_wait3A_82 = arith.constant 0 : i32
    %dma_wait3A_83 = arith.constant 0 : i32
    %dma_wait3A_84 = tpu.memref_slice %arg10[%dma_wait3A_80, %dma_wait3A_82, %dma_wait3A_83] : memref<2x80x128xf32, #tpu.memory_space<vmem>> -> memref<1x80x128xf32, #tpu.memory_space<vmem>>
    %dma_wait3A_85 = tpu.memref_squeeze %dma_wait3A_84 : memref<1x80x128xf32, #tpu.memory_space<vmem>> -> memref<80x128xf32, #tpu.memory_space<vmem>>
    %dma_wait3A_86 = arith.constant 0 : i32
    %dma_wait3A_87 = tpu.memref_slice %arg8[%dma_wait3A_79, %dma_wait3A_86] : memref<61x80xi32, #tpu.memory_space<vmem>> -> memref<1x80xi32, #tpu.memory_space<vmem>>
    %dma_wait3A_88 = tpu.memref_squeeze %dma_wait3A_87 : memref<1x80xi32, #tpu.memory_space<vmem>> -> memref<80xi32, #tpu.memory_space<vmem>>
    %dma_wait3A_89 = arith.constant 0 : i32
    %dma_wait3A_90 = arith.constant 0 : i32
    %dma_wait3A_91 = tpu.memref_slice %arg3[%dma_wait3A_89, %dma_wait3A_90] : memref<10000x128xf32, #tpu.memory_space<hbm>> -> memref<10000x128xf32, #tpu.memory_space<hbm>>
    %dma_wait3A_92 = tpu.memref_slice %arg13[%dma_wait3A_81] : memref<2x!tpu.dma_semaphore, #tpu.memory_space<semaphore_mem>> -> memref<1x!tpu.dma_semaphore, #tpu.memory_space<semaphore_mem>>
    %dma_wait3A_93 = tpu.memref_squeeze %dma_wait3A_92 : memref<1x!tpu.dma_semaphore, #tpu.memory_space<semaphore_mem>> -> memref<!tpu.dma_semaphore, #tpu.memory_space<semaphore_mem>>
    tpu.wait_indirect_dma semaphore(%dma_wait3A_93 : memref<!tpu.dma_semaphore, #tpu.memory_space<semaphore_mem>>) src(%dma_wait3A_91 : memref<10000x128xf32, #tpu.memory_space<hbm>>) dst(%dma_wait3A_85 : memref<80x128xf32, #tpu.memory_space<vmem>>)
    %dma_wait3A_94 = arith.constant 0 : i32
    %dma_wait3A_95 = arith.constant 0 : i32
    %dma_wait3A_96 = arith.constant 0 : i32
    %dma_wait3A_97 = arith.constant 0 : i32
    %dma_wait3A_98 = tpu.memref_slice %arg11[%dma_wait3A_94, %dma_wait3A_96, %dma_wait3A_97] : memref<2x80x128xf32, #tpu.memory_space<vmem>> -> memref<1x80x128xf32, #tpu.memory_space<vmem>>
    %dma_wait3A_99 = tpu.memref_squeeze %dma_wait3A_98 : memref<1x80x128xf32, #tpu.memory_space<vmem>> -> memref<80x128xf32, #tpu.memory_space<vmem>>
    %dma_wait3A_100 = arith.constant 0 : i32
    %dma_wait3A_101 = arith.constant 0 : i32
    %dma_wait3A_102 = tpu.memref_slice %arg6[%dma_wait3A_100, %dma_wait3A_101] : memref<156160x128xf32, #tpu.memory_space<hbm>> -> memref<80x128xf32, #tpu.memory_space<hbm>>
    %dma_wait3A_103 = tpu.memref_slice %arg14[%dma_wait3A_95] : memref<2x!tpu.dma_semaphore, #tpu.memory_space<semaphore_mem>> -> memref<1x!tpu.dma_semaphore, #tpu.memory_space<semaphore_mem>>
    %dma_wait3A_104 = tpu.memref_squeeze %dma_wait3A_103 : memref<1x!tpu.dma_semaphore, #tpu.memory_space<semaphore_mem>> -> memref<!tpu.dma_semaphore, #tpu.memory_space<semaphore_mem>>
    %dma_wait3A_105 = arith.constant 0 : i32
    %dma_wait3A_106 = arith.constant 0 : i32
    %dma_wait3A_107 = tpu.memref_slice %arg6[%dma_wait3A_105, %dma_wait3A_106] : memref<156160x128xf32, #tpu.memory_space<hbm>> -> memref<80x128xf32, #tpu.memory_space<hbm>>
    %dma_wait3A_108 = arith.constant 0 : i32
    %dma_wait3A_109 = arith.constant 0 : i32
    %dma_wait3A_110 = tpu.memref_slice %arg11[%dma_wait3A_94, %dma_wait3A_108, %dma_wait3A_109] : memref<2x80x128xf32, #tpu.memory_space<vmem>> -> memref<1x80x128xf32, #tpu.memory_space<vmem>>
    %dma_wait3A_111 = tpu.memref_squeeze %dma_wait3A_110 : memref<1x80x128xf32, #tpu.memory_space<vmem>> -> memref<80x128xf32, #tpu.memory_space<vmem>>
    tpu.wait_dma2 semaphore(%dma_wait3A_104 : memref<!tpu.dma_semaphore, #tpu.memory_space<semaphore_mem>>) src(%dma_wait3A_111 : memref<80x128xf32, #tpu.memory_space<vmem>>) dst(%dma_wait3A_107 : memref<80x128xf32, #tpu.memory_space<hbm>>)
    %parallel_loop3A = arith.constant 0 : i32
    %parallel_loop3A_112 = arith.constant 80 : i32
    %parallel_loop3A_113 = arith.constant 1 : i32
    scf.for %parallel_loop3A_170 = %parallel_loop3A to %parallel_loop3A_112 step %parallel_loop3A_113  : i32 {
      %parallel_loop3A_171 = arith.constant 0 : i32
      %parallel_loop3A_172 = arith.index_cast %parallel_loop3A_171 : i32 to index
      %parallel_loop3A_173 = arith.index_cast %parallel_loop3A_170 : i32 to index
      %parallel_loop3A_174 = arith.constant 0 : index
      %parallel_loop3A_175 = tpu.vector_load %arg9[%parallel_loop3A_172, %parallel_loop3A_173, %parallel_loop3A_174] {strides = array<i32>} : memref<2x80x128xf32, #tpu.memory_space<vmem>>, vector<1x1x16xf32>,
      %parallel_loop3A_176 = vector.shape_cast %parallel_loop3A_175 : vector<1x1x16xf32> to vector<16xf32>
      %parallel_loop3A_177 = arith.constant 0 : i32
      %parallel_loop3A_178 = arith.index_cast %parallel_loop3A_177 : i32 to index
      %parallel_loop3A_179 = arith.index_cast %parallel_loop3A_170 : i32 to index
      %parallel_loop3A_180 = arith.constant 0 : index
      %parallel_loop3A_181 = tpu.vector_load %arg10[%parallel_loop3A_178, %parallel_loop3A_179, %parallel_loop3A_180] {strides = array<i32>} : memref<2x80x128xf32, #tpu.memory_space<vmem>>, vector<1x1x16xf32>,
      %parallel_loop3A_182 = vector.shape_cast %parallel_loop3A_181 : vector<1x1x16xf32> to vector<16xf32>
      %parallel_loop3A_183 = arith.addf %parallel_loop3A_176, %parallel_loop3A_182 : vector<16xf32>
      %parallel_loop3A_184 = arith.constant 0 : i32
      %parallel_loop3A_185 = arith.index_cast %parallel_loop3A_184 : i32 to index
      %parallel_loop3A_186 = arith.index_cast %parallel_loop3A_170 : i32 to index
      %parallel_loop3A_187 = arith.constant 0 : index
      %parallel_loop3A_188 = tpu.vector_load %arg11[%parallel_loop3A_185, %parallel_loop3A_186, %parallel_loop3A_187] {strides = array<i32>} : memref<2x80x128xf32, #tpu.memory_space<vmem>>, vector<1x1x16xf32>,
      %parallel_loop3A_189 = vector.shape_cast %parallel_loop3A_188 : vector<1x1x16xf32> to vector<16xf32>
      %parallel_loop3A_190 = vector.shape_cast %parallel_loop3A_183 : vector<16xf32> to vector<1x1x16xf32>
      tpu.vector_store %arg11[%parallel_loop3A_185, %parallel_loop3A_186, %parallel_loop3A_187], %parallel_loop3A_190 {strides = array<i32>} : memref<2x80x128xf32, #tpu.memory_space<vmem>>, vector<1x1x16xf32>,
      %parallel_loop3A_191 = arith.constant 0 : i32
      %parallel_loop3A_192 = arith.index_cast %parallel_loop3A_191 : i32 to index
      %parallel_loop3A_193 = arith.index_cast %parallel_loop3A_170 : i32 to index
      %parallel_loop3A_194 = arith.constant 16 : index
      %parallel_loop3A_195 = tpu.vector_load %arg9[%parallel_loop3A_192, %parallel_loop3A_193, %parallel_loop3A_194] {strides = array<i32>} : memref<2x80x128xf32, #tpu.memory_space<vmem>>, vector<1x1x16xf32>,
      %parallel_loop3A_196 = vector.shape_cast %parallel_loop3A_195 : vector<1x1x16xf32> to vector<16xf32>
      %parallel_loop3A_197 = arith.constant 0 : i32
      %parallel_loop3A_198 = arith.index_cast %parallel_loop3A_197 : i32 to index
      %parallel_loop3A_199 = arith.index_cast %parallel_loop3A_170 : i32 to index
      %parallel_loop3A_200 = arith.constant 16 : index
      %parallel_loop3A_201 = tpu.vector_load %arg10[%parallel_loop3A_198, %parallel_loop3A_199, %parallel_loop3A_200] {strides = array<i32>} : memref<2x80x128xf32, #tpu.memory_space<vmem>>, vector<1x1x16xf32>,
      %parallel_loop3A_202 = vector.shape_cast %parallel_loop3A_201 : vector<1x1x16xf32> to vector<16xf32>
      %parallel_loop3A_203 = arith.addf %parallel_loop3A_196, %parallel_loop3A_202 : vector<16xf32>
      %parallel_loop3A_204 = arith.constant 0 : i32
      %parallel_loop3A_205 = arith.index_cast %parallel_loop3A_204 : i32 to index
      %parallel_loop3A_206 = arith.index_cast %parallel_loop3A_170 : i32 to index
      %parallel_loop3A_207 = arith.constant 16 : index
      %parallel_loop3A_208 = tpu.vector_load %arg11[%parallel_loop3A_205, %parallel_loop3A_206, %parallel_loop3A_207] {strides = array<i32>} : memref<2x80x128xf32, #tpu.memory_space<vmem>>, vector<1x1x16xf32>,
      %parallel_loop3A_209 = vector.shape_cast %parallel_loop3A_208 : vector<1x1x16xf32> to vector<16xf32>
      %parallel_loop3A_210 = vector.shape_cast %parallel_loop3A_203 : vector<16xf32> to vector<1x1x16xf32>
      tpu.vector_store %arg11[%parallel_loop3A_205, %parallel_loop3A_206, %parallel_loop3A_207], %parallel_loop3A_210 {strides = array<i32>} : memref<2x80x128xf32, #tpu.memory_space<vmem>>, vector<1x1x16xf32>,
      %parallel_loop3A_211 = arith.constant 0 : i32
      %parallel_loop3A_212 = arith.index_cast %parallel_loop3A_211 : i32 to index
      %parallel_loop3A_213 = arith.index_cast %parallel_loop3A_170 : i32 to index
      %parallel_loop3A_214 = arith.constant 32 : index
      %parallel_loop3A_215 = tpu.vector_load %arg9[%parallel_loop3A_212, %parallel_loop3A_213, %parallel_loop3A_214] {strides = array<i32>} : memref<2x80x128xf32, #tpu.memory_space<vmem>>, vector<1x1x16xf32>,
      %parallel_loop3A_216 = vector.shape_cast %parallel_loop3A_215 : vector<1x1x16xf32> to vector<16xf32>
      %parallel_loop3A_217 = arith.constant 0 : i32
      %parallel_loop3A_218 = arith.index_cast %parallel_loop3A_217 : i32 to index
      %parallel_loop3A_219 = arith.index_cast %parallel_loop3A_170 : i32 to index
      %parallel_loop3A_220 = arith.constant 32 : index
      %parallel_loop3A_221 = tpu.vector_load %arg10[%parallel_loop3A_218, %parallel_loop3A_219, %parallel_loop3A_220] {strides = array<i32>} : memref<2x80x128xf32, #tpu.memory_space<vmem>>, vector<1x1x16xf32>,
      %parallel_loop3A_222 = vector.shape_cast %parallel_loop3A_221 : vector<1x1x16xf32> to vector<16xf32>
      %parallel_loop3A_223 = arith.addf %parallel_loop3A_216, %parallel_loop3A_222 : vector<16xf32>
      %parallel_loop3A_224 = arith.constant 0 : i32
      %parallel_loop3A_225 = arith.index_cast %parallel_loop3A_224 : i32 to index
      %parallel_loop3A_226 = arith.index_cast %parallel_loop3A_170 : i32 to index
      %parallel_loop3A_227 = arith.constant 32 : index
      %parallel_loop3A_228 = tpu.vector_load %arg11[%parallel_loop3A_225, %parallel_loop3A_226, %parallel_loop3A_227] {strides = array<i32>} : memref<2x80x128xf32, #tpu.memory_space<vmem>>, vector<1x1x16xf32>,
      %parallel_loop3A_229 = vector.shape_cast %parallel_loop3A_228 : vector<1x1x16xf32> to vector<16xf32>
      %parallel_loop3A_230 = vector.shape_cast %parallel_loop3A_223 : vector<16xf32> to vector<1x1x16xf32>
      tpu.vector_store %arg11[%parallel_loop3A_225, %parallel_loop3A_226, %parallel_loop3A_227], %parallel_loop3A_230 {strides = array<i32>} : memref<2x80x128xf32, #tpu.memory_space<vmem>>, vector<1x1x16xf32>,
      %parallel_loop3A_231 = arith.constant 0 : i32
      %parallel_loop3A_232 = arith.index_cast %parallel_loop3A_231 : i32 to index
      %parallel_loop3A_233 = arith.index_cast %parallel_loop3A_170 : i32 to index
      %parallel_loop3A_234 = arith.constant 48 : index
      %parallel_loop3A_235 = tpu.vector_load %arg9[%parallel_loop3A_232, %parallel_loop3A_233, %parallel_loop3A_234] {strides = array<i32>} : memref<2x80x128xf32, #tpu.memory_space<vmem>>, vector<1x1x16xf32>,
      %parallel_loop3A_236 = vector.shape_cast %parallel_loop3A_235 : vector<1x1x16xf32> to vector<16xf32>
      %parallel_loop3A_237 = arith.constant 0 : i32
      %parallel_loop3A_238 = arith.index_cast %parallel_loop3A_237 : i32 to index
      %parallel_loop3A_239 = arith.index_cast %parallel_loop3A_170 : i32 to index
      %parallel_loop3A_240 = arith.constant 48 : index
      %parallel_loop3A_241 = tpu.vector_load %arg10[%parallel_loop3A_238, %parallel_loop3A_239, %parallel_loop3A_240] {strides = array<i32>} : memref<2x80x128xf32, #tpu.memory_space<vmem>>, vector<1x1x16xf32>,
      %parallel_loop3A_242 = vector.shape_cast %parallel_loop3A_241 : vector<1x1x16xf32> to vector<16xf32>
      %parallel_loop3A_243 = arith.addf %parallel_loop3A_236, %parallel_loop3A_242 : vector<16xf32>
      %parallel_loop3A_244 = arith.constant 0 : i32
      %parallel_loop3A_245 = arith.index_cast %parallel_loop3A_244 : i32 to index
      %parallel_loop3A_246 = arith.index_cast %parallel_loop3A_170 : i32 to index
      %parallel_loop3A_247 = arith.constant 48 : index
      %parallel_loop3A_248 = tpu.vector_load %arg11[%parallel_loop3A_245, %parallel_loop3A_246, %parallel_loop3A_247] {strides = array<i32>} : memref<2x80x128xf32, #tpu.memory_space<vmem>>, vector<1x1x16xf32>,
      %parallel_loop3A_249 = vector.shape_cast %parallel_loop3A_248 : vector<1x1x16xf32> to vector<16xf32>
      %parallel_loop3A_250 = vector.shape_cast %parallel_loop3A_243 : vector<16xf32> to vector<1x1x16xf32>
      tpu.vector_store %arg11[%parallel_loop3A_245, %parallel_loop3A_246, %parallel_loop3A_247], %parallel_loop3A_250 {strides = array<i32>} : memref<2x80x128xf32, #tpu.memory_space<vmem>>, vector<1x1x16xf32>,
      %parallel_loop3A_251 = arith.constant 0 : i32
      %parallel_loop3A_252 = arith.index_cast %parallel_loop3A_251 : i32 to index
      %parallel_loop3A_253 = arith.index_cast %parallel_loop3A_170 : i32 to index
      %parallel_loop3A_254 = arith.constant 64 : index
      %parallel_loop3A_255 = tpu.vector_load %arg9[%parallel_loop3A_252, %parallel_loop3A_253, %parallel_loop3A_254] {strides = array<i32>} : memref<2x80x128xf32, #tpu.memory_space<vmem>>, vector<1x1x16xf32>,
      %parallel_loop3A_256 = vector.shape_cast %parallel_loop3A_255 : vector<1x1x16xf32> to vector<16xf32>
      %parallel_loop3A_257 = arith.constant 0 : i32
      %parallel_loop3A_258 = arith.index_cast %parallel_loop3A_257 : i32 to index
      %parallel_loop3A_259 = arith.index_cast %parallel_loop3A_170 : i32 to index
      %parallel_loop3A_260 = arith.constant 64 : index
      %parallel_loop3A_261 = tpu.vector_load %arg10[%parallel_loop3A_258, %parallel_loop3A_259, %parallel_loop3A_260] {strides = array<i32>} : memref<2x80x128xf32, #tpu.memory_space<vmem>>, vector<1x1x16xf32>,
      %parallel_loop3A_262 = vector.shape_cast %parallel_loop3A_261 : vector<1x1x16xf32> to vector<16xf32>
      %parallel_loop3A_263 = arith.addf %parallel_loop3A_256, %parallel_loop3A_262 : vector<16xf32>
      %parallel_loop3A_264 = arith.constant 0 : i32
      %parallel_loop3A_265 = arith.index_cast %parallel_loop3A_264 : i32 to index
      %parallel_loop3A_266 = arith.index_cast %parallel_loop3A_170 : i32 to index
      %parallel_loop3A_267 = arith.constant 64 : index
      %parallel_loop3A_268 = tpu.vector_load %arg11[%parallel_loop3A_265, %parallel_loop3A_266, %parallel_loop3A_267] {strides = array<i32>} : memref<2x80x128xf32, #tpu.memory_space<vmem>>, vector<1x1x16xf32>,
      %parallel_loop3A_269 = vector.shape_cast %parallel_loop3A_268 : vector<1x1x16xf32> to vector<16xf32>
      %parallel_loop3A_270 = vector.shape_cast %parallel_loop3A_263 : vector<16xf32> to vector<1x1x16xf32>
      tpu.vector_store %arg11[%parallel_loop3A_265, %parallel_loop3A_266, %parallel_loop3A_267], %parallel_loop3A_270 {strides = array<i32>} : memref<2x80x128xf32, #tpu.memory_space<vmem>>, vector<1x1x16xf32>,
      %parallel_loop3A_271 = arith.constant 0 : i32
      %parallel_loop3A_272 = arith.index_cast %parallel_loop3A_271 : i32 to index
      %parallel_loop3A_273 = arith.index_cast %parallel_loop3A_170 : i32 to index
      %parallel_loop3A_274 = arith.constant 80 : index
      %parallel_loop3A_275 = tpu.vector_load %arg9[%parallel_loop3A_272, %parallel_loop3A_273, %parallel_loop3A_274] {strides = array<i32>} : memref<2x80x128xf32, #tpu.memory_space<vmem>>, vector<1x1x16xf32>,
      %parallel_loop3A_276 = vector.shape_cast %parallel_loop3A_275 : vector<1x1x16xf32> to vector<16xf32>
      %parallel_loop3A_277 = arith.constant 0 : i32
      %parallel_loop3A_278 = arith.index_cast %parallel_loop3A_277 : i32 to index
      %parallel_loop3A_279 = arith.index_cast %parallel_loop3A_170 : i32 to index
      %parallel_loop3A_280 = arith.constant 80 : index
      %parallel_loop3A_281 = tpu.vector_load %arg10[%parallel_loop3A_278, %parallel_loop3A_279, %parallel_loop3A_280] {strides = array<i32>} : memref<2x80x128xf32, #tpu.memory_space<vmem>>, vector<1x1x16xf32>,
      %parallel_loop3A_282 = vector.shape_cast %parallel_loop3A_281 : vector<1x1x16xf32> to vector<16xf32>
      %parallel_loop3A_283 = arith.addf %parallel_loop3A_276, %parallel_loop3A_282 : vector<16xf32>
      %parallel_loop3A_284 = arith.constant 0 : i32
      %parallel_loop3A_285 = arith.index_cast %parallel_loop3A_284 : i32 to index
      %parallel_loop3A_286 = arith.index_cast %parallel_loop3A_170 : i32 to index
      %parallel_loop3A_287 = arith.constant 80 : index
      %parallel_loop3A_288 = tpu.vector_load %arg11[%parallel_loop3A_285, %parallel_loop3A_286, %parallel_loop3A_287] {strides = array<i32>} : memref<2x80x128xf32, #tpu.memory_space<vmem>>, vector<1x1x16xf32>,
      %parallel_loop3A_289 = vector.shape_cast %parallel_loop3A_288 : vector<1x1x16xf32> to vector<16xf32>
      %parallel_loop3A_290 = vector.shape_cast %parallel_loop3A_283 : vector<16xf32> to vector<1x1x16xf32>
      tpu.vector_store %arg11[%parallel_loop3A_285, %parallel_loop3A_286, %parallel_loop3A_287], %parallel_loop3A_290 {strides = array<i32>} : memref<2x80x128xf32, #tpu.memory_space<vmem>>, vector<1x1x16xf32>,
      %parallel_loop3A_291 = arith.constant 0 : i32
      %parallel_loop3A_292 = arith.index_cast %parallel_loop3A_291 : i32 to index
      %parallel_loop3A_293 = arith.index_cast %parallel_loop3A_170 : i32 to index
      %parallel_loop3A_294 = arith.constant 96 : index
      %parallel_loop3A_295 = tpu.vector_load %arg9[%parallel_loop3A_292, %parallel_loop3A_293, %parallel_loop3A_294] {strides = array<i32>} : memref<2x80x128xf32, #tpu.memory_space<vmem>>, vector<1x1x16xf32>,
      %parallel_loop3A_296 = vector.shape_cast %parallel_loop3A_295 : vector<1x1x16xf32> to vector<16xf32>
      %parallel_loop3A_297 = arith.constant 0 : i32
      %parallel_loop3A_298 = arith.index_cast %parallel_loop3A_297 : i32 to index
      %parallel_loop3A_299 = arith.index_cast %parallel_loop3A_170 : i32 to index
      %parallel_loop3A_300 = arith.constant 96 : index
      %parallel_loop3A_301 = tpu.vector_load %arg10[%parallel_loop3A_298, %parallel_loop3A_299, %parallel_loop3A_300] {strides = array<i32>} : memref<2x80x128xf32, #tpu.memory_space<vmem>>, vector<1x1x16xf32>,
      %parallel_loop3A_302 = vector.shape_cast %parallel_loop3A_301 : vector<1x1x16xf32> to vector<16xf32>
      %parallel_loop3A_303 = arith.addf %parallel_loop3A_296, %parallel_loop3A_302 : vector<16xf32>
      %parallel_loop3A_304 = arith.constant 0 : i32
      %parallel_loop3A_305 = arith.index_cast %parallel_loop3A_304 : i32 to index
      %parallel_loop3A_306 = arith.index_cast %parallel_loop3A_170 : i32 to index
      %parallel_loop3A_307 = arith.constant 96 : index
      %parallel_loop3A_308 = tpu.vector_load %arg11[%parallel_loop3A_305, %parallel_loop3A_306, %parallel_loop3A_307] {strides = array<i32>} : memref<2x80x128xf32, #tpu.memory_space<vmem>>, vector<1x1x16xf32>,
      %parallel_loop3A_309 = vector.shape_cast %parallel_loop3A_308 : vector<1x1x16xf32> to vector<16xf32>
      %parallel_loop3A_310 = vector.shape_cast %parallel_loop3A_303 : vector<16xf32> to vector<1x1x16xf32>
      tpu.vector_store %arg11[%parallel_loop3A_305, %parallel_loop3A_306, %parallel_loop3A_307], %parallel_loop3A_310 {strides = array<i32>} : memref<2x80x128xf32, #tpu.memory_space<vmem>>, vector<1x1x16xf32>,
      %parallel_loop3A_311 = arith.constant 0 : i32
      %parallel_loop3A_312 = arith.index_cast %parallel_loop3A_311 : i32 to index
      %parallel_loop3A_313 = arith.index_cast %parallel_loop3A_170 : i32 to index
      %parallel_loop3A_314 = arith.constant 112 : index
      %parallel_loop3A_315 = tpu.vector_load %arg9[%parallel_loop3A_312, %parallel_loop3A_313, %parallel_loop3A_314] {strides = array<i32>} : memref<2x80x128xf32, #tpu.memory_space<vmem>>, vector<1x1x16xf32>,
      %parallel_loop3A_316 = vector.shape_cast %parallel_loop3A_315 : vector<1x1x16xf32> to vector<16xf32>
      %parallel_loop3A_317 = arith.constant 0 : i32
      %parallel_loop3A_318 = arith.index_cast %parallel_loop3A_317 : i32 to index
      %parallel_loop3A_319 = arith.index_cast %parallel_loop3A_170 : i32 to index
      %parallel_loop3A_320 = arith.constant 112 : index
      %parallel_loop3A_321 = tpu.vector_load %arg10[%parallel_loop3A_318, %parallel_loop3A_319, %parallel_loop3A_320] {strides = array<i32>} : memref<2x80x128xf32, #tpu.memory_space<vmem>>, vector<1x1x16xf32>,
      %parallel_loop3A_322 = vector.shape_cast %parallel_loop3A_321 : vector<1x1x16xf32> to vector<16xf32>
      %parallel_loop3A_323 = arith.addf %parallel_loop3A_316, %parallel_loop3A_322 : vector<16xf32>
      %parallel_loop3A_324 = arith.constant 0 : i32
      %parallel_loop3A_325 = arith.index_cast %parallel_loop3A_324 : i32 to index
      %parallel_loop3A_326 = arith.index_cast %parallel_loop3A_170 : i32 to index
      %parallel_loop3A_327 = arith.constant 112 : index
      %parallel_loop3A_328 = tpu.vector_load %arg11[%parallel_loop3A_325, %parallel_loop3A_326, %parallel_loop3A_327] {strides = array<i32>} : memref<2x80x128xf32, #tpu.memory_space<vmem>>, vector<1x1x16xf32>,
      %parallel_loop3A_329 = vector.shape_cast %parallel_loop3A_328 : vector<1x1x16xf32> to vector<16xf32>
      %parallel_loop3A_330 = vector.shape_cast %parallel_loop3A_323 : vector<16xf32> to vector<1x1x16xf32>
      tpu.vector_store %arg11[%parallel_loop3A_325, %parallel_loop3A_326, %parallel_loop3A_327], %parallel_loop3A_330 {strides = array<i32>} : memref<2x80x128xf32, #tpu.memory_space<vmem>>, vector<1x1x16xf32>,
    } {sc.loop_unroll_factor = 1 : i64, sc.parallel_access}
    %mul3A_114 = arith.constant 4880 : i32
    %mul3A_115 = arith.muli %add3A, %mul3A_114 : i32
    %add3A_116 = arith.constant 4800 : i32
    %add3A_117 = arith.addi %mul3A_115, %add3A_116 : i32
    %dma_start3A_118 = arith.constant 0 : i32
    %dma_start3A_119 = arith.constant 0 : i32
    %dma_start3A_120 = arith.constant 0 : i32
    %dma_start3A_121 = arith.constant 0 : i32
    %dma_start3A_122 = tpu.memref_slice %arg11[%dma_start3A_118, %dma_start3A_120, %dma_start3A_121] : memref<2x80x128xf32, #tpu.memory_space<vmem>> -> memref<1x80x128xf32, #tpu.memory_space<vmem>>
    %dma_start3A_123 = tpu.memref_squeeze %dma_start3A_122 : memref<1x80x128xf32, #tpu.memory_space<vmem>> -> memref<80x128xf32, #tpu.memory_space<vmem>>
    %dma_start3A_124 = arith.constant 0 : i32
    %dma_start3A_125 = tpu.memref_slice %arg6[%add3A_117, %dma_start3A_124] : memref<156160x128xf32, #tpu.memory_space<hbm>> -> memref<80x128xf32, #tpu.memory_space<hbm>>
    %dma_start3A_126 = tpu.memref_slice %arg14[%dma_start3A_119] : memref<2x!tpu.dma_semaphore, #tpu.memory_space<semaphore_mem>> -> memref<1x!tpu.dma_semaphore, #tpu.memory_space<semaphore_mem>>
    %dma_start3A_127 = tpu.memref_squeeze %dma_start3A_126 : memref<1x!tpu.dma_semaphore, #tpu.memory_space<semaphore_mem>> -> memref<!tpu.dma_semaphore, #tpu.memory_space<semaphore_mem>>
    %dma_start3A_128 = arith.constant 0 : i32
    %dma_start3A_129 = tpu.memref_slice %arg6[%add3A_117, %dma_start3A_128] : memref<156160x128xf32, #tpu.memory_space<hbm>> -> memref<80x128xf32, #tpu.memory_space<hbm>>
    %dma_start3A_130 = arith.constant 0 : i32
    %dma_start3A_131 = arith.constant 0 : i32
    %dma_start3A_132 = tpu.memref_slice %arg11[%dma_start3A_118, %dma_start3A_130, %dma_start3A_131] : memref<2x80x128xf32, #tpu.memory_space<vmem>> -> memref<1x80x128xf32, #tpu.memory_space<vmem>>
    %dma_start3A_133 = tpu.memref_squeeze %dma_start3A_132 : memref<1x80x128xf32, #tpu.memory_space<vmem>> -> memref<80x128xf32, #tpu.memory_space<vmem>>
    tpu.enqueue_dma source(%dma_start3A_133 : memref<80x128xf32, #tpu.memory_space<vmem>>) target(%dma_start3A_129 : memref<80x128xf32, #tpu.memory_space<hbm>>) target_semaphore(%dma_start3A_127 : memref<!tpu.dma_semaphore, #tpu.memory_space<semaphore_mem>>)
    %dma_wait3A_134 = arith.constant 0 : i32
    %dma_wait3A_135 = arith.constant 0 : i32
    %dma_wait3A_136 = arith.constant 0 : i32
    %dma_wait3A_137 = arith.constant 0 : i32
    %dma_wait3A_138 = tpu.memref_slice %arg11[%dma_wait3A_134, %dma_wait3A_136, %dma_wait3A_137] : memref<2x80x128xf32, #tpu.memory_space<vmem>> -> memref<1x80x128xf32, #tpu.memory_space<vmem>>
    %dma_wait3A_139 = tpu.memref_squeeze %dma_wait3A_138 : memref<1x80x128xf32, #tpu.memory_space<vmem>> -> memref<80x128xf32, #tpu.memory_space<vmem>>
    %dma_wait3A_140 = arith.constant 0 : i32
    %dma_wait3A_141 = arith.constant 0 : i32
    %dma_wait3A_142 = tpu.memref_slice %arg6[%dma_wait3A_140, %dma_wait3A_141] : memref<156160x128xf32, #tpu.memory_space<hbm>> -> memref<80x128xf32, #tpu.memory_space<hbm>>
    %dma_wait3A_143 = tpu.memref_slice %arg14[%dma_wait3A_135] : memref<2x!tpu.dma_semaphore, #tpu.memory_space<semaphore_mem>> -> memref<1x!tpu.dma_semaphore, #tpu.memory_space<semaphore_mem>>
    %dma_wait3A_144 = tpu.memref_squeeze %dma_wait3A_143 : memref<1x!tpu.dma_semaphore, #tpu.memory_space<semaphore_mem>> -> memref<!tpu.dma_semaphore, #tpu.memory_space<semaphore_mem>>
    %dma_wait3A_145 = arith.constant 0 : i32
    %dma_wait3A_146 = arith.constant 0 : i32
    %dma_wait3A_147 = tpu.memref_slice %arg6[%dma_wait3A_145, %dma_wait3A_146] : memref<156160x128xf32, #tpu.memory_space<hbm>> -> memref<80x128xf32, #tpu.memory_space<hbm>>
    %dma_wait3A_148 = arith.constant 0 : i32
    %dma_wait3A_149 = arith.constant 0 : i32
    %dma_wait3A_150 = tpu.memref_slice %arg11[%dma_wait3A_134, %dma_wait3A_148, %dma_wait3A_149] : memref<2x80x128xf32, #tpu.memory_space<vmem>> -> memref<1x80x128xf32, #tpu.memory_space<vmem>>
    %dma_wait3A_151 = tpu.memref_squeeze %dma_wait3A_150 : memref<1x80x128xf32, #tpu.memory_space<vmem>> -> memref<80x128xf32, #tpu.memory_space<vmem>>
    tpu.wait_dma2 semaphore(%dma_wait3A_144 : memref<!tpu.dma_semaphore, #tpu.memory_space<semaphore_mem>>) src(%dma_wait3A_151 : memref<80x128xf32, #tpu.memory_space<vmem>>) dst(%dma_wait3A_147 : memref<80x128xf32, #tpu.memory_space<hbm>>)
    %dma_wait3A_152 = arith.constant 1 : i32
    %dma_wait3A_153 = arith.constant 1 : i32
    %dma_wait3A_154 = arith.constant 0 : i32
    %dma_wait3A_155 = arith.constant 0 : i32
    %dma_wait3A_156 = tpu.memref_slice %arg11[%dma_wait3A_152, %dma_wait3A_154, %dma_wait3A_155] : memref<2x80x128xf32, #tpu.memory_space<vmem>> -> memref<1x80x128xf32, #tpu.memory_space<vmem>>
    %dma_wait3A_157 = tpu.memref_squeeze %dma_wait3A_156 : memref<1x80x128xf32, #tpu.memory_space<vmem>> -> memref<80x128xf32, #tpu.memory_space<vmem>>
    %dma_wait3A_158 = arith.constant 0 : i32
    %dma_wait3A_159 = arith.constant 0 : i32
    %dma_wait3A_160 = tpu.memref_slice %arg6[%dma_wait3A_158, %dma_wait3A_159] : memref<156160x128xf32, #tpu.memory_space<hbm>> -> memref<80x128xf32, #tpu.memory_space<hbm>>
    %dma_wait3A_161 = tpu.memref_slice %arg14[%dma_wait3A_153] : memref<2x!tpu.dma_semaphore, #tpu.memory_space<semaphore_mem>> -> memref<1x!tpu.dma_semaphore, #tpu.memory_space<semaphore_mem>>
    %dma_wait3A_162 = tpu.memref_squeeze %dma_wait3A_161 : memref<1x!tpu.dma_semaphore, #tpu.memory_space<semaphore_mem>> -> memref<!tpu.dma_semaphore, #tpu.memory_space<semaphore_mem>>
    %dma_wait3A_163 = arith.constant 0 : i32
    %dma_wait3A_164 = arith.constant 0 : i32
    %dma_wait3A_165 = tpu.memref_slice %arg6[%dma_wait3A_163, %dma_wait3A_164] : memref<156160x128xf32, #tpu.memory_space<hbm>> -> memref<80x128xf32, #tpu.memory_space<hbm>>
    %dma_wait3A_166 = arith.constant 0 : i32
    %dma_wait3A_167 = arith.constant 0 : i32
    %dma_wait3A_168 = tpu.memref_slice %arg11[%dma_wait3A_152, %dma_wait3A_166, %dma_wait3A_167] : memref<2x80x128xf32, #tpu.memory_space<vmem>> -> memref<1x80x128xf32, #tpu.memory_space<vmem>>
    %dma_wait3A_169 = tpu.memref_squeeze %dma_wait3A_168 : memref<1x80x128xf32, #tpu.memory_space<vmem>> -> memref<80x128xf32, #tpu.memory_space<vmem>>
    tpu.wait_dma2 semaphore(%dma_wait3A_162 : memref<!tpu.dma_semaphore, #tpu.memory_space<semaphore_mem>>) src(%dma_wait3A_169 : memref<80x128xf32, #tpu.memory_space<vmem>>) dst(%dma_wait3A_165 : memref<80x128xf32, #tpu.memory_space<hbm>>)
    return
  }
}

module attributes {stable_mosaic.version = 14 : i64} {
  func.func @_proj_body(%arg0: memref<10000x128xf32, #tpu.memory_space<vmem>>, %arg1: memref<128x128xf32, #tpu.memory_space<vmem>>, %arg2: memref<128x128xf32, #tpu.memory_space<vmem>>, %arg3: memref<10000x128xf32, #tpu.memory_space<vmem>>, %arg4: memref<10000x128xf32, #tpu.memory_space<vmem>>) attributes {dimension_semantics = [], scalar_prefetch = 0 : i64, scratch_operands = 0 : i64, tpu.core_type = #tpu.core_type<tc>} {
    %get3A = arith.constant 0 : index
    %get3A_0 = arith.constant 0 : index
    %get3A_1 = vector.load %arg0[%get3A, %get3A_0] : memref<10000x128xf32, #tpu.memory_space<vmem>>, vector<10000x128xf32>
    %get3A_2 = arith.constant 0 : index
    %get3A_3 = arith.constant 0 : index
    %get3A_4 = vector.load %arg1[%get3A_2, %get3A_3] : memref<128x128xf32, #tpu.memory_space<vmem>>, vector<128x128xf32>
    %dot_general3A = arith.constant dense<0.000000e+00> : vector<10000x128xf32>
    %dot_general3A_5 = tpu.matmul %get3A_1, %get3A_4, %dot_general3A {dimension_numbers = #tpu.dot_dimension_numbers<[1], [0], [0], [1], [0, 0, 1, 1], [], []>, transpose_lhs_hint = false} : vector<10000x128xf32>, vector<128x128xf32>, vector<10000x128xf32> -> vector<10000x128xf32>
    %swap3A = arith.constant 0 : index
    %swap3A_6 = arith.constant 0 : index
    %swap3A_7 = vector.load %arg3[%swap3A, %swap3A_6] : memref<10000x128xf32, #tpu.memory_space<vmem>>, vector<10000x128xf32>
    tpu.vector_store %arg3[%swap3A, %swap3A_6], %dot_general3A_5 {strides = array<i32>} : memref<10000x128xf32, #tpu.memory_space<vmem>>, vector<10000x128xf32>,
    %get3A_8 = arith.constant 0 : index
    %get3A_9 = arith.constant 0 : index
    %get3A_10 = vector.load %arg2[%get3A_8, %get3A_9] : memref<128x128xf32, #tpu.memory_space<vmem>>, vector<128x128xf32>
    %dot_general3A_11 = arith.constant dense<0.000000e+00> : vector<10000x128xf32>
    %dot_general3A_12 = tpu.matmul %get3A_1, %get3A_10, %dot_general3A_11 {dimension_numbers = #tpu.dot_dimension_numbers<[1], [0], [0], [1], [0, 0, 1, 1], [], []>, transpose_lhs_hint = false} : vector<10000x128xf32>, vector<128x128xf32>, vector<10000x128xf32> -> vector<10000x128xf32>
    %swap3A_13 = arith.constant 0 : index
    %swap3A_14 = arith.constant 0 : index
    %swap3A_15 = vector.load %arg4[%swap3A_13, %swap3A_14] : memref<10000x128xf32, #tpu.memory_space<vmem>>, vector<10000x128xf32>
    tpu.vector_store %arg4[%swap3A_13, %swap3A_14], %dot_general3A_12 {strides = array<i32>} : memref<10000x128xf32, #tpu.memory_space<vmem>>, vector<10000x128xf32>,
    return
  }
}

module attributes {stable_mosaic.version = 14 : i64} {
  func.func @_edge1_body(%arg0: i32, %arg1: memref<128x128xf32, #tpu.memory_space<vmem>>, %arg2: memref<128x128xf32, #tpu.memory_space<vmem>>, %arg3: memref<1x128xf32, #tpu.memory_space<vmem>>, %arg4: memref<1x128xf32, #tpu.memory_space<vmem>>, %arg5: memref<2560x128xf32, #tpu.memory_space<vmem>>, %arg6: memref<2560x128xf32, #tpu.memory_space<vmem>>, %arg7: memref<2560x128xbf16, #tpu.memory_space<vmem>>, %arg8: memref<1x128xf32, #tpu.memory_space<vmem>>, %arg9: memref<1x128xf32, #tpu.memory_space<vmem>>) attributes {dimension_semantics = [#tpu.dimension_semantics<arbitrary>], iteration_bounds = array<i64: 61>, scalar_prefetch = 0 : i64, scratch_operands = 0 : i64, tpu.core_type = #tpu.core_type<tc>, window_params = [{pipeline_mode = #tpu.pipeline_mode<synchronous>, transform_indices = @transform_0, window_bounds = array<i64: 128, 128>}, {pipeline_mode = #tpu.pipeline_mode<synchronous>, transform_indices = @transform_1, window_bounds = array<i64: 128, 128>}, {pipeline_mode = #tpu.pipeline_mode<synchronous>, transform_indices = @transform_2, window_bounds = array<i64: 1, 128>}, {pipeline_mode = #tpu.pipeline_mode<synchronous>, transform_indices = @transform_3, window_bounds = array<i64: 1, 128>}, {transform_indices = @transform_4, window_bounds = array<i64: 2560, 128>}, {transform_indices = @transform_5, window_bounds = array<i64: 2560, 128>}, {transform_indices = @transform_6, window_bounds = array<i64: 2560, 128>}, {pipeline_mode = #tpu.pipeline_mode<synchronous>, transform_indices = @transform_7, window_bounds = array<i64: 1, 128>}, {pipeline_mode = #tpu.pipeline_mode<synchronous>, transform_indices = @transform_8, window_bounds = array<i64: 1, 128>}]} {
    %get3A = arith.constant 0 : index
    %get3A_0 = arith.constant 0 : index
    %get3A_1 = vector.load %arg5[%get3A, %get3A_0] : memref<2560x128xf32, #tpu.memory_space<vmem>>, vector<2560x128xf32>
    %get3A_2 = arith.constant 0 : index
    %get3A_3 = arith.constant 0 : index
    %get3A_4 = vector.load %arg1[%get3A_2, %get3A_3] : memref<128x128xf32, #tpu.memory_space<vmem>>, vector<128x128xf32>
    %dot_general3A = arith.constant dense<0.000000e+00> : vector<2560x128xf32>
    %dot_general3A_5 = tpu.matmul %get3A_1, %get3A_4, %dot_general3A {dimension_numbers = #tpu.dot_dimension_numbers<[1], [0], [0], [1], [0, 0, 1, 1], [], []>, transpose_lhs_hint = false} : vector<2560x128xf32>, vector<128x128xf32>, vector<2560x128xf32> -> vector<2560x128xf32>
    %get3A_6 = arith.constant 0 : index
    %get3A_7 = arith.constant 0 : index
    %get3A_8 = vector.load %arg6[%get3A_6, %get3A_7] : memref<2560x128xf32, #tpu.memory_space<vmem>>, vector<2560x128xf32>
    %add3A = arith.addf %dot_general3A_5, %get3A_8 : vector<2560x128xf32>
    %get3A_9 = arith.constant 0 : index
    %get3A_10 = arith.constant 0 : index
    %get3A_11 = vector.load %arg3[%get3A_9, %get3A_10] : memref<1x128xf32, #tpu.memory_space<vmem>>, vector<1x128xf32>
    %add3A_12 = vector.broadcast %get3A_11 : vector<1x128xf32> to vector<2560x128xf32>
    %add3A_13 = arith.addf %add3A, %add3A_12 : vector<2560x128xf32>
    %max3A = arith.constant 0.000000e+00 : f32
    %max3A_14 = vector.broadcast %max3A : f32 to vector<2560x128xf32>
    %max3A_15 = arith.maximumf %add3A_13, %max3A_14 : vector<2560x128xf32>
    %get3A_16 = arith.constant 0 : index
    %get3A_17 = arith.constant 0 : index
    %get3A_18 = vector.load %arg2[%get3A_16, %get3A_17] : memref<128x128xf32, #tpu.memory_space<vmem>>, vector<128x128xf32>
    %dot_general3A_19 = arith.constant dense<0.000000e+00> : vector<2560x128xf32>
    %dot_general3A_20 = tpu.matmul %max3A_15, %get3A_18, %dot_general3A_19 {dimension_numbers = #tpu.dot_dimension_numbers<[1], [0], [0], [1], [0, 0, 1, 1], [], []>, transpose_lhs_hint = false} : vector<2560x128xf32>, vector<128x128xf32>, vector<2560x128xf32> -> vector<2560x128xf32>
    %get3A_21 = arith.constant 0 : index
    %get3A_22 = arith.constant 0 : index
    %get3A_23 = vector.load %arg4[%get3A_21, %get3A_22] : memref<1x128xf32, #tpu.memory_space<vmem>>, vector<1x128xf32>
    %add3A_24 = vector.broadcast %get3A_23 : vector<1x128xf32> to vector<2560x128xf32>
    %add3A_25 = arith.addf %dot_general3A_20, %add3A_24 : vector<2560x128xf32>
    %convert_element_type3A = arith.truncf %add3A_25 : vector<2560x128xf32> to vector<2560x128xbf16>
    %swap3A = arith.constant 0 : index
    %swap3A_26 = arith.constant 0 : index
    %swap3A_27 = vector.load %arg7[%swap3A, %swap3A_26] : memref<2560x128xbf16, #tpu.memory_space<vmem>>, vector<2560x128xbf16>
    tpu.vector_store %arg7[%swap3A, %swap3A_26], %convert_element_type3A {strides = array<i32>} : memref<2560x128xbf16, #tpu.memory_space<vmem>>, vector<2560x128xbf16>,
    %eq3A = arith.constant 0 : i32
    %eq3A_28 = arith.cmpi eq, %arg0, %eq3A : i32
    %convert_element_type3A_29 = arith.extui %eq3A_28 : i1 to i32
    %cond3A = arith.constant 0 : i32
    %cond3A_30 = arith.cmpi ne, %convert_element_type3A_29, %cond3A : i32
    scf.if %cond3A_30 {
      %broadcast_in_dim3A_49 = arith.constant 0.000000e+00 : f32
      %broadcast_in_dim3A_50 = vector.broadcast %broadcast_in_dim3A_49 : f32 to vector<1x128xf32>
      %swap3A_51 = arith.constant 0 : index
      %swap3A_52 = arith.constant 0 : index
      %swap3A_53 = vector.load %arg8[%swap3A_51, %swap3A_52] : memref<1x128xf32, #tpu.memory_space<vmem>>, vector<1x128xf32>
      tpu.vector_store %arg8[%swap3A_51, %swap3A_52], %broadcast_in_dim3A_50 {strides = array<i32>} : memref<1x128xf32, #tpu.memory_space<vmem>>, vector<1x128xf32>,
      %broadcast_in_dim3A_54 = arith.constant 0.000000e+00 : f32
      %broadcast_in_dim3A_55 = vector.broadcast %broadcast_in_dim3A_54 : f32 to vector<1x128xf32>
      %swap3A_56 = arith.constant 0 : index
      %swap3A_57 = arith.constant 0 : index
      %swap3A_58 = vector.load %arg9[%swap3A_56, %swap3A_57] : memref<1x128xf32, #tpu.memory_space<vmem>>, vector<1x128xf32>
      tpu.vector_store %arg9[%swap3A_56, %swap3A_57], %broadcast_in_dim3A_55 {strides = array<i32>} : memref<1x128xf32, #tpu.memory_space<vmem>>, vector<1x128xf32>,
    } else {
    }
    %get3A_31 = arith.constant 0 : index
    %get3A_32 = arith.constant 0 : index
    %get3A_33 = vector.load %arg8[%get3A_31, %get3A_32] : memref<1x128xf32, #tpu.memory_space<vmem>>, vector<1x128xf32>
    %reduce_sum3A = arith.constant dense<0.000000e+00> : vector<128xf32>
    %reduce_sum3A_34 = vector.multi_reduction <add>, %add3A_25, %reduce_sum3A [0] : vector<2560x128xf32> to vector<128xf32>
    %broadcast_in_dim3A = vector.shape_cast %reduce_sum3A_34 : vector<128xf32> to vector<1x128xf32>
    %add3A_35 = arith.addf %get3A_33, %broadcast_in_dim3A : vector<1x128xf32>
    %swap3A_36 = arith.constant 0 : index
    %swap3A_37 = arith.constant 0 : index
    %swap3A_38 = vector.load %arg8[%swap3A_36, %swap3A_37] : memref<1x128xf32, #tpu.memory_space<vmem>>, vector<1x128xf32>
    tpu.vector_store %arg8[%swap3A_36, %swap3A_37], %add3A_35 {strides = array<i32>} : memref<1x128xf32, #tpu.memory_space<vmem>>, vector<1x128xf32>,
    %get3A_39 = arith.constant 0 : index
    %get3A_40 = arith.constant 0 : index
    %get3A_41 = vector.load %arg9[%get3A_39, %get3A_40] : memref<1x128xf32, #tpu.memory_space<vmem>>, vector<1x128xf32>
    %mul3A = arith.mulf %add3A_25, %add3A_25 : vector<2560x128xf32>
    %reduce_sum3A_42 = arith.constant dense<0.000000e+00> : vector<128xf32>
    %reduce_sum3A_43 = vector.multi_reduction <add>, %mul3A, %reduce_sum3A_42 [0] : vector<2560x128xf32> to vector<128xf32>
    %broadcast_in_dim3A_44 = vector.shape_cast %reduce_sum3A_43 : vector<128xf32> to vector<1x128xf32>
    %add3A_45 = arith.addf %get3A_41, %broadcast_in_dim3A_44 : vector<1x128xf32>
    %swap3A_46 = arith.constant 0 : index
    %swap3A_47 = arith.constant 0 : index
    %swap3A_48 = vector.load %arg9[%swap3A_46, %swap3A_47] : memref<1x128xf32, #tpu.memory_space<vmem>>, vector<1x128xf32>
    tpu.vector_store %arg9[%swap3A_46, %swap3A_47], %add3A_45 {strides = array<i32>} : memref<1x128xf32, #tpu.memory_space<vmem>>, vector<1x128xf32>,
    return
  }
  func.func @transform_0(%arg0: i32) -> (i32, i32) {
    %c0_i32 = arith.constant 0 : i32
    %c0_i32_0 = arith.constant 0 : i32
    %c0_i32_1 = arith.constant 0 : i32
    return %c0_i32, %c0_i32_0 : i32, i32
  }
  func.func @transform_1(%arg0: i32) -> (i32, i32) {
    %c0_i32 = arith.constant 0 : i32
    %c0_i32_0 = arith.constant 0 : i32
    %c0_i32_1 = arith.constant 0 : i32
    return %c0_i32, %c0_i32_0 : i32, i32
  }
  func.func @transform_2(%arg0: i32) -> (i32, i32) {
    %c0_i32 = arith.constant 0 : i32
    %c0_i32_0 = arith.constant 0 : i32
    %c0_i32_1 = arith.constant 0 : i32
    return %c0_i32, %c0_i32_0 : i32, i32
  }
  func.func @transform_3(%arg0: i32) -> (i32, i32) {
    %c0_i32 = arith.constant 0 : i32
    %c0_i32_0 = arith.constant 0 : i32
    %c0_i32_1 = arith.constant 0 : i32
    return %c0_i32, %c0_i32_0 : i32, i32
  }
  func.func @transform_4(%arg0: i32) -> (i32, i32) {
    %add3A = arith.constant 64 : i32
    %add3A_0 = arith.addi %arg0, %add3A : i32
    %c0_i32 = arith.constant 0 : i32
    %c0_i32_1 = arith.constant 0 : i32
    return %add3A_0, %c0_i32 : i32, i32
  }
  func.func @transform_5(%arg0: i32) -> (i32, i32) {
    %c0_i32 = arith.constant 0 : i32
    %c0_i32_0 = arith.constant 0 : i32
    return %arg0, %c0_i32 : i32, i32
  }
  func.func @transform_6(%arg0: i32) -> (i32, i32) {
    %c0_i32 = arith.constant 0 : i32
    %c0_i32_0 = arith.constant 0 : i32
    return %arg0, %c0_i32 : i32, i32
  }
  func.func @transform_7(%arg0: i32) -> (i32, i32) {
    %c0_i32 = arith.constant 0 : i32
    %c0_i32_0 = arith.constant 0 : i32
    %c0_i32_1 = arith.constant 0 : i32
    return %c0_i32, %c0_i32_0 : i32, i32
  }
  func.func @transform_8(%arg0: i32) -> (i32, i32) {
    %c0_i32 = arith.constant 0 : i32
    %c0_i32_0 = arith.constant 0 : i32
    %c0_i32_1 = arith.constant 0 : i32
    return %c0_i32, %c0_i32_0 : i32, i32
  }
}

module attributes {stable_mosaic.version = 14 : i64} {
  func.func @_edge2_body(%arg0: i32, %arg1: memref<1x128xf32, #tpu.memory_space<vmem>>, %arg2: memref<1x128xf32, #tpu.memory_space<vmem>>, %arg3: memref<1x128xf32, #tpu.memory_space<vmem>>, %arg4: memref<1x128xf32, #tpu.memory_space<vmem>>, %arg5: memref<1x128xf32, #tpu.memory_space<vmem>>, %arg6: memref<1x128xf32, #tpu.memory_space<vmem>>, %arg7: memref<2560x128xf32, #tpu.memory_space<vmem>>, %arg8: memref<2560x128xbf16, #tpu.memory_space<vmem>>, %arg9: memref<2560x128xbf16, #tpu.memory_space<vmem>>, %arg10: memref<2560x128xf32, #tpu.memory_space<vmem>>) attributes {dimension_semantics = [#tpu.dimension_semantics<arbitrary>], iteration_bounds = array<i64: 125>, scalar_prefetch = 0 : i64, scratch_operands = 0 : i64, tpu.core_type = #tpu.core_type<tc>, window_params = [{pipeline_mode = #tpu.pipeline_mode<synchronous>, transform_indices = @transform_0, window_bounds = array<i64: 1, 128>}, {pipeline_mode = #tpu.pipeline_mode<synchronous>, transform_indices = @transform_1, window_bounds = array<i64: 1, 128>}, {pipeline_mode = #tpu.pipeline_mode<synchronous>, transform_indices = @transform_2, window_bounds = array<i64: 1, 128>}, {pipeline_mode = #tpu.pipeline_mode<synchronous>, transform_indices = @transform_3, window_bounds = array<i64: 1, 128>}, {pipeline_mode = #tpu.pipeline_mode<synchronous>, transform_indices = @transform_4, window_bounds = array<i64: 1, 128>}, {pipeline_mode = #tpu.pipeline_mode<synchronous>, transform_indices = @transform_5, window_bounds = array<i64: 1, 128>}, {transform_indices = @transform_6, window_bounds = array<i64: 2560, 128>}, {transform_indices = @transform_7, window_bounds = array<i64: 2560, 128>}, {transform_indices = @transform_8, window_bounds = array<i64: 2560, 128>}, {transform_indices = @transform_9, window_bounds = array<i64: 2560, 128>}]} {
    %get3A = arith.constant 0 : index
    %get3A_0 = arith.constant 0 : index
    %get3A_1 = vector.load %arg1[%get3A, %get3A_0] : memref<1x128xf32, #tpu.memory_space<vmem>>, vector<1x128xf32>
    %get3A_2 = arith.constant 0 : index
    %get3A_3 = arith.constant 0 : index
    %get3A_4 = vector.load %arg3[%get3A_2, %get3A_3] : memref<1x128xf32, #tpu.memory_space<vmem>>, vector<1x128xf32>
    %add3A = arith.addf %get3A_1, %get3A_4 : vector<1x128xf32>
    %get3A_5 = arith.constant 0 : index
    %get3A_6 = arith.constant 0 : index
    %get3A_7 = vector.load %arg2[%get3A_5, %get3A_6] : memref<1x128xf32, #tpu.memory_space<vmem>>, vector<1x128xf32>
    %get3A_8 = arith.constant 0 : index
    %get3A_9 = arith.constant 0 : index
    %get3A_10 = vector.load %arg4[%get3A_8, %get3A_9] : memref<1x128xf32, #tpu.memory_space<vmem>>, vector<1x128xf32>
    %add3A_11 = arith.addf %get3A_7, %get3A_10 : vector<1x128xf32>
    %mul3A = arith.constant 3.125000e-06 : f32
    %mul3A_12 = vector.broadcast %mul3A : f32 to vector<1x128xf32>
    %mul3A_13 = arith.mulf %add3A, %mul3A_12 : vector<1x128xf32>
    %mul3A_14 = arith.constant 3.125000e-06 : f32
    %mul3A_15 = vector.broadcast %mul3A_14 : f32 to vector<1x128xf32>
    %mul3A_16 = arith.mulf %add3A_11, %mul3A_15 : vector<1x128xf32>
    %mul3A_17 = arith.mulf %mul3A_13, %mul3A_13 : vector<1x128xf32>
    %sub3A = arith.subf %mul3A_16, %mul3A_17 : vector<1x128xf32>
    %get3A_18 = arith.constant 0 : index
    %get3A_19 = arith.constant 0 : index
    %get3A_20 = vector.load %arg5[%get3A_18, %get3A_19] : memref<1x128xf32, #tpu.memory_space<vmem>>, vector<1x128xf32>
    %add3A_21 = arith.constant 9.99999974E-6 : f32
    %add3A_22 = vector.broadcast %add3A_21 : f32 to vector<1x128xf32>
    %add3A_23 = arith.addf %sub3A, %add3A_22 : vector<1x128xf32>
    %rsqrt3A = math.rsqrt %add3A_23 : vector<1x128xf32>
    %mul3A_24 = arith.mulf %get3A_20, %rsqrt3A : vector<1x128xf32>
    %get3A_25 = arith.constant 0 : index
    %get3A_26 = arith.constant 0 : index
    %get3A_27 = vector.load %arg6[%get3A_25, %get3A_26] : memref<1x128xf32, #tpu.memory_space<vmem>>, vector<1x128xf32>
    %mul3A_28 = arith.mulf %mul3A_13, %mul3A_24 : vector<1x128xf32>
    %sub3A_29 = arith.subf %get3A_27, %mul3A_28 : vector<1x128xf32>
    %lt3A = arith.constant 64 : i32
    %lt3A_30 = arith.cmpi slt, %arg0, %lt3A : i32
    %get3A_31 = arith.constant 0 : index
    %get3A_32 = arith.constant 0 : index
    %get3A_33 = vector.load %arg8[%get3A_31, %get3A_32] : memref<2560x128xbf16, #tpu.memory_space<vmem>>, vector<2560x128xbf16>
    %get3A_34 = arith.constant 0 : index
    %get3A_35 = arith.constant 0 : index
    %get3A_36 = vector.load %arg9[%get3A_34, %get3A_35] : memref<2560x128xbf16, #tpu.memory_space<vmem>>, vector<2560x128xbf16>
    %select_n3A = arith.select %lt3A_30, %get3A_33, %get3A_36 : vector<2560x128xbf16>
    %convert_element_type3A = arith.extf %select_n3A : vector<2560x128xbf16> to vector<2560x128xf32>
    %get3A_37 = arith.constant 0 : index
    %get3A_38 = arith.constant 0 : index
    %get3A_39 = vector.load %arg7[%get3A_37, %get3A_38] : memref<2560x128xf32, #tpu.memory_space<vmem>>, vector<2560x128xf32>
    %mul3A_40 = vector.broadcast %mul3A_24 : vector<1x128xf32> to vector<2560x128xf32>
    %mul3A_41 = arith.mulf %convert_element_type3A, %mul3A_40 : vector<2560x128xf32>
    %add3A_42 = arith.addf %get3A_39, %mul3A_41 : vector<2560x128xf32>
    %add3A_43 = vector.broadcast %sub3A_29 : vector<1x128xf32> to vector<2560x128xf32>
    %add3A_44 = arith.addf %add3A_42, %add3A_43 : vector<2560x128xf32>
    %swap3A = arith.constant 0 : index
    %swap3A_45 = arith.constant 0 : index
    %swap3A_46 = vector.load %arg10[%swap3A, %swap3A_45] : memref<2560x128xf32, #tpu.memory_space<vmem>>, vector<2560x128xf32>
    tpu.vector_store %arg10[%swap3A, %swap3A_45], %add3A_44 {strides = array<i32>} : memref<2560x128xf32, #tpu.memory_space<vmem>>, vector<2560x128xf32>,
    return
  }
  func.func @transform_0(%arg0: i32) -> (i32, i32) {
    %c0_i32 = arith.constant 0 : i32
    %c0_i32_0 = arith.constant 0 : i32
    %c0_i32_1 = arith.constant 0 : i32
    return %c0_i32, %c0_i32_0 : i32, i32
  }
  func.func @transform_1(%arg0: i32) -> (i32, i32) {
    %c0_i32 = arith.constant 0 : i32
    %c0_i32_0 = arith.constant 0 : i32
    %c0_i32_1 = arith.constant 0 : i32
    return %c0_i32, %c0_i32_0 : i32, i32
  }
  func.func @transform_2(%arg0: i32) -> (i32, i32) {
    %c0_i32 = arith.constant 0 : i32
    %c0_i32_0 = arith.constant 0 : i32
    %c0_i32_1 = arith.constant 0 : i32
    return %c0_i32, %c0_i32_0 : i32, i32
  }
  func.func @transform_3(%arg0: i32) -> (i32, i32) {
    %c0_i32 = arith.constant 0 : i32
    %c0_i32_0 = arith.constant 0 : i32
    %c0_i32_1 = arith.constant 0 : i32
    return %c0_i32, %c0_i32_0 : i32, i32
  }
  func.func @transform_4(%arg0: i32) -> (i32, i32) {
    %c0_i32 = arith.constant 0 : i32
    %c0_i32_0 = arith.constant 0 : i32
    %c0_i32_1 = arith.constant 0 : i32
    return %c0_i32, %c0_i32_0 : i32, i32
  }
  func.func @transform_5(%arg0: i32) -> (i32, i32) {
    %c0_i32 = arith.constant 0 : i32
    %c0_i32_0 = arith.constant 0 : i32
    %c0_i32_1 = arith.constant 0 : i32
    return %c0_i32, %c0_i32_0 : i32, i32
  }
  func.func @transform_6(%arg0: i32) -> (i32, i32) {
    %c0_i32 = arith.constant 0 : i32
    %c0_i32_0 = arith.constant 0 : i32
    return %arg0, %c0_i32 : i32, i32
  }
  func.func @transform_7(%arg0: i32) -> (i32, i32) {
    %min3A = arith.constant 63 : i32
    %min3A_0 = arith.minsi %arg0, %min3A : i32
    %c0_i32 = arith.constant 0 : i32
    %c0_i32_1 = arith.constant 0 : i32
    return %min3A_0, %c0_i32 : i32, i32
  }
  func.func @transform_8(%arg0: i32) -> (i32, i32) {
    %sub3A = arith.constant 64 : i32
    %sub3A_0 = arith.subi %arg0, %sub3A : i32
    %max3A = arith.constant 0 : i32
    %max3A_1 = arith.maxsi %sub3A_0, %max3A : i32
    %c0_i32 = arith.constant 0 : i32
    %c0_i32_2 = arith.constant 0 : i32
    return %max3A_1, %c0_i32 : i32, i32
  }
  func.func @transform_9(%arg0: i32) -> (i32, i32) {
    %c0_i32 = arith.constant 0 : i32
    %c0_i32_0 = arith.constant 0 : i32
    return %arg0, %c0_i32 : i32, i32
  }
}

module attributes {stable_mosaic.version = 14 : i64} {
  func.func @_edge1_body(%arg0: i32, %arg1: memref<128x128xf32, #tpu.memory_space<vmem>>, %arg2: memref<128x128xf32, #tpu.memory_space<vmem>>, %arg3: memref<1x128xf32, #tpu.memory_space<vmem>>, %arg4: memref<1x128xf32, #tpu.memory_space<vmem>>, %arg5: memref<2560x128xf32, #tpu.memory_space<vmem>>, %arg6: memref<2560x128xf32, #tpu.memory_space<vmem>>, %arg7: memref<2560x128xbf16, #tpu.memory_space<vmem>>, %arg8: memref<1x128xf32, #tpu.memory_space<vmem>>, %arg9: memref<1x128xf32, #tpu.memory_space<vmem>>) attributes {dimension_semantics = [#tpu.dimension_semantics<arbitrary>], iteration_bounds = array<i64: 64>, scalar_prefetch = 0 : i64, scratch_operands = 0 : i64, tpu.core_type = #tpu.core_type<tc>, window_params = [{pipeline_mode = #tpu.pipeline_mode<synchronous>, transform_indices = @transform_0, window_bounds = array<i64: 128, 128>}, {pipeline_mode = #tpu.pipeline_mode<synchronous>, transform_indices = @transform_1, window_bounds = array<i64: 128, 128>}, {pipeline_mode = #tpu.pipeline_mode<synchronous>, transform_indices = @transform_2, window_bounds = array<i64: 1, 128>}, {pipeline_mode = #tpu.pipeline_mode<synchronous>, transform_indices = @transform_3, window_bounds = array<i64: 1, 128>}, {transform_indices = @transform_4, window_bounds = array<i64: 2560, 128>}, {transform_indices = @transform_5, window_bounds = array<i64: 2560, 128>}, {transform_indices = @transform_6, window_bounds = array<i64: 2560, 128>}, {pipeline_mode = #tpu.pipeline_mode<synchronous>, transform_indices = @transform_7, window_bounds = array<i64: 1, 128>}, {pipeline_mode = #tpu.pipeline_mode<synchronous>, transform_indices = @transform_8, window_bounds = array<i64: 1, 128>}]} {
    %get3A = arith.constant 0 : index
    %get3A_0 = arith.constant 0 : index
    %get3A_1 = vector.load %arg5[%get3A, %get3A_0] : memref<2560x128xf32, #tpu.memory_space<vmem>>, vector<2560x128xf32>
    %get3A_2 = arith.constant 0 : index
    %get3A_3 = arith.constant 0 : index
    %get3A_4 = vector.load %arg1[%get3A_2, %get3A_3] : memref<128x128xf32, #tpu.memory_space<vmem>>, vector<128x128xf32>
    %dot_general3A = arith.constant dense<0.000000e+00> : vector<2560x128xf32>
    %dot_general3A_5 = tpu.matmul %get3A_1, %get3A_4, %dot_general3A {dimension_numbers = #tpu.dot_dimension_numbers<[1], [0], [0], [1], [0, 0, 1, 1], [], []>, transpose_lhs_hint = false} : vector<2560x128xf32>, vector<128x128xf32>, vector<2560x128xf32> -> vector<2560x128xf32>
    %get3A_6 = arith.constant 0 : index
    %get3A_7 = arith.constant 0 : index
    %get3A_8 = vector.load %arg6[%get3A_6, %get3A_7] : memref<2560x128xf32, #tpu.memory_space<vmem>>, vector<2560x128xf32>
    %add3A = arith.addf %dot_general3A_5, %get3A_8 : vector<2560x128xf32>
    %get3A_9 = arith.constant 0 : index
    %get3A_10 = arith.constant 0 : index
    %get3A_11 = vector.load %arg3[%get3A_9, %get3A_10] : memref<1x128xf32, #tpu.memory_space<vmem>>, vector<1x128xf32>
    %add3A_12 = vector.broadcast %get3A_11 : vector<1x128xf32> to vector<2560x128xf32>
    %add3A_13 = arith.addf %add3A, %add3A_12 : vector<2560x128xf32>
    %max3A = arith.constant 0.000000e+00 : f32
    %max3A_14 = vector.broadcast %max3A : f32 to vector<2560x128xf32>
    %max3A_15 = arith.maximumf %add3A_13, %max3A_14 : vector<2560x128xf32>
    %get3A_16 = arith.constant 0 : index
    %get3A_17 = arith.constant 0 : index
    %get3A_18 = vector.load %arg2[%get3A_16, %get3A_17] : memref<128x128xf32, #tpu.memory_space<vmem>>, vector<128x128xf32>
    %dot_general3A_19 = arith.constant dense<0.000000e+00> : vector<2560x128xf32>
    %dot_general3A_20 = tpu.matmul %max3A_15, %get3A_18, %dot_general3A_19 {dimension_numbers = #tpu.dot_dimension_numbers<[1], [0], [0], [1], [0, 0, 1, 1], [], []>, transpose_lhs_hint = false} : vector<2560x128xf32>, vector<128x128xf32>, vector<2560x128xf32> -> vector<2560x128xf32>
    %get3A_21 = arith.constant 0 : index
    %get3A_22 = arith.constant 0 : index
    %get3A_23 = vector.load %arg4[%get3A_21, %get3A_22] : memref<1x128xf32, #tpu.memory_space<vmem>>, vector<1x128xf32>
    %add3A_24 = vector.broadcast %get3A_23 : vector<1x128xf32> to vector<2560x128xf32>
    %add3A_25 = arith.addf %dot_general3A_20, %add3A_24 : vector<2560x128xf32>
    %convert_element_type3A = arith.truncf %add3A_25 : vector<2560x128xf32> to vector<2560x128xbf16>
    %swap3A = arith.constant 0 : index
    %swap3A_26 = arith.constant 0 : index
    %swap3A_27 = vector.load %arg7[%swap3A, %swap3A_26] : memref<2560x128xbf16, #tpu.memory_space<vmem>>, vector<2560x128xbf16>
    tpu.vector_store %arg7[%swap3A, %swap3A_26], %convert_element_type3A {strides = array<i32>} : memref<2560x128xbf16, #tpu.memory_space<vmem>>, vector<2560x128xbf16>,
    %eq3A = arith.constant 0 : i32
    %eq3A_28 = arith.cmpi eq, %arg0, %eq3A : i32
    %convert_element_type3A_29 = arith.extui %eq3A_28 : i1 to i32
    %cond3A = arith.constant 0 : i32
    %cond3A_30 = arith.cmpi ne, %convert_element_type3A_29, %cond3A : i32
    scf.if %cond3A_30 {
      %broadcast_in_dim3A_49 = arith.constant 0.000000e+00 : f32
      %broadcast_in_dim3A_50 = vector.broadcast %broadcast_in_dim3A_49 : f32 to vector<1x128xf32>
      %swap3A_51 = arith.constant 0 : index
      %swap3A_52 = arith.constant 0 : index
      %swap3A_53 = vector.load %arg8[%swap3A_51, %swap3A_52] : memref<1x128xf32, #tpu.memory_space<vmem>>, vector<1x128xf32>
      tpu.vector_store %arg8[%swap3A_51, %swap3A_52], %broadcast_in_dim3A_50 {strides = array<i32>} : memref<1x128xf32, #tpu.memory_space<vmem>>, vector<1x128xf32>,
      %broadcast_in_dim3A_54 = arith.constant 0.000000e+00 : f32
      %broadcast_in_dim3A_55 = vector.broadcast %broadcast_in_dim3A_54 : f32 to vector<1x128xf32>
      %swap3A_56 = arith.constant 0 : index
      %swap3A_57 = arith.constant 0 : index
      %swap3A_58 = vector.load %arg9[%swap3A_56, %swap3A_57] : memref<1x128xf32, #tpu.memory_space<vmem>>, vector<1x128xf32>
      tpu.vector_store %arg9[%swap3A_56, %swap3A_57], %broadcast_in_dim3A_55 {strides = array<i32>} : memref<1x128xf32, #tpu.memory_space<vmem>>, vector<1x128xf32>,
    } else {
    }
    %get3A_31 = arith.constant 0 : index
    %get3A_32 = arith.constant 0 : index
    %get3A_33 = vector.load %arg8[%get3A_31, %get3A_32] : memref<1x128xf32, #tpu.memory_space<vmem>>, vector<1x128xf32>
    %reduce_sum3A = arith.constant dense<0.000000e+00> : vector<128xf32>
    %reduce_sum3A_34 = vector.multi_reduction <add>, %add3A_25, %reduce_sum3A [0] : vector<2560x128xf32> to vector<128xf32>
    %broadcast_in_dim3A = vector.shape_cast %reduce_sum3A_34 : vector<128xf32> to vector<1x128xf32>
    %add3A_35 = arith.addf %get3A_33, %broadcast_in_dim3A : vector<1x128xf32>
    %swap3A_36 = arith.constant 0 : index
    %swap3A_37 = arith.constant 0 : index
    %swap3A_38 = vector.load %arg8[%swap3A_36, %swap3A_37] : memref<1x128xf32, #tpu.memory_space<vmem>>, vector<1x128xf32>
    tpu.vector_store %arg8[%swap3A_36, %swap3A_37], %add3A_35 {strides = array<i32>} : memref<1x128xf32, #tpu.memory_space<vmem>>, vector<1x128xf32>,
    %get3A_39 = arith.constant 0 : index
    %get3A_40 = arith.constant 0 : index
    %get3A_41 = vector.load %arg9[%get3A_39, %get3A_40] : memref<1x128xf32, #tpu.memory_space<vmem>>, vector<1x128xf32>
    %mul3A = arith.mulf %add3A_25, %add3A_25 : vector<2560x128xf32>
    %reduce_sum3A_42 = arith.constant dense<0.000000e+00> : vector<128xf32>
    %reduce_sum3A_43 = vector.multi_reduction <add>, %mul3A, %reduce_sum3A_42 [0] : vector<2560x128xf32> to vector<128xf32>
    %broadcast_in_dim3A_44 = vector.shape_cast %reduce_sum3A_43 : vector<128xf32> to vector<1x128xf32>
    %add3A_45 = arith.addf %get3A_41, %broadcast_in_dim3A_44 : vector<1x128xf32>
    %swap3A_46 = arith.constant 0 : index
    %swap3A_47 = arith.constant 0 : index
    %swap3A_48 = vector.load %arg9[%swap3A_46, %swap3A_47] : memref<1x128xf32, #tpu.memory_space<vmem>>, vector<1x128xf32>
    tpu.vector_store %arg9[%swap3A_46, %swap3A_47], %add3A_45 {strides = array<i32>} : memref<1x128xf32, #tpu.memory_space<vmem>>, vector<1x128xf32>,
    return
  }
  func.func @transform_0(%arg0: i32) -> (i32, i32) {
    %c0_i32 = arith.constant 0 : i32
    %c0_i32_0 = arith.constant 0 : i32
    %c0_i32_1 = arith.constant 0 : i32
    return %c0_i32, %c0_i32_0 : i32, i32
  }
  func.func @transform_1(%arg0: i32) -> (i32, i32) {
    %c0_i32 = arith.constant 0 : i32
    %c0_i32_0 = arith.constant 0 : i32
    %c0_i32_1 = arith.constant 0 : i32
    return %c0_i32, %c0_i32_0 : i32, i32
  }
  func.func @transform_2(%arg0: i32) -> (i32, i32) {
    %c0_i32 = arith.constant 0 : i32
    %c0_i32_0 = arith.constant 0 : i32
    %c0_i32_1 = arith.constant 0 : i32
    return %c0_i32, %c0_i32_0 : i32, i32
  }
  func.func @transform_3(%arg0: i32) -> (i32, i32) {
    %c0_i32 = arith.constant 0 : i32
    %c0_i32_0 = arith.constant 0 : i32
    %c0_i32_1 = arith.constant 0 : i32
    return %c0_i32, %c0_i32_0 : i32, i32
  }
  func.func @transform_4(%arg0: i32) -> (i32, i32) {
    %add3A = arith.constant 0 : i32
    %add3A_0 = arith.addi %arg0, %add3A : i32
    %c0_i32 = arith.constant 0 : i32
    %c0_i32_1 = arith.constant 0 : i32
    return %add3A_0, %c0_i32 : i32, i32
  }
  func.func @transform_5(%arg0: i32) -> (i32, i32) {
    %c0_i32 = arith.constant 0 : i32
    %c0_i32_0 = arith.constant 0 : i32
    return %arg0, %c0_i32 : i32, i32
  }
  func.func @transform_6(%arg0: i32) -> (i32, i32) {
    %c0_i32 = arith.constant 0 : i32
    %c0_i32_0 = arith.constant 0 : i32
    return %arg0, %c0_i32 : i32, i32
  }
  func.func @transform_7(%arg0: i32) -> (i32, i32) {
    %c0_i32 = arith.constant 0 : i32
    %c0_i32_0 = arith.constant 0 : i32
    %c0_i32_1 = arith.constant 0 : i32
    return %c0_i32, %c0_i32_0 : i32, i32
  }
  func.func @transform_8(%arg0: i32) -> (i32, i32) {
    %c0_i32 = arith.constant 0 : i32
    %c0_i32_0 = arith.constant 0 : i32
    %c0_i32_1 = arith.constant 0 : i32
    return %c0_i32, %c0_i32_0 : i32, i32
  }
}

module attributes {stable_mosaic.version = 14 : i64} {
  func.func @_bnh_body(%arg0: memref<20000x128xf32, #tpu.memory_space<vmem>>, %arg1: memref<1x128xf32, #tpu.memory_space<vmem>>, %arg2: memref<1x128xf32, #tpu.memory_space<vmem>>, %arg3: memref<10000x128xf32, #tpu.memory_space<vmem>>) attributes {dimension_semantics = [], scalar_prefetch = 0 : i64, scratch_operands = 0 : i64, tpu.core_type = #tpu.core_type<tc>} {
    %get3A = arith.constant 0 : index
    %get3A_0 = arith.constant 0 : index
    %get3A_1 = vector.load %arg0[%get3A, %get3A_0] : memref<20000x128xf32, #tpu.memory_space<vmem>>, vector<10000x128xf32>
    %get3A_2 = arith.constant 10000 : index
    %get3A_3 = arith.constant 0 : index
    %get3A_4 = vector.load %arg0[%get3A_2, %get3A_3] : memref<20000x128xf32, #tpu.memory_space<vmem>>, vector<10000x128xf32>
    %add3A = arith.addf %get3A_1, %get3A_4 : vector<10000x128xf32>
    %reduce_sum3A = arith.constant dense<0.000000e+00> : vector<128xf32>
    %reduce_sum3A_5 = vector.multi_reduction <add>, %add3A, %reduce_sum3A [0] : vector<10000x128xf32> to vector<128xf32>
    %broadcast_in_dim3A = vector.shape_cast %reduce_sum3A_5 : vector<128xf32> to vector<1x128xf32>
    %div3A = arith.constant 1.000000e+04 : f32
    %div3A_6 = vector.broadcast %div3A : f32 to vector<1x128xf32>
    %div3A_7 = arith.divf %broadcast_in_dim3A, %div3A_6 : vector<1x128xf32>
    %mul3A = arith.mulf %add3A, %add3A : vector<10000x128xf32>
    %reduce_sum3A_8 = arith.constant dense<0.000000e+00> : vector<128xf32>
    %reduce_sum3A_9 = vector.multi_reduction <add>, %mul3A, %reduce_sum3A_8 [0] : vector<10000x128xf32> to vector<128xf32>
    %broadcast_in_dim3A_10 = vector.shape_cast %reduce_sum3A_9 : vector<128xf32> to vector<1x128xf32>
    %div3A_11 = arith.constant 1.000000e+04 : f32
    %div3A_12 = vector.broadcast %div3A_11 : f32 to vector<1x128xf32>
    %div3A_13 = arith.divf %broadcast_in_dim3A_10, %div3A_12 : vector<1x128xf32>
    %mul3A_14 = arith.mulf %div3A_7, %div3A_7 : vector<1x128xf32>
    %sub3A = arith.subf %div3A_13, %mul3A_14 : vector<1x128xf32>
    %get3A_15 = arith.constant 0 : index
    %get3A_16 = arith.constant 0 : index
    %get3A_17 = vector.load %arg1[%get3A_15, %get3A_16] : memref<1x128xf32, #tpu.memory_space<vmem>>, vector<1x128xf32>
    %add3A_18 = arith.constant 9.99999974E-6 : f32
    %add3A_19 = vector.broadcast %add3A_18 : f32 to vector<1x128xf32>
    %add3A_20 = arith.addf %sub3A, %add3A_19 : vector<1x128xf32>
    %rsqrt3A = math.rsqrt %add3A_20 : vector<1x128xf32>
    %mul3A_21 = arith.mulf %get3A_17, %rsqrt3A : vector<1x128xf32>
    %sub3A_22 = vector.broadcast %div3A_7 : vector<1x128xf32> to vector<10000x128xf32>
    %sub3A_23 = arith.subf %add3A, %sub3A_22 : vector<10000x128xf32>
    %mul3A_24 = vector.broadcast %mul3A_21 : vector<1x128xf32> to vector<10000x128xf32>
    %mul3A_25 = arith.mulf %sub3A_23, %mul3A_24 : vector<10000x128xf32>
    %get3A_26 = arith.constant 0 : index
    %get3A_27 = arith.constant 0 : index
    %get3A_28 = vector.load %arg2[%get3A_26, %get3A_27] : memref<1x128xf32, #tpu.memory_space<vmem>>, vector<1x128xf32>
    %add3A_29 = vector.broadcast %get3A_28 : vector<1x128xf32> to vector<10000x128xf32>
    %add3A_30 = arith.addf %mul3A_25, %add3A_29 : vector<10000x128xf32>
    %swap3A = arith.constant 0 : index
    %swap3A_31 = arith.constant 0 : index
    %swap3A_32 = vector.load %arg3[%swap3A, %swap3A_31] : memref<10000x128xf32, #tpu.memory_space<vmem>>, vector<10000x128xf32>
    tpu.vector_store %arg3[%swap3A, %swap3A_31], %add3A_30 {strides = array<i32>} : memref<10000x128xf32, #tpu.memory_space<vmem>>, vector<10000x128xf32>,
    return
  }
}

</mosaic_0001>

<sc_bundles>
// kernel: kernel.10.cloned.1.call-start
scs
__scs_entry_jumppad:
0x0: {  	(pc) =	sbr.rel $0x88, $3  }
0x1: {  	(tag) =	ssettag $0x0;
	lr =	simm.s32 $0x1  }
0x2: {  	[smem:$0x3F91] =	sst lr;
	_ =	strace $0xD0000000  }
0x3: {  	_ = 	snop  }
0x4: {  	_ = 	snop  }
0x5: {  	_ = 	snop  }
0x6: {  	_ = 	snop  }
0x7: {  	_ = 	snop  }
__scs_overlays_trampoline_lowered:
0x8: {  	[smem:$0x3FA0] =	sst s0  }
0x9: {  	[smem:$0x3FA1] =	sst s1  }
0xa: {  	[smem:$0x3FA2] =	sst s2  }
0xb: {  	[smem:$0x3FA3] =	sst s3  }
0xc: {  	[smem:$0x3FA4] =	sst s4  }
0xd: {  	[smem:$0x3FA5] =	sst s5  }
0xe: {  	[smem:$0x3FA6] =	sst s6  }
0xf: {  	[smem:$0x3FA7] =	sst s7  }
0x10: {  	[smem:$0x3FA8] =	sst s8  }
0x11: {  	[smem:$0x3FA9] =	sst s9;
	s0 =	simm.s32 @!p0 $0x0  }
0x12: {  	s1 =	sld [smem:$0x3F8F];
	s0 =	simm.s32 @p0 $0x1  }
0x13: {  	[smem:$0x3FAA] =	sst s0;
	s0 =	simm.s32 @!p1 $0x0  }
0x14: {  	s2 =	sld [smem:$0x3F8E];
	s0 =	simm.s32 @p1 $0x1  }
0x15: {  	[smem:$0x3FAB] =	sst s0;
	s0 =	simm.s32 @!p2 $0x0  }
0x16: {  	s3 =	sld [smem:$0x3FDB];
	s0 =	simm.s32 @p2 $0x1  }
0x17: {  	s4 =	simm.s32 $0x1BF5;
	[smem:$0x3FAD] =	sst s0  }
0x18: {  	s0 =	sld [smem:$0x3F90];
	_ =	swait.ge [sflag:s4], $0x0  }
0x19: {  	s7 =	sld [smem:$0x3F91]  }
0x1a: {  	s8 =	sadd.s32 $0xFFFFE003, lr  }
0x1b: {  	s9 =	sadd.s32 $0xFFFFFEF7, lr;
	s5 =	simm.s32 $0xFFFFFFFF;
	p2 =	slt.u32 s8, $0xFFFFF086  }
0x1c: {  	p1 =	slt.u32 s9, $0xF7A;
	s5 =	simm.s32 @!p2 $0x0  }
0x1d: {  	s5 =	simm.s32 @p1 $0x1;
	p0 =	seq.s32 s7, s2  }
0x1e: {  	s7 =	smul.u32 @!p0 $0xF7A, s2;
	p2 =	seq.s32 @!p0 s5, $0x0  }
0x1f: {  	s9 =	smul.u32 $0xF7A, s1;
	s8 =	simm.s32 @!p0 $0x1BF5;
	p2 =	por !p2, p0  }
0x20: {  	[sflag:s8] =	ssyncset.s32 @!p0 $0xFFFFF086;
	s6 =	sadd.s32 @!p0 s3, s7;
	s7 =	simm.s32 @!p0 $0x108  }
0x21: {  	s3 =	sadd.s32 s3, s9;
	s6 =	sadd.s32 @!p0 $0x88, s6;
	s7 =	simm.s32 @p2 $0x1082  }
0x22: {  	[simem:s7], [sflag:s8] =	dma.local @!p0 [hbm:s6], $0xF7A  }
0x23: {  	s9 =	sor.u32 $0xD0000000, s2;
	s6 =	simm.s32 $0x108;
	_ =	swait.ge @!p0 [sflag:s8], $0x0  }
0x24: {  	s3 =	sadd.s32 $0x88, s3;
	s6 =	simm.s32 @!p1 $0x1082;
	[sflag:s4] =	ssyncset.s32 $0xFFFFF086  }
0x25: {  	[simem:s6], [sflag:s4] =	dma.local [hbm:s3], $0xF7A  }
0x26: {  	[smem:$0x3F91] =	sst s1;
	(tag) =	ssettag s2;
	_ =	strace s9  }
0x27: {  	s1 =	sld [smem:$0x3FA1]  }
0x28: {  	s2 =	sld [smem:$0x3FA2]  }
0x29: {  	s4 =	sld [smem:$0x3FA4]  }
0x2a: {  	p0 =	seq.s32 s5, $0x0;
	s5 =	sld [smem:$0x3FA5]  }
0x2b: {  	s6 =	sld [smem:$0x3FA6]  }
0x2c: {  	s7 =	sld [smem:$0x3FA7]  }
0x2d: {  	s3 =	simm.s32 $0x108;
	s8 =	sld [smem:$0x3FA8]  }
0x2e: {  	s3 =	simm.s32 @!p0 $0x1082;
	s9 =	sld [smem:$0x3FA9]  }
0x2f: {  	lr =	sadd.s32 s0, s3;
	s0 =	sld [smem:$0x3FA0]  }
0x30: {  	s3 =	sld [smem:$0x3FA3]  }
0x31: {  	[smem:$0x3FAC] =	sst s10  }
0x32: {  	s10 =	sld [smem:$0x3FAA];
	_ =	sdelay $0x3  }
0x33: {  	p0 =	seq.s32 s10, $0x1;
	s10 =	sld [smem:$0x3FAC];
	_ =	sdelay $0x3  }
0x34: {  	[smem:$0x3FAC] =	sst s10  }
0x35: {  	s10 =	sld [smem:$0x3FAB];
	_ =	sdelay $0x3  }
0x36: {  	p1 =	seq.s32 s10, $0x1;
	s10 =	sld [smem:$0x3FAC];
	_ =	sdelay $0x3  }
0x37: {  	[smem:$0x3FAC] =	sst s10  }
0x38: {  	s10 =	sld [smem:$0x3FAD]  }
0x39: {  	_ = 	snop;
	(pc) =	sbr.ind lr, $3  }
0x3a: {  	_ = 	snop  }
0x3b: {  	_ = 	snop  }
0x3c: {  	p2 =	seq.s32 s10, $0x1;
	s10 =	sld [smem:$0x3FAC]  }
0x3d: {  	_ =	shalt  }
0x3e: {  	_ =	shalt  }
0x3f: {  	_ =	shalt  }
0x40: {  	_ =	shalt  }
0x41: {  	_ =	shalt  }
0x42: {  	_ =	shalt  }
0x43: {  	_ =	shalt  }
0x44: {  	_ =	shalt  }
0x45: {  	_ =	shalt  }
0x46: {  	_ =	shalt  }
0x47: {  	_ =	shalt  }
0x48: {  	_ =	shalt  }
0x49: {  	_ =	shalt  }
0x4a: {  	_ =	shalt  }
0x4b: {  	_ =	shalt  }
0x4c: {  	_ =	shalt  }
0x4d: {  	_ =	shalt  }
0x4e: {  	_ =	shalt  }
0x4f: {  	_ =	shalt  }
0x50: {  	_ =	shalt  }
0x51: {  	_ =	shalt  }
0x52: {  	_ =	shalt  }
0x53: {  	_ =	shalt  }
0x54: {  	_ =	shalt  }
0x55: {  	_ =	shalt  }
0x56: {  	_ =	shalt  }
0x57: {  	_ =	shalt  }
0x58: {  	_ =	shalt  }
0x59: {  	_ =	shalt  }
0x5a: {  	_ =	shalt  }
0x5b: {  	_ =	shalt  }
0x5c: {  	_ =	shalt  }
0x5d: {  	_ =	shalt  }
0x5e: {  	_ =	shalt  }
0x5f: {  	_ =	shalt  }
0x60: {  	_ =	shalt  }
0x61: {  	_ =	shalt  }
0x62: {  	_ =	shalt  }
0x63: {  	_ =	shalt  }
0x64: {  	_ =	shalt  }
0x65: {  	_ =	shalt  }
0x66: {  	_ =	shalt  }
0x67: {  	_ =	shalt  }
0x68: {  	_ =	shalt  }
0x69: {  	_ =	shalt  }
0x6a: {  	_ =	shalt  }
0x6b: {  	_ =	shalt  }
0x6c: {  	_ =	shalt  }
0x6d: {  	_ =	shalt  }
0x6e: {  	_ =	shalt  }
0x6f: {  	_ =	shalt  }
0x70: {  	_ =	shalt  }
0x71: {  	_ =	shalt  }
0x72: {  	_ =	shalt  }
0x73: {  	_ =	shalt  }
0x74: {  	_ =	shalt  }
0x75: {  	_ =	shalt  }
0x76: {  	_ =	shalt  }
0x77: {  	_ =	shalt  }
0x78: {  	_ =	shalt  }
0x79: {  	_ =	shalt  }
0x7a: {  	_ =	shalt  }
0x7b: {  	_ =	shalt  }
0x7c: {  	_ =	shalt  }
0x7d: {  	_ =	shalt  }
0x7e: {  	_ =	shalt  }
0x7f: {  	_ =	shalt  }
0x80: {  	_ =	shalt  }
0x81: {  	_ =	shalt  }
0x82: {  	_ =	shalt  }
0x83: {  	_ =	shalt  }
0x84: {  	_ =	shalt  }
0x85: {  	_ =	shalt  }
0x86: {  	_ =	shalt  }
0x87: {  	_ =	shalt  }
.Lfunc_end0:
.L_simem_size_0:
called_computation_lowered:
.L_overlay_start_0:
0x88: {  	s2 =	sld [smem:$0x3FD9]  }
0x89: {  	s3 =	sld [smem:$0x3FFE];
	_ =	sdelay $0x1  }
0x8a: {  	s1 =	srdreg.scid  }
0x8b: {  	s0 =	sand.u32 $0x1, s1  }
0x8c: {  	s15 =	sshll.u32 s0, $0xA;
	s2 =	sadd.s32 s3, s2  }
0x8d: {  	s2 =	sadd.s32 s2, s15  }
0x8e: {  	[smem:$0x3FB8] =	sst s2  }
0x8f: {  	_ = 	snop  }
0x90: {  	s2 =	sld [smem:$0x3FD0];
	_ =	sdelay $0x2  }
0x91: {  	s16 =	simm.s32 $0xB;
	s4 =	simm.s32 $0x10  }
0x92: {  	[smem:s4], [sflag:s16] =	dma.local [hbm:s2], $0x1  }
0x93: {  	_ =	swait.eq [sflag:s16], $0x1  }
0x94: {  	[sflag:s16] =	ssyncset.done $0x0  }
0x95: {  	s17 =	sld [smem:$0x10];
	[sflag:s16] =	ssyncadd.s32 $0xFFFFFFFF  }
0x96: {  	s18 =	sld [smem:$0x12];
	(tm) =	ssettm $0x1  }
0x97: {  	s19 =	sld [smem:$0x3FFB];
	_ =	sdelay $0x3  }
0x98: {  	_ =	strace s19  }
0x99: {  	s2 =	sld [smem:$0x3FFC];
	_ =	sdelay $0x3  }
0x9a: {  	_ =	strace s2  }
0x9b: {  	s2 =	sld [smem:$0x3FFD];
	_ =	sdelay $0x3  }
0x9c: {  	_ =	strace s2  }
0x9d: {  	_ =	strace $0x8FFFFFFF  }
0x9e: {  	s20 =	sld [smem:$0x3FDB];
	_ =	sdelay $0x1  }
0x9f: {  	s5 =	simm.s32 $_scs_section_size  }
0xa0: {  	s6 =	simm.s32 $_size__tile_overlayer_lowered;
	s7 =	simm.s32 $_tile_overlayer_lowered  }
0xa1: {  	s8 =	simm.s32 $0x1BFF;
	s21 =	sshll.u32 s7, $0x1;
	s5 =	sadd.s32 s5, s20  }
0xa2: {  	s22 =	simm.s32 $0x0;
	s6 =	sshll.u32 s6, $0x1;
	s7 =	sadd.s32 s21, s5  }
0xa3: {  	[timem:s22], [sflag:s8] =	dma.local [hbm:s7], s6  }
0xa4: {  	_ =	swait.ge [sflag:s8], s6  }
0xa5: {  	s6 =	ssub.s32 $0x0, s6;
	[sflag:s8] =	ssyncset.done $0x0  }
0xa6: {  	[sflag:s8] =	ssyncadd.s32 s6;
	_ =	sdelay $0x1  }
0xa7: {  	s23 =	simm.s32 $0x1B8B  }
0xa8: {  	_ =	swait.ge [sflag:s23], $0x1  }
0xa9: {  	[sflag:s23] =	ssyncset.done $0x0  }
0xaa: {  	[sflag:s23] =	ssyncadd.s32 $0xFFFFFFFF  }
0xab: {  	s6 =	sld [smem:$0x0]  }
0xac: {  	s7 =	sand.u32 $0xFFFFFFFE, s1  }
0xad: {  	p0 =	sne.s32 s1, s7  }
0xae: {  	s7 =	sshll.u32 @p0 s7, $0xE  }
0xaf: {  	s7 =	sadd.s32 @p0 $0x11B8D, s7;
	s8 =	sshll.u32 @p0 s6, $0x11  }
0xb0: {  	s7 =	sor.u32 @p0 s8, s7  }
0xb1: {  	[sflag:s7] =	ssyncadd.remote.s32 @p0 $0x1;
	_ =	sdelay $0x1  }
0xb2: {  	s7 =	simm.s32 @p0 $0x1B8D  }
0xb3: {  	_ =	swait.eq @p0 [sflag:s7], $0x1  }
0xb4: {  	[sflag:s7] =	ssyncadd.s32 @p0 $0xFFFFFFFF  }
0xb5: {  	s8 =	sshll.u32 @!p0 s1, $0xE  }
0xb6: {  	s8 =	sor.u32 @!p0 $0x4000, s8;
	s7 =	simm.s32 @!p0 $0x1B8D  }
0xb7: {  	s6 =	sshll.u32 @!p0 s6, $0x11;
	s8 =	sadd.s32 @!p0 $0x11B8D, s8;
	_ =	swait.eq @!p0 [sflag:s7], $0x1  }
0xb8: {  	s6 =	sor.u32 @!p0 s6, s8;
	[sflag:s7] =	ssyncadd.s32 @!p0 $0xFFFFFFFF  }
0xb9: {  	s25 =	simm.s32 $0x1B8E;
	s24 =	sld [smem:$0x3FFE];
	[sflag:s6] =	ssyncadd.remote.s32 @!p0 $0x1  }
0xba: {  	s26 =	simm.s32 $execute0_lowered;
	[smem:$0x3FD2] =	sst s25  }
0xbb: {  	s7 =	sshll.u32 s26, $0x1;
	_ =	strace $0x80000049;
	[dreg:$0x1] =	wrdreg $0xFFFFFFFF  }
0xbc: {  	s28 =	simm.s32 $_size_execute0_lowered;
	s5 =	sadd.s32 s5, s7;
	[dreg:$0x0] =	wrdreg $0x0  }
0xbd: {  	s7 =	sshll.u32 s28, $0x1;
	[dreg:$0x2] =	wrdreg s5  }
0xbe: {  	[dreg:$0x3] =	wrdreg s7  }
0xbf: {  	[dreg:$0x4] =	wrdreg $0xC0  }
0xc0: {  	_ =	task [dreg:s22], $0x5FFFF  }
0xc1: {  	[dreg:$0x1] =	wrdreg $0xFFFFFFFF  }
0xc2: {  	[dreg:$0x0] =	wrdreg $0x60  }
0xc3: {  	[dreg:$0x2] =	wrdreg s17  }
0xc4: {  	[dreg:$0x3] =	wrdreg s24  }
0xc5: {  	[dreg:$0x4] =	wrdreg s18  }
0xc6: {  	[dreg:$0x5] =	wrdreg $0x9  }
0xc7: {  	_ =	task.clear_ibuf [dreg:s22], $0x6FFFF;
	_ =	strace $0x90000049  }
0xc8: {  	s29 =	simm.s32 $0x9;
	_ =	strace $0x8000004B  }
0xc9: {  	_ =	swait.ge [sflag:s29], $0x1  }
0xca: {  	[sflag:s29] =	ssyncadd.s32 $0xFFFFFFFF  }
0xcb: {  	_ =	strace $0x9000004B  }
0xcc: {  	_ =	sfence  }
0xcd: {  	s30 =	sld [smem:$0x0];
	_ =	sdelay $0x2  }
0xce: {  	s31 =	sshll.u32 s1, $0xD;
	s1 =	sshrl.u32 s1, $0x2  }
0xcf: {  	s4 =	sand.u32 $0x4000, s31;
	s1 =	sadd.s32 s1, s30  }
0xd0: {  	s0 =	sor.u32 s4, s0;
	s1 =	sshll.u32 s1, $0x11  }
0xd1: {  	s0 =	sor.u32 s1, s0  }
0xd2: {  	s0 =	sadd.s32 $0x8F2B, s0  }
0xd3: {  	[sflag:s0] =	ssyncadd.remote.s32 $0x1  }
0xd4: {  	_ =	sfence.sel $0xFFFF  }
0xd5: {  	[dreg:$0x0] =	wrdreg $0xFFFFFFFF;
	(pc) =	sbr.abs _section_cstart, $3  }
0xd6: {  	[dreg:$0x1] =	wrdreg $0xFFFFFFFF  }
0xd7: {  	_ =	task.clear_ibuf [dreg:s22], $0x2FFFF;
	_ =	strace $0x9FFFFFFF  }
0xd8: {  	(tm) =	ssettm $0x7FFFFFFF  }
0xd9: {  	_ =	shalt  }
tec
execute0_lowered:
.L_overlay_start_1:
0x0: {  	(tag) =	ssettag $0x1  }
0x1: {  	s1 =	rddreg [dreg:$0x0]  }
0x2: {  	s0 =	rddreg [dreg:$0x1]  }
0x3: {  	s3 =	rddreg [dreg:$0x2]  }
0x4: {  	s2 =	srdreg.scid;
	s5 =	stileid.u32  }
0x5: {  	s4 =	simm.s32 $0x0;
	s11 =	simm.s32 $0x7;
	s12 =	simm.s32 $0x2000  }
0x6: {  	s13 =	simm.s32 $0x50;
	s16 =	simm.s32 $0x80;
	s17 =	simm.s32 $0x6800  }
0x7: {  	s18 =	simm.s32 $0x2080;
	s19 =	simm.s32 $0xB800;
	s20 =	simm.s32 $0x1  }
0x8: {  	s21 =	simm.s32 $0x3;
	s22 =	simm.s32 $0xE000;
	s23 =	simm.s32 $0x2  }
0x9: {  	s24 =	simm.s32 $0x4;
	s25 =	simm.s32 $0x10800;
	s26 =	simm.s32 $0x5  }
0xa: {  	s28 =	simm.s32 $0x6;
	s2 =	sand.u32 $0x1, s2;
	s5 =	sshll.u32 s5, $0x1  }
0xb: {  	s29 =	simm.s32 $0x0;
	[smem:$0x7FF] =	sst s4;
	s5 =	sor.u32 s2, s5  }
0xc: {  	_ =	strace $0x8000004A;
	s2 =	ssub.s32 $0x2, s2;
	s6 =	sshll.u32 s5, $0xA  }
0xd: {  	s7 =	sshrl.u32 s2, $0x1;
	s5 =	smul.u32 $0x1400, s5;
	s8 =	sadd.s32 s6, s0  }
0xe: {  	s6 =	sadd.s32 $0x1C000, s0;
	s31 =	ssub.s32 s2, s7;
	s7 =	sadd.s32 $0x4B200, s8  }
0xf: {  	s8 =	sadd.s32 $0x43200, s8;
	s9 =	sor.u32 $0x50, s5;
	s10 =	smax.u32 s31, $0x1  }
.LBB2_1:
0x10: {  	[tilespmem:s4], [sflag:$0x7] =	stream.linear.gather [hbm4b:s7+s4], $0x2000, $0x38;
	[tilespmem:$0x13000] =	vst v63  }
0x11: {  	_ =	swait.ge [sflag:s11], $0x2000  }
0x12: {  	[sflag:s11] =	ssyncset.done $0x0  }
0x13: {  	[sflag:s11] =	ssyncadd.s32 $0xFFFFE000  }
0x14: {  	[tilespmem:s12], [sflag:$0x7] =	stream.linear.gather [hbm4b:s8+s4], $0x2000, $0x38;
	[tilespmem:$0x13000] =	vst v63  }
0x15: {  	_ =	swait.ge [sflag:s11], $0x2000  }
0x16: {  	[sflag:s11] =	ssyncset.done $0x0  }
0x17: {  	s0 =	simm.s32 $0x4000;
	[sflag:s11] =	ssyncadd.s32 $0xFFFFE000  }
0x18: {  	[tilespmem:s0], [sflag:$0x1] =	stream.indirect.gather [hbm4b:s1+s13], $0x80, s4, s13, $0xb8;
	[tilespmem:$0x13000] =	vst v63  }
0x19: {  	s31 =	simm.s32 $0x9000  }
0x1a: {  	[tilespmem:s31], [sflag:$0x3] =	stream.indirect.gather [hbm4b:s6+s13], $0x80, s12, s13, $0xb8;
	[tilespmem:$0x13000] =	vst v63  }
0x1b: {  	_ = 	snop  }
0x1c: {  	[tilespmem:s17], [sflag:$0x2] =	stream.indirect.gather [hbm4b:s1+s13], $0x80, s16, s13, $0xb8;
	[tilespmem:$0x13000] =	vst v63  }
0x1d: {  	s30 =	simm.s32 $0x0  }
0x1e: {  	[tilespmem:s19], [sflag:$0x4] =	stream.indirect.gather [hbm4b:s6+s13], $0x80, s18, s13, $0xb8;
	[tilespmem:$0x13000] =	vst v63  }
.LBB2_2:
0x1f: {  	_ =	swait.ge [sflag:s20], $0x2800  }
0x20: {  	[sflag:s20] =	ssyncset.done $0x0  }
0x21: {  	[sflag:s20] =	ssyncadd.s32 $0xFFFFD800  }
0x22: {  	_ =	swait.ge [sflag:s21], $0x2800  }
0x23: {  	p1 =	seq.s32 s30, $0x0;
	[sflag:s21] =	ssyncset.done $0x0  }
0x24: {  	s0 =	simm.s32 @!p1 $0x5;
	[sflag:s21] =	ssyncadd.s32 $0xFFFFD800  }
0x25: {  	_ =	swait.ge @!p1 [sflag:s0], $0x2800  }
0x26: {  	[sflag:s0] =	ssyncset.done @!p1 $0x0  }
0x27: {  	[sflag:s0] =	ssyncadd.s32 @!p1 $0xFFFFD800;
	s0 =	simm.s32 $0x0  }
0x28: {  	v0 =	vld [tilespmem:s0+$0x4070]  }
0x29: {  	v1 =	vld [tilespmem:s0+$0x9070]  }
0x2a: {  	v2 =	vld [tilespmem:s0+$0x4000]  }
0x2b: {  	v3 =	vld [tilespmem:s0+$0x9000]  }
0x2c: {  	v4 =	vld [tilespmem:s0+$0x4010]  }
0x2d: {  	v5 =	vld [tilespmem:s0+$0x9010]  }
0x2e: {  	v6 =	vld [tilespmem:s0+$0x4020]  }
0x2f: {  	v7 =	vld [tilespmem:s0+$0x4030]  }
0x30: {  	v0 =	vadd.f32 v1, v0;
	v1 =	vld [tilespmem:s0+$0x9020]  }
0x31: {  	v2 =	vadd.f32 v3, v2;
	v3 =	vld [tilespmem:s0+$0x9030]  }
0x32: {  	v8 =	vld [tilespmem:s0+$0x9040]  }
0x33: {  	[tilespmem:s0+$0xE070] =	vst v0;
	v0 =	vadd.f32 v5, v4;
	v4 =	vld [tilespmem:s0+$0x4040]  }
0x34: {  	[tilespmem:s0+$0xE000] =	vst v2;
	v2 =	vld [tilespmem:s0+$0x9050]  }
0x35: {  	[tilespmem:s0+$0xE010] =	vst v0;
	v0 =	vld [tilespmem:s0+$0x4050];
	v1 =	vadd.f32 v1, v6  }
0x36: {  	v6 =	vadd.f32 v3, v7;
	v3 =	vld [tilespmem:s0+$0x9060]  }
0x37: {  	s2 =	simm.s32 $0x80;
	[tilespmem:s0+$0xE020] =	vst v1;
	v1 =	vld [tilespmem:s0+$0x4060]  }
0x38: {  	s31 =	sshll.u32 s30, $0x8;
	s14 =	simm.s32 $0x400;
	v5 =	vld [tilespmem:s2+$0x4070];
	[tilespmem:s0+$0xE030] =	vst v6;
	v4 =	vadd.f32 v8, v4  }
.LBB2_3:
0x39: {  	p0 =	sne.s32 s14, $0x9E00;
	v6 =	vld [tilespmem:s2+$0x9070]  }
0x3a: {  	v7 =	vld [tilespmem:s2+$0x4000];
	[tilespmem:s0+$0xE040] =	vst v4;
	v0 =	vadd.f32 v2, v0  }
0x3b: {  	v2 =	vld [tilespmem:s2+$0x9000]  }
0x3c: {  	v4 =	vld [tilespmem:s2+$0x4010];
	[tilespmem:s0+$0xE050] =	vst v0;
	v0 =	vadd.f32 v3, v1  }
0x3d: {  	v1 =	vld [tilespmem:s2+$0x9010]  }
0x3e: {  	v3 =	vld [tilespmem:s2+$0x4020];
	v5 =	vadd.f32 v6, v5;
	[tilespmem:s0+$0xE060] =	vst v0;
	s0 =	smov.u32 s2  }
0x3f: {  	v0 =	vld [tilespmem:s0+$0x9020]  }
0x40: {  	v2 =	vadd.f32 v2, v7;
	v6 =	vld [tilespmem:s0+$0x4030];
	[tilespmem:s0+$0xE070] =	vst v5  }
0x41: {  	v5 =	vld [tilespmem:s0+$0x9030]  }
0x42: {  	[tilespmem:s0+$0xE000] =	vst v2;
	v1 =	vadd.f32 v1, v4;
	v4 =	vld [tilespmem:s0+$0x4040]  }
0x43: {  	v7 =	vld [tilespmem:s0+$0x9040]  }
.Ltmp0:
0x44: {  	[tilespmem:s0+$0xE010] =	vst v1;
	v1 =	vadd.f32 v0, v3;
	v0 =	vld [tilespmem:s0+$0x4050];
	(pc) =	sbr.rel @p0 .LBB2_3-.Ltmp0, $4  }
0x45: {  	v2 =	vld [tilespmem:s0+$0x9050]  }
0x46: {  	[tilespmem:s0+$0xE020] =	vst v1;
	v6 =	vadd.f32 v5, v6;
	v1 =	vld [tilespmem:s0+$0x4060]  }
0x47: {  	s2 =	sshra.s32 s14, $0x2;
	v3 =	vld [tilespmem:s0+$0x9060]  }
0x48: {  	s14 =	sadd.s32 $0x200, s14;
	v5 =	vld [tilespmem:s2+$0x4070];
	[tilespmem:s0+$0xE030] =	vst v6;
	v4 =	vadd.f32 v7, v4  }
0x49: {  	v6 =	vld [tilespmem:s2+$0x9070]  }
0x4a: {  	v7 =	vld [tilespmem:s2+$0x4000]  }
0x4b: {  	v8 =	vld [tilespmem:s2+$0x9000]  }
0x4c: {  	v9 =	vld [tilespmem:s2+$0x4010]  }
0x4d: {  	v10 =	vld [tilespmem:s2+$0x9010]  }
0x4e: {  	v11 =	vld [tilespmem:s2+$0x4020]  }
0x4f: {  	v12 =	vld [tilespmem:s2+$0x4030]  }
0x50: {  	v5 =	vadd.f32 v6, v5;
	v6 =	vld [tilespmem:s2+$0x9020]  }
0x51: {  	v60 =	vld [tilespmem:s2+$0x4040]  }
0x52: {  	v61 =	vld [tilespmem:s2+$0x9040];
	v7 =	vadd.f32 v8, v7  }
0x53: {  	v62 =	vld [tilespmem:s2+$0x9050];
	[tilespmem:s2+$0xE070] =	vst v5  }
0x54: {  	v5 =	vld [tilespmem:s2+$0x9030];
	[tilespmem:s2+$0xE000] =	vst v7;
	v7 =	vadd.f32 v10, v9  }
0x55: {  	v0 =	vadd.f32 v2, v0;
	v2 =	vld [tilespmem:s2+$0x9060];
	v6 =	vadd.f32 v6, v11  }
0x56: {  	[tilespmem:s2+$0xE010] =	vst v7;
	v7 =	vld [tilespmem:s2+$0x4050]  }
0x57: {  	[tilespmem:s2+$0xE020] =	vst v6;
	v6 =	vld [tilespmem:s2+$0x4060]  }
0x58: {  	[tilespmem:s0+$0xE040] =	vst v4;
	v1 =	vadd.f32 v3, v1  }
0x59: {  	[tilespmem:s0+$0xE050] =	vst v0;
	v0 =	vadd.f32 v5, v12  }
0x5a: {  	[tilespmem:s0+$0xE060] =	vst v1;
	v1 =	vadd.f32 v61, v60  }
0x5b: {  	[tilespmem:s2+$0xE030] =	vst v0;
	v0 =	vadd.f32 v62, v7  }
0x5c: {  	[tilespmem:s2+$0xE040] =	vst v1;
	v1 =	vadd.f32 v2, v6  }
0x5d: {  	p0 =	seq.s32 s30, $0x1F;
	[tilespmem:s2+$0xE050] =	vst v0  }
0x5e: {  	s14 =	simm.s32 @!p0 $0x4000;
	s0 =	sadd.s32 @!p0 $0x100, s31;
	[tilespmem:s2+$0xE060] =	vst v1;
	s2 =	simm.s32 @!p0 $0x50  }
0x5f: {  	[tilespmem:s14], [sflag:$0x1] =	stream.indirect.gather @!p0 [hbm4b:s1+s2], $0x80, s0, s2, $0xb8;
	[tilespmem:$0x13000] =	vst v63  }
0x60: {  	s15 =	simm.s32 @!p0 $0x9000;
	s14 =	sadd.s32 @!p0 $0x2100, s31;
	s0 =	smul.u32 $0xA0, s30  }
0x61: {  	[tilespmem:s15], [sflag:$0x3] =	stream.indirect.gather @!p0 [hbm4b:s6+s2], $0x80, s14, s2, $0xb8;
	[tilespmem:$0x13000] =	vst v63  }
0x62: {  	s15 =	sadd.s32 s5, s0  }
0x63: {  	s2 =	sshll.u32 s15, $0x4  }
0x64: {  	s2 =	sadd.s32 s3, s2  }
0x65: {  	[hbm4b:s2+s4] =	stream.linear.scatter [tilespmem:s22], [sflag:$0x5], $0x2800, $0x38;
	[tilespmem:$0x13000] =	vst v63  }
0x66: {  	_ =	swait.ge [sflag:s23], $0x2800  }
0x67: {  	[sflag:s23] =	ssyncset.done $0x0  }
0x68: {  	[sflag:s23] =	ssyncadd.s32 $0xFFFFD800  }
0x69: {  	_ =	swait.ge [sflag:s24], $0x2800  }
0x6a: {  	[sflag:s24] =	ssyncset.done $0x0  }
0x6b: {  	s2 =	simm.s32 @!p1 $0x6;
	[sflag:s24] =	ssyncadd.s32 $0xFFFFD800  }
0x6c: {  	_ =	swait.ge @!p1 [sflag:s2], $0x2800  }
0x6d: {  	[sflag:s2] =	ssyncset.done @!p1 $0x0  }
0x6e: {  	[sflag:s2] =	ssyncadd.s32 @!p1 $0xFFFFD800;
	s2 =	simm.s32 $0x0  }
0x6f: {  	v0 =	vld [tilespmem:s2+$0x6870]  }
0x70: {  	v1 =	vld [tilespmem:s2+$0xB870]  }
0x71: {  	v2 =	vld [tilespmem:s2+$0x6800]  }
0x72: {  	v3 =	vld [tilespmem:s2+$0xB800]  }
0x73: {  	v4 =	vld [tilespmem:s2+$0x6810]  }
0x74: {  	v5 =	vld [tilespmem:s2+$0xB810]  }
0x75: {  	v6 =	vld [tilespmem:s2+$0x6820]  }
0x76: {  	v7 =	vld [tilespmem:s2+$0x6830]  }
0x77: {  	v0 =	vadd.f32 v1, v0;
	v1 =	vld [tilespmem:s2+$0xB820]  }
0x78: {  	v2 =	vadd.f32 v3, v2;
	v3 =	vld [tilespmem:s2+$0xB830]  }
0x79: {  	v63 =	vld [tilespmem:s2+$0xB840]  }
0x7a: {  	[tilespmem:s2+$0x10870] =	vst v0;
	v0 =	vadd.f32 v5, v4;
	v4 =	vld [tilespmem:s2+$0x6840]  }
0x7b: {  	[tilespmem:s2+$0x10800] =	vst v2;
	v2 =	vld [tilespmem:s2+$0xB850]  }
0x7c: {  	[tilespmem:s2+$0x10810] =	vst v0;
	v0 =	vld [tilespmem:s2+$0x6850];
	v1 =	vadd.f32 v1, v6  }
0x7d: {  	v6 =	vadd.f32 v3, v7;
	v3 =	vld [tilespmem:s2+$0xB860]  }
0x7e: {  	s14 =	simm.s32 $0x80;
	[tilespmem:s2+$0x10820] =	vst v1;
	v1 =	vld [tilespmem:s2+$0x6860]  }
0x7f: {  	s15 =	simm.s32 $0x400;
	v5 =	vld [tilespmem:s14+$0x6870];
	[tilespmem:s2+$0x10830] =	vst v6;
	v4 =	vadd.f32 v63, v4  }
.LBB2_5:
0x80: {  	p1 =	sne.s32 s15, $0x9E00;
	v6 =	vld [tilespmem:s14+$0xB870]  }
0x81: {  	v7 =	vld [tilespmem:s14+$0x6800];
	[tilespmem:s2+$0x10840] =	vst v4;
	v0 =	vadd.f32 v2, v0  }
0x82: {  	v2 =	vld [tilespmem:s14+$0xB800]  }
0x83: {  	v4 =	vld [tilespmem:s14+$0x6810];
	[tilespmem:s2+$0x10850] =	vst v0;
	v0 =	vadd.f32 v3, v1  }
0x84: {  	v1 =	vld [tilespmem:s14+$0xB810]  }
0x85: {  	v3 =	vld [tilespmem:s14+$0x6820];
	v5 =	vadd.f32 v6, v5;
	[tilespmem:s2+$0x10860] =	vst v0;
	s2 =	smov.u32 s14  }
0x86: {  	v0 =	vld [tilespmem:s2+$0xB820]  }
0x87: {  	v2 =	vadd.f32 v2, v7;
	v6 =	vld [tilespmem:s2+$0x6830];
	[tilespmem:s2+$0x10870] =	vst v5  }
0x88: {  	v5 =	vld [tilespmem:s2+$0xB830]  }
0x89: {  	[tilespmem:s2+$0x10800] =	vst v2;
	v1 =	vadd.f32 v1, v4;
	v4 =	vld [tilespmem:s2+$0x6840]  }
0x8a: {  	v7 =	vld [tilespmem:s2+$0xB840]  }
.Ltmp1:
0x8b: {  	[tilespmem:s2+$0x10810] =	vst v1;
	v1 =	vadd.f32 v0, v3;
	v0 =	vld [tilespmem:s2+$0x6850];
	(pc) =	sbr.rel @p1 .LBB2_5-.Ltmp1, $4  }
0x8c: {  	v2 =	vld [tilespmem:s2+$0xB850]  }
0x8d: {  	[tilespmem:s2+$0x10820] =	vst v1;
	v6 =	vadd.f32 v5, v6;
	v1 =	vld [tilespmem:s2+$0x6860]  }
0x8e: {  	s14 =	sshra.s32 s15, $0x2;
	v3 =	vld [tilespmem:s2+$0xB860]  }
0x8f: {  	s15 =	sadd.s32 $0x200, s15;
	v5 =	vld [tilespmem:s14+$0x6870];
	[tilespmem:s2+$0x10830] =	vst v6;
	v4 =	vadd.f32 v7, v4  }
0x90: {  	v6 =	vld [tilespmem:s14+$0xB870]  }
0x91: {  	v7 =	vld [tilespmem:s14+$0x6800]  }
0x92: {  	v8 =	vld [tilespmem:s14+$0xB800]  }
0x93: {  	v9 =	vld [tilespmem:s14+$0x6810]  }
0x94: {  	v10 =	vld [tilespmem:s14+$0xB810]  }
0x95: {  	v11 =	vld [tilespmem:s14+$0x6820]  }
0x96: {  	v51 =	vld [tilespmem:s14+$0xB820]  }
0x97: {  	v12 =	vld [tilespmem:s14+$0x6830]  }
0x98: {  	v52 =	vld [tilespmem:s14+$0xB830]  }
0x99: {  	v54 =	vld [tilespmem:s14+$0x6840]  }
0x9a: {  	v55 =	vld [tilespmem:s14+$0xB840];
	v0 =	vadd.f32 v2, v0  }
0x9b: {  	v56 =	vld [tilespmem:s14+$0x6850];
	[tilespmem:s2+$0x10840] =	vst v4;
	v1 =	vadd.f32 v3, v1  }
0x9c: {  	v57 =	vld [tilespmem:s14+$0xB850];
	[tilespmem:s2+$0x10850] =	vst v0;
	v5 =	vadd.f32 v6, v5  }
0x9d: {  	v58 =	vld [tilespmem:s14+$0x6860];
	v7 =	vadd.f32 v8, v7;
	[tilespmem:s2+$0x10860] =	vst v1  }
0x9e: {  	v59 =	vld [tilespmem:s14+$0xB860];
	v53 =	vadd.f32 v10, v9;
	[tilespmem:s14+$0x10870] =	vst v5  }
0x9f: {  	v6 =	vadd.f32 v51, v11;
	[tilespmem:s14+$0x10800] =	vst v7  }
0xa0: {  	v60 =	vadd.f32 v52, v12;
	[tilespmem:s14+$0x10810] =	vst v53  }
0xa1: {  	v61 =	vadd.f32 v55, v54;
	[tilespmem:s14+$0x10820] =	vst v6  }
0xa2: {  	v62 =	vadd.f32 v57, v56;
	[tilespmem:s14+$0x10830] =	vst v60  }
0xa3: {  	v63 =	vadd.f32 v59, v58;
	[tilespmem:s14+$0x10840] =	vst v61  }
0xa4: {  	[tilespmem:s14+$0x10850] =	vst v62  }
0xa5: {  	s15 =	simm.s32 @!p0 $0x6800;
	s2 =	sadd.s32 @!p0 $0x180, s31;
	[tilespmem:s14+$0x10860] =	vst v63;
	s14 =	simm.s32 @!p0 $0x50  }
0xa6: {  	[tilespmem:s15], [sflag:$0x2] =	stream.indirect.gather @!p0 [hbm4b:s1+s14], $0x80, s2, s14, $0xb8;
	[tilespmem:$0x13000] =	vst v63  }
0xa7: {  	s30 =	sadd.s32 $0x1, s30;
	s2 =	sadd.s32 @!p0 $0x2180, s31;
	s15 =	simm.s32 @!p0 $0xB800  }
0xa8: {  	[tilespmem:s15], [sflag:$0x4] =	stream.indirect.gather @!p0 [hbm4b:s6+s14], $0x80, s2, s14, $0xb8;
	[tilespmem:$0x13000] =	vst v63  }
0xa9: {  	p0 =	sne.s32 s30, $0x20  }
.Ltmp2:
0xaa: {  	_ = 	snop;
	(pc) =	sbr.rel @p0 .LBB2_2-.Ltmp2, $4  }
0xab: {  	s0 =	sadd.s32 s9, s0  }
0xac: {  	s0 =	sshll.u32 s0, $0x4  }
0xad: {  	s0 =	sadd.s32 s3, s0  }
0xae: {  	[hbm4b:s0+s4] =	stream.linear.scatter [tilespmem:s25], [sflag:$0x6], $0x2800, $0x38;
	[tilespmem:$0x13000] =	vst v63  }
0xaf: {  	s29 =	sadd.s32 $0x1, s29  }
0xb0: {  	_ =	swait.ge [sflag:s26], $0x2800;
	p0 =	sne.s32 s29, s10  }
.Ltmp3:
0xb1: {  	[sflag:s26] =	ssyncset.done $0x0;
	(pc) =	sbr.rel @p0 .LBB2_1-.Ltmp3, $4  }
0xb2: {  	[sflag:s26] =	ssyncadd.s32 $0xFFFFD800  }
0xb3: {  	_ =	swait.ge [sflag:s28], $0x2800  }
0xb4: {  	[sflag:s28] =	ssyncset.done $0x0  }
0xb5: {  	[sflag:s28] =	ssyncadd.s32 $0xFFFFD800  }
0xb6: {  	_ =	sfence.sel $0x180000  }
0xb7: {  	[bflag:$0x0] =	sbarrier.arrive $0xFFFF  }
0xb8: {  	_ =	strace $0x9000004A  }
0xb9: {  	s0 =	stileid.u32;
	[bflag:$0x2] =	sbarrier.arrive $0xFFFF  }
0xba: {  	p0 =	sne.s32 s0, $0x0;
	s0 =	rddreg [dreg:$0x3]  }
0xbb: {  	s0 =	sadd.s32 @!p0 $0x100000, s0  }
0xbc: {  	[sflag:s0] =	ssyncadd.tile.s32 @!p0 $0x1;
	_ =	shalt  }
.Lfunc_end2:
_tile_overlayer_lowered:
.L_overlay_start_2:
0xbd: {  	(tag) =	ssettag $0x2  }
0xbe: {  	s0 =	rddreg [dreg:$0x0];
	s2 =	stileid.u32  }
0xbf: {  	s1 =	rddreg [dreg:$0x1];
	p0 =	sne.s32 s2, $0x0  }
0xc0: {  	s3 =	rddreg [dreg:$0x2];
	[bflag:$0x3] =	sbarrier.arrive $0xFFFF;
	s2 =	simm.s32 @!p0 $0x1C07  }
0xc1: {  	[timem:s3], [sflag:s2] =	dma.local @!p0 [hbm:s0], s1  }
0xc2: {  	s0 =	simm.s32 @!p0 $0x7  }
0xc3: {  	_ =	swait.ge @!p0 [sflag:s0], s1  }
0xc4: {  	s1 =	ssub.s32 @!p0 $0x0, s1;
	[sflag:s0] =	ssyncset.done @!p0 $0x0  }
0xc5: {  	[sflag:s0] =	ssyncadd.s32 @!p0 s1  }
0xc6: {  	[bflag:$0x3] =	sbarrier.arrive $0xFFFF  }
0xc7: {  	_ =	shalt  }

// kernel: kernel.13.cloned.1.call-start
scs
__scs_entry_jumppad:
0x0: {  	(pc) =	sbr.rel $0x88, $3  }
0x1: {  	(tag) =	ssettag $0x0;
	lr =	simm.s32 $0x1  }
0x2: {  	[smem:$0x3F91] =	sst lr;
	_ =	strace $0xD0000000  }
0x3: {  	_ = 	snop  }
0x4: {  	_ = 	snop  }
0x5: {  	_ = 	snop  }
0x6: {  	_ = 	snop  }
0x7: {  	_ = 	snop  }
__scs_overlays_trampoline_lowered:
0x8: {  	[smem:$0x3FA0] =	sst s0  }
0x9: {  	[smem:$0x3FA1] =	sst s1  }
0xa: {  	[smem:$0x3FA2] =	sst s2  }
0xb: {  	[smem:$0x3FA3] =	sst s3  }
0xc: {  	[smem:$0x3FA4] =	sst s4  }
0xd: {  	[smem:$0x3FA5] =	sst s5  }
0xe: {  	[smem:$0x3FA6] =	sst s6  }
0xf: {  	[smem:$0x3FA7] =	sst s7  }
0x10: {  	[smem:$0x3FA8] =	sst s8  }
0x11: {  	[smem:$0x3FA9] =	sst s9;
	s0 =	simm.s32 @!p0 $0x0  }
0x12: {  	s1 =	sld [smem:$0x3F8F];
	s0 =	simm.s32 @p0 $0x1  }
0x13: {  	[smem:$0x3FAA] =	sst s0;
	s0 =	simm.s32 @!p1 $0x0  }
0x14: {  	s2 =	sld [smem:$0x3F8E];
	s0 =	simm.s32 @p1 $0x1  }
0x15: {  	[smem:$0x3FAB] =	sst s0;
	s0 =	simm.s32 @!p2 $0x0  }
0x16: {  	s3 =	sld [smem:$0x3FDB];
	s0 =	simm.s32 @p2 $0x1  }
0x17: {  	s4 =	simm.s32 $0x1BF5;
	[smem:$0x3FAD] =	sst s0  }
0x18: {  	s0 =	sld [smem:$0x3F90];
	_ =	swait.ge [sflag:s4], $0x0  }
0x19: {  	s7 =	sld [smem:$0x3F91]  }
0x1a: {  	s8 =	sadd.s32 $0xFFFFE003, lr  }
0x1b: {  	s9 =	sadd.s32 $0xFFFFFEF7, lr;
	s5 =	simm.s32 $0xFFFFFFFF;
	p2 =	slt.u32 s8, $0xFFFFF086  }
0x1c: {  	p1 =	slt.u32 s9, $0xF7A;
	s5 =	simm.s32 @!p2 $0x0  }
0x1d: {  	s5 =	simm.s32 @p1 $0x1;
	p0 =	seq.s32 s7, s2  }
0x1e: {  	s7 =	smul.u32 @!p0 $0xF7A, s2;
	p2 =	seq.s32 @!p0 s5, $0x0  }
0x1f: {  	s9 =	smul.u32 $0xF7A, s1;
	s8 =	simm.s32 @!p0 $0x1BF5;
	p2 =	por !p2, p0  }
0x20: {  	[sflag:s8] =	ssyncset.s32 @!p0 $0xFFFFF086;
	s6 =	sadd.s32 @!p0 s3, s7;
	s7 =	simm.s32 @!p0 $0x108  }
0x21: {  	s3 =	sadd.s32 s3, s9;
	s6 =	sadd.s32 @!p0 $0x88, s6;
	s7 =	simm.s32 @p2 $0x1082  }
0x22: {  	[simem:s7], [sflag:s8] =	dma.local @!p0 [hbm:s6], $0xF7A  }
0x23: {  	s9 =	sor.u32 $0xD0000000, s2;
	s6 =	simm.s32 $0x108;
	_ =	swait.ge @!p0 [sflag:s8], $0x0  }
0x24: {  	s3 =	sadd.s32 $0x88, s3;
	s6 =	simm.s32 @!p1 $0x1082;
	[sflag:s4] =	ssyncset.s32 $0xFFFFF086  }
0x25: {  	[simem:s6], [sflag:s4] =	dma.local [hbm:s3], $0xF7A  }
0x26: {  	[smem:$0x3F91] =	sst s1;
	(tag) =	ssettag s2;
	_ =	strace s9  }
0x27: {  	s1 =	sld [smem:$0x3FA1]  }
0x28: {  	s2 =	sld [smem:$0x3FA2]  }
0x29: {  	s4 =	sld [smem:$0x3FA4]  }
0x2a: {  	p0 =	seq.s32 s5, $0x0;
	s5 =	sld [smem:$0x3FA5]  }
0x2b: {  	s6 =	sld [smem:$0x3FA6]  }
0x2c: {  	s7 =	sld [smem:$0x3FA7]  }
0x2d: {  	s3 =	simm.s32 $0x108;
	s8 =	sld [smem:$0x3FA8]  }
0x2e: {  	s3 =	simm.s32 @!p0 $0x1082;
	s9 =	sld [smem:$0x3FA9]  }
0x2f: {  	lr =	sadd.s32 s0, s3;
	s0 =	sld [smem:$0x3FA0]  }
0x30: {  	s3 =	sld [smem:$0x3FA3]  }
0x31: {  	[smem:$0x3FAC] =	sst s10  }
0x32: {  	s10 =	sld [smem:$0x3FAA];
	_ =	sdelay $0x3  }
0x33: {  	p0 =	seq.s32 s10, $0x1;
	s10 =	sld [smem:$0x3FAC];
	_ =	sdelay $0x3  }
0x34: {  	[smem:$0x3FAC] =	sst s10  }
0x35: {  	s10 =	sld [smem:$0x3FAB];
	_ =	sdelay $0x3  }
0x36: {  	p1 =	seq.s32 s10, $0x1;
	s10 =	sld [smem:$0x3FAC];
	_ =	sdelay $0x3  }
0x37: {  	[smem:$0x3FAC] =	sst s10  }
0x38: {  	s10 =	sld [smem:$0x3FAD]  }
0x39: {  	_ = 	snop;
	(pc) =	sbr.ind lr, $3  }
0x3a: {  	_ = 	snop  }
0x3b: {  	_ = 	snop  }
0x3c: {  	p2 =	seq.s32 s10, $0x1;
	s10 =	sld [smem:$0x3FAC]  }
0x3d: {  	_ =	shalt  }
0x3e: {  	_ =	shalt  }
0x3f: {  	_ =	shalt  }
0x40: {  	_ =	shalt  }
0x41: {  	_ =	shalt  }
0x42: {  	_ =	shalt  }
0x43: {  	_ =	shalt  }
0x44: {  	_ =	shalt  }
0x45: {  	_ =	shalt  }
0x46: {  	_ =	shalt  }
0x47: {  	_ =	shalt  }
0x48: {  	_ =	shalt  }
0x49: {  	_ =	shalt  }
0x4a: {  	_ =	shalt  }
0x4b: {  	_ =	shalt  }
0x4c: {  	_ =	shalt  }
0x4d: {  	_ =	shalt  }
0x4e: {  	_ =	shalt  }
0x4f: {  	_ =	shalt  }
0x50: {  	_ =	shalt  }
0x51: {  	_ =	shalt  }
0x52: {  	_ =	shalt  }
0x53: {  	_ =	shalt  }
0x54: {  	_ =	shalt  }
0x55: {  	_ =	shalt  }
0x56: {  	_ =	shalt  }
0x57: {  	_ =	shalt  }
0x58: {  	_ =	shalt  }
0x59: {  	_ =	shalt  }
0x5a: {  	_ =	shalt  }
0x5b: {  	_ =	shalt  }
0x5c: {  	_ =	shalt  }
0x5d: {  	_ =	shalt  }
0x5e: {  	_ =	shalt  }
0x5f: {  	_ =	shalt  }
0x60: {  	_ =	shalt  }
0x61: {  	_ =	shalt  }
0x62: {  	_ =	shalt  }
0x63: {  	_ =	shalt  }
0x64: {  	_ =	shalt  }
0x65: {  	_ =	shalt  }
0x66: {  	_ =	shalt  }
0x67: {  	_ =	shalt  }
0x68: {  	_ =	shalt  }
0x69: {  	_ =	shalt  }
0x6a: {  	_ =	shalt  }
0x6b: {  	_ =	shalt  }
0x6c: {  	_ =	shalt  }
0x6d: {  	_ =	shalt  }
0x6e: {  	_ =	shalt  }
0x6f: {  	_ =	shalt  }
0x70: {  	_ =	shalt  }
0x71: {  	_ =	shalt  }
0x72: {  	_ =	shalt  }
0x73: {  	_ =	shalt  }
0x74: {  	_ =	shalt  }
0x75: {  	_ =	shalt  }
0x76: {  	_ =	shalt  }
0x77: {  	_ =	shalt  }
0x78: {  	_ =	shalt  }
0x79: {  	_ =	shalt  }
0x7a: {  	_ =	shalt  }
0x7b: {  	_ =	shalt  }
0x7c: {  	_ =	shalt  }
0x7d: {  	_ =	shalt  }
0x7e: {  	_ =	shalt  }
0x7f: {  	_ =	shalt  }
0x80: {  	_ =	shalt  }
0x81: {  	_ =	shalt  }
0x82: {  	_ =	shalt  }
0x83: {  	_ =	shalt  }
0x84: {  	_ =	shalt  }
0x85: {  	_ =	shalt  }
0x86: {  	_ =	shalt  }
0x87: {  	_ =	shalt  }
.Lfunc_end0:
.L_simem_size_0:
called_computation.1_lowered:
.L_overlay_start_0:
0x88: {  	s2 =	sld [smem:$0x3FD9]  }
0x89: {  	s3 =	sld [smem:$0x3FFE];
	_ =	sdelay $0x1  }
0x8a: {  	s1 =	srdreg.scid  }
0x8b: {  	s0 =	sand.u32 $0x1, s1  }
0x8c: {  	s14 =	sshll.u32 s0, $0xA;
	s2 =	sadd.s32 s3, s2  }
0x8d: {  	s2 =	sadd.s32 s2, s14  }
0x8e: {  	[smem:$0x3FB8] =	sst s2  }
0x8f: {  	_ = 	snop  }
0x90: {  	s2 =	sld [smem:$0x3FD0];
	_ =	sdelay $0x2  }
0x91: {  	s15 =	simm.s32 $0xB;
	s4 =	simm.s32 $0x10  }
0x92: {  	[smem:s4], [sflag:s15] =	dma.local [hbm:s2], $0x1  }
0x93: {  	_ =	swait.eq [sflag:s15], $0x1  }
0x94: {  	[sflag:s15] =	ssyncset.done $0x0  }
0x95: {  	s16 =	sld [smem:$0x10];
	[sflag:s15] =	ssyncadd.s32 $0xFFFFFFFF  }
0x96: {  	s17 =	sld [smem:$0x11];
	(tm) =	ssettm $0x1  }
0x97: {  	s18 =	sld [smem:$0x3FFB];
	_ =	sdelay $0x3  }
0x98: {  	_ =	strace s18  }
0x99: {  	s4 =	sld [smem:$0x3FFC];
	_ =	sdelay $0x3  }
0x9a: {  	_ =	strace s4  }
0x9b: {  	s4 =	sld [smem:$0x3FFD];
	_ =	sdelay $0x3  }
0x9c: {  	_ =	strace s4  }
0x9d: {  	_ =	strace $0x8FFFFFFF  }
0x9e: {  	s19 =	sld [smem:$0x3FDB];
	_ =	sdelay $0x1  }
0x9f: {  	s5 =	simm.s32 $_scs_section_size  }
0xa0: {  	s6 =	simm.s32 $_size__tile_overlayer_lowered;
	s7 =	simm.s32 $_tile_overlayer_lowered  }
0xa1: {  	s22 =	simm.s32 $0x1BFF;
	s21 =	sshll.u32 s7, $0x1;
	s4 =	sadd.s32 s5, s19  }
0xa2: {  	s8 =	simm.s32 $0x0;
	s20 =	sshll.u32 s6, $0x1;
	s6 =	sadd.s32 s21, s4  }
0xa3: {  	[timem:s8], [sflag:s22] =	dma.local [hbm:s6], s20  }
0xa4: {  	_ =	swait.ge [sflag:s22], s20  }
0xa5: {  	s5 =	ssub.s32 $0x0, s20;
	[sflag:s22] =	ssyncset.done $0x0  }
0xa6: {  	[sflag:s22] =	ssyncadd.s32 s5;
	_ =	sdelay $0x1  }
0xa7: {  	s23 =	simm.s32 $0x1B8B  }
0xa8: {  	_ =	swait.ge [sflag:s23], $0x1  }
0xa9: {  	[sflag:s23] =	ssyncset.done $0x0  }
0xaa: {  	s25 =	simm.s32 $0x1B8E;
	s24 =	sld [smem:$0x3FFE];
	[sflag:s23] =	ssyncadd.s32 $0xFFFFFFFF  }
0xab: {  	s26 =	simm.s32 $execute0_lowered;
	[smem:$0x3FD2] =	sst s25  }
0xac: {  	s6 =	sshll.u32 s26, $0x1;
	_ =	strace $0x80000046;
	[dreg:$0x1] =	wrdreg $0xFFFFFFFF  }
0xad: {  	s28 =	simm.s32 $_size_execute0_lowered;
	s4 =	sadd.s32 s4, s6;
	[dreg:$0x0] =	wrdreg $0x0  }
0xae: {  	s6 =	sshll.u32 s28, $0x1;
	[dreg:$0x2] =	wrdreg s4  }
0xaf: {  	[dreg:$0x3] =	wrdreg s6  }
0xb0: {  	[dreg:$0x4] =	wrdreg $0xC0  }
0xb1: {  	_ =	task [dreg:s8], $0x5FFFF  }
0xb2: {  	[dreg:$0x1] =	wrdreg $0xFFFFFFFF  }
0xb3: {  	[dreg:$0x0] =	wrdreg $0x60  }
0xb4: {  	[dreg:$0x2] =	wrdreg s16  }
0xb5: {  	[dreg:$0x3] =	wrdreg s24  }
0xb6: {  	[dreg:$0x4] =	wrdreg s17  }
0xb7: {  	[dreg:$0x5] =	wrdreg $0xA  }
0xb8: {  	_ =	task.clear_ibuf [dreg:s8], $0x6FFFF;
	_ =	strace $0x90000046  }
0xb9: {  	s29 =	simm.s32 $0xA;
	_ =	strace $0x80000048  }
0xba: {  	_ =	swait.ge [sflag:s29], $0x1  }
0xbb: {  	[sflag:s29] =	ssyncadd.s32 $0xFFFFFFFF  }
0xbc: {  	_ =	strace $0x90000048  }
0xbd: {  	_ =	sfence  }
0xbe: {  	s30 =	sld [smem:$0x0];
	_ =	sdelay $0x2  }
0xbf: {  	s31 =	sshll.u32 s1, $0xD;
	s1 =	sshrl.u32 s1, $0x2  }
0xc0: {  	s3 =	sand.u32 $0x4000, s31;
	s1 =	sadd.s32 s1, s30  }
0xc1: {  	s0 =	sor.u32 s3, s0;
	s1 =	sshll.u32 s1, $0x11  }
0xc2: {  	s0 =	sor.u32 s1, s0  }
0xc3: {  	s0 =	sadd.s32 $0x8F2B, s0  }
0xc4: {  	[sflag:s0] =	ssyncadd.remote.s32 $0x1  }
0xc5: {  	_ =	sfence.sel $0xFFFF  }
0xc6: {  	[dreg:$0x0] =	wrdreg $0xFFFFFFFF;
	(pc) =	sbr.abs _section_cstart, $3  }
0xc7: {  	[dreg:$0x1] =	wrdreg $0xFFFFFFFF  }
0xc8: {  	_ =	task.clear_ibuf [dreg:s8], $0x2FFFF;
	_ =	strace $0x9FFFFFFF  }
0xc9: {  	(tm) =	ssettm $0x7FFFFFFF  }
tec
execute0_lowered:
.L_overlay_start_1:
0x0: {  	(tag) =	ssettag $0x1  }
0x1: {  	s1 =	rddreg [dreg:$0x0]  }
0x2: {  	s0 =	rddreg [dreg:$0x1]  }
0x3: {  	s3 =	rddreg [dreg:$0x2];
	s4 =	simm.s32 $0x0;
	s2 =	srdreg.scid  }
0x4: {  	s5 =	stileid.u32;
	s12 =	simm.s32 $0x7;
	s13 =	simm.s32 $0x2000  }
0x5: {  	s14 =	simm.s32 $0x50;
	s15 =	simm.s32 $0x4000;
	s16 =	simm.s32 $0x9000  }
0x6: {  	s20 =	simm.s32 $0xB800;
	s21 =	simm.s32 $0x1;
	s22 =	simm.s32 $0x3  }
0x7: {  	s23 =	simm.s32 $0xE000;
	s24 =	simm.s32 $0x2;
	s25 =	simm.s32 $0x4  }
0x8: {  	s28 =	simm.s32 $0x5;
	s29 =	simm.s32 $0x6;
	s30 =	simm.s32 $0x0  }
0x9: {  	[smem:$0x7FF] =	sst s4;
	s2 =	sand.u32 $0x1, s2;
	s5 =	sshll.u32 s5, $0x1  }
0xa: {  	_ =	strace $0x80000047;
	s6 =	sor.u32 s2, s5;
	s2 =	ssub.s32 $0x2, s2  }
0xb: {  	s5 =	sadd.s32 $0x1C000, s0;
	s7 =	sshll.u32 s6, $0xA;
	s8 =	smul.u32 $0x98800, s6  }
0xc: {  	s26 =	sshrl.u32 s2, $0x1;
	s6 =	smul.u32 $0x1310, s6;
	s0 =	sadd.s32 s7, s0  }
0xd: {  	s2 =	ssub.s32 s2, s26;
	s26 =	simm.s32 $0x10800;
	s9 =	sshrl.u32 s8, $0x3  }
0xe: {  	s7 =	sadd.s32 $0xC000, s0;
	s8 =	sadd.s32 $0x14000, s0;
	s31 =	sadd.s32 s3, s9  }
0xf: {  	s11 =	smax.u32 s2, $0x1;
	s9 =	sadd.s32 $0x50, s6;
	s10 =	sadd.s32 $0x12C00, s31  }
.LBB2_1:
0x10: {  	[tilespmem:s4], [sflag:$0x7] =	stream.linear.gather [hbm4b:s7+s4], $0x1E80, $0x38;
	[tilespmem:$0x13000] =	vst v63  }
0x11: {  	_ =	swait.ge [sflag:s12], $0x1E80  }
0x12: {  	[sflag:s12] =	ssyncset.done $0x0  }
0x13: {  	[sflag:s12] =	ssyncadd.s32 $0xFFFFE180  }
0x14: {  	[tilespmem:s13], [sflag:$0x7] =	stream.linear.gather [hbm4b:s8+s4], $0x1E80, $0x38;
	[tilespmem:$0x13000] =	vst v63  }
0x15: {  	_ =	swait.ge [sflag:s12], $0x1E80  }
0x16: {  	[sflag:s12] =	ssyncset.done $0x0  }
0x17: {  	[sflag:s12] =	ssyncadd.s32 $0xFFFFE180  }
0x18: {  	[tilespmem:s15], [sflag:$0x1] =	stream.indirect.gather [hbm4b:s1+s14], $0x80, s4, s14, $0xb8;
	[tilespmem:$0x13000] =	vst v63  }
0x19: {  	_ = 	snop  }
0x1a: {  	[tilespmem:s16], [sflag:$0x3] =	stream.indirect.gather [hbm4b:s5+s14], $0x80, s13, s14, $0xb8;
	[tilespmem:$0x13000] =	vst v63  }
0x1b: {  	s0 =	simm.s32 $0x80;
	s2 =	simm.s32 $0x6800  }
0x1c: {  	[tilespmem:s2], [sflag:$0x2] =	stream.indirect.gather [hbm4b:s1+s14], $0x80, s0, s14, $0xb8;
	[tilespmem:$0x13000] =	vst v63  }
0x1d: {  	s19 =	simm.s32 $0x2080;
	s31 =	simm.s32 $0x0  }
0x1e: {  	[tilespmem:s20], [sflag:$0x4] =	stream.indirect.gather [hbm4b:s5+s14], $0x80, s19, s14, $0xb8;
	[tilespmem:$0x13000] =	vst v63  }
.LBB2_2:
0x1f: {  	_ =	swait.ge [sflag:s21], $0x2800  }
0x20: {  	[sflag:s21] =	ssyncset.done $0x0  }
0x21: {  	[sflag:s21] =	ssyncadd.s32 $0xFFFFD800  }
0x22: {  	_ =	swait.ge [sflag:s22], $0x2800  }
0x23: {  	p0 =	seq.s32 s31, $0x0;
	[sflag:s22] =	ssyncset.done $0x0  }
0x24: {  	s0 =	simm.s32 @!p0 $0x5;
	[sflag:s22] =	ssyncadd.s32 $0xFFFFD800  }
0x25: {  	_ =	swait.ge @!p0 [sflag:s0], $0x2800  }
0x26: {  	[sflag:s0] =	ssyncset.done @!p0 $0x0  }
0x27: {  	s2 =	simm.s32 $0x0;
	[sflag:s0] =	ssyncadd.s32 @!p0 $0xFFFFD800  }
0x28: {  	v0 =	vld [tilespmem:s2+$0x4070]  }
0x29: {  	v1 =	vld [tilespmem:s2+$0x9070]  }
0x2a: {  	v2 =	vld [tilespmem:s2+$0x4000]  }
0x2b: {  	v3 =	vld [tilespmem:s2+$0x9000]  }
0x2c: {  	v4 =	vld [tilespmem:s2+$0x4010]  }
0x2d: {  	v5 =	vld [tilespmem:s2+$0x9010]  }
0x2e: {  	v6 =	vld [tilespmem:s2+$0x4020]  }
0x2f: {  	v7 =	vld [tilespmem:s2+$0x4030]  }
0x30: {  	v0 =	vadd.f32 v1, v0;
	v1 =	vld [tilespmem:s2+$0x9020]  }
0x31: {  	v2 =	vadd.f32 v3, v2;
	v3 =	vld [tilespmem:s2+$0x9030]  }
0x32: {  	v8 =	vld [tilespmem:s2+$0x9040]  }
0x33: {  	[tilespmem:s2+$0xE070] =	vst v0;
	v0 =	vadd.f32 v5, v4;
	v4 =	vld [tilespmem:s2+$0x4040]  }
0x34: {  	[tilespmem:s2+$0xE000] =	vst v2;
	v2 =	vld [tilespmem:s2+$0x9050]  }
0x35: {  	[tilespmem:s2+$0xE010] =	vst v0;
	v0 =	vld [tilespmem:s2+$0x4050];
	v1 =	vadd.f32 v1, v6  }
0x36: {  	v6 =	vadd.f32 v3, v7;
	v3 =	vld [tilespmem:s2+$0x9060]  }
0x37: {  	s17 =	simm.s32 $0x80;
	[tilespmem:s2+$0xE020] =	vst v1;
	v1 =	vld [tilespmem:s2+$0x4060]  }
0x38: {  	s18 =	simm.s32 $0x400;
	s0 =	sshll.u32 s31, $0x8;
	v5 =	vld [tilespmem:s17+$0x4070];
	[tilespmem:s2+$0xE030] =	vst v6;
	v4 =	vadd.f32 v8, v4  }
.LBB2_3:
0x39: {  	p1 =	sne.s32 s18, $0x9E00;
	v6 =	vld [tilespmem:s17+$0x9070]  }
0x3a: {  	v7 =	vld [tilespmem:s17+$0x4000];
	[tilespmem:s2+$0xE040] =	vst v4;
	v0 =	vadd.f32 v2, v0  }
0x3b: {  	v2 =	vld [tilespmem:s17+$0x9000]  }
0x3c: {  	v4 =	vld [tilespmem:s17+$0x4010];
	[tilespmem:s2+$0xE050] =	vst v0;
	v0 =	vadd.f32 v3, v1  }
0x3d: {  	v1 =	vld [tilespmem:s17+$0x9010]  }
0x3e: {  	v3 =	vld [tilespmem:s17+$0x4020];
	v5 =	vadd.f32 v6, v5;
	[tilespmem:s2+$0xE060] =	vst v0;
	s2 =	smov.u32 s17  }
0x3f: {  	v0 =	vld [tilespmem:s2+$0x9020]  }
0x40: {  	v2 =	vadd.f32 v2, v7;
	v6 =	vld [tilespmem:s2+$0x4030];
	[tilespmem:s2+$0xE070] =	vst v5  }
0x41: {  	v5 =	vld [tilespmem:s2+$0x9030]  }
0x42: {  	[tilespmem:s2+$0xE000] =	vst v2;
	v1 =	vadd.f32 v1, v4;
	v4 =	vld [tilespmem:s2+$0x4040]  }
0x43: {  	v7 =	vld [tilespmem:s2+$0x9040]  }
.Ltmp0:
0x44: {  	[tilespmem:s2+$0xE010] =	vst v1;
	v1 =	vadd.f32 v0, v3;
	v0 =	vld [tilespmem:s2+$0x4050];
	(pc) =	sbr.rel @p1 .LBB2_3-.Ltmp0, $4  }
0x45: {  	v2 =	vld [tilespmem:s2+$0x9050]  }
0x46: {  	[tilespmem:s2+$0xE020] =	vst v1;
	v6 =	vadd.f32 v5, v6;
	v1 =	vld [tilespmem:s2+$0x4060]  }
0x47: {  	s17 =	sshra.s32 s18, $0x2;
	v3 =	vld [tilespmem:s2+$0x9060]  }
0x48: {  	s18 =	sadd.s32 $0x200, s18;
	v5 =	vld [tilespmem:s17+$0x4070];
	[tilespmem:s2+$0xE030] =	vst v6;
	v4 =	vadd.f32 v7, v4  }
0x49: {  	v6 =	vld [tilespmem:s17+$0x9070]  }
0x4a: {  	v7 =	vld [tilespmem:s17+$0x4000]  }
0x4b: {  	v8 =	vld [tilespmem:s17+$0x9000]  }
0x4c: {  	v9 =	vld [tilespmem:s17+$0x4010]  }
0x4d: {  	v10 =	vld [tilespmem:s17+$0x9010]  }
0x4e: {  	v11 =	vld [tilespmem:s17+$0x4020]  }
0x4f: {  	v12 =	vld [tilespmem:s17+$0x4030]  }
0x50: {  	v5 =	vadd.f32 v6, v5;
	v6 =	vld [tilespmem:s17+$0x9020]  }
0x51: {  	v60 =	vld [tilespmem:s17+$0x4040]  }
0x52: {  	v61 =	vld [tilespmem:s17+$0x9040];
	v7 =	vadd.f32 v8, v7  }
0x53: {  	v62 =	vld [tilespmem:s17+$0x9050];
	[tilespmem:s17+$0xE070] =	vst v5  }
0x54: {  	v5 =	vld [tilespmem:s17+$0x9030];
	[tilespmem:s17+$0xE000] =	vst v7;
	v7 =	vadd.f32 v10, v9  }
0x55: {  	v0 =	vadd.f32 v2, v0;
	v2 =	vld [tilespmem:s17+$0x9060];
	v6 =	vadd.f32 v6, v11  }
0x56: {  	[tilespmem:s17+$0xE010] =	vst v7;
	v7 =	vld [tilespmem:s17+$0x4050]  }
0x57: {  	[tilespmem:s17+$0xE020] =	vst v6;
	v6 =	vld [tilespmem:s17+$0x4060]  }
0x58: {  	[tilespmem:s2+$0xE040] =	vst v4;
	v1 =	vadd.f32 v3, v1  }
0x59: {  	[tilespmem:s2+$0xE050] =	vst v0;
	v0 =	vadd.f32 v5, v12  }
0x5a: {  	[tilespmem:s2+$0xE060] =	vst v1;
	v1 =	vadd.f32 v61, v60  }
0x5b: {  	[tilespmem:s17+$0xE030] =	vst v0;
	v0 =	vadd.f32 v62, v7  }
0x5c: {  	s2 =	smul.u32 $0xA0, s31;
	[tilespmem:s17+$0xE040] =	vst v1;
	v1 =	vadd.f32 v2, v6  }
0x5d: {  	[tilespmem:s17+$0xE050] =	vst v0  }
0x5e: {  	s19 =	sadd.s32 s6, s2;
	[tilespmem:s17+$0xE060] =	vst v1;
	s17 =	sadd.s32 $0x100, s0  }
0x5f: {  	[tilespmem:s15], [sflag:$0x1] =	stream.indirect.gather [hbm4b:s1+s14], $0x80, s17, s14, $0xb8;
	[tilespmem:$0x13000] =	vst v63  }
0x60: {  	s18 =	sadd.s32 $0x2100, s0;
	s17 =	sshll.u32 s19, $0x4  }
0x61: {  	[tilespmem:s16], [sflag:$0x3] =	stream.indirect.gather [hbm4b:s5+s14], $0x80, s18, s14, $0xb8;
	[tilespmem:$0x13000] =	vst v63  }
0x62: {  	s17 =	sadd.s32 s3, s17  }
0x63: {  	[hbm4b:s17+s4] =	stream.linear.scatter [tilespmem:s23], [sflag:$0x5], $0x2800, $0x38;
	[tilespmem:$0x13000] =	vst v63  }
0x64: {  	_ =	swait.ge [sflag:s24], $0x2800  }
0x65: {  	[sflag:s24] =	ssyncset.done $0x0  }
0x66: {  	[sflag:s24] =	ssyncadd.s32 $0xFFFFD800  }
0x67: {  	_ =	swait.ge [sflag:s25], $0x2800  }
0x68: {  	[sflag:s25] =	ssyncset.done $0x0  }
0x69: {  	s17 =	simm.s32 @!p0 $0x6;
	[sflag:s25] =	ssyncadd.s32 $0xFFFFD800  }
0x6a: {  	_ =	swait.ge @!p0 [sflag:s17], $0x2800  }
0x6b: {  	[sflag:s17] =	ssyncset.done @!p0 $0x0  }
0x6c: {  	[sflag:s17] =	ssyncadd.s32 @!p0 $0xFFFFD800;
	s17 =	simm.s32 $0x0  }
0x6d: {  	v0 =	vld [tilespmem:s17+$0x6870]  }
0x6e: {  	v1 =	vld [tilespmem:s17+$0xB870]  }
0x6f: {  	v2 =	vld [tilespmem:s17+$0x6800]  }
0x70: {  	v3 =	vld [tilespmem:s17+$0xB800]  }
0x71: {  	v4 =	vld [tilespmem:s17+$0x6810]  }
0x72: {  	v5 =	vld [tilespmem:s17+$0xB810]  }
0x73: {  	v6 =	vld [tilespmem:s17+$0x6820]  }
0x74: {  	v7 =	vld [tilespmem:s17+$0x6830]  }
0x75: {  	v0 =	vadd.f32 v1, v0;
	v1 =	vld [tilespmem:s17+$0xB820]  }
0x76: {  	v2 =	vadd.f32 v3, v2;
	v3 =	vld [tilespmem:s17+$0xB830]  }
0x77: {  	v63 =	vld [tilespmem:s17+$0xB840]  }
0x78: {  	[tilespmem:s17+$0x10870] =	vst v0;
	v0 =	vadd.f32 v5, v4;
	v4 =	vld [tilespmem:s17+$0x6840]  }
0x79: {  	[tilespmem:s17+$0x10800] =	vst v2;
	v2 =	vld [tilespmem:s17+$0xB850]  }
0x7a: {  	[tilespmem:s17+$0x10810] =	vst v0;
	v0 =	vld [tilespmem:s17+$0x6850];
	v1 =	vadd.f32 v1, v6  }
0x7b: {  	v6 =	vadd.f32 v3, v7;
	v3 =	vld [tilespmem:s17+$0xB860]  }
0x7c: {  	s18 =	simm.s32 $0x80;
	[tilespmem:s17+$0x10820] =	vst v1;
	v1 =	vld [tilespmem:s17+$0x6860]  }
0x7d: {  	s19 =	simm.s32 $0x400;
	v5 =	vld [tilespmem:s18+$0x6870];
	[tilespmem:s17+$0x10830] =	vst v6;
	v4 =	vadd.f32 v63, v4  }
.LBB2_5:
0x7e: {  	p0 =	sne.s32 s19, $0x9E00;
	v6 =	vld [tilespmem:s18+$0xB870]  }
0x7f: {  	v7 =	vld [tilespmem:s18+$0x6800];
	[tilespmem:s17+$0x10840] =	vst v4;
	v0 =	vadd.f32 v2, v0  }
0x80: {  	v2 =	vld [tilespmem:s18+$0xB800]  }
0x81: {  	v4 =	vld [tilespmem:s18+$0x6810];
	[tilespmem:s17+$0x10850] =	vst v0;
	v0 =	vadd.f32 v3, v1  }
0x82: {  	v1 =	vld [tilespmem:s18+$0xB810]  }
0x83: {  	v3 =	vld [tilespmem:s18+$0x6820];
	v5 =	vadd.f32 v6, v5;
	[tilespmem:s17+$0x10860] =	vst v0;
	s17 =	smov.u32 s18  }
0x84: {  	v0 =	vld [tilespmem:s17+$0xB820]  }
0x85: {  	v2 =	vadd.f32 v2, v7;
	v6 =	vld [tilespmem:s17+$0x6830];
	[tilespmem:s17+$0x10870] =	vst v5  }
0x86: {  	v5 =	vld [tilespmem:s17+$0xB830]  }
0x87: {  	[tilespmem:s17+$0x10800] =	vst v2;
	v1 =	vadd.f32 v1, v4;
	v4 =	vld [tilespmem:s17+$0x6840]  }
0x88: {  	v7 =	vld [tilespmem:s17+$0xB840]  }
.Ltmp1:
0x89: {  	[tilespmem:s17+$0x10810] =	vst v1;
	v1 =	vadd.f32 v0, v3;
	v0 =	vld [tilespmem:s17+$0x6850];
	(pc) =	sbr.rel @p0 .LBB2_5-.Ltmp1, $4  }
0x8a: {  	v2 =	vld [tilespmem:s17+$0xB850]  }
0x8b: {  	[tilespmem:s17+$0x10820] =	vst v1;
	v6 =	vadd.f32 v5, v6;
	v1 =	vld [tilespmem:s17+$0x6860]  }
0x8c: {  	s18 =	sshra.s32 s19, $0x2;
	v3 =	vld [tilespmem:s17+$0xB860]  }
0x8d: {  	s19 =	sadd.s32 $0x200, s19;
	v5 =	vld [tilespmem:s18+$0x6870];
	[tilespmem:s17+$0x10830] =	vst v6;
	v4 =	vadd.f32 v7, v4  }
0x8e: {  	v6 =	vld [tilespmem:s18+$0xB870]  }
0x8f: {  	v7 =	vld [tilespmem:s18+$0x6800]  }
0x90: {  	v8 =	vld [tilespmem:s18+$0xB800]  }
0x91: {  	v9 =	vld [tilespmem:s18+$0x6810]  }
0x92: {  	v10 =	vld [tilespmem:s18+$0xB810]  }
0x93: {  	v11 =	vld [tilespmem:s18+$0x6820]  }
0x94: {  	v51 =	vld [tilespmem:s18+$0xB820]  }
0x95: {  	v12 =	vld [tilespmem:s18+$0x6830]  }
0x96: {  	v52 =	vld [tilespmem:s18+$0xB830]  }
0x97: {  	v54 =	vld [tilespmem:s18+$0x6840]  }
0x98: {  	v55 =	vld [tilespmem:s18+$0xB840];
	v0 =	vadd.f32 v2, v0  }
0x99: {  	v56 =	vld [tilespmem:s18+$0x6850];
	[tilespmem:s17+$0x10840] =	vst v4;
	v1 =	vadd.f32 v3, v1  }
0x9a: {  	v57 =	vld [tilespmem:s18+$0xB850];
	[tilespmem:s17+$0x10850] =	vst v0;
	v5 =	vadd.f32 v6, v5  }
0x9b: {  	v58 =	vld [tilespmem:s18+$0x6860];
	v7 =	vadd.f32 v8, v7;
	[tilespmem:s17+$0x10860] =	vst v1  }
0x9c: {  	v59 =	vld [tilespmem:s18+$0xB860];
	v53 =	vadd.f32 v10, v9;
	[tilespmem:s18+$0x10870] =	vst v5  }
0x9d: {  	v6 =	vadd.f32 v51, v11;
	[tilespmem:s18+$0x10800] =	vst v7  }
0x9e: {  	v60 =	vadd.f32 v52, v12;
	[tilespmem:s18+$0x10810] =	vst v53  }
0x9f: {  	v61 =	vadd.f32 v55, v54;
	[tilespmem:s18+$0x10820] =	vst v6  }
0xa0: {  	v62 =	vadd.f32 v57, v56;
	[tilespmem:s18+$0x10830] =	vst v60  }
0xa1: {  	v63 =	vadd.f32 v59, v58;
	[tilespmem:s18+$0x10840] =	vst v61  }
0xa2: {  	p0 =	seq.s32 s31, $0x1D;
	[tilespmem:s18+$0x10850] =	vst v62  }
0xa3: {  	s19 =	simm.s32 @!p0 $0x6800;
	s17 =	sadd.s32 @!p0 $0x180, s0;
	[tilespmem:s18+$0x10860] =	vst v63;
	s18 =	simm.s32 @!p0 $0x50  }
0xa4: {  	[tilespmem:s19], [sflag:$0x2] =	stream.indirect.gather @!p0 [hbm4b:s1+s18], $0x80, s17, s18, $0xb8;
	[tilespmem:$0x13000] =	vst v63  }
0xa5: {  	s31 =	sadd.s32 $0x1, s31;
	s0 =	sadd.s32 @!p0 $0x2180, s0;
	s17 =	simm.s32 @!p0 $0xB800  }
0xa6: {  	[tilespmem:s17], [sflag:$0x4] =	stream.indirect.gather @!p0 [hbm4b:s5+s18], $0x80, s0, s18, $0xb8;
	[tilespmem:$0x13000] =	vst v63  }
0xa7: {  	p0 =	sne.s32 s31, $0x1E  }
.Ltmp2:
0xa8: {  	_ = 	snop;
	(pc) =	sbr.rel @p0 .LBB2_2-.Ltmp2, $4  }
0xa9: {  	s19 =	sadd.s32 s9, s2  }
0xaa: {  	s0 =	sshll.u32 s19, $0x4  }
0xab: {  	s0 =	sadd.s32 s3, s0  }
0xac: {  	[hbm4b:s0+s4] =	stream.linear.scatter [tilespmem:s26], [sflag:$0x6], $0x2800, $0x38;
	[tilespmem:$0x13000] =	vst v63  }
0xad: {  	_ =	swait.ge [sflag:s21], $0x2800  }
0xae: {  	[sflag:s21] =	ssyncset.done $0x0  }
0xaf: {  	[sflag:s21] =	ssyncadd.s32 $0xFFFFD800  }
0xb0: {  	_ =	swait.ge [sflag:s22], $0x2800  }
0xb1: {  	[sflag:s22] =	ssyncset.done $0x0  }
0xb2: {  	[sflag:s22] =	ssyncadd.s32 $0xFFFFD800  }
0xb3: {  	_ =	swait.ge [sflag:s28], $0x2800  }
0xb4: {  	[sflag:s28] =	ssyncset.done $0x0  }
0xb5: {  	s0 =	simm.s32 $0x0;
	[sflag:s28] =	ssyncadd.s32 $0xFFFFD800  }
0xb6: {  	v0 =	vld [tilespmem:s0+$0x4070]  }
0xb7: {  	v1 =	vld [tilespmem:s0+$0x9070]  }
0xb8: {  	v2 =	vld [tilespmem:s0+$0x4000]  }
0xb9: {  	v3 =	vld [tilespmem:s0+$0x9000]  }
0xba: {  	v4 =	vld [tilespmem:s0+$0x4010]  }
0xbb: {  	v5 =	vld [tilespmem:s0+$0x9010]  }
0xbc: {  	v6 =	vld [tilespmem:s0+$0x4020]  }
0xbd: {  	v7 =	vld [tilespmem:s0+$0x4030]  }
0xbe: {  	v0 =	vadd.f32 v1, v0;
	v1 =	vld [tilespmem:s0+$0x9020]  }
0xbf: {  	v2 =	vadd.f32 v3, v2;
	v3 =	vld [tilespmem:s0+$0x9030]  }
0xc0: {  	v8 =	vld [tilespmem:s0+$0x9040]  }
0xc1: {  	[tilespmem:s0+$0xE070] =	vst v0;
	v0 =	vadd.f32 v5, v4;
	v4 =	vld [tilespmem:s0+$0x4040]  }
0xc2: {  	[tilespmem:s0+$0xE000] =	vst v2;
	v2 =	vld [tilespmem:s0+$0x9050]  }
0xc3: {  	[tilespmem:s0+$0xE010] =	vst v0;
	v0 =	vld [tilespmem:s0+$0x4050];
	v1 =	vadd.f32 v1, v6  }
0xc4: {  	v6 =	vadd.f32 v3, v7;
	v3 =	vld [tilespmem:s0+$0x9060]  }
0xc5: {  	s2 =	simm.s32 $0x80;
	[tilespmem:s0+$0xE020] =	vst v1;
	v1 =	vld [tilespmem:s0+$0x4060]  }
0xc6: {  	s17 =	simm.s32 $0x400;
	v5 =	vld [tilespmem:s2+$0x4070];
	[tilespmem:s0+$0xE030] =	vst v6;
	v4 =	vadd.f32 v8, v4  }
.LBB2_8:
0xc7: {  	p0 =	sne.s32 s17, $0x9E00;
	v6 =	vld [tilespmem:s2+$0x9070]  }
0xc8: {  	v7 =	vld [tilespmem:s2+$0x4000];
	[tilespmem:s0+$0xE040] =	vst v4;
	v0 =	vadd.f32 v2, v0  }
0xc9: {  	v2 =	vld [tilespmem:s2+$0x9000]  }
0xca: {  	v4 =	vld [tilespmem:s2+$0x4010];
	[tilespmem:s0+$0xE050] =	vst v0;
	v0 =	vadd.f32 v3, v1  }
0xcb: {  	v1 =	vld [tilespmem:s2+$0x9010]  }
0xcc: {  	v3 =	vld [tilespmem:s2+$0x4020];
	v5 =	vadd.f32 v6, v5;
	[tilespmem:s0+$0xE060] =	vst v0;
	s0 =	smov.u32 s2  }
0xcd: {  	v0 =	vld [tilespmem:s0+$0x9020]  }
0xce: {  	v2 =	vadd.f32 v2, v7;
	v6 =	vld [tilespmem:s0+$0x4030];
	[tilespmem:s0+$0xE070] =	vst v5  }
0xcf: {  	v5 =	vld [tilespmem:s0+$0x9030]  }
0xd0: {  	[tilespmem:s0+$0xE000] =	vst v2;
	v1 =	vadd.f32 v1, v4;
	v4 =	vld [tilespmem:s0+$0x4040]  }
0xd1: {  	v7 =	vld [tilespmem:s0+$0x9040]  }
.Ltmp3:
0xd2: {  	[tilespmem:s0+$0xE010] =	vst v1;
	v1 =	vadd.f32 v0, v3;
	v0 =	vld [tilespmem:s0+$0x4050];
	(pc) =	sbr.rel @p0 .LBB2_8-.Ltmp3, $4  }
0xd3: {  	v2 =	vld [tilespmem:s0+$0x9050]  }
0xd4: {  	[tilespmem:s0+$0xE020] =	vst v1;
	v6 =	vadd.f32 v5, v6;
	v1 =	vld [tilespmem:s0+$0x4060]  }
0xd5: {  	s2 =	sshra.s32 s17, $0x2;
	v3 =	vld [tilespmem:s0+$0x9060]  }
0xd6: {  	s17 =	sadd.s32 $0x200, s17;
	v5 =	vld [tilespmem:s2+$0x4070];
	[tilespmem:s0+$0xE030] =	vst v6;
	v4 =	vadd.f32 v7, v4  }
0xd7: {  	v6 =	vld [tilespmem:s2+$0x9070]  }
0xd8: {  	v7 =	vld [tilespmem:s2+$0x4000]  }
0xd9: {  	v8 =	vld [tilespmem:s2+$0x9000]  }
0xda: {  	v9 =	vld [tilespmem:s2+$0x4010]  }
0xdb: {  	v10 =	vld [tilespmem:s2+$0x9010]  }
0xdc: {  	v11 =	vld [tilespmem:s2+$0x4020]  }
0xdd: {  	v51 =	vld [tilespmem:s2+$0x9020]  }
0xde: {  	v12 =	vld [tilespmem:s2+$0x4030]  }
0xdf: {  	v52 =	vld [tilespmem:s2+$0x9030]  }
0xe0: {  	v54 =	vld [tilespmem:s2+$0x4040]  }
0xe1: {  	v55 =	vld [tilespmem:s2+$0x9040];
	v0 =	vadd.f32 v2, v0  }
0xe2: {  	v56 =	vld [tilespmem:s2+$0x4050];
	[tilespmem:s0+$0xE040] =	vst v4;
	v1 =	vadd.f32 v3, v1  }
0xe3: {  	v57 =	vld [tilespmem:s2+$0x9050];
	[tilespmem:s0+$0xE050] =	vst v0;
	v5 =	vadd.f32 v6, v5  }
0xe4: {  	v58 =	vld [tilespmem:s2+$0x4060];
	v7 =	vadd.f32 v8, v7;
	[tilespmem:s0+$0xE060] =	vst v1  }
0xe5: {  	v59 =	vld [tilespmem:s2+$0x9060];
	v53 =	vadd.f32 v10, v9;
	[tilespmem:s2+$0xE070] =	vst v5  }
0xe6: {  	v6 =	vadd.f32 v51, v11;
	[tilespmem:s2+$0xE000] =	vst v7  }
0xe7: {  	v60 =	vadd.f32 v52, v12;
	[tilespmem:s2+$0xE010] =	vst v53  }
0xe8: {  	v61 =	vadd.f32 v55, v54;
	[tilespmem:s2+$0xE020] =	vst v6  }
0xe9: {  	v62 =	vadd.f32 v57, v56;
	[tilespmem:s2+$0xE030] =	vst v60  }
0xea: {  	v63 =	vadd.f32 v59, v58;
	[tilespmem:s2+$0xE040] =	vst v61  }
0xeb: {  	[tilespmem:s2+$0xE050] =	vst v62  }
0xec: {  	s30 =	sadd.s32 $0x1, s30;
	[tilespmem:s2+$0xE060] =	vst v63  }
0xed: {  	[hbm4b:s10+s4] =	stream.linear.scatter [tilespmem:s23], [sflag:$0x5], $0x2800, $0x38;
	[tilespmem:$0x13000] =	vst v63  }
0xee: {  	p0 =	sne.s32 s30, s11;
	_ =	swait.ge [sflag:s28], $0x2800  }
.Ltmp4:
0xef: {  	[sflag:s28] =	ssyncset.done $0x0;
	(pc) =	sbr.rel @p0 .LBB2_1-.Ltmp4, $4  }
0xf0: {  	[sflag:s28] =	ssyncadd.s32 $0xFFFFD800  }
0xf1: {  	_ =	swait.ge [sflag:s29], $0x2800  }
0xf2: {  	[sflag:s29] =	ssyncset.done $0x0  }
0xf3: {  	[sflag:s29] =	ssyncadd.s32 $0xFFFFD800  }
0xf4: {  	_ =	sfence.sel $0x180000  }
0xf5: {  	[bflag:$0x0] =	sbarrier.arrive $0xFFFF  }
0xf6: {  	_ =	strace $0x90000047  }
0xf7: {  	s0 =	stileid.u32;
	[bflag:$0x2] =	sbarrier.arrive $0xFFFF  }
0xf8: {  	p0 =	sne.s32 s0, $0x0;
	s0 =	rddreg [dreg:$0x3]  }
0xf9: {  	s0 =	sadd.s32 @!p0 $0x100000, s0  }
0xfa: {  	[sflag:s0] =	ssyncadd.tile.s32 @!p0 $0x1;
	_ =	shalt  }
.Lfunc_end2:
_tile_overlayer_lowered:
.L_overlay_start_2:
0xfb: {  	(tag) =	ssettag $0x2  }
0xfc: {  	s0 =	rddreg [dreg:$0x0];
	s2 =	stileid.u32  }
0xfd: {  	s1 =	rddreg [dreg:$0x1];
	p0 =	sne.s32 s2, $0x0  }
0xfe: {  	s3 =	rddreg [dreg:$0x2];
	[bflag:$0x3] =	sbarrier.arrive $0xFFFF;
	s2 =	simm.s32 @!p0 $0x1C07  }
0xff: {  	[timem:s3], [sflag:s2] =	dma.local @!p0 [hbm:s0], s1  }
0x100: {  	s0 =	simm.s32 @!p0 $0x7  }
0x101: {  	_ =	swait.ge @!p0 [sflag:s0], s1  }
0x102: {  	s1 =	ssub.s32 @!p0 $0x0, s1;
	[sflag:s0] =	ssyncset.done @!p0 $0x0  }
0x103: {  	[sflag:s0] =	ssyncadd.s32 @!p0 s1  }
0x104: {  	[bflag:$0x3] =	sbarrier.arrive $0xFFFF  }
0x105: {  	_ =	shalt  }

// kernel: kernel.16.cloned.1.call-start
scs
__scs_entry_jumppad:
0x0: {  	(pc) =	sbr.rel $0x88, $3  }
0x1: {  	(tag) =	ssettag $0x0;
	lr =	simm.s32 $0x1  }
0x2: {  	[smem:$0x3F91] =	sst lr;
	_ =	strace $0xD0000000  }
0x3: {  	_ = 	snop  }
0x4: {  	_ = 	snop  }
0x5: {  	_ = 	snop  }
0x6: {  	_ = 	snop  }
0x7: {  	_ = 	snop  }
__scs_overlays_trampoline_lowered:
0x8: {  	[smem:$0x3FA0] =	sst s0  }
0x9: {  	[smem:$0x3FA1] =	sst s1  }
0xa: {  	[smem:$0x3FA2] =	sst s2  }
0xb: {  	[smem:$0x3FA3] =	sst s3  }
0xc: {  	[smem:$0x3FA4] =	sst s4  }
0xd: {  	[smem:$0x3FA5] =	sst s5  }
0xe: {  	[smem:$0x3FA6] =	sst s6  }
0xf: {  	[smem:$0x3FA7] =	sst s7  }
0x10: {  	[smem:$0x3FA8] =	sst s8  }
0x11: {  	[smem:$0x3FA9] =	sst s9;
	s0 =	simm.s32 @!p0 $0x0  }
0x12: {  	s1 =	sld [smem:$0x3F8F];
	s0 =	simm.s32 @p0 $0x1  }
0x13: {  	[smem:$0x3FAA] =	sst s0;
	s0 =	simm.s32 @!p1 $0x0  }
0x14: {  	s2 =	sld [smem:$0x3F8E];
	s0 =	simm.s32 @p1 $0x1  }
0x15: {  	[smem:$0x3FAB] =	sst s0;
	s0 =	simm.s32 @!p2 $0x0  }
0x16: {  	s3 =	sld [smem:$0x3FDB];
	s0 =	simm.s32 @p2 $0x1  }
0x17: {  	s4 =	simm.s32 $0x1BF5;
	[smem:$0x3FAD] =	sst s0  }
0x18: {  	s0 =	sld [smem:$0x3F90];
	_ =	swait.ge [sflag:s4], $0x0  }
0x19: {  	s7 =	sld [smem:$0x3F91]  }
0x1a: {  	s8 =	sadd.s32 $0xFFFFE003, lr  }
0x1b: {  	s9 =	sadd.s32 $0xFFFFFEF7, lr;
	s5 =	simm.s32 $0xFFFFFFFF;
	p2 =	slt.u32 s8, $0xFFFFF086  }
0x1c: {  	p1 =	slt.u32 s9, $0xF7A;
	s5 =	simm.s32 @!p2 $0x0  }
0x1d: {  	s5 =	simm.s32 @p1 $0x1;
	p0 =	seq.s32 s7, s2  }
0x1e: {  	s7 =	smul.u32 @!p0 $0xF7A, s2;
	p2 =	seq.s32 @!p0 s5, $0x0  }
0x1f: {  	s9 =	smul.u32 $0xF7A, s1;
	s8 =	simm.s32 @!p0 $0x1BF5;
	p2 =	por !p2, p0  }
0x20: {  	[sflag:s8] =	ssyncset.s32 @!p0 $0xFFFFF086;
	s6 =	sadd.s32 @!p0 s3, s7;
	s7 =	simm.s32 @!p0 $0x108  }
0x21: {  	s3 =	sadd.s32 s3, s9;
	s6 =	sadd.s32 @!p0 $0x88, s6;
	s7 =	simm.s32 @p2 $0x1082  }
0x22: {  	[simem:s7], [sflag:s8] =	dma.local @!p0 [hbm:s6], $0xF7A  }
0x23: {  	s9 =	sor.u32 $0xD0000000, s2;
	s6 =	simm.s32 $0x108;
	_ =	swait.ge @!p0 [sflag:s8], $0x0  }
0x24: {  	s3 =	sadd.s32 $0x88, s3;
	s6 =	simm.s32 @!p1 $0x1082;
	[sflag:s4] =	ssyncset.s32 $0xFFFFF086  }
0x25: {  	[simem:s6], [sflag:s4] =	dma.local [hbm:s3], $0xF7A  }
0x26: {  	[smem:$0x3F91] =	sst s1;
	(tag) =	ssettag s2;
	_ =	strace s9  }
0x27: {  	s1 =	sld [smem:$0x3FA1]  }
0x28: {  	s2 =	sld [smem:$0x3FA2]  }
0x29: {  	s4 =	sld [smem:$0x3FA4]  }
0x2a: {  	p0 =	seq.s32 s5, $0x0;
	s5 =	sld [smem:$0x3FA5]  }
0x2b: {  	s6 =	sld [smem:$0x3FA6]  }
0x2c: {  	s7 =	sld [smem:$0x3FA7]  }
0x2d: {  	s3 =	simm.s32 $0x108;
	s8 =	sld [smem:$0x3FA8]  }
0x2e: {  	s3 =	simm.s32 @!p0 $0x1082;
	s9 =	sld [smem:$0x3FA9]  }
0x2f: {  	lr =	sadd.s32 s0, s3;
	s0 =	sld [smem:$0x3FA0]  }
0x30: {  	s3 =	sld [smem:$0x3FA3]  }
0x31: {  	[smem:$0x3FAC] =	sst s10  }
0x32: {  	s10 =	sld [smem:$0x3FAA];
	_ =	sdelay $0x3  }
0x33: {  	p0 =	seq.s32 s10, $0x1;
	s10 =	sld [smem:$0x3FAC];
	_ =	sdelay $0x3  }
0x34: {  	[smem:$0x3FAC] =	sst s10  }
0x35: {  	s10 =	sld [smem:$0x3FAB];
	_ =	sdelay $0x3  }
0x36: {  	p1 =	seq.s32 s10, $0x1;
	s10 =	sld [smem:$0x3FAC];
	_ =	sdelay $0x3  }
0x37: {  	[smem:$0x3FAC] =	sst s10  }
0x38: {  	s10 =	sld [smem:$0x3FAD]  }
0x39: {  	_ = 	snop;
	(pc) =	sbr.ind lr, $3  }
0x3a: {  	_ = 	snop  }
0x3b: {  	_ = 	snop  }
0x3c: {  	p2 =	seq.s32 s10, $0x1;
	s10 =	sld [smem:$0x3FAC]  }
0x3d: {  	_ =	shalt  }
0x3e: {  	_ =	shalt  }
0x3f: {  	_ =	shalt  }
0x40: {  	_ =	shalt  }
0x41: {  	_ =	shalt  }
0x42: {  	_ =	shalt  }
0x43: {  	_ =	shalt  }
0x44: {  	_ =	shalt  }
0x45: {  	_ =	shalt  }
0x46: {  	_ =	shalt  }
0x47: {  	_ =	shalt  }
0x48: {  	_ =	shalt  }
0x49: {  	_ =	shalt  }
0x4a: {  	_ =	shalt  }
0x4b: {  	_ =	shalt  }
0x4c: {  	_ =	shalt  }
0x4d: {  	_ =	shalt  }
0x4e: {  	_ =	shalt  }
0x4f: {  	_ =	shalt  }
0x50: {  	_ =	shalt  }
0x51: {  	_ =	shalt  }
0x52: {  	_ =	shalt  }
0x53: {  	_ =	shalt  }
0x54: {  	_ =	shalt  }
0x55: {  	_ =	shalt  }
0x56: {  	_ =	shalt  }
0x57: {  	_ =	shalt  }
0x58: {  	_ =	shalt  }
0x59: {  	_ =	shalt  }
0x5a: {  	_ =	shalt  }
0x5b: {  	_ =	shalt  }
0x5c: {  	_ =	shalt  }
0x5d: {  	_ =	shalt  }
0x5e: {  	_ =	shalt  }
0x5f: {  	_ =	shalt  }
0x60: {  	_ =	shalt  }
0x61: {  	_ =	shalt  }
0x62: {  	_ =	shalt  }
0x63: {  	_ =	shalt  }
0x64: {  	_ =	shalt  }
0x65: {  	_ =	shalt  }
0x66: {  	_ =	shalt  }
0x67: {  	_ =	shalt  }
0x68: {  	_ =	shalt  }
0x69: {  	_ =	shalt  }
0x6a: {  	_ =	shalt  }
0x6b: {  	_ =	shalt  }
0x6c: {  	_ =	shalt  }
0x6d: {  	_ =	shalt  }
0x6e: {  	_ =	shalt  }
0x6f: {  	_ =	shalt  }
0x70: {  	_ =	shalt  }
0x71: {  	_ =	shalt  }
0x72: {  	_ =	shalt  }
0x73: {  	_ =	shalt  }
0x74: {  	_ =	shalt  }
0x75: {  	_ =	shalt  }
0x76: {  	_ =	shalt  }
0x77: {  	_ =	shalt  }
0x78: {  	_ =	shalt  }
0x79: {  	_ =	shalt  }
0x7a: {  	_ =	shalt  }
0x7b: {  	_ =	shalt  }
0x7c: {  	_ =	shalt  }
0x7d: {  	_ =	shalt  }
0x7e: {  	_ =	shalt  }
0x7f: {  	_ =	shalt  }
0x80: {  	_ =	shalt  }
0x81: {  	_ =	shalt  }
0x82: {  	_ =	shalt  }
0x83: {  	_ =	shalt  }
0x84: {  	_ =	shalt  }
0x85: {  	_ =	shalt  }
0x86: {  	_ =	shalt  }
0x87: {  	_ =	shalt  }
.Lfunc_end0:
.L_simem_size_0:
called_computation.2_lowered:
.L_overlay_start_0:
0x88: {  	s2 =	sld [smem:$0x3FD9]  }
0x89: {  	s3 =	sld [smem:$0x3FFE];
	_ =	sdelay $0x1  }
0x8a: {  	s1 =	srdreg.scid  }
0x8b: {  	s0 =	sand.u32 $0x1, s1  }
0x8c: {  	s14 =	sshll.u32 s0, $0xA;
	s2 =	sadd.s32 s3, s2  }
0x8d: {  	s2 =	sadd.s32 s2, s14  }
0x8e: {  	[smem:$0x3FB8] =	sst s2  }
0x8f: {  	_ = 	snop  }
0x90: {  	s2 =	sld [smem:$0x3FD0];
	_ =	sdelay $0x2  }
0x91: {  	s15 =	simm.s32 $0xB;
	s4 =	simm.s32 $0x10  }
0x92: {  	[smem:s4], [sflag:s15] =	dma.local [hbm:s2], $0x1  }
0x93: {  	_ =	swait.eq [sflag:s15], $0x1  }
0x94: {  	[sflag:s15] =	ssyncset.done $0x0  }
0x95: {  	s16 =	sld [smem:$0x11];
	[sflag:s15] =	ssyncadd.s32 $0xFFFFFFFF  }
0x96: {  	s17 =	sld [smem:$0x12];
	(tm) =	ssettm $0x1  }
0x97: {  	s18 =	sld [smem:$0x3FFB];
	_ =	sdelay $0x3  }
0x98: {  	_ =	strace s18  }
0x99: {  	s4 =	sld [smem:$0x3FFC];
	_ =	sdelay $0x3  }
0x9a: {  	_ =	strace s4  }
0x9b: {  	s4 =	sld [smem:$0x3FFD];
	_ =	sdelay $0x3  }
0x9c: {  	_ =	strace s4  }
0x9d: {  	_ =	strace $0x8FFFFFFF  }
0x9e: {  	s19 =	sld [smem:$0x3FDB];
	_ =	sdelay $0x1  }
0x9f: {  	s5 =	simm.s32 $_scs_section_size  }
0xa0: {  	s6 =	simm.s32 $_size__tile_overlayer_lowered;
	s7 =	simm.s32 $_tile_overlayer_lowered  }
0xa1: {  	s22 =	simm.s32 $0x1BFF;
	s21 =	sshll.u32 s7, $0x1;
	s4 =	sadd.s32 s5, s19  }
0xa2: {  	s8 =	simm.s32 $0x0;
	s20 =	sshll.u32 s6, $0x1;
	s6 =	sadd.s32 s21, s4  }
0xa3: {  	[timem:s8], [sflag:s22] =	dma.local [hbm:s6], s20  }
0xa4: {  	_ =	swait.ge [sflag:s22], s20  }
0xa5: {  	s5 =	ssub.s32 $0x0, s20;
	[sflag:s22] =	ssyncset.done $0x0  }
0xa6: {  	[sflag:s22] =	ssyncadd.s32 s5;
	_ =	sdelay $0x1  }
0xa7: {  	s23 =	simm.s32 $0x1B8B  }
0xa8: {  	_ =	swait.ge [sflag:s23], $0x1  }
0xa9: {  	[sflag:s23] =	ssyncset.done $0x0  }
0xaa: {  	s25 =	simm.s32 $0x1B8E;
	s24 =	sld [smem:$0x3FFE];
	[sflag:s23] =	ssyncadd.s32 $0xFFFFFFFF  }
0xab: {  	s26 =	simm.s32 $execute0_lowered;
	[smem:$0x3FD2] =	sst s25  }
0xac: {  	s6 =	sshll.u32 s26, $0x1;
	_ =	strace $0x8000004C;
	[dreg:$0x1] =	wrdreg $0xFFFFFFFF  }
0xad: {  	s28 =	simm.s32 $_size_execute0_lowered;
	s4 =	sadd.s32 s4, s6;
	[dreg:$0x0] =	wrdreg $0x0  }
0xae: {  	s6 =	sshll.u32 s28, $0x1;
	[dreg:$0x2] =	wrdreg s4  }
0xaf: {  	[dreg:$0x3] =	wrdreg s6  }
0xb0: {  	[dreg:$0x4] =	wrdreg $0xC0  }
0xb1: {  	_ =	task [dreg:s8], $0x5FFFF  }
0xb2: {  	[dreg:$0x1] =	wrdreg $0xFFFFFFFF  }
0xb3: {  	[dreg:$0x0] =	wrdreg $0x60  }
0xb4: {  	[dreg:$0x2] =	wrdreg s16  }
0xb5: {  	[dreg:$0x3] =	wrdreg s24  }
0xb6: {  	[dreg:$0x4] =	wrdreg s17  }
0xb7: {  	[dreg:$0x5] =	wrdreg $0xA4000  }
0xb8: {  	[dreg:$0x6] =	wrdreg $0x9  }
0xb9: {  	_ =	task.clear_ibuf [dreg:s8], $0x7FFFF;
	_ =	strace $0x9000004C  }
0xba: {  	s29 =	simm.s32 $0x9;
	_ =	strace $0x8000004E  }
0xbb: {  	_ =	swait.ge [sflag:s29], $0x1  }
0xbc: {  	[sflag:s29] =	ssyncadd.s32 $0xFFFFFFFF  }
0xbd: {  	_ =	strace $0x9000004E  }
0xbe: {  	_ =	sfence  }
0xbf: {  	s30 =	sld [smem:$0x0];
	_ =	sdelay $0x2  }
0xc0: {  	s31 =	sshll.u32 s1, $0xD;
	s1 =	sshrl.u32 s1, $0x2  }
0xc1: {  	s3 =	sand.u32 $0x4000, s31;
	s1 =	sadd.s32 s1, s30  }
0xc2: {  	s0 =	sor.u32 s3, s0;
	s1 =	sshll.u32 s1, $0x11  }
0xc3: {  	s0 =	sor.u32 s1, s0  }
0xc4: {  	s0 =	sadd.s32 $0x8F2B, s0  }
0xc5: {  	[sflag:s0] =	ssyncadd.remote.s32 $0x1  }
0xc6: {  	_ =	sfence.sel $0xFFFF  }
0xc7: {  	[dreg:$0x0] =	wrdreg $0xFFFFFFFF;
	(pc) =	sbr.abs _section_cstart, $3  }
0xc8: {  	[dreg:$0x1] =	wrdreg $0xFFFFFFFF  }
0xc9: {  	_ =	task.clear_ibuf [dreg:s8], $0x2FFFF;
	_ =	strace $0x9FFFFFFF  }
0xca: {  	(tm) =	ssettm $0x7FFFFFFF  }
0xcb: {  	_ =	shalt  }
tec
execute0_lowered:
.L_overlay_start_1:
0x0: {  	(tag) =	ssettag $0x1  }
0x1: {  	s0 =	rddreg [dreg:$0x0];
	s17 =	stileid.u32  }
0x2: {  	s1 =	rddreg [dreg:$0x1];
	s8 =	smul.u32 $0x19000, s17  }
0x3: {  	s5 =	rddreg [dreg:$0x2];
	s11 =	sor.u32 $0x10, s17;
	s21 =	smul.u32 $0xC8, s17  }
0x4: {  	s3 =	srdreg.scid;
	s12 =	sor.u32 $0x20, s17;
	s16 =	smul.u32 $0x19000, s11  }
0x5: {  	s2 =	rddreg [dreg:$0x3];
	s6 =	sand.u32 $0x1, s3;
	s19 =	smul.u32 $0x19000, s12  }
0x6: {  	s4 =	sshll.u32 s17, $0x1;
	s3 =	simm.s32 $0x0;
	s20 =	smul.u32 $0x2710, s6  }
0x7: {  	s24 =	sor.u32 $0x30, s17;
	p0 =	sgt.u32 s17, $0x1;
	s11 =	smul.u32 $0xC8, s11  }
0x8: {  	s7 =	sor.u32 s6, s4;
	[smem:$0x7FF] =	sst s3;
	s12 =	smul.u32 $0xC8, s12  }
0x9: {  	s9 =	ssub.s32 $0x2, s6;
	s25 =	smul.u32 $0xC8, s24;
	s4 =	sshll.u32 s7, $0xB  }
0xa: {  	_ =	strace $0x8000004D;
	s10 =	sshrl.u32 s9, $0x1;
	s26 =	smul.u32 $0x27100, s7  }
0xb: {  	s15 =	sshrl.u32 s8, $0x2;
	s7 =	smul.u32 $0x138800, s7;
	s1 =	sadd.s32 s4, s1  }
0xc: {  	s4 =	sadd.s32 s15, s2;
	s9 =	ssub.s32 s9, s10;
	s8 =	sshrl.u32 s16, $0x2  }
0xd: {  	s10 =	sshrl.u32 s19, $0x2;
	s11 =	sadd.s32 s20, s11;
	s12 =	sadd.s32 s20, s12  }
0xe: {  	s18 =	sadd.s32 $0x1400, s4;
	s13 =	sadd.s32 $0x2800, s4;
	s14 =	sadd.s32 $0x3C00, s4  }
0xf: {  	s8 =	sadd.s32 s8, s2;
	s15 =	sadd.s32 $0x5000, s4;
	[dreg:$0x5] =	wrdreg s18  }
0x10: {  	s11 =	sshll.u32 s11, $0x4;
	s12 =	sshll.u32 s12, $0x4;
	[dreg:$0x6] =	wrdreg s13  }
0x11: {  	s7 =	sshrl.u32 s7, $0x3;
	s19 =	sadd.s32 s10, s2;
	[dreg:$0x7] =	wrdreg s14  }
0x12: {  	s1 =	sadd.s32 $0x53200, s1;
	s10 =	simm.s32 $0x6800;
	[dreg:$0x8] =	wrdreg s15  }
0x13: {  	s22 =	sadd.s32 $0x1400, s8;
	s23 =	sadd.s32 $0x2800, s8;
	s16 =	sadd.s32 $0x3C00, s8  }
0x14: {  	s14 =	sadd.s32 s21, s20;
	s13 =	sadd.s32 s20, s25;
	[dreg:$0x12] =	wrdreg s1  }
0x15: {  	s11 =	sadd.s32 s5, s11;
	s18 =	smul.u32 $0x19000, s24;
	[dreg:$0x9] =	wrdreg s22  }
0x16: {  	s20 =	sadd.s32 s0, s26;
	s7 =	sadd.s32 s0, s7;
	[dreg:$0xa] =	wrdreg s23  }
0x17: {  	s24 =	sadd.s32 $0x5000, s8;
	s26 =	sadd.s32 $0x1400, s19;
	[dreg:$0xb] =	wrdreg s16  }
0x18: {  	s28 =	sadd.s32 $0x3C00, s19;
	s29 =	sadd.s32 $0x5000, s19;
	[dreg:$0xd] =	wrdreg s11  }
0x19: {  	s14 =	sshll.u32 s14, $0x4;
	s13 =	sshll.u32 s13, $0x4;
	[dreg:$0x10] =	wrdreg s24  }
0x1a: {  	s11 =	sadd.s32 s5, s12;
	s23 =	smul.u32 $0x27100, s6;
	[dreg:$0x11] =	wrdreg s26  }
0x1b: {  	s24 =	smax.u32 s9, $0x1;
	s26 =	sadd.s32 $0x2800, s19;
	s22 =	smov.u32 s20  }
0x1c: {  	s6 =	simm.s32 $0x9000;
	s9 =	simm.s32 $0x4000;
	s12 =	simm.s32 $0x50  }
0x1d: {  	s14 =	sadd.s32 s5, s14;
	[dreg:$0xe] =	wrdreg s11;
	s5 =	sadd.s32 s5, s13  }
0x1e: {  	s25 =	sshrl.u32 s18, $0x2;
	s11 =	simm.s32 $0x1;
	s13 =	simm.s32 $0x2  }
0x1f: {  	[dreg:$0xc] =	wrdreg s14;
	s14 =	smul.u32 $0x4E200, s17;
	s21 =	sadd.s32 s25, s2  }
0x20: {  	[dreg:$0xf] =	wrdreg s5;
	s5 =	sadd.s32 $0x26C00, s20;
	s30 =	sadd.s32 $0x1400, s21  }
0x21: {  	s31 =	sadd.s32 $0x2800, s21;
	s1 =	sadd.s32 $0x3C00, s21;
	s0 =	sadd.s32 s14, s0  }
0x22: {  	s14 =	simm.s32 $0x0;
	s0 =	sadd.s32 s23, s0;
	s23 =	sadd.s32 $0x500, s7  }
0x23: {  	v0 =	vimm.f32 $0.0e+00;
	s7 =	simm.s32 $0x3;
	s18 =	sadd.s32 $0xF00, s0;
	s0 =	sadd.s32 $0x5000, s21  }
.LBB2_1:
0x24: {  	s15 =	simm.s32 $0x0;
	s16 =	simm.s32 $0x200  }
.LBB2_2:
0x25: {  	p1 =	sne.s32 s16, $0x4E00;
	[tilespmem:s15+$0x9070] =	vst v0  }
0x26: {  	[tilespmem:s15+$0x9000] =	vst v0  }
0x27: {  	[tilespmem:s15+$0x9010] =	vst v0  }
.Ltmp0:
0x28: {  	[tilespmem:s15+$0x9020] =	vst v0;
	(pc) =	sbr.rel @p1 .LBB2_2-.Ltmp0, $4  }
0x29: {  	[tilespmem:s15+$0x9030] =	vst v0  }
0x2a: {  	[tilespmem:s15+$0x9040] =	vst v0  }
0x2b: {  	[tilespmem:s15+$0x9050] =	vst v0  }
0x2c: {  	[tilespmem:s15+$0x9060] =	vst v0;
	s15 =	sshra.s32 s16, $0x2;
	s16 =	sadd.s32 $0x200, s16  }
0x2d: {  	[tilespmem:s15+$0x9070] =	vst v0  }
0x2e: {  	[tilespmem:s15+$0x9000] =	vst v0  }
0x2f: {  	[tilespmem:s15+$0x9010] =	vst v0  }
0x30: {  	[tilespmem:s15+$0x9020] =	vst v0  }
0x31: {  	[tilespmem:s15+$0x9030] =	vst v0  }
0x32: {  	[tilespmem:s15+$0x9040] =	vst v0  }
0x33: {  	[tilespmem:s15+$0x9050] =	vst v0  }
0x34: {  	[tilespmem:s15+$0x9060] =	vst v0  }
0x35: {  	[spmem:s4] =	stream.linear.scatter [tilespmem:s6], [sflag:$0x3], $0x1400, $0x38;
	[tilespmem:$0x1DC80] =	vst v63  }
0x36: {  	_ =	swait.ge [sflag:s7], $0x1400  }
0x37: {  	[sflag:s7] =	ssyncset.done $0x0  }
0x38: {  	s17 =	rddreg [dreg:$0x5];
	[sflag:s7] =	ssyncadd.s32 $0xFFFFEC00  }
0x39: {  	[spmem:s17] =	stream.linear.scatter [tilespmem:s6], [sflag:$0x3], $0x1400, $0x38;
	[tilespmem:$0x1DC80] =	vst v63  }
0x3a: {  	_ =	swait.ge [sflag:s7], $0x1400  }
0x3b: {  	[sflag:s7] =	ssyncset.done $0x0  }
0x3c: {  	s20 =	rddreg [dreg:$0x6];
	[sflag:s7] =	ssyncadd.s32 $0xFFFFEC00  }
0x3d: {  	[spmem:s20] =	stream.linear.scatter [tilespmem:s6], [sflag:$0x3], $0x1400, $0x38;
	[tilespmem:$0x1DC80] =	vst v63  }
0x3e: {  	_ =	swait.ge [sflag:s7], $0x1400  }
0x3f: {  	[sflag:s7] =	ssyncset.done $0x0  }
0x40: {  	s25 =	rddreg [dreg:$0x7];
	[sflag:s7] =	ssyncadd.s32 $0xFFFFEC00  }
0x41: {  	[spmem:s25] =	stream.linear.scatter [tilespmem:s6], [sflag:$0x3], $0x1400, $0x38;
	[tilespmem:$0x1DC80] =	vst v63  }
0x42: {  	_ =	swait.ge [sflag:s7], $0x1400  }
0x43: {  	[sflag:s7] =	ssyncset.done $0x0  }
0x44: {  	s16 =	rddreg [dreg:$0x8];
	[sflag:s7] =	ssyncadd.s32 $0xFFFFEC00  }
0x45: {  	[spmem:s16] =	stream.linear.scatter [tilespmem:s6], [sflag:$0x3], $0x1400, $0x38;
	[tilespmem:$0x1DC80] =	vst v63  }
0x46: {  	_ =	swait.ge [sflag:s7], $0x1400  }
0x47: {  	[sflag:s7] =	ssyncset.done $0x0  }
0x48: {  	[sflag:s7] =	ssyncadd.s32 $0xFFFFEC00  }
0x49: {  	[spmem:s8] =	stream.linear.scatter [tilespmem:s6], [sflag:$0x3], $0x1400, $0x38;
	[tilespmem:$0x1DC80] =	vst v63  }
0x4a: {  	_ =	swait.ge [sflag:s7], $0x1400  }
0x4b: {  	[sflag:s7] =	ssyncset.done $0x0  }
0x4c: {  	s17 =	rddreg [dreg:$0x9];
	[sflag:s7] =	ssyncadd.s32 $0xFFFFEC00  }
0x4d: {  	[spmem:s17] =	stream.linear.scatter [tilespmem:s6], [sflag:$0x3], $0x1400, $0x38;
	[tilespmem:$0x1DC80] =	vst v63  }
0x4e: {  	_ =	swait.ge [sflag:s7], $0x1400  }
0x4f: {  	[sflag:s7] =	ssyncset.done $0x0  }
0x50: {  	s20 =	rddreg [dreg:$0xa];
	[sflag:s7] =	ssyncadd.s32 $0xFFFFEC00  }
0x51: {  	[spmem:s20] =	stream.linear.scatter [tilespmem:s6], [sflag:$0x3], $0x1400, $0x38;
	[tilespmem:$0x1DC80] =	vst v63  }
0x52: {  	_ =	swait.ge [sflag:s7], $0x1400  }
0x53: {  	[sflag:s7] =	ssyncset.done $0x0  }
0x54: {  	s25 =	rddreg [dreg:$0xb];
	[sflag:s7] =	ssyncadd.s32 $0xFFFFEC00  }
0x55: {  	[spmem:s25] =	stream.linear.scatter [tilespmem:s6], [sflag:$0x3], $0x1400, $0x38;
	[tilespmem:$0x1DC80] =	vst v63  }
0x56: {  	_ =	swait.ge [sflag:s7], $0x1400  }
0x57: {  	[sflag:s7] =	ssyncset.done $0x0  }
0x58: {  	s16 =	rddreg [dreg:$0x10];
	[sflag:s7] =	ssyncadd.s32 $0xFFFFEC00  }
0x59: {  	[spmem:s16] =	stream.linear.scatter [tilespmem:s6], [sflag:$0x3], $0x1400, $0x38;
	[tilespmem:$0x1DC80] =	vst v63  }
0x5a: {  	_ =	swait.ge [sflag:s7], $0x1400  }
0x5b: {  	[sflag:s7] =	ssyncset.done $0x0  }
0x5c: {  	[sflag:s7] =	ssyncadd.s32 $0xFFFFEC00  }
0x5d: {  	[spmem:s19] =	stream.linear.scatter [tilespmem:s6], [sflag:$0x3], $0x1400, $0x38;
	[tilespmem:$0x1DC80] =	vst v63  }
0x5e: {  	_ =	swait.ge [sflag:s7], $0x1400  }
0x5f: {  	[sflag:s7] =	ssyncset.done $0x0  }
0x60: {  	s17 =	rddreg [dreg:$0x11];
	[sflag:s7] =	ssyncadd.s32 $0xFFFFEC00  }
0x61: {  	[spmem:s17] =	stream.linear.scatter [tilespmem:s6], [sflag:$0x3], $0x1400, $0x38;
	[tilespmem:$0x1DC80] =	vst v63  }
0x62: {  	_ =	swait.ge [sflag:s7], $0x1400  }
0x63: {  	[sflag:s7] =	ssyncset.done $0x0  }
0x64: {  	[sflag:s7] =	ssyncadd.s32 $0xFFFFEC00  }
0x65: {  	[spmem:s26] =	stream.linear.scatter [tilespmem:s6], [sflag:$0x3], $0x1400, $0x38;
	[tilespmem:$0x1DC80] =	vst v63  }
0x66: {  	_ =	swait.ge [sflag:s7], $0x1400  }
0x67: {  	[sflag:s7] =	ssyncset.done $0x0  }
0x68: {  	[sflag:s7] =	ssyncadd.s32 $0xFFFFEC00  }
0x69: {  	[spmem:s28] =	stream.linear.scatter [tilespmem:s6], [sflag:$0x3], $0x1400, $0x38;
	[tilespmem:$0x1DC80] =	vst v63  }
0x6a: {  	_ =	swait.ge [sflag:s7], $0x1400  }
0x6b: {  	[sflag:s7] =	ssyncset.done $0x0  }
0x6c: {  	[sflag:s7] =	ssyncadd.s32 $0xFFFFEC00  }
0x6d: {  	[spmem:s29] =	stream.linear.scatter [tilespmem:s6], [sflag:$0x3], $0x1400, $0x38;
	[tilespmem:$0x1DC80] =	vst v63  }
0x6e: {  	_ =	swait.ge [sflag:s7], $0x1400  }
0x6f: {  	[sflag:s7] =	ssyncset.done $0x0  }
0x70: {  	s15 =	simm.s32 @!p0 $0x9000;
	s16 =	simm.s32 @!p0 $0x3;
	[sflag:s7] =	ssyncadd.s32 $0xFFFFEC00  }
0x71: {  	[spmem:s21] =	stream.linear.scatter @!p0 [tilespmem:s15], [sflag:$0x3], $0x1400, $0x38;
	[tilespmem:$0x1DC80] =	vst v63  }
0x72: {  	_ =	swait.ge @!p0 [sflag:s16], $0x1400  }
0x73: {  	[sflag:s16] =	ssyncset.done @!p0 $0x0  }
0x74: {  	[sflag:s16] =	ssyncadd.s32 @!p0 $0xFFFFEC00  }
0x75: {  	[spmem:s30] =	stream.linear.scatter @!p0 [tilespmem:s15], [sflag:$0x3], $0x1400, $0x38;
	[tilespmem:$0x1DC80] =	vst v63  }
0x76: {  	_ =	swait.ge @!p0 [sflag:s16], $0x1400  }
0x77: {  	[sflag:s16] =	ssyncset.done @!p0 $0x0  }
0x78: {  	[sflag:s16] =	ssyncadd.s32 @!p0 $0xFFFFEC00  }
0x79: {  	[spmem:s31] =	stream.linear.scatter @!p0 [tilespmem:s15], [sflag:$0x3], $0x1400, $0x38;
	[tilespmem:$0x1DC80] =	vst v63  }
0x7a: {  	_ =	swait.ge @!p0 [sflag:s16], $0x1400  }
0x7b: {  	[sflag:s16] =	ssyncset.done @!p0 $0x0  }
0x7c: {  	[sflag:s16] =	ssyncadd.s32 @!p0 $0xFFFFEC00  }
0x7d: {  	[spmem:s1] =	stream.linear.scatter @!p0 [tilespmem:s15], [sflag:$0x3], $0x1400, $0x38;
	[tilespmem:$0x1DC80] =	vst v63  }
0x7e: {  	_ =	swait.ge @!p0 [sflag:s16], $0x1400  }
0x7f: {  	[sflag:s16] =	ssyncset.done @!p0 $0x0  }
0x80: {  	[sflag:s16] =	ssyncadd.s32 @!p0 $0xFFFFEC00  }
0x81: {  	[spmem:s0] =	stream.linear.scatter @!p0 [tilespmem:s15], [sflag:$0x3], $0x1400, $0x38;
	[tilespmem:$0x1DC80] =	vst v63  }
0x82: {  	_ =	swait.ge @!p0 [sflag:s16], $0x1400  }
0x83: {  	[sflag:s16] =	ssyncset.done @!p0 $0x0  }
0x84: {  	[sflag:s16] =	ssyncadd.s32 @!p0 $0xFFFFEC00  }
0x85: {  	[bflag:$0x0] =	sbarrier.arrive $0xFFFF  }
0x86: {  	s20 =	simm.s32 $0x0;
	s25 =	rddreg [dreg:$0x12]  }
0x87: {  	[tilespmem:s20], [sflag:$0x3] =	stream.linear.gather [hbm4b:s25+s20], $0x3E80, $0x38;
	[tilespmem:$0x1DC80] =	vst v63  }
0x88: {  	_ =	swait.ge [sflag:s7], $0x3E80  }
0x89: {  	[sflag:s7] =	ssyncset.done $0x0  }
0x8a: {  	[sflag:s7] =	ssyncadd.s32 $0xFFFFC180  }
0x8b: {  	[tilespmem:s9], [sflag:$0x1] =	stream.linear.gather [hbm4b:s22+s20], $0x2800, $0x38;
	[tilespmem:$0x1DC80] =	vst v63  }
0x8c: {  	_ = 	snop  }
0x8d: {  	[tilespmem:s10], [sflag:$0x2] =	stream.linear.gather [hbm4b:s23+s20], $0x2800, $0x38;
	[tilespmem:$0x1DC80] =	vst v63  }
0x8e: {  	_ =	swait.ge [sflag:s11], $0x2800  }
0x8f: {  	[sflag:s11] =	ssyncset.done $0x0  }
0x90: {  	s17 =	simm.s32 $0x0;
	[sflag:s11] =	ssyncadd.s32 $0xFFFFD800  }
0x91: {  	[spmem:s2] =	stream.indirect.scatter.add.f32 [tilespmem:s9], [sflag:$0x3], $0x80, s17, s12, $0xb8;
	[tilespmem:$0x1DC80] =	vst v63  }
0x92: {  	_ =	swait.ge [sflag:s7], $0x2800  }
0x93: {  	[sflag:s7] =	ssyncset.done $0x0  }
0x94: {  	s20 =	sadd.s32 $0xFFFFFB00, s18;
	[sflag:s7] =	ssyncadd.s32 $0xFFFFD800  }
0x95: {  	[tilespmem:s9], [sflag:$0x1] =	stream.linear.gather [hbm4b:s20+s3], $0x2800, $0x38;
	[tilespmem:$0x1DC80] =	vst v63  }
0x96: {  	_ =	swait.ge [sflag:s13], $0x2800  }
0x97: {  	[sflag:s13] =	ssyncset.done $0x0  }
0x98: {  	s25 =	simm.s32 $0x80;
	[sflag:s13] =	ssyncadd.s32 $0xFFFFD800  }
0x99: {  	[spmem:s2] =	stream.indirect.scatter.add.f32 [tilespmem:s10], [sflag:$0x3], $0x80, s25, s12, $0xb8;
	[tilespmem:$0x1DC80] =	vst v63  }
0x9a: {  	_ =	swait.ge [sflag:s7], $0x2800  }
0x9b: {  	s15 =	simm.s32 $0x400;
	[sflag:s7] =	ssyncset.done $0x0  }
0x9c: {  	s16 =	sadd.s32 $0xA00, s18;
	s25 =	smov.u32 s18;
	[sflag:s7] =	ssyncadd.s32 $0xFFFFD800  }
.LBB2_4:
0x9d: {  	[tilespmem:s10], [sflag:$0x2] =	stream.linear.gather [hbm4b:s25+s3], $0x2800, $0x38;
	[tilespmem:$0x1DC80] =	vst v63  }
0x9e: {  	s17 =	smov.u32 s15;
	s25 =	smov.u32 s16  }
0x9f: {  	p1 =	sne.s32 s15, $0xF000;
	s15 =	sadd.s32 $0x400, s15;
	_ =	swait.ge [sflag:s11], $0x2800  }
0xa0: {  	[sflag:s11] =	ssyncset.done $0x0  }
0xa1: {  	s17 =	sshra.s32 s17, $0x2;
	[sflag:s11] =	ssyncadd.s32 $0xFFFFD800  }
0xa2: {  	[spmem:s2] =	stream.indirect.scatter.add.f32 [tilespmem:s9], [sflag:$0x3], $0x80, s17, s12, $0xb8;
	[tilespmem:$0x1DC80] =	vst v63  }
0xa3: {  	_ =	swait.ge [sflag:s7], $0x2800  }
0xa4: {  	[sflag:s7] =	ssyncset.done $0x0  }
0xa5: {  	s20 =	sadd.s32 $0xFFFFFB00, s16;
	[sflag:s7] =	ssyncadd.s32 $0xFFFFD800  }
0xa6: {  	[tilespmem:s9], [sflag:$0x1] =	stream.linear.gather [hbm4b:s20+s3], $0x2800, $0x38;
	[tilespmem:$0x1DC80] =	vst v63  }
0xa7: {  	_ =	swait.ge [sflag:s13], $0x2800  }
0xa8: {  	[sflag:s13] =	ssyncset.done $0x0  }
.Ltmp1:
0xa9: {  	s17 =	sadd.s32 $0x80, s17;
	[sflag:s13] =	ssyncadd.s32 $0xFFFFD800;
	(pc) =	sbr.rel @p1 .LBB2_4-.Ltmp1, $4  }
0xaa: {  	[spmem:s2] =	stream.indirect.scatter.add.f32 [tilespmem:s10], [sflag:$0x3], $0x80, s17, s12, $0xb8;
	[tilespmem:$0x1DC80] =	vst v63  }
0xab: {  	_ =	swait.ge [sflag:s7], $0x2800  }
0xac: {  	[sflag:s7] =	ssyncset.done $0x0  }
0xad: {  	s16 =	sadd.s32 $0xA00, s16;
	[sflag:s7] =	ssyncadd.s32 $0xFFFFD800  }
0xae: {  	[tilespmem:s10], [sflag:$0x2] =	stream.linear.gather [hbm4b:s25+s3], $0x2800, $0x38;
	[tilespmem:$0x1DC80] =	vst v63  }
0xaf: {  	_ =	swait.ge [sflag:s11], $0x2800  }
0xb0: {  	[sflag:s11] =	ssyncset.done $0x0  }
0xb1: {  	s15 =	simm.s32 $0x3D00;
	[sflag:s11] =	ssyncadd.s32 $0xFFFFD800  }
0xb2: {  	[spmem:s2] =	stream.indirect.scatter.add.f32 [tilespmem:s9], [sflag:$0x3], $0x80, s15, s12, $0xb8;
	[tilespmem:$0x1DC80] =	vst v63  }
0xb3: {  	_ =	swait.ge [sflag:s7], $0x2800  }
0xb4: {  	[sflag:s7] =	ssyncset.done $0x0  }
0xb5: {  	[sflag:s7] =	ssyncadd.s32 $0xFFFFD800  }
0xb6: {  	[tilespmem:s9], [sflag:$0x1] =	stream.linear.gather [hbm4b:s5+s3], $0x2800, $0x38;
	[tilespmem:$0x1DC80] =	vst v63  }
0xb7: {  	_ =	swait.ge [sflag:s13], $0x2800  }
0xb8: {  	[sflag:s13] =	ssyncset.done $0x0  }
0xb9: {  	s25 =	simm.s32 $0x3D80;
	[sflag:s13] =	ssyncadd.s32 $0xFFFFD800  }
0xba: {  	[spmem:s2] =	stream.indirect.scatter.add.f32 [tilespmem:s10], [sflag:$0x3], $0x80, s25, s12, $0xb8;
	[tilespmem:$0x1DC80] =	vst v63  }
0xbb: {  	_ =	swait.ge [sflag:s7], $0x2800  }
0xbc: {  	[sflag:s7] =	ssyncset.done $0x0  }
0xbd: {  	[sflag:s7] =	ssyncadd.s32 $0xFFFFD800  }
0xbe: {  	_ =	swait.ge [sflag:s11], $0x2800  }
0xbf: {  	[sflag:s11] =	ssyncset.done $0x0  }
0xc0: {  	s16 =	simm.s32 $0x3E00;
	[sflag:s11] =	ssyncadd.s32 $0xFFFFD800  }
0xc1: {  	[spmem:s2] =	stream.indirect.scatter.add.f32 [tilespmem:s9], [sflag:$0x3], $0x80, s16, s12, $0xb8;
	[tilespmem:$0x1DC80] =	vst v63  }
0xc2: {  	_ =	swait.ge [sflag:s7], $0x2800  }
0xc3: {  	[sflag:s7] =	ssyncset.done $0x0  }
0xc4: {  	s17 =	stileid.u32;
	[sflag:s7] =	ssyncadd.s32 $0xFFFFD800  }
0xc5: {  	s15 =	sshll.u32 s17, $0x6;
	[bflag:$0x0] =	sbarrier.arrive $0xFFFF  }
0xc6: {  	s15 =	sor.u32 $0x1C03, s15;
	s16 =	sshrl.u32 s4, $0x3;
	s17 =	rddreg [dreg:$0xc]  }
0xc7: {  	[hbm:s17], [sflag:s15] =	dma.local [spmem:s16], $0xC80  }
0xc8: {  	_ =	swait.ge [sflag:s7], $0xC80  }
0xc9: {  	[sflag:s7] =	ssyncset.done $0x0  }
0xca: {  	s20 =	sshrl.u32 s8, $0x3;
	s25 =	rddreg [dreg:$0xd];
	[sflag:s7] =	ssyncadd.s32 $0xFFFFF380  }
0xcb: {  	[hbm:s25], [sflag:s15] =	dma.local [spmem:s20], $0xC80  }
0xcc: {  	_ =	swait.ge [sflag:s7], $0xC80  }
0xcd: {  	[sflag:s7] =	ssyncset.done $0x0  }
0xce: {  	s20 =	sshrl.u32 s19, $0x3;
	s25 =	rddreg [dreg:$0xe];
	[sflag:s7] =	ssyncadd.s32 $0xFFFFF380  }
0xcf: {  	[hbm:s25], [sflag:s15] =	dma.local [spmem:s20], $0xC80  }
0xd0: {  	s14 =	sadd.s32 $0x1, s14;
	_ =	swait.ge [sflag:s7], $0xC80  }
0xd1: {  	p1 =	sne.s32 s14, s24;
	[sflag:s7] =	ssyncset.done $0x0  }
0xd2: {  	s16 =	sshrl.u32 @!p0 s21, $0x3;
	s17 =	rddreg [dreg:$0xf];
	[sflag:s7] =	ssyncadd.s32 $0xFFFFF380  }
0xd3: {  	[hbm:s17], [sflag:s15] =	dma.local @!p0 [spmem:s16], $0xC80  }
.Ltmp2:
0xd4: {  	_ = 	snop;
	(pc) =	sbr.rel @p1 .LBB2_1-.Ltmp2, $4  }
0xd5: {  	s15 =	simm.s32 @!p0 $0x3  }
0xd6: {  	_ =	swait.ge @!p0 [sflag:s15], $0xC80  }
0xd7: {  	[sflag:s15] =	ssyncset.done @!p0 $0x0  }
0xd8: {  	[sflag:s15] =	ssyncadd.s32 @!p0 $0xFFFFF380  }
0xd9: {  	_ =	sfence.sel $0x180000  }
0xda: {  	[bflag:$0x0] =	sbarrier.arrive $0xFFFF  }
0xdb: {  	_ =	strace $0x9000004D  }
0xdc: {  	s0 =	stileid.u32;
	[bflag:$0x2] =	sbarrier.arrive $0xFFFF  }
0xdd: {  	p0 =	sne.s32 s0, $0x0;
	s0 =	rddreg [dreg:$0x4]  }
0xde: {  	s0 =	sadd.s32 @!p0 $0x100000, s0  }
0xdf: {  	[sflag:s0] =	ssyncadd.tile.s32 @!p0 $0x1;
	_ =	shalt  }
.Lfunc_end2:
_tile_overlayer_lowered:
.L_overlay_start_2:
0xe0: {  	(tag) =	ssettag $0x2  }
0xe1: {  	s0 =	rddreg [dreg:$0x0];
	s2 =	stileid.u32  }
0xe2: {  	s1 =	rddreg [dreg:$0x1];
	p0 =	sne.s32 s2, $0x0  }
0xe3: {  	s3 =	rddreg [dreg:$0x2];
	[bflag:$0x3] =	sbarrier.arrive $0xFFFF;
	s2 =	simm.s32 @!p0 $0x1C03  }
0xe4: {  	[timem:s3], [sflag:s2] =	dma.local @!p0 [hbm:s0], s1  }
0xe5: {  	s0 =	simm.s32 @!p0 $0x3  }
0xe6: {  	_ =	swait.ge @!p0 [sflag:s0], s1  }
0xe7: {  	s1 =	ssub.s32 @!p0 $0x0, s1;
	[sflag:s0] =	ssyncset.done @!p0 $0x0  }
0xe8: {  	[sflag:s0] =	ssyncadd.s32 @!p0 s1  }
0xe9: {  	[bflag:$0x3] =	sbarrier.arrive $0xFFFF  }
0xea: {  	_ =	shalt  }

</sc_bundles>
